<compile_context>
chip_gen: v7x
topology: tpu7x:2x2x1
jax: 0.10.2.dev20260603
libtpu: 0.0.44.dev20260713+nightly
codegen_flags: <defaults>
</compile_context>

<pallas_src>
import functools
import jax
import jax.numpy as jnp
from jax import lax
from jax.experimental import pallas as pl
from jax.experimental.pallas import tpu as pltpu
from jax.experimental.pallas import tpu_sc as plsc

N = 10000
NP = 10240
D = 128
NG = 64
E_TOT = 320000 + N
ROWS_PER_W = 84
E_PAD = 32 * ROWS_PER_W * 128
BN = 1024
GRID = NP // BN
T_ROWS = NP // 16


def _lin_attn_body(x_ref, wt_ref, a2_ref, h_ref, asad_ref):
    h = jnp.dot(x_ref[...], wt_ref[...], preferred_element_type=jnp.float32)
    h_ref[...] = h.astype(jnp.bfloat16)
    a2 = a2_ref[...]
    s0 = jnp.sum(h * a2[0:1, :], axis=1)
    s1 = jnp.sum(h * a2[1:2, :], axis=1)
    asad_ref[...] = jnp.concatenate([s0[None, :], s1[None, :]], axis=0)


def _lin_attn(xp, wt, a2):
    return pl.pallas_call(
        _lin_attn_body,
        grid=(GRID,),
        in_specs=[
            pl.BlockSpec((BN, D), lambda i: (i, 0)),
            pl.BlockSpec((D, D), lambda i: (0, 0)),
            pl.BlockSpec((2, D), lambda i: (0, 0)),
        ],
        out_specs=[
            pl.BlockSpec((BN, D), lambda i: (i, 0)),
            pl.BlockSpec((2, BN), lambda i: (0, i)),
        ],
        out_shape=[
            jax.ShapeDtypeStruct((NP, D), jnp.bfloat16),
            jax.ShapeDtypeStruct((2, NP), jnp.float32),
        ],
    )(xp, wt, a2)


def _combine(num_ref, den_ref, b_ref):
    n = num_ref[0].astype(jnp.float32) + num_ref[1].astype(jnp.float32)
    d = den_ref[0, :] + den_ref[1, :]
    return n / (d + 1e-16)[:, None] + b_ref[...]


def _combine_lin_attn_body(num_ref, den_ref, b_ref, wt_ref, a2_ref,
                           h_ref, asad_ref):
    z = jnp.maximum(_combine(num_ref, den_ref, b_ref), 0.0)
    h = jnp.dot(z, wt_ref[...], preferred_element_type=jnp.float32)
    h_ref[...] = h.astype(jnp.bfloat16)
    a2 = a2_ref[...]
    s0 = jnp.sum(h * a2[0:1, :], axis=1)
    s1 = jnp.sum(h * a2[1:2, :], axis=1)
    asad_ref[...] = jnp.concatenate([s0[None, :], s1[None, :]], axis=0)


def _combine_lin_attn(num, den, b, wt, a2):
    return pl.pallas_call(
        _combine_lin_attn_body,
        grid=(GRID,),
        in_specs=[
            pl.BlockSpec((2, BN, D), lambda i: (0, i, 0)),
            pl.BlockSpec((2, BN), lambda i: (0, i)),
            pl.BlockSpec((1, D), lambda i: (0, 0)),
            pl.BlockSpec((D, D), lambda i: (0, 0)),
            pl.BlockSpec((2, D), lambda i: (0, 0)),
        ],
        out_specs=[
            pl.BlockSpec((BN, D), lambda i: (i, 0)),
            pl.BlockSpec((2, BN), lambda i: (0, i)),
        ],
        out_shape=[
            jax.ShapeDtypeStruct((NP, D), jnp.bfloat16),
            jax.ShapeDtypeStruct((2, NP), jnp.float32),
        ],
    )(num, den, b, wt, a2)


def _final_body(num_ref, den_ref, b_ref, wt_ref, blin_ref, batch_ref,
                pooled_ref, sums_s, cnts_s):
    i = pl.program_id(0)

    @pl.when(i == 0)
    def _():
        sums_s[...] = jnp.zeros_like(sums_s)
        cnts_s[...] = jnp.zeros_like(cnts_s)

    z = _combine(num_ref, den_ref, b_ref)
    y = jnp.dot(z, wt_ref[...], preferred_element_type=jnp.float32) + blin_ref[...]
    gid = lax.broadcasted_iota(jnp.int32, (1, 128), 1)
    oh = (batch_ref[...] == gid).astype(jnp.float32)
    sums_s[...] += lax.dot_general(oh, y, (((0,), (0,)), ((), ())),
                                   preferred_element_type=jnp.float32)
    cnts_s[...] += lax.dot_general(oh, jnp.ones_like(y), (((0,), (0,)), ((), ())),
                                   preferred_element_type=jnp.float32)

    @pl.when(i == GRID - 1)
    def _():
        pooled = sums_s[...] / jnp.maximum(cnts_s[...], 1.0)
        pooled_ref[...] = pooled[:NG, :]


def _final(num, den, b, wt, blin, batchp):
    return pl.pallas_call(
        _final_body,
        grid=(GRID,),
        in_specs=[
            pl.BlockSpec((2, BN, D), lambda i: (0, i, 0)),
            pl.BlockSpec((2, BN), lambda i: (0, i)),
            pl.BlockSpec((1, D), lambda i: (0, 0)),
            pl.BlockSpec((D, D), lambda i: (0, 0)),
            pl.BlockSpec((1, D), lambda i: (0, 0)),
            pl.BlockSpec((BN, 1), lambda i: (i, 0)),
        ],
        out_specs=pl.BlockSpec((NG, D), lambda i: (0, 0)),
        out_shape=jax.ShapeDtypeStruct((NG, D), jnp.float32),
        scratch_shapes=[
            pltpu.VMEM((128, 128), jnp.float32),
            pltpu.VMEM((128, 128), jnp.float32),
        ],
    )(num, den, b, wt, blin, batchp)


_SC_MESH = plsc.VectorSubcoreMesh(core_axis_name="c", subcore_axis_name="s")


@functools.partial(
    pl.kernel,
    out_type=[
        jax.ShapeDtypeStruct((2, NP, D), jnp.bfloat16),
        jax.ShapeDtypeStruct((2 * NP,), jnp.float32),
    ],
    mesh=_SC_MESH,
    compiler_params=pltpu.CompilerParams(needs_layout_passes=False,
                                         use_tc_tiling_on_sc=False),
    scratch_types=[
        pltpu.VMEM((2, NP), jnp.float32),
        pltpu.VMEM((ROWS_PER_W, 128), jnp.int32),
        pltpu.VMEM((ROWS_PER_W, 128), jnp.int32),
        pltpu.VMEM((ROWS_PER_W, 128), jnp.float32),
        pltpu.VMEM((256, D // 2), jnp.int32),
        pltpu.VMEM((256, D), jnp.bfloat16),
        pltpu.VMEM((16, D), jnp.bfloat16),
        pltpu.VMEM((128,), jnp.float32),
        pltpu.VMEM_SHARED((NP, D), jnp.bfloat16),
        pltpu.VMEM_SHARED((NP,), jnp.float32),
        pltpu.SemaphoreType.DMA,
        pltpu.SemaphoreType.DMA,
    ],
)
def _edge_kernel(h_hbm, asad_hbm, src_hbm, dst_hbm, num_out, den_out,
                 asad_v, src_v, dst_v, e_all, gb, sbuf, zb, zd,
                 num_acc, den_acc, sem, sem_s):
    cid = lax.axis_index("c")
    sid = lax.axis_index("s")
    wid = sid * 2 + cid
    base = sid * T_ROWS

    zeros32 = jnp.zeros((32,), jnp.bfloat16)
    for r in range(16):
        for q in range(D // 32):
            zb[r, pl.ds(q * 32, 32)] = zeros32
    zeros16f = jnp.zeros((16,), jnp.float32)
    for q in range(8):
        zd[pl.ds(q * 16, 16)] = zeros16f

    def _zero_num(k, carry):
        pltpu.sync_copy(zb, num_acc.at[pl.ds(base + k * 16, 16), :])
        return carry

    lax.fori_loop(0, T_ROWS // 16, _zero_num, 0)

    def _zero_den(k, carry):
        pltpu.sync_copy(zd, den_acc.at[pl.ds(base + k * 128, 128)])
        return carry

    lax.fori_loop(0, T_ROWS // 128, _zero_den, 0)

    pltpu.sync_copy(asad_hbm, asad_v)
    pltpu.sync_copy(src_hbm.at[wid], src_v)
    pltpu.sync_copy(dst_hbm.at[wid], dst_v)

    def cmax(k, carry):
        m0, m1 = carry
        m0 = jnp.maximum(m0, asad_v[0, pl.ds(k * 16, 16)])
        m1 = jnp.maximum(m1, asad_v[1, pl.ds(k * 16, 16)])
        return m0, m1

    m0, m1 = lax.fori_loop(0, NP // 16, cmax,
                           (jnp.full((16,), -1e30, jnp.float32),
                            jnp.full((16,), -1e30, jnp.float32)))

    lane = lax.iota(jnp.int32, 16)

    def lane_max_splat(v):
        for s in (8, 4, 2, 1):
            e_all[0, pl.ds(0, 16)] = v
            p = plsc.load_gather(e_all, [jnp.zeros((16,), jnp.int32),
                                         jnp.bitwise_xor(lane, s)])
            v = jnp.maximum(v, p)
        return v

    c = jnp.maximum(lane_max_splat(m0) + lane_max_splat(m1),
                    jnp.zeros((16,), jnp.float32))

    plsc.subcore_barrier()

    zero16i = jnp.zeros((16,), jnp.int32)
    one16i = jnp.ones((16,), jnp.int32)

    def phase_a(sb, carry):
        j0 = sb * 2
        for u in range(2):
            j = j0 + u
            for g in range(8):
                s16 = src_v[j, pl.ds(g * 16, 16)]
                d16 = dst_v[j, pl.ds(g * 16, 16)]
                a_s = plsc.load_gather(asad_v, [zero16i, s16])
                a_d = plsc.load_gather(asad_v, [one16i, d16])
                al = a_s + a_d
                al = jnp.where(al > 0, al, al * jnp.float32(0.2))
                e_all[j, pl.ds(g * 16, 16)] = jnp.exp(al - c)
        descs = [pltpu.async_copy(e_all.at[j0 + u],
                                  den_acc.at[dst_v.at[j0 + u]], sem, add=True)
                 for u in range(2)]
        for d_ in descs:
            d_.wait()
        return carry

    lax.fori_loop(0, ROWS_PER_W // 2, phase_a, 0)

    himask = jnp.full((16,), -65536, jnp.int32)

    def _scale(j0):
        def rowloop(rq, carry2):
            r0 = rq * 2
            j16 = jnp.full((16,), j0 + (r0 >> 7), jnp.int32)
            for u in range(2):
                r = r0 + u
                ev = plsc.load_gather(
                    e_all, [j16, jnp.full((16,), r & 127, jnp.int32)])
                for q in range(D // 32):
                    w = gb[r, pl.ds(q * 16, 16)]
                    x0 = plsc.bitcast(w << 16, jnp.float32) * ev
                    x1 = plsc.bitcast(w & himask, jnp.float32) * ev
                    sbuf[r, pl.ds(q * 32, 32)] = plsc.pack(
                        x0, x1, format=plsc.PackFormat.INTERLEAVED)
            return carry2

        lax.fori_loop(0, 128, rowloop, 0)

    def phase_b(sb, carry):
        j0 = sb * 2
        dg = [pltpu.async_copy(h_hbm.at[src_v.at[j0 + u]],
                               gb.at[pl.ds(u * 128, 128)], sem)
              for u in range(2)]
        for d_ in dg:
            d_.wait()
        _scale(j0)
        ds_ = [pltpu.async_copy(sbuf.at[pl.ds(u * 128, 128)],
                                num_acc.at[dst_v.at[j0 + u]], sem_s, add=True)
               for u in range(2)]
        for d_ in ds_:
            d_.wait()
        return carry

    lax.fori_loop(0, ROWS_PER_W // 2, phase_b, 0)

    plsc.subcore_barrier()
    pltpu.sync_copy(den_acc.at[pl.ds(base, T_ROWS)],
                    den_out.at[pl.ds(cid * NP + base, T_ROWS)])
    pltpu.sync_copy(num_acc.at[pl.ds(base, T_ROWS)],
                    num_out.at[cid, pl.ds(base, T_ROWS)])


def _pack_bf16(h16):
    return lax.bitcast_convert_type(h16.reshape(NP, D // 2, 2), jnp.int32)


def kernel(x, edge_index, batch, edge_attr, W1, a_src1, a_dst1, b1,
           W2, a_src2, a_dst2, b2, Wlin, blin):
    f32 = jnp.float32
    xp = jnp.concatenate([x.astype(f32), jnp.zeros((NP - N, D), f32)], axis=0)

    loops = jnp.arange(N, dtype=jnp.int32)
    padi = jnp.arange(E_PAD - E_TOT, dtype=jnp.int32)
    src = jnp.concatenate([edge_index[0].astype(jnp.int32), loops, padi % NP])
    dst = jnp.concatenate([edge_index[1].astype(jnp.int32), loops,
                           N + (padi % (NP - N))])
    src3 = src.reshape(32, ROWS_PER_W, 128)
    dst3 = dst.reshape(32, ROWS_PER_W, 128)

    batchp = jnp.concatenate([batch.astype(jnp.int32),
                              jnp.full((NP - N,), NG, jnp.int32)]).reshape(NP, 1)

    a21 = jnp.stack([a_src1, a_dst1]).astype(f32)
    a22 = jnp.stack([a_src2, a_dst2]).astype(f32)

    h1, asad1 = _lin_attn(xp, W1.T.astype(f32), a21)
    num1, den1 = _edge_kernel(_pack_bf16(h1), asad1, src3, dst3)
    den1 = den1.reshape(2, NP)
    h2, asad2 = _combine_lin_attn(num1, den1, b1.reshape(1, D).astype(f32),
                                  W2.T.astype(f32), a22)
    num2, den2 = _edge_kernel(_pack_bf16(h2), asad2, src3, dst3)
    den2 = den2.reshape(2, NP)
    pooled = _final(num2, den2, b2.reshape(1, D).astype(f32),
                    Wlin.T.astype(f32), blin.reshape(1, D).astype(f32), batchp)
    return pooled

# --- scband reference (transcript-rebuilt; emitter-appended) ---
"""Pipeline reference for scband-multi-modal-clattr-54743653154847 (READ-ONLY COPY).

The authoritative reference and input builder live on the scoring server;
editing this copy changes nothing except your own understanding.
"""

import jax, jax.numpy as jnp
import numpy as np

N_NODES = 10000
N_EDGES = 320000
D_IN = 128
D_HID = 128
D_LAT = 128
N_GRAPHS = 64


def setup_inputs(seed: int = 0) -> dict:
    key = jax.random.key(seed)
    ks = jax.random.split(key, 16)
    x = jax.random.normal(ks[0], (N_NODES, D_IN), dtype=jnp.float32)
    edge_index = jax.random.randint(ks[1], (2, N_EDGES), 0, N_NODES, dtype=jnp.int64)
    batch = jnp.sort(jax.random.randint(ks[2], (N_NODES,), 0, N_GRAPHS, dtype=jnp.int64))
    edge_attr = jax.random.normal(ks[3], (N_EDGES, 16), dtype=jnp.float32)
    s1 = 1.0 / np.sqrt(D_IN)
    s2 = 1.0 / np.sqrt(D_HID)
    s3 = 1.0 / np.sqrt(D_LAT)
    W1 = jax.random.uniform(ks[4], (D_HID, D_IN), jnp.float32, -s1, s1)
    a_src1 = jax.random.uniform(ks[5], (D_HID,), jnp.float32, -s2, s2)
    a_dst1 = jax.random.uniform(ks[6], (D_HID,), jnp.float32, -s2, s2)
    b1 = jnp.zeros((D_HID,), jnp.float32)
    W2 = jax.random.uniform(ks[7], (D_LAT, D_HID), jnp.float32, -s2, s2)
    a_src2 = jax.random.uniform(ks[8], (D_LAT,), jnp.float32, -s3, s3)
    a_dst2 = jax.random.uniform(ks[9], (D_LAT,), jnp.float32, -s3, s3)
    b2 = jnp.zeros((D_LAT,), jnp.float32)
    Wlin = jax.random.uniform(ks[10], (D_LAT, D_LAT), jnp.float32, -s3, s3)
    blin = jax.random.uniform(ks[11], (D_LAT,), jnp.float32, -s3, s3)
    return {"x": x, "edge_index": edge_index, "batch": batch, "edge_attr": edge_attr,
            "W1": W1, "a_src1": a_src1, "a_dst1": a_dst1, "b1": b1,
            "W2": W2, "a_src2": a_src2, "a_dst2": a_dst2, "b2": b2,
            "Wlin": Wlin, "blin": blin}


def _gat_conv(xin, src, dst, W, a_src, a_dst, b, n_nodes):
    # GATConv, heads=1, concat=True, negative_slope=0.2, edge_dim=None
    h = xin @ W.T  # [N, C]
    alpha_src = (h * a_src).sum(-1)  # [N]
    alpha_dst = (h * a_dst).sum(-1)  # [N]
    alpha = alpha_src[src] + alpha_dst[dst]  # [E]
    alpha = jax.nn.leaky_relu(alpha, negative_slope=0.2)
    amax = jax.ops.segment_max(alpha, dst, num_segments=n_nodes)
    alpha = jnp.exp(alpha - amax[dst])
    denom = jax.ops.segment_sum(alpha, dst, num_segments=n_nodes)
    alpha = alpha / (denom[dst] + 1e-16)
    msg = h[src] * alpha[:, None]
    out = jax.ops.segment_sum(msg, dst, num_segments=n_nodes) + b
    return out


def reference(x, edge_index, batch, edge_attr, W1, a_src1, a_dst1, b1, W2, a_src2, a_dst2, b2, Wlin, blin):
    n_nodes = x.shape[0]
    # GATConv adds self-loops by default
    loops = jnp.arange(n_nodes, dtype=edge_index.dtype)
    src = jnp.concatenate([edge_index[0], loops])
    dst = jnp.concatenate([edge_index[1], loops])
    # edge_attr is ignored: GATConv constructed without edge_dim (lin_edge is None)
    z = _gat_conv(x, src, dst, W1, a_src1, a_dst1, b1, n_nodes)
    z = jax.nn.relu(z)
    # F.dropout(training=False) -> identity in eval
    z = _gat_conv(z, src, dst, W2, a_src2, a_dst2, b2, n_nodes)
    z = z @ Wlin.T + blin
    # global_mean_pool
    sums = jax.ops.segment_sum(z, batch, num_segments=N_GRAPHS)
    cnts = jax.ops.segment_sum(jnp.ones((n_nodes,), jnp.float32), batch, num_segments=N_GRAPHS)
    pooled = sums / jnp.maximum(cnts, 1.0)[:, None]
    return pooled


if False:  # reference __main__ guard neutralized (emitter)
    out = reference(**setup_inputs())
    print(out.shape, out.dtype)

if __name__ == "__main__":
    import jax
    _d = setup_inputs()
    print(jax.jit(kernel)(*tuple(_d.values())))

</pallas_src>

<mosaic_0001>
#map = affine_map<(d0, d1) -> (0, 0)>
#map1 = affine_map<(d0, d1) -> (0, 0, 0)>
#map2 = affine_map<(d0, d1) -> (0)>
module attributes {stable_mosaic.version = 14 : i64} {
  func.func @_edge_kernel(%arg0: i32, %arg1: i32, %arg2: memref<10240x64xi32, #tpu.memory_space<hbm>>, %arg3: memref<2x10240xf32, #tpu.memory_space<hbm>>, %arg4: memref<32x84x128xi32, #tpu.memory_space<hbm>>, %arg5: memref<32x84x128xi32, #tpu.memory_space<hbm>>, %arg6: memref<2x10240x128xbf16, #tpu.memory_space<hbm>>, %arg7: memref<20480xf32, #tpu.memory_space<hbm>>, %arg8: memref<2x10240xf32, #tpu.memory_space<vmem>>, %arg9: memref<84x128xi32, #tpu.memory_space<vmem>>, %arg10: memref<84x128xi32, #tpu.memory_space<vmem>>, %arg11: memref<84x128xf32, #tpu.memory_space<vmem>>, %arg12: memref<256x64xi32, #tpu.memory_space<vmem>>, %arg13: memref<256x128xbf16, #tpu.memory_space<vmem>>, %arg14: memref<16x128xbf16, #tpu.memory_space<vmem>>, %arg15: memref<128xf32, #tpu.memory_space<vmem>>, %arg16: memref<10240x128xbf16, #tpu.memory_space<vmem_shared>>, %arg17: memref<10240xf32, #tpu.memory_space<vmem_shared>>, %arg18: memref<!tpu.dma_semaphore, #tpu.memory_space<semaphore_mem>>, %arg19: memref<!tpu.dma_semaphore, #tpu.memory_space<semaphore_mem>>) attributes {dimension_semantics = [#tpu.dimension_semantics<core_parallel>, #tpu.dimension_semantics<subcore_parallel>], iteration_bounds = array<i64: 2, 16>, scalar_prefetch = 0 : i64, scratch_operands = 12 : i64, tpu.core_type = #tpu.core_type<sc_vector_subcore>, window_params = [{transform_indices = #map}, {transform_indices = #map}, {transform_indices = #map1}, {transform_indices = #map1}, {transform_indices = #map1}, {transform_indices = #map2}]} {
    %mul3A = arith.constant 2 : i32
    %mul3A_0 = arith.muli %arg1, %mul3A : i32
    %add3A = arith.addi %mul3A_0, %arg0 : i32
    %mul3A_1 = arith.constant 640 : i32
    %mul3A_2 = arith.muli %arg1, %mul3A_1 : i32
    %broadcast_in_dim3A = arith.constant 0.000000e+00 : bf16
    %broadcast_in_dim3A_3 = vector.broadcast %broadcast_in_dim3A : bf16 to vector<32xbf16>
    %swap3A = arith.constant 0 : i32
    %swap3A_4 = arith.index_cast %swap3A : i32 to index
    %swap3A_5 = arith.constant 0 : index
    %swap3A_6 = tpu.vector_load %arg14[%swap3A_4, %swap3A_5] {strides = array<i32>} : memref<16x128xbf16, #tpu.memory_space<vmem>>, vector<32xbf16>,
    tpu.vector_store %arg14[%swap3A_4, %swap3A_5], %broadcast_in_dim3A_3 {strides = array<i32>} : memref<16x128xbf16, #tpu.memory_space<vmem>>, vector<32xbf16>,
    %swap3A_7 = arith.constant 0 : i32
    %swap3A_8 = arith.index_cast %swap3A_7 : i32 to index
    %swap3A_9 = arith.constant 32 : index
    %swap3A_10 = tpu.vector_load %arg14[%swap3A_8, %swap3A_9] {strides = array<i32>} : memref<16x128xbf16, #tpu.memory_space<vmem>>, vector<32xbf16>,
    tpu.vector_store %arg14[%swap3A_8, %swap3A_9], %broadcast_in_dim3A_3 {strides = array<i32>} : memref<16x128xbf16, #tpu.memory_space<vmem>>, vector<32xbf16>,
    %swap3A_11 = arith.constant 0 : i32
    %swap3A_12 = arith.index_cast %swap3A_11 : i32 to index
    %swap3A_13 = arith.constant 64 : index
    %swap3A_14 = tpu.vector_load %arg14[%swap3A_12, %swap3A_13] {strides = array<i32>} : memref<16x128xbf16, #tpu.memory_space<vmem>>, vector<32xbf16>,
    tpu.vector_store %arg14[%swap3A_12, %swap3A_13], %broadcast_in_dim3A_3 {strides = array<i32>} : memref<16x128xbf16, #tpu.memory_space<vmem>>, vector<32xbf16>,
    %swap3A_15 = arith.constant 0 : i32
    %swap3A_16 = arith.index_cast %swap3A_15 : i32 to index
    %swap3A_17 = arith.constant 96 : index
    %swap3A_18 = tpu.vector_load %arg14[%swap3A_16, %swap3A_17] {strides = array<i32>} : memref<16x128xbf16, #tpu.memory_space<vmem>>, vector<32xbf16>,
    tpu.vector_store %arg14[%swap3A_16, %swap3A_17], %broadcast_in_dim3A_3 {strides = array<i32>} : memref<16x128xbf16, #tpu.memory_space<vmem>>, vector<32xbf16>,
    %swap3A_19 = arith.constant 1 : i32
    %swap3A_20 = arith.index_cast %swap3A_19 : i32 to index
    %swap3A_21 = arith.constant 0 : index
    %swap3A_22 = tpu.vector_load %arg14[%swap3A_20, %swap3A_21] {strides = array<i32>} : memref<16x128xbf16, #tpu.memory_space<vmem>>, vector<32xbf16>,
    tpu.vector_store %arg14[%swap3A_20, %swap3A_21], %broadcast_in_dim3A_3 {strides = array<i32>} : memref<16x128xbf16, #tpu.memory_space<vmem>>, vector<32xbf16>,
    %swap3A_23 = arith.constant 1 : i32
    %swap3A_24 = arith.index_cast %swap3A_23 : i32 to index
    %swap3A_25 = arith.constant 32 : index
    %swap3A_26 = tpu.vector_load %arg14[%swap3A_24, %swap3A_25] {strides = array<i32>} : memref<16x128xbf16, #tpu.memory_space<vmem>>, vector<32xbf16>,
    tpu.vector_store %arg14[%swap3A_24, %swap3A_25], %broadcast_in_dim3A_3 {strides = array<i32>} : memref<16x128xbf16, #tpu.memory_space<vmem>>, vector<32xbf16>,
    %swap3A_27 = arith.constant 1 : i32
    %swap3A_28 = arith.index_cast %swap3A_27 : i32 to index
    %swap3A_29 = arith.constant 64 : index
    %swap3A_30 = tpu.vector_load %arg14[%swap3A_28, %swap3A_29] {strides = array<i32>} : memref<16x128xbf16, #tpu.memory_space<vmem>>, vector<32xbf16>,
    tpu.vector_store %arg14[%swap3A_28, %swap3A_29], %broadcast_in_dim3A_3 {strides = array<i32>} : memref<16x128xbf16, #tpu.memory_space<vmem>>, vector<32xbf16>,
    %swap3A_31 = arith.constant 1 : i32
    %swap3A_32 = arith.index_cast %swap3A_31 : i32 to index
    %swap3A_33 = arith.constant 96 : index
    %swap3A_34 = tpu.vector_load %arg14[%swap3A_32, %swap3A_33] {strides = array<i32>} : memref<16x128xbf16, #tpu.memory_space<vmem>>, vector<32xbf16>,
    tpu.vector_store %arg14[%swap3A_32, %swap3A_33], %broadcast_in_dim3A_3 {strides = array<i32>} : memref<16x128xbf16, #tpu.memory_space<vmem>>, vector<32xbf16>,
    %swap3A_35 = arith.constant 2 : i32
    %swap3A_36 = arith.index_cast %swap3A_35 : i32 to index
    %swap3A_37 = arith.constant 0 : index
    %swap3A_38 = tpu.vector_load %arg14[%swap3A_36, %swap3A_37] {strides = array<i32>} : memref<16x128xbf16, #tpu.memory_space<vmem>>, vector<32xbf16>,
    tpu.vector_store %arg14[%swap3A_36, %swap3A_37], %broadcast_in_dim3A_3 {strides = array<i32>} : memref<16x128xbf16, #tpu.memory_space<vmem>>, vector<32xbf16>,
    %swap3A_39 = arith.constant 2 : i32
    %swap3A_40 = arith.index_cast %swap3A_39 : i32 to index
    %swap3A_41 = arith.constant 32 : index
    %swap3A_42 = tpu.vector_load %arg14[%swap3A_40, %swap3A_41] {strides = array<i32>} : memref<16x128xbf16, #tpu.memory_space<vmem>>, vector<32xbf16>,
    tpu.vector_store %arg14[%swap3A_40, %swap3A_41], %broadcast_in_dim3A_3 {strides = array<i32>} : memref<16x128xbf16, #tpu.memory_space<vmem>>, vector<32xbf16>,
    %swap3A_43 = arith.constant 2 : i32
    %swap3A_44 = arith.index_cast %swap3A_43 : i32 to index
    %swap3A_45 = arith.constant 64 : index
    %swap3A_46 = tpu.vector_load %arg14[%swap3A_44, %swap3A_45] {strides = array<i32>} : memref<16x128xbf16, #tpu.memory_space<vmem>>, vector<32xbf16>,
    tpu.vector_store %arg14[%swap3A_44, %swap3A_45], %broadcast_in_dim3A_3 {strides = array<i32>} : memref<16x128xbf16, #tpu.memory_space<vmem>>, vector<32xbf16>,
    %swap3A_47 = arith.constant 2 : i32
    %swap3A_48 = arith.index_cast %swap3A_47 : i32 to index
    %swap3A_49 = arith.constant 96 : index
    %swap3A_50 = tpu.vector_load %arg14[%swap3A_48, %swap3A_49] {strides = array<i32>} : memref<16x128xbf16, #tpu.memory_space<vmem>>, vector<32xbf16>,
    tpu.vector_store %arg14[%swap3A_48, %swap3A_49], %broadcast_in_dim3A_3 {strides = array<i32>} : memref<16x128xbf16, #tpu.memory_space<vmem>>, vector<32xbf16>,
    %swap3A_51 = arith.constant 3 : i32
    %swap3A_52 = arith.index_cast %swap3A_51 : i32 to index
    %swap3A_53 = arith.constant 0 : index
    %swap3A_54 = tpu.vector_load %arg14[%swap3A_52, %swap3A_53] {strides = array<i32>} : memref<16x128xbf16, #tpu.memory_space<vmem>>, vector<32xbf16>,
    tpu.vector_store %arg14[%swap3A_52, %swap3A_53], %broadcast_in_dim3A_3 {strides = array<i32>} : memref<16x128xbf16, #tpu.memory_space<vmem>>, vector<32xbf16>,
    %swap3A_55 = arith.constant 3 : i32
    %swap3A_56 = arith.index_cast %swap3A_55 : i32 to index
    %swap3A_57 = arith.constant 32 : index
    %swap3A_58 = tpu.vector_load %arg14[%swap3A_56, %swap3A_57] {strides = array<i32>} : memref<16x128xbf16, #tpu.memory_space<vmem>>, vector<32xbf16>,
    tpu.vector_store %arg14[%swap3A_56, %swap3A_57], %broadcast_in_dim3A_3 {strides = array<i32>} : memref<16x128xbf16, #tpu.memory_space<vmem>>, vector<32xbf16>,
    %swap3A_59 = arith.constant 3 : i32
    %swap3A_60 = arith.index_cast %swap3A_59 : i32 to index
    %swap3A_61 = arith.constant 64 : index
    %swap3A_62 = tpu.vector_load %arg14[%swap3A_60, %swap3A_61] {strides = array<i32>} : memref<16x128xbf16, #tpu.memory_space<vmem>>, vector<32xbf16>,
    tpu.vector_store %arg14[%swap3A_60, %swap3A_61], %broadcast_in_dim3A_3 {strides = array<i32>} : memref<16x128xbf16, #tpu.memory_space<vmem>>, vector<32xbf16>,
    %swap3A_63 = arith.constant 3 : i32
    %swap3A_64 = arith.index_cast %swap3A_63 : i32 to index
    %swap3A_65 = arith.constant 96 : index
    %swap3A_66 = tpu.vector_load %arg14[%swap3A_64, %swap3A_65] {strides = array<i32>} : memref<16x128xbf16, #tpu.memory_space<vmem>>, vector<32xbf16>,
    tpu.vector_store %arg14[%swap3A_64, %swap3A_65], %broadcast_in_dim3A_3 {strides = array<i32>} : memref<16x128xbf16, #tpu.memory_space<vmem>>, vector<32xbf16>,
    %swap3A_67 = arith.constant 4 : i32
    %swap3A_68 = arith.index_cast %swap3A_67 : i32 to index
    %swap3A_69 = arith.constant 0 : index
    %swap3A_70 = tpu.vector_load %arg14[%swap3A_68, %swap3A_69] {strides = array<i32>} : memref<16x128xbf16, #tpu.memory_space<vmem>>, vector<32xbf16>,
    tpu.vector_store %arg14[%swap3A_68, %swap3A_69], %broadcast_in_dim3A_3 {strides = array<i32>} : memref<16x128xbf16, #tpu.memory_space<vmem>>, vector<32xbf16>,
    %swap3A_71 = arith.constant 4 : i32
    %swap3A_72 = arith.index_cast %swap3A_71 : i32 to index
    %swap3A_73 = arith.constant 32 : index
    %swap3A_74 = tpu.vector_load %arg14[%swap3A_72, %swap3A_73] {strides = array<i32>} : memref<16x128xbf16, #tpu.memory_space<vmem>>, vector<32xbf16>,
    tpu.vector_store %arg14[%swap3A_72, %swap3A_73], %broadcast_in_dim3A_3 {strides = array<i32>} : memref<16x128xbf16, #tpu.memory_space<vmem>>, vector<32xbf16>,
    %swap3A_75 = arith.constant 4 : i32
    %swap3A_76 = arith.index_cast %swap3A_75 : i32 to index
    %swap3A_77 = arith.constant 64 : index
    %swap3A_78 = tpu.vector_load %arg14[%swap3A_76, %swap3A_77] {strides = array<i32>} : memref<16x128xbf16, #tpu.memory_space<vmem>>, vector<32xbf16>,
    tpu.vector_store %arg14[%swap3A_76, %swap3A_77], %broadcast_in_dim3A_3 {strides = array<i32>} : memref<16x128xbf16, #tpu.memory_space<vmem>>, vector<32xbf16>,
    %swap3A_79 = arith.constant 4 : i32
    %swap3A_80 = arith.index_cast %swap3A_79 : i32 to index
    %swap3A_81 = arith.constant 96 : index
    %swap3A_82 = tpu.vector_load %arg14[%swap3A_80, %swap3A_81] {strides = array<i32>} : memref<16x128xbf16, #tpu.memory_space<vmem>>, vector<32xbf16>,
    tpu.vector_store %arg14[%swap3A_80, %swap3A_81], %broadcast_in_dim3A_3 {strides = array<i32>} : memref<16x128xbf16, #tpu.memory_space<vmem>>, vector<32xbf16>,
    %swap3A_83 = arith.constant 5 : i32
    %swap3A_84 = arith.index_cast %swap3A_83 : i32 to index
    %swap3A_85 = arith.constant 0 : index
    %swap3A_86 = tpu.vector_load %arg14[%swap3A_84, %swap3A_85] {strides = array<i32>} : memref<16x128xbf16, #tpu.memory_space<vmem>>, vector<32xbf16>,
    tpu.vector_store %arg14[%swap3A_84, %swap3A_85], %broadcast_in_dim3A_3 {strides = array<i32>} : memref<16x128xbf16, #tpu.memory_space<vmem>>, vector<32xbf16>,
    %swap3A_87 = arith.constant 5 : i32
    %swap3A_88 = arith.index_cast %swap3A_87 : i32 to index
    %swap3A_89 = arith.constant 32 : index
    %swap3A_90 = tpu.vector_load %arg14[%swap3A_88, %swap3A_89] {strides = array<i32>} : memref<16x128xbf16, #tpu.memory_space<vmem>>, vector<32xbf16>,
    tpu.vector_store %arg14[%swap3A_88, %swap3A_89], %broadcast_in_dim3A_3 {strides = array<i32>} : memref<16x128xbf16, #tpu.memory_space<vmem>>, vector<32xbf16>,
    %swap3A_91 = arith.constant 5 : i32
    %swap3A_92 = arith.index_cast %swap3A_91 : i32 to index
    %swap3A_93 = arith.constant 64 : index
    %swap3A_94 = tpu.vector_load %arg14[%swap3A_92, %swap3A_93] {strides = array<i32>} : memref<16x128xbf16, #tpu.memory_space<vmem>>, vector<32xbf16>,
    tpu.vector_store %arg14[%swap3A_92, %swap3A_93], %broadcast_in_dim3A_3 {strides = array<i32>} : memref<16x128xbf16, #tpu.memory_space<vmem>>, vector<32xbf16>,
    %swap3A_95 = arith.constant 5 : i32
    %swap3A_96 = arith.index_cast %swap3A_95 : i32 to index
    %swap3A_97 = arith.constant 96 : index
    %swap3A_98 = tpu.vector_load %arg14[%swap3A_96, %swap3A_97] {strides = array<i32>} : memref<16x128xbf16, #tpu.memory_space<vmem>>, vector<32xbf16>,
    tpu.vector_store %arg14[%swap3A_96, %swap3A_97], %broadcast_in_dim3A_3 {strides = array<i32>} : memref<16x128xbf16, #tpu.memory_space<vmem>>, vector<32xbf16>,
    %swap3A_99 = arith.constant 6 : i32
    %swap3A_100 = arith.index_cast %swap3A_99 : i32 to index
    %swap3A_101 = arith.constant 0 : index
    %swap3A_102 = tpu.vector_load %arg14[%swap3A_100, %swap3A_101] {strides = array<i32>} : memref<16x128xbf16, #tpu.memory_space<vmem>>, vector<32xbf16>,
    tpu.vector_store %arg14[%swap3A_100, %swap3A_101], %broadcast_in_dim3A_3 {strides = array<i32>} : memref<16x128xbf16, #tpu.memory_space<vmem>>, vector<32xbf16>,
    %swap3A_103 = arith.constant 6 : i32
    %swap3A_104 = arith.index_cast %swap3A_103 : i32 to index
    %swap3A_105 = arith.constant 32 : index
    %swap3A_106 = tpu.vector_load %arg14[%swap3A_104, %swap3A_105] {strides = array<i32>} : memref<16x128xbf16, #tpu.memory_space<vmem>>, vector<32xbf16>,
    tpu.vector_store %arg14[%swap3A_104, %swap3A_105], %broadcast_in_dim3A_3 {strides = array<i32>} : memref<16x128xbf16, #tpu.memory_space<vmem>>, vector<32xbf16>,
    %swap3A_107 = arith.constant 6 : i32
    %swap3A_108 = arith.index_cast %swap3A_107 : i32 to index
    %swap3A_109 = arith.constant 64 : index
    %swap3A_110 = tpu.vector_load %arg14[%swap3A_108, %swap3A_109] {strides = array<i32>} : memref<16x128xbf16, #tpu.memory_space<vmem>>, vector<32xbf16>,
    tpu.vector_store %arg14[%swap3A_108, %swap3A_109], %broadcast_in_dim3A_3 {strides = array<i32>} : memref<16x128xbf16, #tpu.memory_space<vmem>>, vector<32xbf16>,
    %swap3A_111 = arith.constant 6 : i32
    %swap3A_112 = arith.index_cast %swap3A_111 : i32 to index
    %swap3A_113 = arith.constant 96 : index
    %swap3A_114 = tpu.vector_load %arg14[%swap3A_112, %swap3A_113] {strides = array<i32>} : memref<16x128xbf16, #tpu.memory_space<vmem>>, vector<32xbf16>,
    tpu.vector_store %arg14[%swap3A_112, %swap3A_113], %broadcast_in_dim3A_3 {strides = array<i32>} : memref<16x128xbf16, #tpu.memory_space<vmem>>, vector<32xbf16>,
    %swap3A_115 = arith.constant 7 : i32
    %swap3A_116 = arith.index_cast %swap3A_115 : i32 to index
    %swap3A_117 = arith.constant 0 : index
    %swap3A_118 = tpu.vector_load %arg14[%swap3A_116, %swap3A_117] {strides = array<i32>} : memref<16x128xbf16, #tpu.memory_space<vmem>>, vector<32xbf16>,
    tpu.vector_store %arg14[%swap3A_116, %swap3A_117], %broadcast_in_dim3A_3 {strides = array<i32>} : memref<16x128xbf16, #tpu.memory_space<vmem>>, vector<32xbf16>,
    %swap3A_119 = arith.constant 7 : i32
    %swap3A_120 = arith.index_cast %swap3A_119 : i32 to index
    %swap3A_121 = arith.constant 32 : index
    %swap3A_122 = tpu.vector_load %arg14[%swap3A_120, %swap3A_121] {strides = array<i32>} : memref<16x128xbf16, #tpu.memory_space<vmem>>, vector<32xbf16>,
    tpu.vector_store %arg14[%swap3A_120, %swap3A_121], %broadcast_in_dim3A_3 {strides = array<i32>} : memref<16x128xbf16, #tpu.memory_space<vmem>>, vector<32xbf16>,
    %swap3A_123 = arith.constant 7 : i32
    %swap3A_124 = arith.index_cast %swap3A_123 : i32 to index
    %swap3A_125 = arith.constant 64 : index
    %swap3A_126 = tpu.vector_load %arg14[%swap3A_124, %swap3A_125] {strides = array<i32>} : memref<16x128xbf16, #tpu.memory_space<vmem>>, vector<32xbf16>,
    tpu.vector_store %arg14[%swap3A_124, %swap3A_125], %broadcast_in_dim3A_3 {strides = array<i32>} : memref<16x128xbf16, #tpu.memory_space<vmem>>, vector<32xbf16>,
    %swap3A_127 = arith.constant 7 : i32
    %swap3A_128 = arith.index_cast %swap3A_127 : i32 to index
    %swap3A_129 = arith.constant 96 : index
    %swap3A_130 = tpu.vector_load %arg14[%swap3A_128, %swap3A_129] {strides = array<i32>} : memref<16x128xbf16, #tpu.memory_space<vmem>>, vector<32xbf16>,
    tpu.vector_store %arg14[%swap3A_128, %swap3A_129], %broadcast_in_dim3A_3 {strides = array<i32>} : memref<16x128xbf16, #tpu.memory_space<vmem>>, vector<32xbf16>,
    %swap3A_131 = arith.constant 8 : i32
    %swap3A_132 = arith.index_cast %swap3A_131 : i32 to index
    %swap3A_133 = arith.constant 0 : index
    %swap3A_134 = tpu.vector_load %arg14[%swap3A_132, %swap3A_133] {strides = array<i32>} : memref<16x128xbf16, #tpu.memory_space<vmem>>, vector<32xbf16>,
    tpu.vector_store %arg14[%swap3A_132, %swap3A_133], %broadcast_in_dim3A_3 {strides = array<i32>} : memref<16x128xbf16, #tpu.memory_space<vmem>>, vector<32xbf16>,
    %swap3A_135 = arith.constant 8 : i32
    %swap3A_136 = arith.index_cast %swap3A_135 : i32 to index
    %swap3A_137 = arith.constant 32 : index
    %swap3A_138 = tpu.vector_load %arg14[%swap3A_136, %swap3A_137] {strides = array<i32>} : memref<16x128xbf16, #tpu.memory_space<vmem>>, vector<32xbf16>,
    tpu.vector_store %arg14[%swap3A_136, %swap3A_137], %broadcast_in_dim3A_3 {strides = array<i32>} : memref<16x128xbf16, #tpu.memory_space<vmem>>, vector<32xbf16>,
    %swap3A_139 = arith.constant 8 : i32
    %swap3A_140 = arith.index_cast %swap3A_139 : i32 to index
    %swap3A_141 = arith.constant 64 : index
    %swap3A_142 = tpu.vector_load %arg14[%swap3A_140, %swap3A_141] {strides = array<i32>} : memref<16x128xbf16, #tpu.memory_space<vmem>>, vector<32xbf16>,
    tpu.vector_store %arg14[%swap3A_140, %swap3A_141], %broadcast_in_dim3A_3 {strides = array<i32>} : memref<16x128xbf16, #tpu.memory_space<vmem>>, vector<32xbf16>,
    %swap3A_143 = arith.constant 8 : i32
    %swap3A_144 = arith.index_cast %swap3A_143 : i32 to index
    %swap3A_145 = arith.constant 96 : index
    %swap3A_146 = tpu.vector_load %arg14[%swap3A_144, %swap3A_145] {strides = array<i32>} : memref<16x128xbf16, #tpu.memory_space<vmem>>, vector<32xbf16>,
    tpu.vector_store %arg14[%swap3A_144, %swap3A_145], %broadcast_in_dim3A_3 {strides = array<i32>} : memref<16x128xbf16, #tpu.memory_space<vmem>>, vector<32xbf16>,
    %swap3A_147 = arith.constant 9 : i32
    %swap3A_148 = arith.index_cast %swap3A_147 : i32 to index
    %swap3A_149 = arith.constant 0 : index
    %swap3A_150 = tpu.vector_load %arg14[%swap3A_148, %swap3A_149] {strides = array<i32>} : memref<16x128xbf16, #tpu.memory_space<vmem>>, vector<32xbf16>,
    tpu.vector_store %arg14[%swap3A_148, %swap3A_149], %broadcast_in_dim3A_3 {strides = array<i32>} : memref<16x128xbf16, #tpu.memory_space<vmem>>, vector<32xbf16>,
    %swap3A_151 = arith.constant 9 : i32
    %swap3A_152 = arith.index_cast %swap3A_151 : i32 to index
    %swap3A_153 = arith.constant 32 : index
    %swap3A_154 = tpu.vector_load %arg14[%swap3A_152, %swap3A_153] {strides = array<i32>} : memref<16x128xbf16, #tpu.memory_space<vmem>>, vector<32xbf16>,
    tpu.vector_store %arg14[%swap3A_152, %swap3A_153], %broadcast_in_dim3A_3 {strides = array<i32>} : memref<16x128xbf16, #tpu.memory_space<vmem>>, vector<32xbf16>,
    %swap3A_155 = arith.constant 9 : i32
    %swap3A_156 = arith.index_cast %swap3A_155 : i32 to index
    %swap3A_157 = arith.constant 64 : index
    %swap3A_158 = tpu.vector_load %arg14[%swap3A_156, %swap3A_157] {strides = array<i32>} : memref<16x128xbf16, #tpu.memory_space<vmem>>, vector<32xbf16>,
    tpu.vector_store %arg14[%swap3A_156, %swap3A_157], %broadcast_in_dim3A_3 {strides = array<i32>} : memref<16x128xbf16, #tpu.memory_space<vmem>>, vector<32xbf16>,
    %swap3A_159 = arith.constant 9 : i32
    %swap3A_160 = arith.index_cast %swap3A_159 : i32 to index
    %swap3A_161 = arith.constant 96 : index
    %swap3A_162 = tpu.vector_load %arg14[%swap3A_160, %swap3A_161] {strides = array<i32>} : memref<16x128xbf16, #tpu.memory_space<vmem>>, vector<32xbf16>,
    tpu.vector_store %arg14[%swap3A_160, %swap3A_161], %broadcast_in_dim3A_3 {strides = array<i32>} : memref<16x128xbf16, #tpu.memory_space<vmem>>, vector<32xbf16>,
    %swap3A_163 = arith.constant 10 : i32
    %swap3A_164 = arith.index_cast %swap3A_163 : i32 to index
    %swap3A_165 = arith.constant 0 : index
    %swap3A_166 = tpu.vector_load %arg14[%swap3A_164, %swap3A_165] {strides = array<i32>} : memref<16x128xbf16, #tpu.memory_space<vmem>>, vector<32xbf16>,
    tpu.vector_store %arg14[%swap3A_164, %swap3A_165], %broadcast_in_dim3A_3 {strides = array<i32>} : memref<16x128xbf16, #tpu.memory_space<vmem>>, vector<32xbf16>,
    %swap3A_167 = arith.constant 10 : i32
    %swap3A_168 = arith.index_cast %swap3A_167 : i32 to index
    %swap3A_169 = arith.constant 32 : index
    %swap3A_170 = tpu.vector_load %arg14[%swap3A_168, %swap3A_169] {strides = array<i32>} : memref<16x128xbf16, #tpu.memory_space<vmem>>, vector<32xbf16>,
    tpu.vector_store %arg14[%swap3A_168, %swap3A_169], %broadcast_in_dim3A_3 {strides = array<i32>} : memref<16x128xbf16, #tpu.memory_space<vmem>>, vector<32xbf16>,
    %swap3A_171 = arith.constant 10 : i32
    %swap3A_172 = arith.index_cast %swap3A_171 : i32 to index
    %swap3A_173 = arith.constant 64 : index
    %swap3A_174 = tpu.vector_load %arg14[%swap3A_172, %swap3A_173] {strides = array<i32>} : memref<16x128xbf16, #tpu.memory_space<vmem>>, vector<32xbf16>,
    tpu.vector_store %arg14[%swap3A_172, %swap3A_173], %broadcast_in_dim3A_3 {strides = array<i32>} : memref<16x128xbf16, #tpu.memory_space<vmem>>, vector<32xbf16>,
    %swap3A_175 = arith.constant 10 : i32
    %swap3A_176 = arith.index_cast %swap3A_175 : i32 to index
    %swap3A_177 = arith.constant 96 : index
    %swap3A_178 = tpu.vector_load %arg14[%swap3A_176, %swap3A_177] {strides = array<i32>} : memref<16x128xbf16, #tpu.memory_space<vmem>>, vector<32xbf16>,
    tpu.vector_store %arg14[%swap3A_176, %swap3A_177], %broadcast_in_dim3A_3 {strides = array<i32>} : memref<16x128xbf16, #tpu.memory_space<vmem>>, vector<32xbf16>,
    %swap3A_179 = arith.constant 11 : i32
    %swap3A_180 = arith.index_cast %swap3A_179 : i32 to index
    %swap3A_181 = arith.constant 0 : index
    %swap3A_182 = tpu.vector_load %arg14[%swap3A_180, %swap3A_181] {strides = array<i32>} : memref<16x128xbf16, #tpu.memory_space<vmem>>, vector<32xbf16>,
    tpu.vector_store %arg14[%swap3A_180, %swap3A_181], %broadcast_in_dim3A_3 {strides = array<i32>} : memref<16x128xbf16, #tpu.memory_space<vmem>>, vector<32xbf16>,
    %swap3A_183 = arith.constant 11 : i32
    %swap3A_184 = arith.index_cast %swap3A_183 : i32 to index
    %swap3A_185 = arith.constant 32 : index
    %swap3A_186 = tpu.vector_load %arg14[%swap3A_184, %swap3A_185] {strides = array<i32>} : memref<16x128xbf16, #tpu.memory_space<vmem>>, vector<32xbf16>,
    tpu.vector_store %arg14[%swap3A_184, %swap3A_185], %broadcast_in_dim3A_3 {strides = array<i32>} : memref<16x128xbf16, #tpu.memory_space<vmem>>, vector<32xbf16>,
    %swap3A_187 = arith.constant 11 : i32
    %swap3A_188 = arith.index_cast %swap3A_187 : i32 to index
    %swap3A_189 = arith.constant 64 : index
    %swap3A_190 = tpu.vector_load %arg14[%swap3A_188, %swap3A_189] {strides = array<i32>} : memref<16x128xbf16, #tpu.memory_space<vmem>>, vector<32xbf16>,
    tpu.vector_store %arg14[%swap3A_188, %swap3A_189], %broadcast_in_dim3A_3 {strides = array<i32>} : memref<16x128xbf16, #tpu.memory_space<vmem>>, vector<32xbf16>,
    %swap3A_191 = arith.constant 11 : i32
    %swap3A_192 = arith.index_cast %swap3A_191 : i32 to index
    %swap3A_193 = arith.constant 96 : index
    %swap3A_194 = tpu.vector_load %arg14[%swap3A_192, %swap3A_193] {strides = array<i32>} : memref<16x128xbf16, #tpu.memory_space<vmem>>, vector<32xbf16>,
    tpu.vector_store %arg14[%swap3A_192, %swap3A_193], %broadcast_in_dim3A_3 {strides = array<i32>} : memref<16x128xbf16, #tpu.memory_space<vmem>>, vector<32xbf16>,
    %swap3A_195 = arith.constant 12 : i32
    %swap3A_196 = arith.index_cast %swap3A_195 : i32 to index
    %swap3A_197 = arith.constant 0 : index
    %swap3A_198 = tpu.vector_load %arg14[%swap3A_196, %swap3A_197] {strides = array<i32>} : memref<16x128xbf16, #tpu.memory_space<vmem>>, vector<32xbf16>,
    tpu.vector_store %arg14[%swap3A_196, %swap3A_197], %broadcast_in_dim3A_3 {strides = array<i32>} : memref<16x128xbf16, #tpu.memory_space<vmem>>, vector<32xbf16>,
    %swap3A_199 = arith.constant 12 : i32
    %swap3A_200 = arith.index_cast %swap3A_199 : i32 to index
    %swap3A_201 = arith.constant 32 : index
    %swap3A_202 = tpu.vector_load %arg14[%swap3A_200, %swap3A_201] {strides = array<i32>} : memref<16x128xbf16, #tpu.memory_space<vmem>>, vector<32xbf16>,
    tpu.vector_store %arg14[%swap3A_200, %swap3A_201], %broadcast_in_dim3A_3 {strides = array<i32>} : memref<16x128xbf16, #tpu.memory_space<vmem>>, vector<32xbf16>,
    %swap3A_203 = arith.constant 12 : i32
    %swap3A_204 = arith.index_cast %swap3A_203 : i32 to index
    %swap3A_205 = arith.constant 64 : index
    %swap3A_206 = tpu.vector_load %arg14[%swap3A_204, %swap3A_205] {strides = array<i32>} : memref<16x128xbf16, #tpu.memory_space<vmem>>, vector<32xbf16>,
    tpu.vector_store %arg14[%swap3A_204, %swap3A_205], %broadcast_in_dim3A_3 {strides = array<i32>} : memref<16x128xbf16, #tpu.memory_space<vmem>>, vector<32xbf16>,
    %swap3A_207 = arith.constant 12 : i32
    %swap3A_208 = arith.index_cast %swap3A_207 : i32 to index
    %swap3A_209 = arith.constant 96 : index
    %swap3A_210 = tpu.vector_load %arg14[%swap3A_208, %swap3A_209] {strides = array<i32>} : memref<16x128xbf16, #tpu.memory_space<vmem>>, vector<32xbf16>,
    tpu.vector_store %arg14[%swap3A_208, %swap3A_209], %broadcast_in_dim3A_3 {strides = array<i32>} : memref<16x128xbf16, #tpu.memory_space<vmem>>, vector<32xbf16>,
    %swap3A_211 = arith.constant 13 : i32
    %swap3A_212 = arith.index_cast %swap3A_211 : i32 to index
    %swap3A_213 = arith.constant 0 : index
    %swap3A_214 = tpu.vector_load %arg14[%swap3A_212, %swap3A_213] {strides = array<i32>} : memref<16x128xbf16, #tpu.memory_space<vmem>>, vector<32xbf16>,
    tpu.vector_store %arg14[%swap3A_212, %swap3A_213], %broadcast_in_dim3A_3 {strides = array<i32>} : memref<16x128xbf16, #tpu.memory_space<vmem>>, vector<32xbf16>,
    %swap3A_215 = arith.constant 13 : i32
    %swap3A_216 = arith.index_cast %swap3A_215 : i32 to index
    %swap3A_217 = arith.constant 32 : index
    %swap3A_218 = tpu.vector_load %arg14[%swap3A_216, %swap3A_217] {strides = array<i32>} : memref<16x128xbf16, #tpu.memory_space<vmem>>, vector<32xbf16>,
    tpu.vector_store %arg14[%swap3A_216, %swap3A_217], %broadcast_in_dim3A_3 {strides = array<i32>} : memref<16x128xbf16, #tpu.memory_space<vmem>>, vector<32xbf16>,
    %swap3A_219 = arith.constant 13 : i32
    %swap3A_220 = arith.index_cast %swap3A_219 : i32 to index
    %swap3A_221 = arith.constant 64 : index
    %swap3A_222 = tpu.vector_load %arg14[%swap3A_220, %swap3A_221] {strides = array<i32>} : memref<16x128xbf16, #tpu.memory_space<vmem>>, vector<32xbf16>,
    tpu.vector_store %arg14[%swap3A_220, %swap3A_221], %broadcast_in_dim3A_3 {strides = array<i32>} : memref<16x128xbf16, #tpu.memory_space<vmem>>, vector<32xbf16>,
    %swap3A_223 = arith.constant 13 : i32
    %swap3A_224 = arith.index_cast %swap3A_223 : i32 to index
    %swap3A_225 = arith.constant 96 : index
    %swap3A_226 = tpu.vector_load %arg14[%swap3A_224, %swap3A_225] {strides = array<i32>} : memref<16x128xbf16, #tpu.memory_space<vmem>>, vector<32xbf16>,
    tpu.vector_store %arg14[%swap3A_224, %swap3A_225], %broadcast_in_dim3A_3 {strides = array<i32>} : memref<16x128xbf16, #tpu.memory_space<vmem>>, vector<32xbf16>,
    %swap3A_227 = arith.constant 14 : i32
    %swap3A_228 = arith.index_cast %swap3A_227 : i32 to index
    %swap3A_229 = arith.constant 0 : index
    %swap3A_230 = tpu.vector_load %arg14[%swap3A_228, %swap3A_229] {strides = array<i32>} : memref<16x128xbf16, #tpu.memory_space<vmem>>, vector<32xbf16>,
    tpu.vector_store %arg14[%swap3A_228, %swap3A_229], %broadcast_in_dim3A_3 {strides = array<i32>} : memref<16x128xbf16, #tpu.memory_space<vmem>>, vector<32xbf16>,
    %swap3A_231 = arith.constant 14 : i32
    %swap3A_232 = arith.index_cast %swap3A_231 : i32 to index
    %swap3A_233 = arith.constant 32 : index
    %swap3A_234 = tpu.vector_load %arg14[%swap3A_232, %swap3A_233] {strides = array<i32>} : memref<16x128xbf16, #tpu.memory_space<vmem>>, vector<32xbf16>,
    tpu.vector_store %arg14[%swap3A_232, %swap3A_233], %broadcast_in_dim3A_3 {strides = array<i32>} : memref<16x128xbf16, #tpu.memory_space<vmem>>, vector<32xbf16>,
    %swap3A_235 = arith.constant 14 : i32
    %swap3A_236 = arith.index_cast %swap3A_235 : i32 to index
    %swap3A_237 = arith.constant 64 : index
    %swap3A_238 = tpu.vector_load %arg14[%swap3A_236, %swap3A_237] {strides = array<i32>} : memref<16x128xbf16, #tpu.memory_space<vmem>>, vector<32xbf16>,
    tpu.vector_store %arg14[%swap3A_236, %swap3A_237], %broadcast_in_dim3A_3 {strides = array<i32>} : memref<16x128xbf16, #tpu.memory_space<vmem>>, vector<32xbf16>,
    %swap3A_239 = arith.constant 14 : i32
    %swap3A_240 = arith.index_cast %swap3A_239 : i32 to index
    %swap3A_241 = arith.constant 96 : index
    %swap3A_242 = tpu.vector_load %arg14[%swap3A_240, %swap3A_241] {strides = array<i32>} : memref<16x128xbf16, #tpu.memory_space<vmem>>, vector<32xbf16>,
    tpu.vector_store %arg14[%swap3A_240, %swap3A_241], %broadcast_in_dim3A_3 {strides = array<i32>} : memref<16x128xbf16, #tpu.memory_space<vmem>>, vector<32xbf16>,
    %swap3A_243 = arith.constant 15 : i32
    %swap3A_244 = arith.index_cast %swap3A_243 : i32 to index
    %swap3A_245 = arith.constant 0 : index
    %swap3A_246 = tpu.vector_load %arg14[%swap3A_244, %swap3A_245] {strides = array<i32>} : memref<16x128xbf16, #tpu.memory_space<vmem>>, vector<32xbf16>,
    tpu.vector_store %arg14[%swap3A_244, %swap3A_245], %broadcast_in_dim3A_3 {strides = array<i32>} : memref<16x128xbf16, #tpu.memory_space<vmem>>, vector<32xbf16>,
    %swap3A_247 = arith.constant 15 : i32
    %swap3A_248 = arith.index_cast %swap3A_247 : i32 to index
    %swap3A_249 = arith.constant 32 : index
    %swap3A_250 = tpu.vector_load %arg14[%swap3A_248, %swap3A_249] {strides = array<i32>} : memref<16x128xbf16, #tpu.memory_space<vmem>>, vector<32xbf16>,
    tpu.vector_store %arg14[%swap3A_248, %swap3A_249], %broadcast_in_dim3A_3 {strides = array<i32>} : memref<16x128xbf16, #tpu.memory_space<vmem>>, vector<32xbf16>,
    %swap3A_251 = arith.constant 15 : i32
    %swap3A_252 = arith.index_cast %swap3A_251 : i32 to index
    %swap3A_253 = arith.constant 64 : index
    %swap3A_254 = tpu.vector_load %arg14[%swap3A_252, %swap3A_253] {strides = array<i32>} : memref<16x128xbf16, #tpu.memory_space<vmem>>, vector<32xbf16>,
    tpu.vector_store %arg14[%swap3A_252, %swap3A_253], %broadcast_in_dim3A_3 {strides = array<i32>} : memref<16x128xbf16, #tpu.memory_space<vmem>>, vector<32xbf16>,
    %swap3A_255 = arith.constant 15 : i32
    %swap3A_256 = arith.index_cast %swap3A_255 : i32 to index
    %swap3A_257 = arith.constant 96 : index
    %swap3A_258 = tpu.vector_load %arg14[%swap3A_256, %swap3A_257] {strides = array<i32>} : memref<16x128xbf16, #tpu.memory_space<vmem>>, vector<32xbf16>,
    tpu.vector_store %arg14[%swap3A_256, %swap3A_257], %broadcast_in_dim3A_3 {strides = array<i32>} : memref<16x128xbf16, #tpu.memory_space<vmem>>, vector<32xbf16>,
    %broadcast_in_dim3A_259 = arith.constant 0.000000e+00 : f32
    %broadcast_in_dim3A_260 = vector.broadcast %broadcast_in_dim3A_259 : f32 to vector<16xf32>
    %swap3A_261 = arith.constant 0 : index
    %swap3A_262 = tpu.vector_load %arg15[%swap3A_261] {strides = array<i32>} : memref<128xf32, #tpu.memory_space<vmem>>, vector<16xf32>,
    tpu.vector_store %arg15[%swap3A_261], %broadcast_in_dim3A_260 {strides = array<i32>} : memref<128xf32, #tpu.memory_space<vmem>>, vector<16xf32>,
    %swap3A_263 = arith.constant 16 : index
    %swap3A_264 = tpu.vector_load %arg15[%swap3A_263] {strides = array<i32>} : memref<128xf32, #tpu.memory_space<vmem>>, vector<16xf32>,
    tpu.vector_store %arg15[%swap3A_263], %broadcast_in_dim3A_260 {strides = array<i32>} : memref<128xf32, #tpu.memory_space<vmem>>, vector<16xf32>,
    %swap3A_265 = arith.constant 32 : index
    %swap3A_266 = tpu.vector_load %arg15[%swap3A_265] {strides = array<i32>} : memref<128xf32, #tpu.memory_space<vmem>>, vector<16xf32>,
    tpu.vector_store %arg15[%swap3A_265], %broadcast_in_dim3A_260 {strides = array<i32>} : memref<128xf32, #tpu.memory_space<vmem>>, vector<16xf32>,
    %swap3A_267 = arith.constant 48 : index
    %swap3A_268 = tpu.vector_load %arg15[%swap3A_267] {strides = array<i32>} : memref<128xf32, #tpu.memory_space<vmem>>, vector<16xf32>,
    tpu.vector_store %arg15[%swap3A_267], %broadcast_in_dim3A_260 {strides = array<i32>} : memref<128xf32, #tpu.memory_space<vmem>>, vector<16xf32>,
    %swap3A_269 = arith.constant 64 : index
    %swap3A_270 = tpu.vector_load %arg15[%swap3A_269] {strides = array<i32>} : memref<128xf32, #tpu.memory_space<vmem>>, vector<16xf32>,
    tpu.vector_store %arg15[%swap3A_269], %broadcast_in_dim3A_260 {strides = array<i32>} : memref<128xf32, #tpu.memory_space<vmem>>, vector<16xf32>,
    %swap3A_271 = arith.constant 80 : index
    %swap3A_272 = tpu.vector_load %arg15[%swap3A_271] {strides = array<i32>} : memref<128xf32, #tpu.memory_space<vmem>>, vector<16xf32>,
    tpu.vector_store %arg15[%swap3A_271], %broadcast_in_dim3A_260 {strides = array<i32>} : memref<128xf32, #tpu.memory_space<vmem>>, vector<16xf32>,
    %swap3A_273 = arith.constant 96 : index
    %swap3A_274 = tpu.vector_load %arg15[%swap3A_273] {strides = array<i32>} : memref<128xf32, #tpu.memory_space<vmem>>, vector<16xf32>,
    tpu.vector_store %arg15[%swap3A_273], %broadcast_in_dim3A_260 {strides = array<i32>} : memref<128xf32, #tpu.memory_space<vmem>>, vector<16xf32>,
    %swap3A_275 = arith.constant 112 : index
    %swap3A_276 = tpu.vector_load %arg15[%swap3A_275] {strides = array<i32>} : memref<128xf32, #tpu.memory_space<vmem>>, vector<16xf32>,
    tpu.vector_store %arg15[%swap3A_275], %broadcast_in_dim3A_260 {strides = array<i32>} : memref<128xf32, #tpu.memory_space<vmem>>, vector<16xf32>,
    %scan3A = arith.constant 0 : i32
    %scan3A_277 = arith.constant 0 : i32
    %scan3A_278 = arith.constant 40 : i32
    %scan3A_279 = arith.addi %scan3A_277, %scan3A_278 : i32
    %scan3A_280 = arith.constant 1 : i32
    scf.for %scan3A_409 = %scan3A_277 to %scan3A_279 step %scan3A_280  : i32 {
      %mul3A_410 = arith.constant 16 : i32
      %mul3A_411 = arith.muli %scan3A_409, %mul3A_410 : i32
      %add3A_412 = arith.addi %mul3A_2, %mul3A_411 : i32
      "tpu.region"() ({
        %run_scoped3A = tpu.sem_alloc : memref<!tpu.dma_semaphore, #tpu.memory_space<semaphore_mem>>
        %dma_start3A = arith.constant 0 : i32
        %dma_start3A_413 = tpu.memref_slice %arg16[%add3A_412, %dma_start3A] : memref<10240x128xbf16, #tpu.memory_space<vmem_shared>> -> memref<16x128xbf16, #tpu.memory_space<vmem_shared>>
        %dma_start3A_414 = arith.constant 0 : i32
        %dma_start3A_415 = tpu.memref_slice %arg16[%add3A_412, %dma_start3A_414] : memref<10240x128xbf16, #tpu.memory_space<vmem_shared>> -> memref<16x128xbf16, #tpu.memory_space<vmem_shared>>
        tpu.enqueue_dma source(%arg14 : memref<16x128xbf16, #tpu.memory_space<vmem>>) target(%dma_start3A_415 : memref<16x128xbf16, #tpu.memory_space<vmem_shared>>) target_semaphore(%run_scoped3A : memref<!tpu.dma_semaphore, #tpu.memory_space<semaphore_mem>>)
        %dma_wait3A = arith.constant 0 : i32
        %dma_wait3A_416 = tpu.memref_slice %arg16[%add3A_412, %dma_wait3A] : memref<10240x128xbf16, #tpu.memory_space<vmem_shared>> -> memref<16x128xbf16, #tpu.memory_space<vmem_shared>>
        %dma_wait3A_417 = arith.constant 0 : i32
        %dma_wait3A_418 = tpu.memref_slice %arg16[%add3A_412, %dma_wait3A_417] : memref<10240x128xbf16, #tpu.memory_space<vmem_shared>> -> memref<16x128xbf16, #tpu.memory_space<vmem_shared>>
        tpu.wait_dma2 semaphore(%run_scoped3A : memref<!tpu.dma_semaphore, #tpu.memory_space<semaphore_mem>>) src(%arg14 : memref<16x128xbf16, #tpu.memory_space<vmem>>) dst(%dma_wait3A_418 : memref<16x128xbf16, #tpu.memory_space<vmem_shared>>)
        tpu.yield
      }) : () -> ()
    }
    %scan3A_281 = arith.constant 40 : i32
    %scan3A_282 = arith.constant 0 : i32
    %scan3A_283 = arith.constant 0 : i32
    %scan3A_284 = arith.constant 5 : i32
    %scan3A_285 = arith.addi %scan3A_283, %scan3A_284 : i32
    %scan3A_286 = arith.constant 1 : i32
    scf.for %scan3A_409 = %scan3A_283 to %scan3A_285 step %scan3A_286  : i32 {
      %mul3A_410 = arith.constant 128 : i32
      %mul3A_411 = arith.muli %scan3A_409, %mul3A_410 : i32
      %add3A_412 = arith.addi %mul3A_2, %mul3A_411 : i32
      "tpu.region"() ({
        %run_scoped3A = tpu.sem_alloc : memref<!tpu.dma_semaphore, #tpu.memory_space<semaphore_mem>>
        %dma_start3A = tpu.memref_slice %arg17[%add3A_412] : memref<10240xf32, #tpu.memory_space<vmem_shared>> -> memref<128xf32, #tpu.memory_space<vmem_shared>>
        %dma_start3A_413 = tpu.memref_slice %arg17[%add3A_412] : memref<10240xf32, #tpu.memory_space<vmem_shared>> -> memref<128xf32, #tpu.memory_space<vmem_shared>>
        tpu.enqueue_dma source(%arg15 : memref<128xf32, #tpu.memory_space<vmem>>) target(%dma_start3A_413 : memref<128xf32, #tpu.memory_space<vmem_shared>>) target_semaphore(%run_scoped3A : memref<!tpu.dma_semaphore, #tpu.memory_space<semaphore_mem>>)
        %dma_wait3A = tpu.memref_slice %arg17[%add3A_412] : memref<10240xf32, #tpu.memory_space<vmem_shared>> -> memref<128xf32, #tpu.memory_space<vmem_shared>>
        %dma_wait3A_414 = tpu.memref_slice %arg17[%add3A_412] : memref<10240xf32, #tpu.memory_space<vmem_shared>> -> memref<128xf32, #tpu.memory_space<vmem_shared>>
        tpu.wait_dma2 semaphore(%run_scoped3A : memref<!tpu.dma_semaphore, #tpu.memory_space<semaphore_mem>>) src(%arg15 : memref<128xf32, #tpu.memory_space<vmem>>) dst(%dma_wait3A_414 : memref<128xf32, #tpu.memory_space<vmem_shared>>)
        tpu.yield
      }) : () -> ()
    }
    %scan3A_287 = arith.constant 5 : i32
    "tpu.region"() ({
      %run_scoped3A = tpu.sem_alloc : memref<!tpu.dma_semaphore, #tpu.memory_space<semaphore_mem>>
      tpu.enqueue_dma source(%arg3 : memref<2x10240xf32, #tpu.memory_space<hbm>>) target(%arg8 : memref<2x10240xf32, #tpu.memory_space<vmem>>) target_semaphore(%run_scoped3A : memref<!tpu.dma_semaphore, #tpu.memory_space<semaphore_mem>>)
      tpu.wait_dma2 semaphore(%run_scoped3A : memref<!tpu.dma_semaphore, #tpu.memory_space<semaphore_mem>>) src(%arg3 : memref<2x10240xf32, #tpu.memory_space<hbm>>) dst(%arg8 : memref<2x10240xf32, #tpu.memory_space<vmem>>)
      tpu.yield
    }) : () -> ()
    "tpu.region"() ({
      %run_scoped3A = tpu.sem_alloc : memref<!tpu.dma_semaphore, #tpu.memory_space<semaphore_mem>>
      %dma_start3A = arith.constant 0 : i32
      %dma_start3A_409 = arith.constant 0 : i32
      %dma_start3A_410 = tpu.memref_slice %arg4[%add3A, %dma_start3A, %dma_start3A_409] : memref<32x84x128xi32, #tpu.memory_space<hbm>> -> memref<1x84x128xi32, #tpu.memory_space<hbm>>
      %dma_start3A_411 = tpu.memref_squeeze %dma_start3A_410 : memref<1x84x128xi32, #tpu.memory_space<hbm>> -> memref<84x128xi32, #tpu.memory_space<hbm>>
      %dma_start3A_412 = arith.constant 0 : i32
      %dma_start3A_413 = arith.constant 0 : i32
      %dma_start3A_414 = tpu.memref_slice %arg4[%add3A, %dma_start3A_412, %dma_start3A_413] : memref<32x84x128xi32, #tpu.memory_space<hbm>> -> memref<1x84x128xi32, #tpu.memory_space<hbm>>
      %dma_start3A_415 = tpu.memref_squeeze %dma_start3A_414 : memref<1x84x128xi32, #tpu.memory_space<hbm>> -> memref<84x128xi32, #tpu.memory_space<hbm>>
      tpu.enqueue_dma source(%dma_start3A_415 : memref<84x128xi32, #tpu.memory_space<hbm>>) target(%arg9 : memref<84x128xi32, #tpu.memory_space<vmem>>) target_semaphore(%run_scoped3A : memref<!tpu.dma_semaphore, #tpu.memory_space<semaphore_mem>>)
      %dma_wait3A = arith.constant 0 : i32
      %dma_wait3A_416 = arith.constant 0 : i32
      %dma_wait3A_417 = tpu.memref_slice %arg4[%add3A, %dma_wait3A, %dma_wait3A_416] : memref<32x84x128xi32, #tpu.memory_space<hbm>> -> memref<1x84x128xi32, #tpu.memory_space<hbm>>
      %dma_wait3A_418 = tpu.memref_squeeze %dma_wait3A_417 : memref<1x84x128xi32, #tpu.memory_space<hbm>> -> memref<84x128xi32, #tpu.memory_space<hbm>>
      %dma_wait3A_419 = arith.constant 0 : i32
      %dma_wait3A_420 = arith.constant 0 : i32
      %dma_wait3A_421 = tpu.memref_slice %arg4[%add3A, %dma_wait3A_419, %dma_wait3A_420] : memref<32x84x128xi32, #tpu.memory_space<hbm>> -> memref<1x84x128xi32, #tpu.memory_space<hbm>>
      %dma_wait3A_422 = tpu.memref_squeeze %dma_wait3A_421 : memref<1x84x128xi32, #tpu.memory_space<hbm>> -> memref<84x128xi32, #tpu.memory_space<hbm>>
      tpu.wait_dma2 semaphore(%run_scoped3A : memref<!tpu.dma_semaphore, #tpu.memory_space<semaphore_mem>>) src(%dma_wait3A_422 : memref<84x128xi32, #tpu.memory_space<hbm>>) dst(%arg9 : memref<84x128xi32, #tpu.memory_space<vmem>>)
      tpu.yield
    }) : () -> ()
    "tpu.region"() ({
      %run_scoped3A = tpu.sem_alloc : memref<!tpu.dma_semaphore, #tpu.memory_space<semaphore_mem>>
      %dma_start3A = arith.constant 0 : i32
      %dma_start3A_409 = arith.constant 0 : i32
      %dma_start3A_410 = tpu.memref_slice %arg5[%add3A, %dma_start3A, %dma_start3A_409] : memref<32x84x128xi32, #tpu.memory_space<hbm>> -> memref<1x84x128xi32, #tpu.memory_space<hbm>>
      %dma_start3A_411 = tpu.memref_squeeze %dma_start3A_410 : memref<1x84x128xi32, #tpu.memory_space<hbm>> -> memref<84x128xi32, #tpu.memory_space<hbm>>
      %dma_start3A_412 = arith.constant 0 : i32
      %dma_start3A_413 = arith.constant 0 : i32
      %dma_start3A_414 = tpu.memref_slice %arg5[%add3A, %dma_start3A_412, %dma_start3A_413] : memref<32x84x128xi32, #tpu.memory_space<hbm>> -> memref<1x84x128xi32, #tpu.memory_space<hbm>>
      %dma_start3A_415 = tpu.memref_squeeze %dma_start3A_414 : memref<1x84x128xi32, #tpu.memory_space<hbm>> -> memref<84x128xi32, #tpu.memory_space<hbm>>
      tpu.enqueue_dma source(%dma_start3A_415 : memref<84x128xi32, #tpu.memory_space<hbm>>) target(%arg10 : memref<84x128xi32, #tpu.memory_space<vmem>>) target_semaphore(%run_scoped3A : memref<!tpu.dma_semaphore, #tpu.memory_space<semaphore_mem>>)
      %dma_wait3A = arith.constant 0 : i32
      %dma_wait3A_416 = arith.constant 0 : i32
      %dma_wait3A_417 = tpu.memref_slice %arg5[%add3A, %dma_wait3A, %dma_wait3A_416] : memref<32x84x128xi32, #tpu.memory_space<hbm>> -> memref<1x84x128xi32, #tpu.memory_space<hbm>>
      %dma_wait3A_418 = tpu.memref_squeeze %dma_wait3A_417 : memref<1x84x128xi32, #tpu.memory_space<hbm>> -> memref<84x128xi32, #tpu.memory_space<hbm>>
      %dma_wait3A_419 = arith.constant 0 : i32
      %dma_wait3A_420 = arith.constant 0 : i32
      %dma_wait3A_421 = tpu.memref_slice %arg5[%add3A, %dma_wait3A_419, %dma_wait3A_420] : memref<32x84x128xi32, #tpu.memory_space<hbm>> -> memref<1x84x128xi32, #tpu.memory_space<hbm>>
      %dma_wait3A_422 = tpu.memref_squeeze %dma_wait3A_421 : memref<1x84x128xi32, #tpu.memory_space<hbm>> -> memref<84x128xi32, #tpu.memory_space<hbm>>
      tpu.wait_dma2 semaphore(%run_scoped3A : memref<!tpu.dma_semaphore, #tpu.memory_space<semaphore_mem>>) src(%dma_wait3A_422 : memref<84x128xi32, #tpu.memory_space<hbm>>) dst(%arg10 : memref<84x128xi32, #tpu.memory_space<vmem>>)
      tpu.yield
    }) : () -> ()
    %broadcast_in_dim3A_288 = arith.constant -1.000000e+30 : f32
    %broadcast_in_dim3A_289 = vector.broadcast %broadcast_in_dim3A_288 : f32 to vector<16xf32>
    %broadcast_in_dim3A_290 = arith.constant -1.000000e+30 : f32
    %broadcast_in_dim3A_291 = vector.broadcast %broadcast_in_dim3A_290 : f32 to vector<16xf32>
    %scan3A_292 = arith.constant 0 : i32
    %scan3A_293 = arith.constant 640 : i32
    %scan3A_294 = arith.addi %scan3A_292, %scan3A_293 : i32
    %scan3A_295 = arith.constant 1 : i32
    %scan3A_296:2 = scf.for %scan3A_409 = %scan3A_292 to %scan3A_294 step %scan3A_295 iter_args(%scan3A_410 = %broadcast_in_dim3A_289, %scan3A_411 = %broadcast_in_dim3A_291) -> (vector<16xf32>, vector<16xf32>)  : i32 {
      %mul3A_412 = arith.constant 16 : i32
      %mul3A_413 = arith.muli %scan3A_409, %mul3A_412 : i32
      %get3A = arith.constant 0 : i32
      %get3A_414 = arith.index_cast %get3A : i32 to index
      %get3A_415 = arith.index_cast %mul3A_413 : i32 to index
      %get3A_416 = tpu.vector_load %arg8[%get3A_414, %get3A_415] {strides = array<i32>} : memref<2x10240xf32, #tpu.memory_space<vmem>>, vector<16xf32>,
      %max3A_417 = arith.maximumf %scan3A_410, %get3A_416 : vector<16xf32>
      %mul3A_418 = arith.constant 16 : i32
      %mul3A_419 = arith.muli %scan3A_409, %mul3A_418 : i32
      %get3A_420 = arith.constant 1 : i32
      %get3A_421 = arith.index_cast %get3A_420 : i32 to index
      %get3A_422 = arith.index_cast %mul3A_419 : i32 to index
      %get3A_423 = tpu.vector_load %arg8[%get3A_421, %get3A_422] {strides = array<i32>} : memref<2x10240xf32, #tpu.memory_space<vmem>>, vector<16xf32>,
      %max3A_424 = arith.maximumf %scan3A_411, %get3A_423 : vector<16xf32>
      scf.yield %max3A_417, %max3A_424 : vector<16xf32>, vector<16xf32>
    }
    %scan3A_297 = arith.constant 640 : i32
    %iota3A = tpu.iota {dimensions = array<i32: 0>} : vector<16xi32>
    %swap3A_298 = arith.constant 0 : i32
    %swap3A_299 = arith.index_cast %swap3A_298 : i32 to index
    %swap3A_300 = arith.constant 0 : index
    %swap3A_301 = tpu.vector_load %arg11[%swap3A_299, %swap3A_300] {strides = array<i32>} : memref<84x128xf32, #tpu.memory_space<vmem>>, vector<16xf32>,
    tpu.vector_store %arg11[%swap3A_299, %swap3A_300], %scan3A_296#0 {strides = array<i32>} : memref<84x128xf32, #tpu.memory_space<vmem>>, vector<16xf32>,
    %broadcast_in_dim3A_302 = arith.constant 0 : i32
    %broadcast_in_dim3A_303 = vector.broadcast %broadcast_in_dim3A_302 : i32 to vector<16xi32>
    %xor3A = arith.constant 8 : i32
    %xor3A_304 = vector.broadcast %xor3A : i32 to vector<16xi32>
    %xor3A_305 = arith.xori %iota3A, %xor3A_304 : vector<16xi32>
    %gather3A = tpu.vector_load_idx %arg11[%broadcast_in_dim3A_303, %xor3A_305] : memref<84x128xf32, #tpu.memory_space<vmem>>[vector<16xi32>, vector<16xi32>], vector<16xf32>,
    %max3A = arith.maximumf %scan3A_296#0, %gather3A : vector<16xf32>
    %swap3A_306 = arith.constant 0 : i32
    %swap3A_307 = arith.index_cast %swap3A_306 : i32 to index
    %swap3A_308 = arith.constant 0 : index
    %swap3A_309 = tpu.vector_load %arg11[%swap3A_307, %swap3A_308] {strides = array<i32>} : memref<84x128xf32, #tpu.memory_space<vmem>>, vector<16xf32>,
    tpu.vector_store %arg11[%swap3A_307, %swap3A_308], %max3A {strides = array<i32>} : memref<84x128xf32, #tpu.memory_space<vmem>>, vector<16xf32>,
    %broadcast_in_dim3A_310 = arith.constant 0 : i32
    %broadcast_in_dim3A_311 = vector.broadcast %broadcast_in_dim3A_310 : i32 to vector<16xi32>
    %xor3A_312 = arith.constant 4 : i32
    %xor3A_313 = vector.broadcast %xor3A_312 : i32 to vector<16xi32>
    %xor3A_314 = arith.xori %iota3A, %xor3A_313 : vector<16xi32>
    %gather3A_315 = tpu.vector_load_idx %arg11[%broadcast_in_dim3A_311, %xor3A_314] : memref<84x128xf32, #tpu.memory_space<vmem>>[vector<16xi32>, vector<16xi32>], vector<16xf32>,
    %max3A_316 = arith.maximumf %max3A, %gather3A_315 : vector<16xf32>
    %swap3A_317 = arith.constant 0 : i32
    %swap3A_318 = arith.index_cast %swap3A_317 : i32 to index
    %swap3A_319 = arith.constant 0 : index
    %swap3A_320 = tpu.vector_load %arg11[%swap3A_318, %swap3A_319] {strides = array<i32>} : memref<84x128xf32, #tpu.memory_space<vmem>>, vector<16xf32>,
    tpu.vector_store %arg11[%swap3A_318, %swap3A_319], %max3A_316 {strides = array<i32>} : memref<84x128xf32, #tpu.memory_space<vmem>>, vector<16xf32>,
    %broadcast_in_dim3A_321 = arith.constant 0 : i32
    %broadcast_in_dim3A_322 = vector.broadcast %broadcast_in_dim3A_321 : i32 to vector<16xi32>
    %xor3A_323 = arith.constant 2 : i32
    %xor3A_324 = vector.broadcast %xor3A_323 : i32 to vector<16xi32>
    %xor3A_325 = arith.xori %iota3A, %xor3A_324 : vector<16xi32>
    %gather3A_326 = tpu.vector_load_idx %arg11[%broadcast_in_dim3A_322, %xor3A_325] : memref<84x128xf32, #tpu.memory_space<vmem>>[vector<16xi32>, vector<16xi32>], vector<16xf32>,
    %max3A_327 = arith.maximumf %max3A_316, %gather3A_326 : vector<16xf32>
    %swap3A_328 = arith.constant 0 : i32
    %swap3A_329 = arith.index_cast %swap3A_328 : i32 to index
    %swap3A_330 = arith.constant 0 : index
    %swap3A_331 = tpu.vector_load %arg11[%swap3A_329, %swap3A_330] {strides = array<i32>} : memref<84x128xf32, #tpu.memory_space<vmem>>, vector<16xf32>,
    tpu.vector_store %arg11[%swap3A_329, %swap3A_330], %max3A_327 {strides = array<i32>} : memref<84x128xf32, #tpu.memory_space<vmem>>, vector<16xf32>,
    %broadcast_in_dim3A_332 = arith.constant 0 : i32
    %broadcast_in_dim3A_333 = vector.broadcast %broadcast_in_dim3A_332 : i32 to vector<16xi32>
    %xor3A_334 = arith.constant 1 : i32
    %xor3A_335 = vector.broadcast %xor3A_334 : i32 to vector<16xi32>
    %xor3A_336 = arith.xori %iota3A, %xor3A_335 : vector<16xi32>
    %gather3A_337 = tpu.vector_load_idx %arg11[%broadcast_in_dim3A_333, %xor3A_336] : memref<84x128xf32, #tpu.memory_space<vmem>>[vector<16xi32>, vector<16xi32>], vector<16xf32>,
    %max3A_338 = arith.maximumf %max3A_327, %gather3A_337 : vector<16xf32>
    %swap3A_339 = arith.constant 0 : i32
    %swap3A_340 = arith.index_cast %swap3A_339 : i32 to index
    %swap3A_341 = arith.constant 0 : index
    %swap3A_342 = tpu.vector_load %arg11[%swap3A_340, %swap3A_341] {strides = array<i32>} : memref<84x128xf32, #tpu.memory_space<vmem>>, vector<16xf32>,
    tpu.vector_store %arg11[%swap3A_340, %swap3A_341], %scan3A_296#1 {strides = array<i32>} : memref<84x128xf32, #tpu.memory_space<vmem>>, vector<16xf32>,
    %broadcast_in_dim3A_343 = arith.constant 0 : i32
    %broadcast_in_dim3A_344 = vector.broadcast %broadcast_in_dim3A_343 : i32 to vector<16xi32>
    %xor3A_345 = arith.constant 8 : i32
    %xor3A_346 = vector.broadcast %xor3A_345 : i32 to vector<16xi32>
    %xor3A_347 = arith.xori %iota3A, %xor3A_346 : vector<16xi32>
    %gather3A_348 = tpu.vector_load_idx %arg11[%broadcast_in_dim3A_344, %xor3A_347] : memref<84x128xf32, #tpu.memory_space<vmem>>[vector<16xi32>, vector<16xi32>], vector<16xf32>,
    %max3A_349 = arith.maximumf %scan3A_296#1, %gather3A_348 : vector<16xf32>
    %swap3A_350 = arith.constant 0 : i32
    %swap3A_351 = arith.index_cast %swap3A_350 : i32 to index
    %swap3A_352 = arith.constant 0 : index
    %swap3A_353 = tpu.vector_load %arg11[%swap3A_351, %swap3A_352] {strides = array<i32>} : memref<84x128xf32, #tpu.memory_space<vmem>>, vector<16xf32>,
    tpu.vector_store %arg11[%swap3A_351, %swap3A_352], %max3A_349 {strides = array<i32>} : memref<84x128xf32, #tpu.memory_space<vmem>>, vector<16xf32>,
    %broadcast_in_dim3A_354 = arith.constant 0 : i32
    %broadcast_in_dim3A_355 = vector.broadcast %broadcast_in_dim3A_354 : i32 to vector<16xi32>
    %xor3A_356 = arith.constant 4 : i32
    %xor3A_357 = vector.broadcast %xor3A_356 : i32 to vector<16xi32>
    %xor3A_358 = arith.xori %iota3A, %xor3A_357 : vector<16xi32>
    %gather3A_359 = tpu.vector_load_idx %arg11[%broadcast_in_dim3A_355, %xor3A_358] : memref<84x128xf32, #tpu.memory_space<vmem>>[vector<16xi32>, vector<16xi32>], vector<16xf32>,
    %max3A_360 = arith.maximumf %max3A_349, %gather3A_359 : vector<16xf32>
    %swap3A_361 = arith.constant 0 : i32
    %swap3A_362 = arith.index_cast %swap3A_361 : i32 to index
    %swap3A_363 = arith.constant 0 : index
    %swap3A_364 = tpu.vector_load %arg11[%swap3A_362, %swap3A_363] {strides = array<i32>} : memref<84x128xf32, #tpu.memory_space<vmem>>, vector<16xf32>,
    tpu.vector_store %arg11[%swap3A_362, %swap3A_363], %max3A_360 {strides = array<i32>} : memref<84x128xf32, #tpu.memory_space<vmem>>, vector<16xf32>,
    %broadcast_in_dim3A_365 = arith.constant 0 : i32
    %broadcast_in_dim3A_366 = vector.broadcast %broadcast_in_dim3A_365 : i32 to vector<16xi32>
    %xor3A_367 = arith.constant 2 : i32
    %xor3A_368 = vector.broadcast %xor3A_367 : i32 to vector<16xi32>
    %xor3A_369 = arith.xori %iota3A, %xor3A_368 : vector<16xi32>
    %gather3A_370 = tpu.vector_load_idx %arg11[%broadcast_in_dim3A_366, %xor3A_369] : memref<84x128xf32, #tpu.memory_space<vmem>>[vector<16xi32>, vector<16xi32>], vector<16xf32>,
    %max3A_371 = arith.maximumf %max3A_360, %gather3A_370 : vector<16xf32>
    %swap3A_372 = arith.constant 0 : i32
    %swap3A_373 = arith.index_cast %swap3A_372 : i32 to index
    %swap3A_374 = arith.constant 0 : index
    %swap3A_375 = tpu.vector_load %arg11[%swap3A_373, %swap3A_374] {strides = array<i32>} : memref<84x128xf32, #tpu.memory_space<vmem>>, vector<16xf32>,
    tpu.vector_store %arg11[%swap3A_373, %swap3A_374], %max3A_371 {strides = array<i32>} : memref<84x128xf32, #tpu.memory_space<vmem>>, vector<16xf32>,
    %broadcast_in_dim3A_376 = arith.constant 0 : i32
    %broadcast_in_dim3A_377 = vector.broadcast %broadcast_in_dim3A_376 : i32 to vector<16xi32>
    %xor3A_378 = arith.constant 1 : i32
    %xor3A_379 = vector.broadcast %xor3A_378 : i32 to vector<16xi32>
    %xor3A_380 = arith.xori %iota3A, %xor3A_379 : vector<16xi32>
    %gather3A_381 = tpu.vector_load_idx %arg11[%broadcast_in_dim3A_377, %xor3A_380] : memref<84x128xf32, #tpu.memory_space<vmem>>[vector<16xi32>, vector<16xi32>], vector<16xf32>,
    %max3A_382 = arith.maximumf %max3A_371, %gather3A_381 : vector<16xf32>
    %add3A_383 = arith.addf %max3A_338, %max3A_382 : vector<16xf32>
    %broadcast_in_dim3A_384 = arith.constant 0.000000e+00 : f32
    %broadcast_in_dim3A_385 = vector.broadcast %broadcast_in_dim3A_384 : f32 to vector<16xf32>
    %max3A_386 = arith.maximumf %add3A_383, %broadcast_in_dim3A_385 : vector<16xf32>
    %barrier3A = arith.constant 0 : index
    tpu.barrier barrier_id(%barrier3A)
    %broadcast_in_dim3A_387 = arith.constant 0 : i32
    %broadcast_in_dim3A_388 = vector.broadcast %broadcast_in_dim3A_387 : i32 to vector<16xi32>
    %broadcast_in_dim3A_389 = arith.constant 1 : i32
    %broadcast_in_dim3A_390 = vector.broadcast %broadcast_in_dim3A_389 : i32 to vector<16xi32>
    %scan3A_391 = arith.constant 0 : i32
    %scan3A_392 = arith.constant 0 : i32
    %scan3A_393 = arith.constant 42 : i32
    %scan3A_394 = arith.addi %scan3A_392, %scan3A_393 : i32
    %scan3A_395 = arith.constant 1 : i32
    scf.for %scan3A_409 = %scan3A_392 to %scan3A_394 step %scan3A_395  : i32 {
      %mul3A_410 = arith.constant 2 : i32
      %mul3A_411 = arith.muli %scan3A_409, %mul3A_410 : i32
      %add3A_412 = arith.constant 0 : i32
      %add3A_413 = arith.addi %mul3A_411, %add3A_412 : i32
      %get3A = arith.index_cast %add3A_413 : i32 to index
      %get3A_414 = arith.constant 0 : index
      %get3A_415 = tpu.vector_load %arg9[%get3A, %get3A_414] {strides = array<i32>} : memref<84x128xi32, #tpu.memory_space<vmem>>, vector<16xi32>,
      %get3A_416 = arith.index_cast %add3A_413 : i32 to index
      %get3A_417 = arith.constant 0 : index
      %get3A_418 = tpu.vector_load %arg10[%get3A_416, %get3A_417] {strides = array<i32>} : memref<84x128xi32, #tpu.memory_space<vmem>>, vector<16xi32>,
      %gather3A_419 = tpu.vector_load_idx %arg8[%broadcast_in_dim3A_388, %get3A_415] : memref<2x10240xf32, #tpu.memory_space<vmem>>[vector<16xi32>, vector<16xi32>], vector<16xf32>,
      %gather3A_420 = tpu.vector_load_idx %arg8[%broadcast_in_dim3A_390, %get3A_418] : memref<2x10240xf32, #tpu.memory_space<vmem>>[vector<16xi32>, vector<16xi32>], vector<16xf32>,
      %add3A_421 = arith.addf %gather3A_419, %gather3A_420 : vector<16xf32>
      %gt3A = arith.constant 0.000000e+00 : f32
      %gt3A_422 = vector.broadcast %gt3A : f32 to vector<16xf32>
      %gt3A_423 = arith.cmpf ogt, %add3A_421, %gt3A_422 : vector<16xf32>
      %mul3A_424 = arith.constant 2.000000e-01 : f32
      %mul3A_425 = vector.broadcast %mul3A_424 : f32 to vector<16xf32>
      %mul3A_426 = arith.mulf %add3A_421, %mul3A_425 : vector<16xf32>
      %select_n3A = arith.select %gt3A_423, %add3A_421, %mul3A_426 : vector<16xi1>, vector<16xf32>
      %sub3A = arith.subf %select_n3A, %max3A_386 : vector<16xf32>
      %exp3A = math.exp %sub3A : vector<16xf32>
      %swap3A_427 = arith.index_cast %add3A_413 : i32 to index
      %swap3A_428 = arith.constant 0 : index
      %swap3A_429 = tpu.vector_load %arg11[%swap3A_427, %swap3A_428] {strides = array<i32>} : memref<84x128xf32, #tpu.memory_space<vmem>>, vector<16xf32>,
      tpu.vector_store %arg11[%swap3A_427, %swap3A_428], %exp3A {strides = array<i32>} : memref<84x128xf32, #tpu.memory_space<vmem>>, vector<16xf32>,
      %get3A_430 = arith.index_cast %add3A_413 : i32 to index
      %get3A_431 = arith.constant 16 : index
      %get3A_432 = tpu.vector_load %arg9[%get3A_430, %get3A_431] {strides = array<i32>} : memref<84x128xi32, #tpu.memory_space<vmem>>, vector<16xi32>,
      %get3A_433 = arith.index_cast %add3A_413 : i32 to index
      %get3A_434 = arith.constant 16 : index
      %get3A_435 = tpu.vector_load %arg10[%get3A_433, %get3A_434] {strides = array<i32>} : memref<84x128xi32, #tpu.memory_space<vmem>>, vector<16xi32>,
      %gather3A_436 = tpu.vector_load_idx %arg8[%broadcast_in_dim3A_388, %get3A_432] : memref<2x10240xf32, #tpu.memory_space<vmem>>[vector<16xi32>, vector<16xi32>], vector<16xf32>,
      %gather3A_437 = tpu.vector_load_idx %arg8[%broadcast_in_dim3A_390, %get3A_435] : memref<2x10240xf32, #tpu.memory_space<vmem>>[vector<16xi32>, vector<16xi32>], vector<16xf32>,
      %add3A_438 = arith.addf %gather3A_436, %gather3A_437 : vector<16xf32>
      %gt3A_439 = arith.constant 0.000000e+00 : f32
      %gt3A_440 = vector.broadcast %gt3A_439 : f32 to vector<16xf32>
      %gt3A_441 = arith.cmpf ogt, %add3A_438, %gt3A_440 : vector<16xf32>
      %mul3A_442 = arith.constant 2.000000e-01 : f32
      %mul3A_443 = vector.broadcast %mul3A_442 : f32 to vector<16xf32>
      %mul3A_444 = arith.mulf %add3A_438, %mul3A_443 : vector<16xf32>
      %select_n3A_445 = arith.select %gt3A_441, %add3A_438, %mul3A_444 : vector<16xi1>, vector<16xf32>
      %sub3A_446 = arith.subf %select_n3A_445, %max3A_386 : vector<16xf32>
      %exp3A_447 = math.exp %sub3A_446 : vector<16xf32>
      %swap3A_448 = arith.index_cast %add3A_413 : i32 to index
      %swap3A_449 = arith.constant 16 : index
      %swap3A_450 = tpu.vector_load %arg11[%swap3A_448, %swap3A_449] {strides = array<i32>} : memref<84x128xf32, #tpu.memory_space<vmem>>, vector<16xf32>,
      tpu.vector_store %arg11[%swap3A_448, %swap3A_449], %exp3A_447 {strides = array<i32>} : memref<84x128xf32, #tpu.memory_space<vmem>>, vector<16xf32>,
      %get3A_451 = arith.index_cast %add3A_413 : i32 to index
      %get3A_452 = arith.constant 32 : index
      %get3A_453 = tpu.vector_load %arg9[%get3A_451, %get3A_452] {strides = array<i32>} : memref<84x128xi32, #tpu.memory_space<vmem>>, vector<16xi32>,
      %get3A_454 = arith.index_cast %add3A_413 : i32 to index
      %get3A_455 = arith.constant 32 : index
      %get3A_456 = tpu.vector_load %arg10[%get3A_454, %get3A_455] {strides = array<i32>} : memref<84x128xi32, #tpu.memory_space<vmem>>, vector<16xi32>,
      %gather3A_457 = tpu.vector_load_idx %arg8[%broadcast_in_dim3A_388, %get3A_453] : memref<2x10240xf32, #tpu.memory_space<vmem>>[vector<16xi32>, vector<16xi32>], vector<16xf32>,
      %gather3A_458 = tpu.vector_load_idx %arg8[%broadcast_in_dim3A_390, %get3A_456] : memref<2x10240xf32, #tpu.memory_space<vmem>>[vector<16xi32>, vector<16xi32>], vector<16xf32>,
      %add3A_459 = arith.addf %gather3A_457, %gather3A_458 : vector<16xf32>
      %gt3A_460 = arith.constant 0.000000e+00 : f32
      %gt3A_461 = vector.broadcast %gt3A_460 : f32 to vector<16xf32>
      %gt3A_462 = arith.cmpf ogt, %add3A_459, %gt3A_461 : vector<16xf32>
      %mul3A_463 = arith.constant 2.000000e-01 : f32
      %mul3A_464 = vector.broadcast %mul3A_463 : f32 to vector<16xf32>
      %mul3A_465 = arith.mulf %add3A_459, %mul3A_464 : vector<16xf32>
      %select_n3A_466 = arith.select %gt3A_462, %add3A_459, %mul3A_465 : vector<16xi1>, vector<16xf32>
      %sub3A_467 = arith.subf %select_n3A_466, %max3A_386 : vector<16xf32>
      %exp3A_468 = math.exp %sub3A_467 : vector<16xf32>
      %swap3A_469 = arith.index_cast %add3A_413 : i32 to index
      %swap3A_470 = arith.constant 32 : index
      %swap3A_471 = tpu.vector_load %arg11[%swap3A_469, %swap3A_470] {strides = array<i32>} : memref<84x128xf32, #tpu.memory_space<vmem>>, vector<16xf32>,
      tpu.vector_store %arg11[%swap3A_469, %swap3A_470], %exp3A_468 {strides = array<i32>} : memref<84x128xf32, #tpu.memory_space<vmem>>, vector<16xf32>,
      %get3A_472 = arith.index_cast %add3A_413 : i32 to index
      %get3A_473 = arith.constant 48 : index
      %get3A_474 = tpu.vector_load %arg9[%get3A_472, %get3A_473] {strides = array<i32>} : memref<84x128xi32, #tpu.memory_space<vmem>>, vector<16xi32>,
      %get3A_475 = arith.index_cast %add3A_413 : i32 to index
      %get3A_476 = arith.constant 48 : index
      %get3A_477 = tpu.vector_load %arg10[%get3A_475, %get3A_476] {strides = array<i32>} : memref<84x128xi32, #tpu.memory_space<vmem>>, vector<16xi32>,
      %gather3A_478 = tpu.vector_load_idx %arg8[%broadcast_in_dim3A_388, %get3A_474] : memref<2x10240xf32, #tpu.memory_space<vmem>>[vector<16xi32>, vector<16xi32>], vector<16xf32>,
      %gather3A_479 = tpu.vector_load_idx %arg8[%broadcast_in_dim3A_390, %get3A_477] : memref<2x10240xf32, #tpu.memory_space<vmem>>[vector<16xi32>, vector<16xi32>], vector<16xf32>,
      %add3A_480 = arith.addf %gather3A_478, %gather3A_479 : vector<16xf32>
      %gt3A_481 = arith.constant 0.000000e+00 : f32
      %gt3A_482 = vector.broadcast %gt3A_481 : f32 to vector<16xf32>
      %gt3A_483 = arith.cmpf ogt, %add3A_480, %gt3A_482 : vector<16xf32>
      %mul3A_484 = arith.constant 2.000000e-01 : f32
      %mul3A_485 = vector.broadcast %mul3A_484 : f32 to vector<16xf32>
      %mul3A_486 = arith.mulf %add3A_480, %mul3A_485 : vector<16xf32>
      %select_n3A_487 = arith.select %gt3A_483, %add3A_480, %mul3A_486 : vector<16xi1>, vector<16xf32>
      %sub3A_488 = arith.subf %select_n3A_487, %max3A_386 : vector<16xf32>
      %exp3A_489 = math.exp %sub3A_488 : vector<16xf32>
      %swap3A_490 = arith.index_cast %add3A_413 : i32 to index
      %swap3A_491 = arith.constant 48 : index
      %swap3A_492 = tpu.vector_load %arg11[%swap3A_490, %swap3A_491] {strides = array<i32>} : memref<84x128xf32, #tpu.memory_space<vmem>>, vector<16xf32>,
      tpu.vector_store %arg11[%swap3A_490, %swap3A_491], %exp3A_489 {strides = array<i32>} : memref<84x128xf32, #tpu.memory_space<vmem>>, vector<16xf32>,
      %get3A_493 = arith.index_cast %add3A_413 : i32 to index
      %get3A_494 = arith.constant 64 : index
      %get3A_495 = tpu.vector_load %arg9[%get3A_493, %get3A_494] {strides = array<i32>} : memref<84x128xi32, #tpu.memory_space<vmem>>, vector<16xi32>,
      %get3A_496 = arith.index_cast %add3A_413 : i32 to index
      %get3A_497 = arith.constant 64 : index
      %get3A_498 = tpu.vector_load %arg10[%get3A_496, %get3A_497] {strides = array<i32>} : memref<84x128xi32, #tpu.memory_space<vmem>>, vector<16xi32>,
      %gather3A_499 = tpu.vector_load_idx %arg8[%broadcast_in_dim3A_388, %get3A_495] : memref<2x10240xf32, #tpu.memory_space<vmem>>[vector<16xi32>, vector<16xi32>], vector<16xf32>,
      %gather3A_500 = tpu.vector_load_idx %arg8[%broadcast_in_dim3A_390, %get3A_498] : memref<2x10240xf32, #tpu.memory_space<vmem>>[vector<16xi32>, vector<16xi32>], vector<16xf32>,
      %add3A_501 = arith.addf %gather3A_499, %gather3A_500 : vector<16xf32>
      %gt3A_502 = arith.constant 0.000000e+00 : f32
      %gt3A_503 = vector.broadcast %gt3A_502 : f32 to vector<16xf32>
      %gt3A_504 = arith.cmpf ogt, %add3A_501, %gt3A_503 : vector<16xf32>
      %mul3A_505 = arith.constant 2.000000e-01 : f32
      %mul3A_506 = vector.broadcast %mul3A_505 : f32 to vector<16xf32>
      %mul3A_507 = arith.mulf %add3A_501, %mul3A_506 : vector<16xf32>
      %select_n3A_508 = arith.select %gt3A_504, %add3A_501, %mul3A_507 : vector<16xi1>, vector<16xf32>
      %sub3A_509 = arith.subf %select_n3A_508, %max3A_386 : vector<16xf32>
      %exp3A_510 = math.exp %sub3A_509 : vector<16xf32>
      %swap3A_511 = arith.index_cast %add3A_413 : i32 to index
      %swap3A_512 = arith.constant 64 : index
      %swap3A_513 = tpu.vector_load %arg11[%swap3A_511, %swap3A_512] {strides = array<i32>} : memref<84x128xf32, #tpu.memory_space<vmem>>, vector<16xf32>,
      tpu.vector_store %arg11[%swap3A_511, %swap3A_512], %exp3A_510 {strides = array<i32>} : memref<84x128xf32, #tpu.memory_space<vmem>>, vector<16xf32>,
      %get3A_514 = arith.index_cast %add3A_413 : i32 to index
      %get3A_515 = arith.constant 80 : index
      %get3A_516 = tpu.vector_load %arg9[%get3A_514, %get3A_515] {strides = array<i32>} : memref<84x128xi32, #tpu.memory_space<vmem>>, vector<16xi32>,
      %get3A_517 = arith.index_cast %add3A_413 : i32 to index
      %get3A_518 = arith.constant 80 : index
      %get3A_519 = tpu.vector_load %arg10[%get3A_517, %get3A_518] {strides = array<i32>} : memref<84x128xi32, #tpu.memory_space<vmem>>, vector<16xi32>,
      %gather3A_520 = tpu.vector_load_idx %arg8[%broadcast_in_dim3A_388, %get3A_516] : memref<2x10240xf32, #tpu.memory_space<vmem>>[vector<16xi32>, vector<16xi32>], vector<16xf32>,
      %gather3A_521 = tpu.vector_load_idx %arg8[%broadcast_in_dim3A_390, %get3A_519] : memref<2x10240xf32, #tpu.memory_space<vmem>>[vector<16xi32>, vector<16xi32>], vector<16xf32>,
      %add3A_522 = arith.addf %gather3A_520, %gather3A_521 : vector<16xf32>
      %gt3A_523 = arith.constant 0.000000e+00 : f32
      %gt3A_524 = vector.broadcast %gt3A_523 : f32 to vector<16xf32>
      %gt3A_525 = arith.cmpf ogt, %add3A_522, %gt3A_524 : vector<16xf32>
      %mul3A_526 = arith.constant 2.000000e-01 : f32
      %mul3A_527 = vector.broadcast %mul3A_526 : f32 to vector<16xf32>
      %mul3A_528 = arith.mulf %add3A_522, %mul3A_527 : vector<16xf32>
      %select_n3A_529 = arith.select %gt3A_525, %add3A_522, %mul3A_528 : vector<16xi1>, vector<16xf32>
      %sub3A_530 = arith.subf %select_n3A_529, %max3A_386 : vector<16xf32>
      %exp3A_531 = math.exp %sub3A_530 : vector<16xf32>
      %swap3A_532 = arith.index_cast %add3A_413 : i32 to index
      %swap3A_533 = arith.constant 80 : index
      %swap3A_534 = tpu.vector_load %arg11[%swap3A_532, %swap3A_533] {strides = array<i32>} : memref<84x128xf32, #tpu.memory_space<vmem>>, vector<16xf32>,
      tpu.vector_store %arg11[%swap3A_532, %swap3A_533], %exp3A_531 {strides = array<i32>} : memref<84x128xf32, #tpu.memory_space<vmem>>, vector<16xf32>,
      %get3A_535 = arith.index_cast %add3A_413 : i32 to index
      %get3A_536 = arith.constant 96 : index
      %get3A_537 = tpu.vector_load %arg9[%get3A_535, %get3A_536] {strides = array<i32>} : memref<84x128xi32, #tpu.memory_space<vmem>>, vector<16xi32>,
      %get3A_538 = arith.index_cast %add3A_413 : i32 to index
      %get3A_539 = arith.constant 96 : index
      %get3A_540 = tpu.vector_load %arg10[%get3A_538, %get3A_539] {strides = array<i32>} : memref<84x128xi32, #tpu.memory_space<vmem>>, vector<16xi32>,
      %gather3A_541 = tpu.vector_load_idx %arg8[%broadcast_in_dim3A_388, %get3A_537] : memref<2x10240xf32, #tpu.memory_space<vmem>>[vector<16xi32>, vector<16xi32>], vector<16xf32>,
      %gather3A_542 = tpu.vector_load_idx %arg8[%broadcast_in_dim3A_390, %get3A_540] : memref<2x10240xf32, #tpu.memory_space<vmem>>[vector<16xi32>, vector<16xi32>], vector<16xf32>,
      %add3A_543 = arith.addf %gather3A_541, %gather3A_542 : vector<16xf32>
      %gt3A_544 = arith.constant 0.000000e+00 : f32
      %gt3A_545 = vector.broadcast %gt3A_544 : f32 to vector<16xf32>
      %gt3A_546 = arith.cmpf ogt, %add3A_543, %gt3A_545 : vector<16xf32>
      %mul3A_547 = arith.constant 2.000000e-01 : f32
      %mul3A_548 = vector.broadcast %mul3A_547 : f32 to vector<16xf32>
      %mul3A_549 = arith.mulf %add3A_543, %mul3A_548 : vector<16xf32>
      %select_n3A_550 = arith.select %gt3A_546, %add3A_543, %mul3A_549 : vector<16xi1>, vector<16xf32>
      %sub3A_551 = arith.subf %select_n3A_550, %max3A_386 : vector<16xf32>
      %exp3A_552 = math.exp %sub3A_551 : vector<16xf32>
      %swap3A_553 = arith.index_cast %add3A_413 : i32 to index
      %swap3A_554 = arith.constant 96 : index
      %swap3A_555 = tpu.vector_load %arg11[%swap3A_553, %swap3A_554] {strides = array<i32>} : memref<84x128xf32, #tpu.memory_space<vmem>>, vector<16xf32>,
      tpu.vector_store %arg11[%swap3A_553, %swap3A_554], %exp3A_552 {strides = array<i32>} : memref<84x128xf32, #tpu.memory_space<vmem>>, vector<16xf32>,
      %get3A_556 = arith.index_cast %add3A_413 : i32 to index
      %get3A_557 = arith.constant 112 : index
      %get3A_558 = tpu.vector_load %arg9[%get3A_556, %get3A_557] {strides = array<i32>} : memref<84x128xi32, #tpu.memory_space<vmem>>, vector<16xi32>,
      %get3A_559 = arith.index_cast %add3A_413 : i32 to index
      %get3A_560 = arith.constant 112 : index
      %get3A_561 = tpu.vector_load %arg10[%get3A_559, %get3A_560] {strides = array<i32>} : memref<84x128xi32, #tpu.memory_space<vmem>>, vector<16xi32>,
      %gather3A_562 = tpu.vector_load_idx %arg8[%broadcast_in_dim3A_388, %get3A_558] : memref<2x10240xf32, #tpu.memory_space<vmem>>[vector<16xi32>, vector<16xi32>], vector<16xf32>,
      %gather3A_563 = tpu.vector_load_idx %arg8[%broadcast_in_dim3A_390, %get3A_561] : memref<2x10240xf32, #tpu.memory_space<vmem>>[vector<16xi32>, vector<16xi32>], vector<16xf32>,
      %add3A_564 = arith.addf %gather3A_562, %gather3A_563 : vector<16xf32>
      %gt3A_565 = arith.constant 0.000000e+00 : f32
      %gt3A_566 = vector.broadcast %gt3A_565 : f32 to vector<16xf32>
      %gt3A_567 = arith.cmpf ogt, %add3A_564, %gt3A_566 : vector<16xf32>
      %mul3A_568 = arith.constant 2.000000e-01 : f32
      %mul3A_569 = vector.broadcast %mul3A_568 : f32 to vector<16xf32>
      %mul3A_570 = arith.mulf %add3A_564, %mul3A_569 : vector<16xf32>
      %select_n3A_571 = arith.select %gt3A_567, %add3A_564, %mul3A_570 : vector<16xi1>, vector<16xf32>
      %sub3A_572 = arith.subf %select_n3A_571, %max3A_386 : vector<16xf32>
      %exp3A_573 = math.exp %sub3A_572 : vector<16xf32>
      %swap3A_574 = arith.index_cast %add3A_413 : i32 to index
      %swap3A_575 = arith.constant 112 : index
      %swap3A_576 = tpu.vector_load %arg11[%swap3A_574, %swap3A_575] {strides = array<i32>} : memref<84x128xf32, #tpu.memory_space<vmem>>, vector<16xf32>,
      tpu.vector_store %arg11[%swap3A_574, %swap3A_575], %exp3A_573 {strides = array<i32>} : memref<84x128xf32, #tpu.memory_space<vmem>>, vector<16xf32>,
      %add3A_577 = arith.constant 1 : i32
      %add3A_578 = arith.addi %mul3A_411, %add3A_577 : i32
      %get3A_579 = arith.index_cast %add3A_578 : i32 to index
      %get3A_580 = arith.constant 0 : index
      %get3A_581 = tpu.vector_load %arg9[%get3A_579, %get3A_580] {strides = array<i32>} : memref<84x128xi32, #tpu.memory_space<vmem>>, vector<16xi32>,
      %get3A_582 = arith.index_cast %add3A_578 : i32 to index
      %get3A_583 = arith.constant 0 : index
      %get3A_584 = tpu.vector_load %arg10[%get3A_582, %get3A_583] {strides = array<i32>} : memref<84x128xi32, #tpu.memory_space<vmem>>, vector<16xi32>,
      %gather3A_585 = tpu.vector_load_idx %arg8[%broadcast_in_dim3A_388, %get3A_581] : memref<2x10240xf32, #tpu.memory_space<vmem>>[vector<16xi32>, vector<16xi32>], vector<16xf32>,
      %gather3A_586 = tpu.vector_load_idx %arg8[%broadcast_in_dim3A_390, %get3A_584] : memref<2x10240xf32, #tpu.memory_space<vmem>>[vector<16xi32>, vector<16xi32>], vector<16xf32>,
      %add3A_587 = arith.addf %gather3A_585, %gather3A_586 : vector<16xf32>
      %gt3A_588 = arith.constant 0.000000e+00 : f32
      %gt3A_589 = vector.broadcast %gt3A_588 : f32 to vector<16xf32>
      %gt3A_590 = arith.cmpf ogt, %add3A_587, %gt3A_589 : vector<16xf32>
      %mul3A_591 = arith.constant 2.000000e-01 : f32
      %mul3A_592 = vector.broadcast %mul3A_591 : f32 to vector<16xf32>
      %mul3A_593 = arith.mulf %add3A_587, %mul3A_592 : vector<16xf32>
      %select_n3A_594 = arith.select %gt3A_590, %add3A_587, %mul3A_593 : vector<16xi1>, vector<16xf32>
      %sub3A_595 = arith.subf %select_n3A_594, %max3A_386 : vector<16xf32>
      %exp3A_596 = math.exp %sub3A_595 : vector<16xf32>
      %swap3A_597 = arith.index_cast %add3A_578 : i32 to index
      %swap3A_598 = arith.constant 0 : index
      %swap3A_599 = tpu.vector_load %arg11[%swap3A_597, %swap3A_598] {strides = array<i32>} : memref<84x128xf32, #tpu.memory_space<vmem>>, vector<16xf32>,
      tpu.vector_store %arg11[%swap3A_597, %swap3A_598], %exp3A_596 {strides = array<i32>} : memref<84x128xf32, #tpu.memory_space<vmem>>, vector<16xf32>,
      %get3A_600 = arith.index_cast %add3A_578 : i32 to index
      %get3A_601 = arith.constant 16 : index
      %get3A_602 = tpu.vector_load %arg9[%get3A_600, %get3A_601] {strides = array<i32>} : memref<84x128xi32, #tpu.memory_space<vmem>>, vector<16xi32>,
      %get3A_603 = arith.index_cast %add3A_578 : i32 to index
      %get3A_604 = arith.constant 16 : index
      %get3A_605 = tpu.vector_load %arg10[%get3A_603, %get3A_604] {strides = array<i32>} : memref<84x128xi32, #tpu.memory_space<vmem>>, vector<16xi32>,
      %gather3A_606 = tpu.vector_load_idx %arg8[%broadcast_in_dim3A_388, %get3A_602] : memref<2x10240xf32, #tpu.memory_space<vmem>>[vector<16xi32>, vector<16xi32>], vector<16xf32>,
      %gather3A_607 = tpu.vector_load_idx %arg8[%broadcast_in_dim3A_390, %get3A_605] : memref<2x10240xf32, #tpu.memory_space<vmem>>[vector<16xi32>, vector<16xi32>], vector<16xf32>,
      %add3A_608 = arith.addf %gather3A_606, %gather3A_607 : vector<16xf32>
      %gt3A_609 = arith.constant 0.000000e+00 : f32
      %gt3A_610 = vector.broadcast %gt3A_609 : f32 to vector<16xf32>
      %gt3A_611 = arith.cmpf ogt, %add3A_608, %gt3A_610 : vector<16xf32>
      %mul3A_612 = arith.constant 2.000000e-01 : f32
      %mul3A_613 = vector.broadcast %mul3A_612 : f32 to vector<16xf32>
      %mul3A_614 = arith.mulf %add3A_608, %mul3A_613 : vector<16xf32>
      %select_n3A_615 = arith.select %gt3A_611, %add3A_608, %mul3A_614 : vector<16xi1>, vector<16xf32>
      %sub3A_616 = arith.subf %select_n3A_615, %max3A_386 : vector<16xf32>
      %exp3A_617 = math.exp %sub3A_616 : vector<16xf32>
      %swap3A_618 = arith.index_cast %add3A_578 : i32 to index
      %swap3A_619 = arith.constant 16 : index
      %swap3A_620 = tpu.vector_load %arg11[%swap3A_618, %swap3A_619] {strides = array<i32>} : memref<84x128xf32, #tpu.memory_space<vmem>>, vector<16xf32>,
      tpu.vector_store %arg11[%swap3A_618, %swap3A_619], %exp3A_617 {strides = array<i32>} : memref<84x128xf32, #tpu.memory_space<vmem>>, vector<16xf32>,
      %get3A_621 = arith.index_cast %add3A_578 : i32 to index
      %get3A_622 = arith.constant 32 : index
      %get3A_623 = tpu.vector_load %arg9[%get3A_621, %get3A_622] {strides = array<i32>} : memref<84x128xi32, #tpu.memory_space<vmem>>, vector<16xi32>,
      %get3A_624 = arith.index_cast %add3A_578 : i32 to index
      %get3A_625 = arith.constant 32 : index
      %get3A_626 = tpu.vector_load %arg10[%get3A_624, %get3A_625] {strides = array<i32>} : memref<84x128xi32, #tpu.memory_space<vmem>>, vector<16xi32>,
      %gather3A_627 = tpu.vector_load_idx %arg8[%broadcast_in_dim3A_388, %get3A_623] : memref<2x10240xf32, #tpu.memory_space<vmem>>[vector<16xi32>, vector<16xi32>], vector<16xf32>,
      %gather3A_628 = tpu.vector_load_idx %arg8[%broadcast_in_dim3A_390, %get3A_626] : memref<2x10240xf32, #tpu.memory_space<vmem>>[vector<16xi32>, vector<16xi32>], vector<16xf32>,
      %add3A_629 = arith.addf %gather3A_627, %gather3A_628 : vector<16xf32>
      %gt3A_630 = arith.constant 0.000000e+00 : f32
      %gt3A_631 = vector.broadcast %gt3A_630 : f32 to vector<16xf32>
      %gt3A_632 = arith.cmpf ogt, %add3A_629, %gt3A_631 : vector<16xf32>
      %mul3A_633 = arith.constant 2.000000e-01 : f32
      %mul3A_634 = vector.broadcast %mul3A_633 : f32 to vector<16xf32>
      %mul3A_635 = arith.mulf %add3A_629, %mul3A_634 : vector<16xf32>
      %select_n3A_636 = arith.select %gt3A_632, %add3A_629, %mul3A_635 : vector<16xi1>, vector<16xf32>
      %sub3A_637 = arith.subf %select_n3A_636, %max3A_386 : vector<16xf32>
      %exp3A_638 = math.exp %sub3A_637 : vector<16xf32>
      %swap3A_639 = arith.index_cast %add3A_578 : i32 to index
      %swap3A_640 = arith.constant 32 : index
      %swap3A_641 = tpu.vector_load %arg11[%swap3A_639, %swap3A_640] {strides = array<i32>} : memref<84x128xf32, #tpu.memory_space<vmem>>, vector<16xf32>,
      tpu.vector_store %arg11[%swap3A_639, %swap3A_640], %exp3A_638 {strides = array<i32>} : memref<84x128xf32, #tpu.memory_space<vmem>>, vector<16xf32>,
      %get3A_642 = arith.index_cast %add3A_578 : i32 to index
      %get3A_643 = arith.constant 48 : index
      %get3A_644 = tpu.vector_load %arg9[%get3A_642, %get3A_643] {strides = array<i32>} : memref<84x128xi32, #tpu.memory_space<vmem>>, vector<16xi32>,
      %get3A_645 = arith.index_cast %add3A_578 : i32 to index
      %get3A_646 = arith.constant 48 : index
      %get3A_647 = tpu.vector_load %arg10[%get3A_645, %get3A_646] {strides = array<i32>} : memref<84x128xi32, #tpu.memory_space<vmem>>, vector<16xi32>,
      %gather3A_648 = tpu.vector_load_idx %arg8[%broadcast_in_dim3A_388, %get3A_644] : memref<2x10240xf32, #tpu.memory_space<vmem>>[vector<16xi32>, vector<16xi32>], vector<16xf32>,
      %gather3A_649 = tpu.vector_load_idx %arg8[%broadcast_in_dim3A_390, %get3A_647] : memref<2x10240xf32, #tpu.memory_space<vmem>>[vector<16xi32>, vector<16xi32>], vector<16xf32>,
      %add3A_650 = arith.addf %gather3A_648, %gather3A_649 : vector<16xf32>
      %gt3A_651 = arith.constant 0.000000e+00 : f32
      %gt3A_652 = vector.broadcast %gt3A_651 : f32 to vector<16xf32>
      %gt3A_653 = arith.cmpf ogt, %add3A_650, %gt3A_652 : vector<16xf32>
      %mul3A_654 = arith.constant 2.000000e-01 : f32
      %mul3A_655 = vector.broadcast %mul3A_654 : f32 to vector<16xf32>
      %mul3A_656 = arith.mulf %add3A_650, %mul3A_655 : vector<16xf32>
      %select_n3A_657 = arith.select %gt3A_653, %add3A_650, %mul3A_656 : vector<16xi1>, vector<16xf32>
      %sub3A_658 = arith.subf %select_n3A_657, %max3A_386 : vector<16xf32>
      %exp3A_659 = math.exp %sub3A_658 : vector<16xf32>
      %swap3A_660 = arith.index_cast %add3A_578 : i32 to index
      %swap3A_661 = arith.constant 48 : index
      %swap3A_662 = tpu.vector_load %arg11[%swap3A_660, %swap3A_661] {strides = array<i32>} : memref<84x128xf32, #tpu.memory_space<vmem>>, vector<16xf32>,
      tpu.vector_store %arg11[%swap3A_660, %swap3A_661], %exp3A_659 {strides = array<i32>} : memref<84x128xf32, #tpu.memory_space<vmem>>, vector<16xf32>,
      %get3A_663 = arith.index_cast %add3A_578 : i32 to index
      %get3A_664 = arith.constant 64 : index
      %get3A_665 = tpu.vector_load %arg9[%get3A_663, %get3A_664] {strides = array<i32>} : memref<84x128xi32, #tpu.memory_space<vmem>>, vector<16xi32>,
      %get3A_666 = arith.index_cast %add3A_578 : i32 to index
      %get3A_667 = arith.constant 64 : index
      %get3A_668 = tpu.vector_load %arg10[%get3A_666, %get3A_667] {strides = array<i32>} : memref<84x128xi32, #tpu.memory_space<vmem>>, vector<16xi32>,
      %gather3A_669 = tpu.vector_load_idx %arg8[%broadcast_in_dim3A_388, %get3A_665] : memref<2x10240xf32, #tpu.memory_space<vmem>>[vector<16xi32>, vector<16xi32>], vector<16xf32>,
      %gather3A_670 = tpu.vector_load_idx %arg8[%broadcast_in_dim3A_390, %get3A_668] : memref<2x10240xf32, #tpu.memory_space<vmem>>[vector<16xi32>, vector<16xi32>], vector<16xf32>,
      %add3A_671 = arith.addf %gather3A_669, %gather3A_670 : vector<16xf32>
      %gt3A_672 = arith.constant 0.000000e+00 : f32
      %gt3A_673 = vector.broadcast %gt3A_672 : f32 to vector<16xf32>
      %gt3A_674 = arith.cmpf ogt, %add3A_671, %gt3A_673 : vector<16xf32>
      %mul3A_675 = arith.constant 2.000000e-01 : f32
      %mul3A_676 = vector.broadcast %mul3A_675 : f32 to vector<16xf32>
      %mul3A_677 = arith.mulf %add3A_671, %mul3A_676 : vector<16xf32>
      %select_n3A_678 = arith.select %gt3A_674, %add3A_671, %mul3A_677 : vector<16xi1>, vector<16xf32>
      %sub3A_679 = arith.subf %select_n3A_678, %max3A_386 : vector<16xf32>
      %exp3A_680 = math.exp %sub3A_679 : vector<16xf32>
      %swap3A_681 = arith.index_cast %add3A_578 : i32 to index
      %swap3A_682 = arith.constant 64 : index
      %swap3A_683 = tpu.vector_load %arg11[%swap3A_681, %swap3A_682] {strides = array<i32>} : memref<84x128xf32, #tpu.memory_space<vmem>>, vector<16xf32>,
      tpu.vector_store %arg11[%swap3A_681, %swap3A_682], %exp3A_680 {strides = array<i32>} : memref<84x128xf32, #tpu.memory_space<vmem>>, vector<16xf32>,
      %get3A_684 = arith.index_cast %add3A_578 : i32 to index
      %get3A_685 = arith.constant 80 : index
      %get3A_686 = tpu.vector_load %arg9[%get3A_684, %get3A_685] {strides = array<i32>} : memref<84x128xi32, #tpu.memory_space<vmem>>, vector<16xi32>,
      %get3A_687 = arith.index_cast %add3A_578 : i32 to index
      %get3A_688 = arith.constant 80 : index
      %get3A_689 = tpu.vector_load %arg10[%get3A_687, %get3A_688] {strides = array<i32>} : memref<84x128xi32, #tpu.memory_space<vmem>>, vector<16xi32>,
      %gather3A_690 = tpu.vector_load_idx %arg8[%broadcast_in_dim3A_388, %get3A_686] : memref<2x10240xf32, #tpu.memory_space<vmem>>[vector<16xi32>, vector<16xi32>], vector<16xf32>,
      %gather3A_691 = tpu.vector_load_idx %arg8[%broadcast_in_dim3A_390, %get3A_689] : memref<2x10240xf32, #tpu.memory_space<vmem>>[vector<16xi32>, vector<16xi32>], vector<16xf32>,
      %add3A_692 = arith.addf %gather3A_690, %gather3A_691 : vector<16xf32>
      %gt3A_693 = arith.constant 0.000000e+00 : f32
      %gt3A_694 = vector.broadcast %gt3A_693 : f32 to vector<16xf32>
      %gt3A_695 = arith.cmpf ogt, %add3A_692, %gt3A_694 : vector<16xf32>
      %mul3A_696 = arith.constant 2.000000e-01 : f32
      %mul3A_697 = vector.broadcast %mul3A_696 : f32 to vector<16xf32>
      %mul3A_698 = arith.mulf %add3A_692, %mul3A_697 : vector<16xf32>
      %select_n3A_699 = arith.select %gt3A_695, %add3A_692, %mul3A_698 : vector<16xi1>, vector<16xf32>
      %sub3A_700 = arith.subf %select_n3A_699, %max3A_386 : vector<16xf32>
      %exp3A_701 = math.exp %sub3A_700 : vector<16xf32>
      %swap3A_702 = arith.index_cast %add3A_578 : i32 to index
      %swap3A_703 = arith.constant 80 : index
      %swap3A_704 = tpu.vector_load %arg11[%swap3A_702, %swap3A_703] {strides = array<i32>} : memref<84x128xf32, #tpu.memory_space<vmem>>, vector<16xf32>,
      tpu.vector_store %arg11[%swap3A_702, %swap3A_703], %exp3A_701 {strides = array<i32>} : memref<84x128xf32, #tpu.memory_space<vmem>>, vector<16xf32>,
      %get3A_705 = arith.index_cast %add3A_578 : i32 to index
      %get3A_706 = arith.constant 96 : index
      %get3A_707 = tpu.vector_load %arg9[%get3A_705, %get3A_706] {strides = array<i32>} : memref<84x128xi32, #tpu.memory_space<vmem>>, vector<16xi32>,
      %get3A_708 = arith.index_cast %add3A_578 : i32 to index
      %get3A_709 = arith.constant 96 : index
      %get3A_710 = tpu.vector_load %arg10[%get3A_708, %get3A_709] {strides = array<i32>} : memref<84x128xi32, #tpu.memory_space<vmem>>, vector<16xi32>,
      %gather3A_711 = tpu.vector_load_idx %arg8[%broadcast_in_dim3A_388, %get3A_707] : memref<2x10240xf32, #tpu.memory_space<vmem>>[vector<16xi32>, vector<16xi32>], vector<16xf32>,
      %gather3A_712 = tpu.vector_load_idx %arg8[%broadcast_in_dim3A_390, %get3A_710] : memref<2x10240xf32, #tpu.memory_space<vmem>>[vector<16xi32>, vector<16xi32>], vector<16xf32>,
      %add3A_713 = arith.addf %gather3A_711, %gather3A_712 : vector<16xf32>
      %gt3A_714 = arith.constant 0.000000e+00 : f32
      %gt3A_715 = vector.broadcast %gt3A_714 : f32 to vector<16xf32>
      %gt3A_716 = arith.cmpf ogt, %add3A_713, %gt3A_715 : vector<16xf32>
      %mul3A_717 = arith.constant 2.000000e-01 : f32
      %mul3A_718 = vector.broadcast %mul3A_717 : f32 to vector<16xf32>
      %mul3A_719 = arith.mulf %add3A_713, %mul3A_718 : vector<16xf32>
      %select_n3A_720 = arith.select %gt3A_716, %add3A_713, %mul3A_719 : vector<16xi1>, vector<16xf32>
      %sub3A_721 = arith.subf %select_n3A_720, %max3A_386 : vector<16xf32>
      %exp3A_722 = math.exp %sub3A_721 : vector<16xf32>
      %swap3A_723 = arith.index_cast %add3A_578 : i32 to index
      %swap3A_724 = arith.constant 96 : index
      %swap3A_725 = tpu.vector_load %arg11[%swap3A_723, %swap3A_724] {strides = array<i32>} : memref<84x128xf32, #tpu.memory_space<vmem>>, vector<16xf32>,
      tpu.vector_store %arg11[%swap3A_723, %swap3A_724], %exp3A_722 {strides = array<i32>} : memref<84x128xf32, #tpu.memory_space<vmem>>, vector<16xf32>,
      %get3A_726 = arith.index_cast %add3A_578 : i32 to index
      %get3A_727 = arith.constant 112 : index
      %get3A_728 = tpu.vector_load %arg9[%get3A_726, %get3A_727] {strides = array<i32>} : memref<84x128xi32, #tpu.memory_space<vmem>>, vector<16xi32>,
      %get3A_729 = arith.index_cast %add3A_578 : i32 to index
      %get3A_730 = arith.constant 112 : index
      %get3A_731 = tpu.vector_load %arg10[%get3A_729, %get3A_730] {strides = array<i32>} : memref<84x128xi32, #tpu.memory_space<vmem>>, vector<16xi32>,
      %gather3A_732 = tpu.vector_load_idx %arg8[%broadcast_in_dim3A_388, %get3A_728] : memref<2x10240xf32, #tpu.memory_space<vmem>>[vector<16xi32>, vector<16xi32>], vector<16xf32>,
      %gather3A_733 = tpu.vector_load_idx %arg8[%broadcast_in_dim3A_390, %get3A_731] : memref<2x10240xf32, #tpu.memory_space<vmem>>[vector<16xi32>, vector<16xi32>], vector<16xf32>,
      %add3A_734 = arith.addf %gather3A_732, %gather3A_733 : vector<16xf32>
      %gt3A_735 = arith.constant 0.000000e+00 : f32
      %gt3A_736 = vector.broadcast %gt3A_735 : f32 to vector<16xf32>
      %gt3A_737 = arith.cmpf ogt, %add3A_734, %gt3A_736 : vector<16xf32>
      %mul3A_738 = arith.constant 2.000000e-01 : f32
      %mul3A_739 = vector.broadcast %mul3A_738 : f32 to vector<16xf32>
      %mul3A_740 = arith.mulf %add3A_734, %mul3A_739 : vector<16xf32>
      %select_n3A_741 = arith.select %gt3A_737, %add3A_734, %mul3A_740 : vector<16xi1>, vector<16xf32>
      %sub3A_742 = arith.subf %select_n3A_741, %max3A_386 : vector<16xf32>
      %exp3A_743 = math.exp %sub3A_742 : vector<16xf32>
      %swap3A_744 = arith.index_cast %add3A_578 : i32 to index
      %swap3A_745 = arith.constant 112 : index
      %swap3A_746 = tpu.vector_load %arg11[%swap3A_744, %swap3A_745] {strides = array<i32>} : memref<84x128xf32, #tpu.memory_space<vmem>>, vector<16xf32>,
      tpu.vector_store %arg11[%swap3A_744, %swap3A_745], %exp3A_743 {strides = array<i32>} : memref<84x128xf32, #tpu.memory_space<vmem>>, vector<16xf32>,
      %add3A_747 = arith.constant 0 : i32
      %add3A_748 = arith.addi %mul3A_411, %add3A_747 : i32
      %add3A_749 = arith.constant 0 : i32
      %add3A_750 = arith.addi %mul3A_411, %add3A_749 : i32
      %dma_start3A = arith.constant 0 : i32
      %dma_start3A_751 = tpu.memref_slice %arg11[%add3A_748, %dma_start3A] : memref<84x128xf32, #tpu.memory_space<vmem>> -> memref<1x128xf32, #tpu.memory_space<vmem>>
      %dma_start3A_752 = tpu.memref_squeeze %dma_start3A_751 : memref<1x128xf32, #tpu.memory_space<vmem>> -> memref<128xf32, #tpu.memory_space<vmem>>
      %dma_start3A_753 = arith.constant 0 : i32
      %dma_start3A_754 = tpu.memref_slice %arg10[%add3A_750, %dma_start3A_753] : memref<84x128xi32, #tpu.memory_space<vmem>> -> memref<1x128xi32, #tpu.memory_space<vmem>>
      %dma_start3A_755 = tpu.memref_squeeze %dma_start3A_754 : memref<1x128xi32, #tpu.memory_space<vmem>> -> memref<128xi32, #tpu.memory_space<vmem>>
      %dma_start3A_756 = arith.constant 0 : i32
      %dma_start3A_757 = tpu.memref_slice %arg17[%dma_start3A_756] : memref<10240xf32, #tpu.memory_space<vmem_shared>> -> memref<10240xf32, #tpu.memory_space<vmem_shared>>
      tpu.enqueue_indirect_dma source(%dma_start3A_752 : memref<128xf32, #tpu.memory_space<vmem>>) target(%dma_start3A_757 : memref<10240xf32, #tpu.memory_space<vmem_shared>>) offsets(%dma_start3A_755 : memref<128xi32, #tpu.memory_space<vmem>>) semaphore(%arg18 : memref<!tpu.dma_semaphore, #tpu.memory_space<semaphore_mem>>) {add = true}
      %add3A_758 = arith.constant 1 : i32
      %add3A_759 = arith.addi %mul3A_411, %add3A_758 : i32
      %add3A_760 = arith.constant 1 : i32
      %add3A_761 = arith.addi %mul3A_411, %add3A_760 : i32
      %dma_start3A_762 = arith.constant 0 : i32
      %dma_start3A_763 = tpu.memref_slice %arg11[%add3A_759, %dma_start3A_762] : memref<84x128xf32, #tpu.memory_space<vmem>> -> memref<1x128xf32, #tpu.memory_space<vmem>>
      %dma_start3A_764 = tpu.memref_squeeze %dma_start3A_763 : memref<1x128xf32, #tpu.memory_space<vmem>> -> memref<128xf32, #tpu.memory_space<vmem>>
      %dma_start3A_765 = arith.constant 0 : i32
      %dma_start3A_766 = tpu.memref_slice %arg10[%add3A_761, %dma_start3A_765] : memref<84x128xi32, #tpu.memory_space<vmem>> -> memref<1x128xi32, #tpu.memory_space<vmem>>
      %dma_start3A_767 = tpu.memref_squeeze %dma_start3A_766 : memref<1x128xi32, #tpu.memory_space<vmem>> -> memref<128xi32, #tpu.memory_space<vmem>>
      %dma_start3A_768 = arith.constant 0 : i32
      %dma_start3A_769 = tpu.memref_slice %arg17[%dma_start3A_768] : memref<10240xf32, #tpu.memory_space<vmem_shared>> -> memref<10240xf32, #tpu.memory_space<vmem_shared>>
      tpu.enqueue_indirect_dma source(%dma_start3A_764 : memref<128xf32, #tpu.memory_space<vmem>>) target(%dma_start3A_769 : memref<10240xf32, #tpu.memory_space<vmem_shared>>) offsets(%dma_start3A_767 : memref<128xi32, #tpu.memory_space<vmem>>) semaphore(%arg18 : memref<!tpu.dma_semaphore, #tpu.memory_space<semaphore_mem>>) {add = true}
      %dma_wait3A = arith.constant 0 : i32
      %dma_wait3A_770 = tpu.memref_slice %arg11[%add3A_748, %dma_wait3A] : memref<84x128xf32, #tpu.memory_space<vmem>> -> memref<1x128xf32, #tpu.memory_space<vmem>>
      %dma_wait3A_771 = tpu.memref_squeeze %dma_wait3A_770 : memref<1x128xf32, #tpu.memory_space<vmem>> -> memref<128xf32, #tpu.memory_space<vmem>>
      %dma_wait3A_772 = arith.constant 0 : i32
      %dma_wait3A_773 = tpu.memref_slice %arg10[%add3A_750, %dma_wait3A_772] : memref<84x128xi32, #tpu.memory_space<vmem>> -> memref<1x128xi32, #tpu.memory_space<vmem>>
      %dma_wait3A_774 = tpu.memref_squeeze %dma_wait3A_773 : memref<1x128xi32, #tpu.memory_space<vmem>> -> memref<128xi32, #tpu.memory_space<vmem>>
      %dma_wait3A_775 = arith.constant 0 : i32
      %dma_wait3A_776 = tpu.memref_slice %arg17[%dma_wait3A_775] : memref<10240xf32, #tpu.memory_space<vmem_shared>> -> memref<10240xf32, #tpu.memory_space<vmem_shared>>
      tpu.wait_indirect_dma semaphore(%arg18 : memref<!tpu.dma_semaphore, #tpu.memory_space<semaphore_mem>>) src(%dma_wait3A_771 : memref<128xf32, #tpu.memory_space<vmem>>) dst(%dma_wait3A_776 : memref<10240xf32, #tpu.memory_space<vmem_shared>>)
      %dma_wait3A_777 = arith.constant 0 : i32
      %dma_wait3A_778 = tpu.memref_slice %arg11[%add3A_759, %dma_wait3A_777] : memref<84x128xf32, #tpu.memory_space<vmem>> -> memref<1x128xf32, #tpu.memory_space<vmem>>
      %dma_wait3A_779 = tpu.memref_squeeze %dma_wait3A_778 : memref<1x128xf32, #tpu.memory_space<vmem>> -> memref<128xf32, #tpu.memory_space<vmem>>
      %dma_wait3A_780 = arith.constant 0 : i32
      %dma_wait3A_781 = tpu.memref_slice %arg10[%add3A_761, %dma_wait3A_780] : memref<84x128xi32, #tpu.memory_space<vmem>> -> memref<1x128xi32, #tpu.memory_space<vmem>>
      %dma_wait3A_782 = tpu.memref_squeeze %dma_wait3A_781 : memref<1x128xi32, #tpu.memory_space<vmem>> -> memref<128xi32, #tpu.memory_space<vmem>>
      %dma_wait3A_783 = arith.constant 0 : i32
      %dma_wait3A_784 = tpu.memref_slice %arg17[%dma_wait3A_783] : memref<10240xf32, #tpu.memory_space<vmem_shared>> -> memref<10240xf32, #tpu.memory_space<vmem_shared>>
      tpu.wait_indirect_dma semaphore(%arg18 : memref<!tpu.dma_semaphore, #tpu.memory_space<semaphore_mem>>) src(%dma_wait3A_779 : memref<128xf32, #tpu.memory_space<vmem>>) dst(%dma_wait3A_784 : memref<10240xf32, #tpu.memory_space<vmem_shared>>)
    }
    %scan3A_396 = arith.constant 42 : i32
    %broadcast_in_dim3A_397 = arith.constant -65536 : i32
    %broadcast_in_dim3A_398 = vector.broadcast %broadcast_in_dim3A_397 : i32 to vector<16xi32>
    %scan3A_399 = arith.constant 0 : i32
    %scan3A_400 = arith.constant 0 : i32
    %scan3A_401 = arith.constant 42 : i32
    %scan3A_402 = arith.addi %scan3A_400, %scan3A_401 : i32
    %scan3A_403 = arith.constant 1 : i32
    scf.for %scan3A_409 = %scan3A_400 to %scan3A_402 step %scan3A_403  : i32 {
      %mul3A_410 = arith.constant 2 : i32
      %mul3A_411 = arith.muli %scan3A_409, %mul3A_410 : i32
      %add3A_412 = arith.constant 0 : i32
      %add3A_413 = arith.addi %mul3A_411, %add3A_412 : i32
      %dma_start3A = arith.constant 0 : i32
      %dma_start3A_414 = arith.constant 0 : i32
      %dma_start3A_415 = tpu.memref_slice %arg12[%dma_start3A, %dma_start3A_414] : memref<256x64xi32, #tpu.memory_space<vmem>> -> memref<128x64xi32, #tpu.memory_space<vmem>>
      %dma_start3A_416 = arith.constant 0 : i32
      %dma_start3A_417 = tpu.memref_slice %arg9[%add3A_413, %dma_start3A_416] : memref<84x128xi32, #tpu.memory_space<vmem>> -> memref<1x128xi32, #tpu.memory_space<vmem>>
      %dma_start3A_418 = tpu.memref_squeeze %dma_start3A_417 : memref<1x128xi32, #tpu.memory_space<vmem>> -> memref<128xi32, #tpu.memory_space<vmem>>
      %dma_start3A_419 = arith.constant 0 : i32
      %dma_start3A_420 = arith.constant 0 : i32
      %dma_start3A_421 = tpu.memref_slice %arg2[%dma_start3A_419, %dma_start3A_420] : memref<10240x64xi32, #tpu.memory_space<hbm>> -> memref<10240x64xi32, #tpu.memory_space<hbm>>
      tpu.enqueue_indirect_dma source(%dma_start3A_421 : memref<10240x64xi32, #tpu.memory_space<hbm>>) target(%dma_start3A_415 : memref<128x64xi32, #tpu.memory_space<vmem>>) offsets(%dma_start3A_418 : memref<128xi32, #tpu.memory_space<vmem>>) semaphore(%arg18 : memref<!tpu.dma_semaphore, #tpu.memory_space<semaphore_mem>>)
      %add3A_422 = arith.constant 1 : i32
      %add3A_423 = arith.addi %mul3A_411, %add3A_422 : i32
      %dma_start3A_424 = arith.constant 128 : i32
      %dma_start3A_425 = arith.constant 0 : i32
      %dma_start3A_426 = tpu.memref_slice %arg12[%dma_start3A_424, %dma_start3A_425] : memref<256x64xi32, #tpu.memory_space<vmem>> -> memref<128x64xi32, #tpu.memory_space<vmem>>
      %dma_start3A_427 = arith.constant 0 : i32
      %dma_start3A_428 = tpu.memref_slice %arg9[%add3A_423, %dma_start3A_427] : memref<84x128xi32, #tpu.memory_space<vmem>> -> memref<1x128xi32, #tpu.memory_space<vmem>>
      %dma_start3A_429 = tpu.memref_squeeze %dma_start3A_428 : memref<1x128xi32, #tpu.memory_space<vmem>> -> memref<128xi32, #tpu.memory_space<vmem>>
      %dma_start3A_430 = arith.constant 0 : i32
      %dma_start3A_431 = arith.constant 0 : i32
      %dma_start3A_432 = tpu.memref_slice %arg2[%dma_start3A_430, %dma_start3A_431] : memref<10240x64xi32, #tpu.memory_space<hbm>> -> memref<10240x64xi32, #tpu.memory_space<hbm>>
      tpu.enqueue_indirect_dma source(%dma_start3A_432 : memref<10240x64xi32, #tpu.memory_space<hbm>>) target(%dma_start3A_426 : memref<128x64xi32, #tpu.memory_space<vmem>>) offsets(%dma_start3A_429 : memref<128xi32, #tpu.memory_space<vmem>>) semaphore(%arg18 : memref<!tpu.dma_semaphore, #tpu.memory_space<semaphore_mem>>)
      %dma_wait3A = arith.constant 0 : i32
      %dma_wait3A_433 = arith.constant 0 : i32
      %dma_wait3A_434 = tpu.memref_slice %arg12[%dma_wait3A, %dma_wait3A_433] : memref<256x64xi32, #tpu.memory_space<vmem>> -> memref<128x64xi32, #tpu.memory_space<vmem>>
      %dma_wait3A_435 = arith.constant 0 : i32
      %dma_wait3A_436 = tpu.memref_slice %arg9[%add3A_413, %dma_wait3A_435] : memref<84x128xi32, #tpu.memory_space<vmem>> -> memref<1x128xi32, #tpu.memory_space<vmem>>
      %dma_wait3A_437 = tpu.memref_squeeze %dma_wait3A_436 : memref<1x128xi32, #tpu.memory_space<vmem>> -> memref<128xi32, #tpu.memory_space<vmem>>
      %dma_wait3A_438 = arith.constant 0 : i32
      %dma_wait3A_439 = arith.constant 0 : i32
      %dma_wait3A_440 = tpu.memref_slice %arg2[%dma_wait3A_438, %dma_wait3A_439] : memref<10240x64xi32, #tpu.memory_space<hbm>> -> memref<10240x64xi32, #tpu.memory_space<hbm>>
      tpu.wait_indirect_dma semaphore(%arg18 : memref<!tpu.dma_semaphore, #tpu.memory_space<semaphore_mem>>) src(%dma_wait3A_440 : memref<10240x64xi32, #tpu.memory_space<hbm>>) dst(%dma_wait3A_434 : memref<128x64xi32, #tpu.memory_space<vmem>>)
      %dma_wait3A_441 = arith.constant 128 : i32
      %dma_wait3A_442 = arith.constant 0 : i32
      %dma_wait3A_443 = tpu.memref_slice %arg12[%dma_wait3A_441, %dma_wait3A_442] : memref<256x64xi32, #tpu.memory_space<vmem>> -> memref<128x64xi32, #tpu.memory_space<vmem>>
      %dma_wait3A_444 = arith.constant 0 : i32
      %dma_wait3A_445 = tpu.memref_slice %arg9[%add3A_423, %dma_wait3A_444] : memref<84x128xi32, #tpu.memory_space<vmem>> -> memref<1x128xi32, #tpu.memory_space<vmem>>
      %dma_wait3A_446 = tpu.memref_squeeze %dma_wait3A_445 : memref<1x128xi32, #tpu.memory_space<vmem>> -> memref<128xi32, #tpu.memory_space<vmem>>
      %dma_wait3A_447 = arith.constant 0 : i32
      %dma_wait3A_448 = arith.constant 0 : i32
      %dma_wait3A_449 = tpu.memref_slice %arg2[%dma_wait3A_447, %dma_wait3A_448] : memref<10240x64xi32, #tpu.memory_space<hbm>> -> memref<10240x64xi32, #tpu.memory_space<hbm>>
      tpu.wait_indirect_dma semaphore(%arg18 : memref<!tpu.dma_semaphore, #tpu.memory_space<semaphore_mem>>) src(%dma_wait3A_449 : memref<10240x64xi32, #tpu.memory_space<hbm>>) dst(%dma_wait3A_443 : memref<128x64xi32, #tpu.memory_space<vmem>>)
      %scan3A_450 = arith.constant 0 : i32
      %scan3A_451 = arith.constant 0 : i32
      %scan3A_452 = arith.constant 128 : i32
      %scan3A_453 = arith.addi %scan3A_451, %scan3A_452 : i32
      %scan3A_454 = arith.constant 1 : i32
      scf.for %scan3A_496 = %scan3A_451 to %scan3A_453 step %scan3A_454  : i32 {
        %mul3A_497 = arith.constant 2 : i32
        %mul3A_498 = arith.muli %scan3A_496, %mul3A_497 : i32
        %shift_right_arithmetic3A = arith.constant 7 : i32
        %shift_right_arithmetic3A_499 = arith.shrsi %mul3A_498, %shift_right_arithmetic3A : i32
        %add3A_500 = arith.addi %mul3A_411, %shift_right_arithmetic3A_499 : i32
        %broadcast_in_dim3A_501 = vector.broadcast %add3A_500 : i32 to vector<16xi32>
        %add3A_502 = arith.constant 0 : i32
        %add3A_503 = arith.addi %mul3A_498, %add3A_502 : i32
        %and3A = arith.constant 127 : i32
        %and3A_504 = arith.andi %add3A_503, %and3A : i32
        %broadcast_in_dim3A_505 = vector.broadcast %and3A_504 : i32 to vector<16xi32>
        %gather3A_506 = tpu.vector_load_idx %arg11[%broadcast_in_dim3A_501, %broadcast_in_dim3A_505] : memref<84x128xf32, #tpu.memory_space<vmem>>[vector<16xi32>, vector<16xi32>], vector<16xf32>,
        %get3A = arith.index_cast %add3A_503 : i32 to index
        %get3A_507 = arith.constant 0 : index
        %get3A_508 = tpu.vector_load %arg12[%get3A, %get3A_507] {strides = array<i32>} : memref<256x64xi32, #tpu.memory_space<vmem>>, vector<16xi32>,
        %shift_left3A = arith.constant 16 : i32
        %shift_left3A_509 = vector.broadcast %shift_left3A : i32 to vector<16xi32>
        %shift_left3A_510 = arith.shli %get3A_508, %shift_left3A_509 : vector<16xi32>
        %bitcast3A = vector.bitcast %shift_left3A_510 : vector<16xi32> to vector<16xf32>
        %mul3A_511 = arith.mulf %bitcast3A, %gather3A_506 : vector<16xf32>
        %and3A_512 = arith.andi %get3A_508, %broadcast_in_dim3A_398 : vector<16xi32>
        %bitcast3A_513 = vector.bitcast %and3A_512 : vector<16xi32> to vector<16xf32>
        %mul3A_514 = arith.mulf %bitcast3A_513, %gather3A_506 : vector<16xf32>
        %pack3A = tpu.pack_subelements %mul3A_511, %mul3A_514 {pack_format = #tpu.pack_format<interleaved>, positions = array<i32: 0, 1>} : vector<16xf32>, vector<16xf32> -> vector<32xbf16>
        %swap3A_515 = arith.index_cast %add3A_503 : i32 to index
        %swap3A_516 = arith.constant 0 : index
        %swap3A_517 = tpu.vector_load %arg13[%swap3A_515, %swap3A_516] {strides = array<i32>} : memref<256x128xbf16, #tpu.memory_space<vmem>>, vector<32xbf16>,
        tpu.vector_store %arg13[%swap3A_515, %swap3A_516], %pack3A {strides = array<i32>} : memref<256x128xbf16, #tpu.memory_space<vmem>>, vector<32xbf16>,
        %get3A_518 = arith.index_cast %add3A_503 : i32 to index
        %get3A_519 = arith.constant 16 : index
        %get3A_520 = tpu.vector_load %arg12[%get3A_518, %get3A_519] {strides = array<i32>} : memref<256x64xi32, #tpu.memory_space<vmem>>, vector<16xi32>,
        %shift_left3A_521 = arith.constant 16 : i32
        %shift_left3A_522 = vector.broadcast %shift_left3A_521 : i32 to vector<16xi32>
        %shift_left3A_523 = arith.shli %get3A_520, %shift_left3A_522 : vector<16xi32>
        %bitcast3A_524 = vector.bitcast %shift_left3A_523 : vector<16xi32> to vector<16xf32>
        %mul3A_525 = arith.mulf %bitcast3A_524, %gather3A_506 : vector<16xf32>
        %and3A_526 = arith.andi %get3A_520, %broadcast_in_dim3A_398 : vector<16xi32>
        %bitcast3A_527 = vector.bitcast %and3A_526 : vector<16xi32> to vector<16xf32>
        %mul3A_528 = arith.mulf %bitcast3A_527, %gather3A_506 : vector<16xf32>
        %pack3A_529 = tpu.pack_subelements %mul3A_525, %mul3A_528 {pack_format = #tpu.pack_format<interleaved>, positions = array<i32: 0, 1>} : vector<16xf32>, vector<16xf32> -> vector<32xbf16>
        %swap3A_530 = arith.index_cast %add3A_503 : i32 to index
        %swap3A_531 = arith.constant 32 : index
        %swap3A_532 = tpu.vector_load %arg13[%swap3A_530, %swap3A_531] {strides = array<i32>} : memref<256x128xbf16, #tpu.memory_space<vmem>>, vector<32xbf16>,
        tpu.vector_store %arg13[%swap3A_530, %swap3A_531], %pack3A_529 {strides = array<i32>} : memref<256x128xbf16, #tpu.memory_space<vmem>>, vector<32xbf16>,
        %get3A_533 = arith.index_cast %add3A_503 : i32 to index
        %get3A_534 = arith.constant 32 : index
        %get3A_535 = tpu.vector_load %arg12[%get3A_533, %get3A_534] {strides = array<i32>} : memref<256x64xi32, #tpu.memory_space<vmem>>, vector<16xi32>,
        %shift_left3A_536 = arith.constant 16 : i32
        %shift_left3A_537 = vector.broadcast %shift_left3A_536 : i32 to vector<16xi32>
        %shift_left3A_538 = arith.shli %get3A_535, %shift_left3A_537 : vector<16xi32>
        %bitcast3A_539 = vector.bitcast %shift_left3A_538 : vector<16xi32> to vector<16xf32>
        %mul3A_540 = arith.mulf %bitcast3A_539, %gather3A_506 : vector<16xf32>
        %and3A_541 = arith.andi %get3A_535, %broadcast_in_dim3A_398 : vector<16xi32>
        %bitcast3A_542 = vector.bitcast %and3A_541 : vector<16xi32> to vector<16xf32>
        %mul3A_543 = arith.mulf %bitcast3A_542, %gather3A_506 : vector<16xf32>
        %pack3A_544 = tpu.pack_subelements %mul3A_540, %mul3A_543 {pack_format = #tpu.pack_format<interleaved>, positions = array<i32: 0, 1>} : vector<16xf32>, vector<16xf32> -> vector<32xbf16>
        %swap3A_545 = arith.index_cast %add3A_503 : i32 to index
        %swap3A_546 = arith.constant 64 : index
        %swap3A_547 = tpu.vector_load %arg13[%swap3A_545, %swap3A_546] {strides = array<i32>} : memref<256x128xbf16, #tpu.memory_space<vmem>>, vector<32xbf16>,
        tpu.vector_store %arg13[%swap3A_545, %swap3A_546], %pack3A_544 {strides = array<i32>} : memref<256x128xbf16, #tpu.memory_space<vmem>>, vector<32xbf16>,
        %get3A_548 = arith.index_cast %add3A_503 : i32 to index
        %get3A_549 = arith.constant 48 : index
        %get3A_550 = tpu.vector_load %arg12[%get3A_548, %get3A_549] {strides = array<i32>} : memref<256x64xi32, #tpu.memory_space<vmem>>, vector<16xi32>,
        %shift_left3A_551 = arith.constant 16 : i32
        %shift_left3A_552 = vector.broadcast %shift_left3A_551 : i32 to vector<16xi32>
        %shift_left3A_553 = arith.shli %get3A_550, %shift_left3A_552 : vector<16xi32>
        %bitcast3A_554 = vector.bitcast %shift_left3A_553 : vector<16xi32> to vector<16xf32>
        %mul3A_555 = arith.mulf %bitcast3A_554, %gather3A_506 : vector<16xf32>
        %and3A_556 = arith.andi %get3A_550, %broadcast_in_dim3A_398 : vector<16xi32>
        %bitcast3A_557 = vector.bitcast %and3A_556 : vector<16xi32> to vector<16xf32>
        %mul3A_558 = arith.mulf %bitcast3A_557, %gather3A_506 : vector<16xf32>
        %pack3A_559 = tpu.pack_subelements %mul3A_555, %mul3A_558 {pack_format = #tpu.pack_format<interleaved>, positions = array<i32: 0, 1>} : vector<16xf32>, vector<16xf32> -> vector<32xbf16>
        %swap3A_560 = arith.index_cast %add3A_503 : i32 to index
        %swap3A_561 = arith.constant 96 : index
        %swap3A_562 = tpu.vector_load %arg13[%swap3A_560, %swap3A_561] {strides = array<i32>} : memref<256x128xbf16, #tpu.memory_space<vmem>>, vector<32xbf16>,
        tpu.vector_store %arg13[%swap3A_560, %swap3A_561], %pack3A_559 {strides = array<i32>} : memref<256x128xbf16, #tpu.memory_space<vmem>>, vector<32xbf16>,
        %add3A_563 = arith.constant 1 : i32
        %add3A_564 = arith.addi %mul3A_498, %add3A_563 : i32
        %and3A_565 = arith.constant 127 : i32
        %and3A_566 = arith.andi %add3A_564, %and3A_565 : i32
        %broadcast_in_dim3A_567 = vector.broadcast %and3A_566 : i32 to vector<16xi32>
        %gather3A_568 = tpu.vector_load_idx %arg11[%broadcast_in_dim3A_501, %broadcast_in_dim3A_567] : memref<84x128xf32, #tpu.memory_space<vmem>>[vector<16xi32>, vector<16xi32>], vector<16xf32>,
        %get3A_569 = arith.index_cast %add3A_564 : i32 to index
        %get3A_570 = arith.constant 0 : index
        %get3A_571 = tpu.vector_load %arg12[%get3A_569, %get3A_570] {strides = array<i32>} : memref<256x64xi32, #tpu.memory_space<vmem>>, vector<16xi32>,
        %shift_left3A_572 = arith.constant 16 : i32
        %shift_left3A_573 = vector.broadcast %shift_left3A_572 : i32 to vector<16xi32>
        %shift_left3A_574 = arith.shli %get3A_571, %shift_left3A_573 : vector<16xi32>
        %bitcast3A_575 = vector.bitcast %shift_left3A_574 : vector<16xi32> to vector<16xf32>
        %mul3A_576 = arith.mulf %bitcast3A_575, %gather3A_568 : vector<16xf32>
        %and3A_577 = arith.andi %get3A_571, %broadcast_in_dim3A_398 : vector<16xi32>
        %bitcast3A_578 = vector.bitcast %and3A_577 : vector<16xi32> to vector<16xf32>
        %mul3A_579 = arith.mulf %bitcast3A_578, %gather3A_568 : vector<16xf32>
        %pack3A_580 = tpu.pack_subelements %mul3A_576, %mul3A_579 {pack_format = #tpu.pack_format<interleaved>, positions = array<i32: 0, 1>} : vector<16xf32>, vector<16xf32> -> vector<32xbf16>
        %swap3A_581 = arith.index_cast %add3A_564 : i32 to index
        %swap3A_582 = arith.constant 0 : index
        %swap3A_583 = tpu.vector_load %arg13[%swap3A_581, %swap3A_582] {strides = array<i32>} : memref<256x128xbf16, #tpu.memory_space<vmem>>, vector<32xbf16>,
        tpu.vector_store %arg13[%swap3A_581, %swap3A_582], %pack3A_580 {strides = array<i32>} : memref<256x128xbf16, #tpu.memory_space<vmem>>, vector<32xbf16>,
        %get3A_584 = arith.index_cast %add3A_564 : i32 to index
        %get3A_585 = arith.constant 16 : index
        %get3A_586 = tpu.vector_load %arg12[%get3A_584, %get3A_585] {strides = array<i32>} : memref<256x64xi32, #tpu.memory_space<vmem>>, vector<16xi32>,
        %shift_left3A_587 = arith.constant 16 : i32
        %shift_left3A_588 = vector.broadcast %shift_left3A_587 : i32 to vector<16xi32>
        %shift_left3A_589 = arith.shli %get3A_586, %shift_left3A_588 : vector<16xi32>
        %bitcast3A_590 = vector.bitcast %shift_left3A_589 : vector<16xi32> to vector<16xf32>
        %mul3A_591 = arith.mulf %bitcast3A_590, %gather3A_568 : vector<16xf32>
        %and3A_592 = arith.andi %get3A_586, %broadcast_in_dim3A_398 : vector<16xi32>
        %bitcast3A_593 = vector.bitcast %and3A_592 : vector<16xi32> to vector<16xf32>
        %mul3A_594 = arith.mulf %bitcast3A_593, %gather3A_568 : vector<16xf32>
        %pack3A_595 = tpu.pack_subelements %mul3A_591, %mul3A_594 {pack_format = #tpu.pack_format<interleaved>, positions = array<i32: 0, 1>} : vector<16xf32>, vector<16xf32> -> vector<32xbf16>
        %swap3A_596 = arith.index_cast %add3A_564 : i32 to index
        %swap3A_597 = arith.constant 32 : index
        %swap3A_598 = tpu.vector_load %arg13[%swap3A_596, %swap3A_597] {strides = array<i32>} : memref<256x128xbf16, #tpu.memory_space<vmem>>, vector<32xbf16>,
        tpu.vector_store %arg13[%swap3A_596, %swap3A_597], %pack3A_595 {strides = array<i32>} : memref<256x128xbf16, #tpu.memory_space<vmem>>, vector<32xbf16>,
        %get3A_599 = arith.index_cast %add3A_564 : i32 to index
        %get3A_600 = arith.constant 32 : index
        %get3A_601 = tpu.vector_load %arg12[%get3A_599, %get3A_600] {strides = array<i32>} : memref<256x64xi32, #tpu.memory_space<vmem>>, vector<16xi32>,
        %shift_left3A_602 = arith.constant 16 : i32
        %shift_left3A_603 = vector.broadcast %shift_left3A_602 : i32 to vector<16xi32>
        %shift_left3A_604 = arith.shli %get3A_601, %shift_left3A_603 : vector<16xi32>
        %bitcast3A_605 = vector.bitcast %shift_left3A_604 : vector<16xi32> to vector<16xf32>
        %mul3A_606 = arith.mulf %bitcast3A_605, %gather3A_568 : vector<16xf32>
        %and3A_607 = arith.andi %get3A_601, %broadcast_in_dim3A_398 : vector<16xi32>
        %bitcast3A_608 = vector.bitcast %and3A_607 : vector<16xi32> to vector<16xf32>
        %mul3A_609 = arith.mulf %bitcast3A_608, %gather3A_568 : vector<16xf32>
        %pack3A_610 = tpu.pack_subelements %mul3A_606, %mul3A_609 {pack_format = #tpu.pack_format<interleaved>, positions = array<i32: 0, 1>} : vector<16xf32>, vector<16xf32> -> vector<32xbf16>
        %swap3A_611 = arith.index_cast %add3A_564 : i32 to index
        %swap3A_612 = arith.constant 64 : index
        %swap3A_613 = tpu.vector_load %arg13[%swap3A_611, %swap3A_612] {strides = array<i32>} : memref<256x128xbf16, #tpu.memory_space<vmem>>, vector<32xbf16>,
        tpu.vector_store %arg13[%swap3A_611, %swap3A_612], %pack3A_610 {strides = array<i32>} : memref<256x128xbf16, #tpu.memory_space<vmem>>, vector<32xbf16>,
        %get3A_614 = arith.index_cast %add3A_564 : i32 to index
        %get3A_615 = arith.constant 48 : index
        %get3A_616 = tpu.vector_load %arg12[%get3A_614, %get3A_615] {strides = array<i32>} : memref<256x64xi32, #tpu.memory_space<vmem>>, vector<16xi32>,
        %shift_left3A_617 = arith.constant 16 : i32
        %shift_left3A_618 = vector.broadcast %shift_left3A_617 : i32 to vector<16xi32>
        %shift_left3A_619 = arith.shli %get3A_616, %shift_left3A_618 : vector<16xi32>
        %bitcast3A_620 = vector.bitcast %shift_left3A_619 : vector<16xi32> to vector<16xf32>
        %mul3A_621 = arith.mulf %bitcast3A_620, %gather3A_568 : vector<16xf32>
        %and3A_622 = arith.andi %get3A_616, %broadcast_in_dim3A_398 : vector<16xi32>
        %bitcast3A_623 = vector.bitcast %and3A_622 : vector<16xi32> to vector<16xf32>
        %mul3A_624 = arith.mulf %bitcast3A_623, %gather3A_568 : vector<16xf32>
        %pack3A_625 = tpu.pack_subelements %mul3A_621, %mul3A_624 {pack_format = #tpu.pack_format<interleaved>, positions = array<i32: 0, 1>} : vector<16xf32>, vector<16xf32> -> vector<32xbf16>
        %swap3A_626 = arith.index_cast %add3A_564 : i32 to index
        %swap3A_627 = arith.constant 96 : index
        %swap3A_628 = tpu.vector_load %arg13[%swap3A_626, %swap3A_627] {strides = array<i32>} : memref<256x128xbf16, #tpu.memory_space<vmem>>, vector<32xbf16>,
        tpu.vector_store %arg13[%swap3A_626, %swap3A_627], %pack3A_625 {strides = array<i32>} : memref<256x128xbf16, #tpu.memory_space<vmem>>, vector<32xbf16>,
      }
      %scan3A_455 = arith.constant 128 : i32
      %add3A_456 = arith.constant 0 : i32
      %add3A_457 = arith.addi %mul3A_411, %add3A_456 : i32
      %dma_start3A_458 = arith.constant 0 : i32
      %dma_start3A_459 = arith.constant 0 : i32
      %dma_start3A_460 = tpu.memref_slice %arg13[%dma_start3A_458, %dma_start3A_459] : memref<256x128xbf16, #tpu.memory_space<vmem>> -> memref<128x128xbf16, #tpu.memory_space<vmem>>
      %dma_start3A_461 = arith.constant 0 : i32
      %dma_start3A_462 = tpu.memref_slice %arg10[%add3A_457, %dma_start3A_461] : memref<84x128xi32, #tpu.memory_space<vmem>> -> memref<1x128xi32, #tpu.memory_space<vmem>>
      %dma_start3A_463 = tpu.memref_squeeze %dma_start3A_462 : memref<1x128xi32, #tpu.memory_space<vmem>> -> memref<128xi32, #tpu.memory_space<vmem>>
      %dma_start3A_464 = arith.constant 0 : i32
      %dma_start3A_465 = arith.constant 0 : i32
      %dma_start3A_466 = tpu.memref_slice %arg16[%dma_start3A_464, %dma_start3A_465] : memref<10240x128xbf16, #tpu.memory_space<vmem_shared>> -> memref<10240x128xbf16, #tpu.memory_space<vmem_shared>>
      tpu.enqueue_indirect_dma source(%dma_start3A_460 : memref<128x128xbf16, #tpu.memory_space<vmem>>) target(%dma_start3A_466 : memref<10240x128xbf16, #tpu.memory_space<vmem_shared>>) offsets(%dma_start3A_463 : memref<128xi32, #tpu.memory_space<vmem>>) semaphore(%arg19 : memref<!tpu.dma_semaphore, #tpu.memory_space<semaphore_mem>>) {add = true}
      %add3A_467 = arith.constant 1 : i32
      %add3A_468 = arith.addi %mul3A_411, %add3A_467 : i32
      %dma_start3A_469 = arith.constant 128 : i32
      %dma_start3A_470 = arith.constant 0 : i32
      %dma_start3A_471 = tpu.memref_slice %arg13[%dma_start3A_469, %dma_start3A_470] : memref<256x128xbf16, #tpu.memory_space<vmem>> -> memref<128x128xbf16, #tpu.memory_space<vmem>>
      %dma_start3A_472 = arith.constant 0 : i32
      %dma_start3A_473 = tpu.memref_slice %arg10[%add3A_468, %dma_start3A_472] : memref<84x128xi32, #tpu.memory_space<vmem>> -> memref<1x128xi32, #tpu.memory_space<vmem>>
      %dma_start3A_474 = tpu.memref_squeeze %dma_start3A_473 : memref<1x128xi32, #tpu.memory_space<vmem>> -> memref<128xi32, #tpu.memory_space<vmem>>
      %dma_start3A_475 = arith.constant 0 : i32
      %dma_start3A_476 = arith.constant 0 : i32
      %dma_start3A_477 = tpu.memref_slice %arg16[%dma_start3A_475, %dma_start3A_476] : memref<10240x128xbf16, #tpu.memory_space<vmem_shared>> -> memref<10240x128xbf16, #tpu.memory_space<vmem_shared>>
      tpu.enqueue_indirect_dma source(%dma_start3A_471 : memref<128x128xbf16, #tpu.memory_space<vmem>>) target(%dma_start3A_477 : memref<10240x128xbf16, #tpu.memory_space<vmem_shared>>) offsets(%dma_start3A_474 : memref<128xi32, #tpu.memory_space<vmem>>) semaphore(%arg19 : memref<!tpu.dma_semaphore, #tpu.memory_space<semaphore_mem>>) {add = true}
      %dma_wait3A_478 = arith.constant 0 : i32
      %dma_wait3A_479 = arith.constant 0 : i32
      %dma_wait3A_480 = tpu.memref_slice %arg13[%dma_wait3A_478, %dma_wait3A_479] : memref<256x128xbf16, #tpu.memory_space<vmem>> -> memref<128x128xbf16, #tpu.memory_space<vmem>>
      %dma_wait3A_481 = arith.constant 0 : i32
      %dma_wait3A_482 = tpu.memref_slice %arg10[%add3A_457, %dma_wait3A_481] : memref<84x128xi32, #tpu.memory_space<vmem>> -> memref<1x128xi32, #tpu.memory_space<vmem>>
      %dma_wait3A_483 = tpu.memref_squeeze %dma_wait3A_482 : memref<1x128xi32, #tpu.memory_space<vmem>> -> memref<128xi32, #tpu.memory_space<vmem>>
      %dma_wait3A_484 = arith.constant 0 : i32
      %dma_wait3A_485 = arith.constant 0 : i32
      %dma_wait3A_486 = tpu.memref_slice %arg16[%dma_wait3A_484, %dma_wait3A_485] : memref<10240x128xbf16, #tpu.memory_space<vmem_shared>> -> memref<10240x128xbf16, #tpu.memory_space<vmem_shared>>
      tpu.wait_indirect_dma semaphore(%arg19 : memref<!tpu.dma_semaphore, #tpu.memory_space<semaphore_mem>>) src(%dma_wait3A_480 : memref<128x128xbf16, #tpu.memory_space<vmem>>) dst(%dma_wait3A_486 : memref<10240x128xbf16, #tpu.memory_space<vmem_shared>>)
      %dma_wait3A_487 = arith.constant 128 : i32
      %dma_wait3A_488 = arith.constant 0 : i32
      %dma_wait3A_489 = tpu.memref_slice %arg13[%dma_wait3A_487, %dma_wait3A_488] : memref<256x128xbf16, #tpu.memory_space<vmem>> -> memref<128x128xbf16, #tpu.memory_space<vmem>>
      %dma_wait3A_490 = arith.constant 0 : i32
      %dma_wait3A_491 = tpu.memref_slice %arg10[%add3A_468, %dma_wait3A_490] : memref<84x128xi32, #tpu.memory_space<vmem>> -> memref<1x128xi32, #tpu.memory_space<vmem>>
      %dma_wait3A_492 = tpu.memref_squeeze %dma_wait3A_491 : memref<1x128xi32, #tpu.memory_space<vmem>> -> memref<128xi32, #tpu.memory_space<vmem>>
      %dma_wait3A_493 = arith.constant 0 : i32
      %dma_wait3A_494 = arith.constant 0 : i32
      %dma_wait3A_495 = tpu.memref_slice %arg16[%dma_wait3A_493, %dma_wait3A_494] : memref<10240x128xbf16, #tpu.memory_space<vmem_shared>> -> memref<10240x128xbf16, #tpu.memory_space<vmem_shared>>
      tpu.wait_indirect_dma semaphore(%arg19 : memref<!tpu.dma_semaphore, #tpu.memory_space<semaphore_mem>>) src(%dma_wait3A_489 : memref<128x128xbf16, #tpu.memory_space<vmem>>) dst(%dma_wait3A_495 : memref<10240x128xbf16, #tpu.memory_space<vmem_shared>>)
    }
    %scan3A_404 = arith.constant 42 : i32
    %barrier3A_405 = arith.constant 0 : index
    tpu.barrier barrier_id(%barrier3A_405)
    %mul3A_406 = arith.constant 10240 : i32
    %mul3A_407 = arith.muli %arg0, %mul3A_406 : i32
    %add3A_408 = arith.addi %mul3A_407, %mul3A_2 : i32
    "tpu.region"() ({
      %run_scoped3A = tpu.sem_alloc : memref<!tpu.dma_semaphore, #tpu.memory_space<semaphore_mem>>
      %dma_start3A = tpu.memref_slice %arg7[%add3A_408] : memref<20480xf32, #tpu.memory_space<hbm>> -> memref<640xf32, #tpu.memory_space<hbm>>
      %dma_start3A_409 = tpu.memref_slice %arg17[%mul3A_2] : memref<10240xf32, #tpu.memory_space<vmem_shared>> -> memref<640xf32, #tpu.memory_space<vmem_shared>>
      tpu.enqueue_dma source(%dma_start3A_409 : memref<640xf32, #tpu.memory_space<vmem_shared>>) target(%dma_start3A : memref<640xf32, #tpu.memory_space<hbm>>) target_semaphore(%run_scoped3A : memref<!tpu.dma_semaphore, #tpu.memory_space<semaphore_mem>>)
      %dma_wait3A = tpu.memref_slice %arg7[%add3A_408] : memref<20480xf32, #tpu.memory_space<hbm>> -> memref<640xf32, #tpu.memory_space<hbm>>
      %dma_wait3A_410 = tpu.memref_slice %arg17[%mul3A_2] : memref<10240xf32, #tpu.memory_space<vmem_shared>> -> memref<640xf32, #tpu.memory_space<vmem_shared>>
      tpu.wait_dma2 semaphore(%run_scoped3A : memref<!tpu.dma_semaphore, #tpu.memory_space<semaphore_mem>>) src(%dma_wait3A_410 : memref<640xf32, #tpu.memory_space<vmem_shared>>) dst(%dma_wait3A : memref<640xf32, #tpu.memory_space<hbm>>)
      tpu.yield
    }) : () -> ()
    "tpu.region"() ({
      %run_scoped3A = tpu.sem_alloc : memref<!tpu.dma_semaphore, #tpu.memory_space<semaphore_mem>>
      %dma_start3A = arith.constant 0 : i32
      %dma_start3A_409 = tpu.memref_slice %arg6[%arg0, %mul3A_2, %dma_start3A] : memref<2x10240x128xbf16, #tpu.memory_space<hbm>> -> memref<1x640x128xbf16, #tpu.memory_space<hbm>>
      %dma_start3A_410 = tpu.memref_squeeze %dma_start3A_409 : memref<1x640x128xbf16, #tpu.memory_space<hbm>> -> memref<640x128xbf16, #tpu.memory_space<hbm>>
      %dma_start3A_411 = arith.constant 0 : i32
      %dma_start3A_412 = tpu.memref_slice %arg16[%mul3A_2, %dma_start3A_411] : memref<10240x128xbf16, #tpu.memory_space<vmem_shared>> -> memref<640x128xbf16, #tpu.memory_space<vmem_shared>>
      tpu.enqueue_dma source(%dma_start3A_412 : memref<640x128xbf16, #tpu.memory_space<vmem_shared>>) target(%dma_start3A_410 : memref<640x128xbf16, #tpu.memory_space<hbm>>) target_semaphore(%run_scoped3A : memref<!tpu.dma_semaphore, #tpu.memory_space<semaphore_mem>>)
      %dma_wait3A = arith.constant 0 : i32
      %dma_wait3A_413 = tpu.memref_slice %arg6[%arg0, %mul3A_2, %dma_wait3A] : memref<2x10240x128xbf16, #tpu.memory_space<hbm>> -> memref<1x640x128xbf16, #tpu.memory_space<hbm>>
      %dma_wait3A_414 = tpu.memref_squeeze %dma_wait3A_413 : memref<1x640x128xbf16, #tpu.memory_space<hbm>> -> memref<640x128xbf16, #tpu.memory_space<hbm>>
      %dma_wait3A_415 = arith.constant 0 : i32
      %dma_wait3A_416 = tpu.memref_slice %arg16[%mul3A_2, %dma_wait3A_415] : memref<10240x128xbf16, #tpu.memory_space<vmem_shared>> -> memref<640x128xbf16, #tpu.memory_space<vmem_shared>>
      tpu.wait_dma2 semaphore(%run_scoped3A : memref<!tpu.dma_semaphore, #tpu.memory_space<semaphore_mem>>) src(%dma_wait3A_416 : memref<640x128xbf16, #tpu.memory_space<vmem_shared>>) dst(%dma_wait3A_414 : memref<640x128xbf16, #tpu.memory_space<hbm>>)
      tpu.yield
    }) : () -> ()
    return
  }
}

#map = affine_map<(d0, d1) -> (0, 0)>
#map1 = affine_map<(d0, d1) -> (0, 0, 0)>
#map2 = affine_map<(d0, d1) -> (0)>
module attributes {stable_mosaic.version = 14 : i64} {
  func.func @_edge_kernel(%arg0: i32, %arg1: i32, %arg2: memref<10240x64xi32, #tpu.memory_space<hbm>>, %arg3: memref<2x10240xf32, #tpu.memory_space<hbm>>, %arg4: memref<32x84x128xi32, #tpu.memory_space<hbm>>, %arg5: memref<32x84x128xi32, #tpu.memory_space<hbm>>, %arg6: memref<2x10240x128xbf16, #tpu.memory_space<hbm>>, %arg7: memref<20480xf32, #tpu.memory_space<hbm>>, %arg8: memref<2x10240xf32, #tpu.memory_space<vmem>>, %arg9: memref<84x128xi32, #tpu.memory_space<vmem>>, %arg10: memref<84x128xi32, #tpu.memory_space<vmem>>, %arg11: memref<84x128xf32, #tpu.memory_space<vmem>>, %arg12: memref<256x64xi32, #tpu.memory_space<vmem>>, %arg13: memref<256x128xbf16, #tpu.memory_space<vmem>>, %arg14: memref<16x128xbf16, #tpu.memory_space<vmem>>, %arg15: memref<128xf32, #tpu.memory_space<vmem>>, %arg16: memref<10240x128xbf16, #tpu.memory_space<vmem_shared>>, %arg17: memref<10240xf32, #tpu.memory_space<vmem_shared>>, %arg18: memref<!tpu.dma_semaphore, #tpu.memory_space<semaphore_mem>>, %arg19: memref<!tpu.dma_semaphore, #tpu.memory_space<semaphore_mem>>) attributes {dimension_semantics = [#tpu.dimension_semantics<core_parallel>, #tpu.dimension_semantics<subcore_parallel>], iteration_bounds = array<i64: 2, 16>, scalar_prefetch = 0 : i64, scratch_operands = 12 : i64, tpu.core_type = #tpu.core_type<sc_vector_subcore>, window_params = [{transform_indices = #map}, {transform_indices = #map}, {transform_indices = #map1}, {transform_indices = #map1}, {transform_indices = #map1}, {transform_indices = #map2}]} {
    %mul3A = arith.constant 2 : i32
    %mul3A_0 = arith.muli %arg1, %mul3A : i32
    %add3A = arith.addi %mul3A_0, %arg0 : i32
    %mul3A_1 = arith.constant 640 : i32
    %mul3A_2 = arith.muli %arg1, %mul3A_1 : i32
    %broadcast_in_dim3A = arith.constant 0.000000e+00 : bf16
    %broadcast_in_dim3A_3 = vector.broadcast %broadcast_in_dim3A : bf16 to vector<32xbf16>
    %swap3A = arith.constant 0 : i32
    %swap3A_4 = arith.index_cast %swap3A : i32 to index
    %swap3A_5 = arith.constant 0 : index
    %swap3A_6 = tpu.vector_load %arg14[%swap3A_4, %swap3A_5] {strides = array<i32>} : memref<16x128xbf16, #tpu.memory_space<vmem>>, vector<32xbf16>,
    tpu.vector_store %arg14[%swap3A_4, %swap3A_5], %broadcast_in_dim3A_3 {strides = array<i32>} : memref<16x128xbf16, #tpu.memory_space<vmem>>, vector<32xbf16>,
    %swap3A_7 = arith.constant 0 : i32
    %swap3A_8 = arith.index_cast %swap3A_7 : i32 to index
    %swap3A_9 = arith.constant 32 : index
    %swap3A_10 = tpu.vector_load %arg14[%swap3A_8, %swap3A_9] {strides = array<i32>} : memref<16x128xbf16, #tpu.memory_space<vmem>>, vector<32xbf16>,
    tpu.vector_store %arg14[%swap3A_8, %swap3A_9], %broadcast_in_dim3A_3 {strides = array<i32>} : memref<16x128xbf16, #tpu.memory_space<vmem>>, vector<32xbf16>,
    %swap3A_11 = arith.constant 0 : i32
    %swap3A_12 = arith.index_cast %swap3A_11 : i32 to index
    %swap3A_13 = arith.constant 64 : index
    %swap3A_14 = tpu.vector_load %arg14[%swap3A_12, %swap3A_13] {strides = array<i32>} : memref<16x128xbf16, #tpu.memory_space<vmem>>, vector<32xbf16>,
    tpu.vector_store %arg14[%swap3A_12, %swap3A_13], %broadcast_in_dim3A_3 {strides = array<i32>} : memref<16x128xbf16, #tpu.memory_space<vmem>>, vector<32xbf16>,
    %swap3A_15 = arith.constant 0 : i32
    %swap3A_16 = arith.index_cast %swap3A_15 : i32 to index
    %swap3A_17 = arith.constant 96 : index
    %swap3A_18 = tpu.vector_load %arg14[%swap3A_16, %swap3A_17] {strides = array<i32>} : memref<16x128xbf16, #tpu.memory_space<vmem>>, vector<32xbf16>,
    tpu.vector_store %arg14[%swap3A_16, %swap3A_17], %broadcast_in_dim3A_3 {strides = array<i32>} : memref<16x128xbf16, #tpu.memory_space<vmem>>, vector<32xbf16>,
    %swap3A_19 = arith.constant 1 : i32
    %swap3A_20 = arith.index_cast %swap3A_19 : i32 to index
    %swap3A_21 = arith.constant 0 : index
    %swap3A_22 = tpu.vector_load %arg14[%swap3A_20, %swap3A_21] {strides = array<i32>} : memref<16x128xbf16, #tpu.memory_space<vmem>>, vector<32xbf16>,
    tpu.vector_store %arg14[%swap3A_20, %swap3A_21], %broadcast_in_dim3A_3 {strides = array<i32>} : memref<16x128xbf16, #tpu.memory_space<vmem>>, vector<32xbf16>,
    %swap3A_23 = arith.constant 1 : i32
    %swap3A_24 = arith.index_cast %swap3A_23 : i32 to index
    %swap3A_25 = arith.constant 32 : index
    %swap3A_26 = tpu.vector_load %arg14[%swap3A_24, %swap3A_25] {strides = array<i32>} : memref<16x128xbf16, #tpu.memory_space<vmem>>, vector<32xbf16>,
    tpu.vector_store %arg14[%swap3A_24, %swap3A_25], %broadcast_in_dim3A_3 {strides = array<i32>} : memref<16x128xbf16, #tpu.memory_space<vmem>>, vector<32xbf16>,
    %swap3A_27 = arith.constant 1 : i32
    %swap3A_28 = arith.index_cast %swap3A_27 : i32 to index
    %swap3A_29 = arith.constant 64 : index
    %swap3A_30 = tpu.vector_load %arg14[%swap3A_28, %swap3A_29] {strides = array<i32>} : memref<16x128xbf16, #tpu.memory_space<vmem>>, vector<32xbf16>,
    tpu.vector_store %arg14[%swap3A_28, %swap3A_29], %broadcast_in_dim3A_3 {strides = array<i32>} : memref<16x128xbf16, #tpu.memory_space<vmem>>, vector<32xbf16>,
    %swap3A_31 = arith.constant 1 : i32
    %swap3A_32 = arith.index_cast %swap3A_31 : i32 to index
    %swap3A_33 = arith.constant 96 : index
    %swap3A_34 = tpu.vector_load %arg14[%swap3A_32, %swap3A_33] {strides = array<i32>} : memref<16x128xbf16, #tpu.memory_space<vmem>>, vector<32xbf16>,
    tpu.vector_store %arg14[%swap3A_32, %swap3A_33], %broadcast_in_dim3A_3 {strides = array<i32>} : memref<16x128xbf16, #tpu.memory_space<vmem>>, vector<32xbf16>,
    %swap3A_35 = arith.constant 2 : i32
    %swap3A_36 = arith.index_cast %swap3A_35 : i32 to index
    %swap3A_37 = arith.constant 0 : index
    %swap3A_38 = tpu.vector_load %arg14[%swap3A_36, %swap3A_37] {strides = array<i32>} : memref<16x128xbf16, #tpu.memory_space<vmem>>, vector<32xbf16>,
    tpu.vector_store %arg14[%swap3A_36, %swap3A_37], %broadcast_in_dim3A_3 {strides = array<i32>} : memref<16x128xbf16, #tpu.memory_space<vmem>>, vector<32xbf16>,
    %swap3A_39 = arith.constant 2 : i32
    %swap3A_40 = arith.index_cast %swap3A_39 : i32 to index
    %swap3A_41 = arith.constant 32 : index
    %swap3A_42 = tpu.vector_load %arg14[%swap3A_40, %swap3A_41] {strides = array<i32>} : memref<16x128xbf16, #tpu.memory_space<vmem>>, vector<32xbf16>,
    tpu.vector_store %arg14[%swap3A_40, %swap3A_41], %broadcast_in_dim3A_3 {strides = array<i32>} : memref<16x128xbf16, #tpu.memory_space<vmem>>, vector<32xbf16>,
    %swap3A_43 = arith.constant 2 : i32
    %swap3A_44 = arith.index_cast %swap3A_43 : i32 to index
    %swap3A_45 = arith.constant 64 : index
    %swap3A_46 = tpu.vector_load %arg14[%swap3A_44, %swap3A_45] {strides = array<i32>} : memref<16x128xbf16, #tpu.memory_space<vmem>>, vector<32xbf16>,
    tpu.vector_store %arg14[%swap3A_44, %swap3A_45], %broadcast_in_dim3A_3 {strides = array<i32>} : memref<16x128xbf16, #tpu.memory_space<vmem>>, vector<32xbf16>,
    %swap3A_47 = arith.constant 2 : i32
    %swap3A_48 = arith.index_cast %swap3A_47 : i32 to index
    %swap3A_49 = arith.constant 96 : index
    %swap3A_50 = tpu.vector_load %arg14[%swap3A_48, %swap3A_49] {strides = array<i32>} : memref<16x128xbf16, #tpu.memory_space<vmem>>, vector<32xbf16>,
    tpu.vector_store %arg14[%swap3A_48, %swap3A_49], %broadcast_in_dim3A_3 {strides = array<i32>} : memref<16x128xbf16, #tpu.memory_space<vmem>>, vector<32xbf16>,
    %swap3A_51 = arith.constant 3 : i32
    %swap3A_52 = arith.index_cast %swap3A_51 : i32 to index
    %swap3A_53 = arith.constant 0 : index
    %swap3A_54 = tpu.vector_load %arg14[%swap3A_52, %swap3A_53] {strides = array<i32>} : memref<16x128xbf16, #tpu.memory_space<vmem>>, vector<32xbf16>,
    tpu.vector_store %arg14[%swap3A_52, %swap3A_53], %broadcast_in_dim3A_3 {strides = array<i32>} : memref<16x128xbf16, #tpu.memory_space<vmem>>, vector<32xbf16>,
    %swap3A_55 = arith.constant 3 : i32
    %swap3A_56 = arith.index_cast %swap3A_55 : i32 to index
    %swap3A_57 = arith.constant 32 : index
    %swap3A_58 = tpu.vector_load %arg14[%swap3A_56, %swap3A_57] {strides = array<i32>} : memref<16x128xbf16, #tpu.memory_space<vmem>>, vector<32xbf16>,
    tpu.vector_store %arg14[%swap3A_56, %swap3A_57], %broadcast_in_dim3A_3 {strides = array<i32>} : memref<16x128xbf16, #tpu.memory_space<vmem>>, vector<32xbf16>,
    %swap3A_59 = arith.constant 3 : i32
    %swap3A_60 = arith.index_cast %swap3A_59 : i32 to index
    %swap3A_61 = arith.constant 64 : index
    %swap3A_62 = tpu.vector_load %arg14[%swap3A_60, %swap3A_61] {strides = array<i32>} : memref<16x128xbf16, #tpu.memory_space<vmem>>, vector<32xbf16>,
    tpu.vector_store %arg14[%swap3A_60, %swap3A_61], %broadcast_in_dim3A_3 {strides = array<i32>} : memref<16x128xbf16, #tpu.memory_space<vmem>>, vector<32xbf16>,
    %swap3A_63 = arith.constant 3 : i32
    %swap3A_64 = arith.index_cast %swap3A_63 : i32 to index
    %swap3A_65 = arith.constant 96 : index
    %swap3A_66 = tpu.vector_load %arg14[%swap3A_64, %swap3A_65] {strides = array<i32>} : memref<16x128xbf16, #tpu.memory_space<vmem>>, vector<32xbf16>,
    tpu.vector_store %arg14[%swap3A_64, %swap3A_65], %broadcast_in_dim3A_3 {strides = array<i32>} : memref<16x128xbf16, #tpu.memory_space<vmem>>, vector<32xbf16>,
    %swap3A_67 = arith.constant 4 : i32
    %swap3A_68 = arith.index_cast %swap3A_67 : i32 to index
    %swap3A_69 = arith.constant 0 : index
    %swap3A_70 = tpu.vector_load %arg14[%swap3A_68, %swap3A_69] {strides = array<i32>} : memref<16x128xbf16, #tpu.memory_space<vmem>>, vector<32xbf16>,
    tpu.vector_store %arg14[%swap3A_68, %swap3A_69], %broadcast_in_dim3A_3 {strides = array<i32>} : memref<16x128xbf16, #tpu.memory_space<vmem>>, vector<32xbf16>,
    %swap3A_71 = arith.constant 4 : i32
    %swap3A_72 = arith.index_cast %swap3A_71 : i32 to index
    %swap3A_73 = arith.constant 32 : index
    %swap3A_74 = tpu.vector_load %arg14[%swap3A_72, %swap3A_73] {strides = array<i32>} : memref<16x128xbf16, #tpu.memory_space<vmem>>, vector<32xbf16>,
    tpu.vector_store %arg14[%swap3A_72, %swap3A_73], %broadcast_in_dim3A_3 {strides = array<i32>} : memref<16x128xbf16, #tpu.memory_space<vmem>>, vector<32xbf16>,
    %swap3A_75 = arith.constant 4 : i32
    %swap3A_76 = arith.index_cast %swap3A_75 : i32 to index
    %swap3A_77 = arith.constant 64 : index
    %swap3A_78 = tpu.vector_load %arg14[%swap3A_76, %swap3A_77] {strides = array<i32>} : memref<16x128xbf16, #tpu.memory_space<vmem>>, vector<32xbf16>,
    tpu.vector_store %arg14[%swap3A_76, %swap3A_77], %broadcast_in_dim3A_3 {strides = array<i32>} : memref<16x128xbf16, #tpu.memory_space<vmem>>, vector<32xbf16>,
    %swap3A_79 = arith.constant 4 : i32
    %swap3A_80 = arith.index_cast %swap3A_79 : i32 to index
    %swap3A_81 = arith.constant 96 : index
    %swap3A_82 = tpu.vector_load %arg14[%swap3A_80, %swap3A_81] {strides = array<i32>} : memref<16x128xbf16, #tpu.memory_space<vmem>>, vector<32xbf16>,
    tpu.vector_store %arg14[%swap3A_80, %swap3A_81], %broadcast_in_dim3A_3 {strides = array<i32>} : memref<16x128xbf16, #tpu.memory_space<vmem>>, vector<32xbf16>,
    %swap3A_83 = arith.constant 5 : i32
    %swap3A_84 = arith.index_cast %swap3A_83 : i32 to index
    %swap3A_85 = arith.constant 0 : index
    %swap3A_86 = tpu.vector_load %arg14[%swap3A_84, %swap3A_85] {strides = array<i32>} : memref<16x128xbf16, #tpu.memory_space<vmem>>, vector<32xbf16>,
    tpu.vector_store %arg14[%swap3A_84, %swap3A_85], %broadcast_in_dim3A_3 {strides = array<i32>} : memref<16x128xbf16, #tpu.memory_space<vmem>>, vector<32xbf16>,
    %swap3A_87 = arith.constant 5 : i32
    %swap3A_88 = arith.index_cast %swap3A_87 : i32 to index
    %swap3A_89 = arith.constant 32 : index
    %swap3A_90 = tpu.vector_load %arg14[%swap3A_88, %swap3A_89] {strides = array<i32>} : memref<16x128xbf16, #tpu.memory_space<vmem>>, vector<32xbf16>,
    tpu.vector_store %arg14[%swap3A_88, %swap3A_89], %broadcast_in_dim3A_3 {strides = array<i32>} : memref<16x128xbf16, #tpu.memory_space<vmem>>, vector<32xbf16>,
    %swap3A_91 = arith.constant 5 : i32
    %swap3A_92 = arith.index_cast %swap3A_91 : i32 to index
    %swap3A_93 = arith.constant 64 : index
    %swap3A_94 = tpu.vector_load %arg14[%swap3A_92, %swap3A_93] {strides = array<i32>} : memref<16x128xbf16, #tpu.memory_space<vmem>>, vector<32xbf16>,
    tpu.vector_store %arg14[%swap3A_92, %swap3A_93], %broadcast_in_dim3A_3 {strides = array<i32>} : memref<16x128xbf16, #tpu.memory_space<vmem>>, vector<32xbf16>,
    %swap3A_95 = arith.constant 5 : i32
    %swap3A_96 = arith.index_cast %swap3A_95 : i32 to index
    %swap3A_97 = arith.constant 96 : index
    %swap3A_98 = tpu.vector_load %arg14[%swap3A_96, %swap3A_97] {strides = array<i32>} : memref<16x128xbf16, #tpu.memory_space<vmem>>, vector<32xbf16>,
    tpu.vector_store %arg14[%swap3A_96, %swap3A_97], %broadcast_in_dim3A_3 {strides = array<i32>} : memref<16x128xbf16, #tpu.memory_space<vmem>>, vector<32xbf16>,
    %swap3A_99 = arith.constant 6 : i32
    %swap3A_100 = arith.index_cast %swap3A_99 : i32 to index
    %swap3A_101 = arith.constant 0 : index
    %swap3A_102 = tpu.vector_load %arg14[%swap3A_100, %swap3A_101] {strides = array<i32>} : memref<16x128xbf16, #tpu.memory_space<vmem>>, vector<32xbf16>,
    tpu.vector_store %arg14[%swap3A_100, %swap3A_101], %broadcast_in_dim3A_3 {strides = array<i32>} : memref<16x128xbf16, #tpu.memory_space<vmem>>, vector<32xbf16>,
    %swap3A_103 = arith.constant 6 : i32
    %swap3A_104 = arith.index_cast %swap3A_103 : i32 to index
    %swap3A_105 = arith.constant 32 : index
    %swap3A_106 = tpu.vector_load %arg14[%swap3A_104, %swap3A_105] {strides = array<i32>} : memref<16x128xbf16, #tpu.memory_space<vmem>>, vector<32xbf16>,
    tpu.vector_store %arg14[%swap3A_104, %swap3A_105], %broadcast_in_dim3A_3 {strides = array<i32>} : memref<16x128xbf16, #tpu.memory_space<vmem>>, vector<32xbf16>,
    %swap3A_107 = arith.constant 6 : i32
    %swap3A_108 = arith.index_cast %swap3A_107 : i32 to index
    %swap3A_109 = arith.constant 64 : index
    %swap3A_110 = tpu.vector_load %arg14[%swap3A_108, %swap3A_109] {strides = array<i32>} : memref<16x128xbf16, #tpu.memory_space<vmem>>, vector<32xbf16>,
    tpu.vector_store %arg14[%swap3A_108, %swap3A_109], %broadcast_in_dim3A_3 {strides = array<i32>} : memref<16x128xbf16, #tpu.memory_space<vmem>>, vector<32xbf16>,
    %swap3A_111 = arith.constant 6 : i32
    %swap3A_112 = arith.index_cast %swap3A_111 : i32 to index
    %swap3A_113 = arith.constant 96 : index
    %swap3A_114 = tpu.vector_load %arg14[%swap3A_112, %swap3A_113] {strides = array<i32>} : memref<16x128xbf16, #tpu.memory_space<vmem>>, vector<32xbf16>,
    tpu.vector_store %arg14[%swap3A_112, %swap3A_113], %broadcast_in_dim3A_3 {strides = array<i32>} : memref<16x128xbf16, #tpu.memory_space<vmem>>, vector<32xbf16>,
    %swap3A_115 = arith.constant 7 : i32
    %swap3A_116 = arith.index_cast %swap3A_115 : i32 to index
    %swap3A_117 = arith.constant 0 : index
    %swap3A_118 = tpu.vector_load %arg14[%swap3A_116, %swap3A_117] {strides = array<i32>} : memref<16x128xbf16, #tpu.memory_space<vmem>>, vector<32xbf16>,
    tpu.vector_store %arg14[%swap3A_116, %swap3A_117], %broadcast_in_dim3A_3 {strides = array<i32>} : memref<16x128xbf16, #tpu.memory_space<vmem>>, vector<32xbf16>,
    %swap3A_119 = arith.constant 7 : i32
    %swap3A_120 = arith.index_cast %swap3A_119 : i32 to index
    %swap3A_121 = arith.constant 32 : index
    %swap3A_122 = tpu.vector_load %arg14[%swap3A_120, %swap3A_121] {strides = array<i32>} : memref<16x128xbf16, #tpu.memory_space<vmem>>, vector<32xbf16>,
    tpu.vector_store %arg14[%swap3A_120, %swap3A_121], %broadcast_in_dim3A_3 {strides = array<i32>} : memref<16x128xbf16, #tpu.memory_space<vmem>>, vector<32xbf16>,
    %swap3A_123 = arith.constant 7 : i32
    %swap3A_124 = arith.index_cast %swap3A_123 : i32 to index
    %swap3A_125 = arith.constant 64 : index
    %swap3A_126 = tpu.vector_load %arg14[%swap3A_124, %swap3A_125] {strides = array<i32>} : memref<16x128xbf16, #tpu.memory_space<vmem>>, vector<32xbf16>,
    tpu.vector_store %arg14[%swap3A_124, %swap3A_125], %broadcast_in_dim3A_3 {strides = array<i32>} : memref<16x128xbf16, #tpu.memory_space<vmem>>, vector<32xbf16>,
    %swap3A_127 = arith.constant 7 : i32
    %swap3A_128 = arith.index_cast %swap3A_127 : i32 to index
    %swap3A_129 = arith.constant 96 : index
    %swap3A_130 = tpu.vector_load %arg14[%swap3A_128, %swap3A_129] {strides = array<i32>} : memref<16x128xbf16, #tpu.memory_space<vmem>>, vector<32xbf16>,
    tpu.vector_store %arg14[%swap3A_128, %swap3A_129], %broadcast_in_dim3A_3 {strides = array<i32>} : memref<16x128xbf16, #tpu.memory_space<vmem>>, vector<32xbf16>,
    %swap3A_131 = arith.constant 8 : i32
    %swap3A_132 = arith.index_cast %swap3A_131 : i32 to index
    %swap3A_133 = arith.constant 0 : index
    %swap3A_134 = tpu.vector_load %arg14[%swap3A_132, %swap3A_133] {strides = array<i32>} : memref<16x128xbf16, #tpu.memory_space<vmem>>, vector<32xbf16>,
    tpu.vector_store %arg14[%swap3A_132, %swap3A_133], %broadcast_in_dim3A_3 {strides = array<i32>} : memref<16x128xbf16, #tpu.memory_space<vmem>>, vector<32xbf16>,
    %swap3A_135 = arith.constant 8 : i32
    %swap3A_136 = arith.index_cast %swap3A_135 : i32 to index
    %swap3A_137 = arith.constant 32 : index
    %swap3A_138 = tpu.vector_load %arg14[%swap3A_136, %swap3A_137] {strides = array<i32>} : memref<16x128xbf16, #tpu.memory_space<vmem>>, vector<32xbf16>,
    tpu.vector_store %arg14[%swap3A_136, %swap3A_137], %broadcast_in_dim3A_3 {strides = array<i32>} : memref<16x128xbf16, #tpu.memory_space<vmem>>, vector<32xbf16>,
    %swap3A_139 = arith.constant 8 : i32
    %swap3A_140 = arith.index_cast %swap3A_139 : i32 to index
    %swap3A_141 = arith.constant 64 : index
    %swap3A_142 = tpu.vector_load %arg14[%swap3A_140, %swap3A_141] {strides = array<i32>} : memref<16x128xbf16, #tpu.memory_space<vmem>>, vector<32xbf16>,
    tpu.vector_store %arg14[%swap3A_140, %swap3A_141], %broadcast_in_dim3A_3 {strides = array<i32>} : memref<16x128xbf16, #tpu.memory_space<vmem>>, vector<32xbf16>,
    %swap3A_143 = arith.constant 8 : i32
    %swap3A_144 = arith.index_cast %swap3A_143 : i32 to index
    %swap3A_145 = arith.constant 96 : index
    %swap3A_146 = tpu.vector_load %arg14[%swap3A_144, %swap3A_145] {strides = array<i32>} : memref<16x128xbf16, #tpu.memory_space<vmem>>, vector<32xbf16>,
    tpu.vector_store %arg14[%swap3A_144, %swap3A_145], %broadcast_in_dim3A_3 {strides = array<i32>} : memref<16x128xbf16, #tpu.memory_space<vmem>>, vector<32xbf16>,
    %swap3A_147 = arith.constant 9 : i32
    %swap3A_148 = arith.index_cast %swap3A_147 : i32 to index
    %swap3A_149 = arith.constant 0 : index
    %swap3A_150 = tpu.vector_load %arg14[%swap3A_148, %swap3A_149] {strides = array<i32>} : memref<16x128xbf16, #tpu.memory_space<vmem>>, vector<32xbf16>,
    tpu.vector_store %arg14[%swap3A_148, %swap3A_149], %broadcast_in_dim3A_3 {strides = array<i32>} : memref<16x128xbf16, #tpu.memory_space<vmem>>, vector<32xbf16>,
    %swap3A_151 = arith.constant 9 : i32
    %swap3A_152 = arith.index_cast %swap3A_151 : i32 to index
    %swap3A_153 = arith.constant 32 : index
    %swap3A_154 = tpu.vector_load %arg14[%swap3A_152, %swap3A_153] {strides = array<i32>} : memref<16x128xbf16, #tpu.memory_space<vmem>>, vector<32xbf16>,
    tpu.vector_store %arg14[%swap3A_152, %swap3A_153], %broadcast_in_dim3A_3 {strides = array<i32>} : memref<16x128xbf16, #tpu.memory_space<vmem>>, vector<32xbf16>,
    %swap3A_155 = arith.constant 9 : i32
    %swap3A_156 = arith.index_cast %swap3A_155 : i32 to index
    %swap3A_157 = arith.constant 64 : index
    %swap3A_158 = tpu.vector_load %arg14[%swap3A_156, %swap3A_157] {strides = array<i32>} : memref<16x128xbf16, #tpu.memory_space<vmem>>, vector<32xbf16>,
    tpu.vector_store %arg14[%swap3A_156, %swap3A_157], %broadcast_in_dim3A_3 {strides = array<i32>} : memref<16x128xbf16, #tpu.memory_space<vmem>>, vector<32xbf16>,
    %swap3A_159 = arith.constant 9 : i32
    %swap3A_160 = arith.index_cast %swap3A_159 : i32 to index
    %swap3A_161 = arith.constant 96 : index
    %swap3A_162 = tpu.vector_load %arg14[%swap3A_160, %swap3A_161] {strides = array<i32>} : memref<16x128xbf16, #tpu.memory_space<vmem>>, vector<32xbf16>,
    tpu.vector_store %arg14[%swap3A_160, %swap3A_161], %broadcast_in_dim3A_3 {strides = array<i32>} : memref<16x128xbf16, #tpu.memory_space<vmem>>, vector<32xbf16>,
    %swap3A_163 = arith.constant 10 : i32
    %swap3A_164 = arith.index_cast %swap3A_163 : i32 to index
    %swap3A_165 = arith.constant 0 : index
    %swap3A_166 = tpu.vector_load %arg14[%swap3A_164, %swap3A_165] {strides = array<i32>} : memref<16x128xbf16, #tpu.memory_space<vmem>>, vector<32xbf16>,
    tpu.vector_store %arg14[%swap3A_164, %swap3A_165], %broadcast_in_dim3A_3 {strides = array<i32>} : memref<16x128xbf16, #tpu.memory_space<vmem>>, vector<32xbf16>,
    %swap3A_167 = arith.constant 10 : i32
    %swap3A_168 = arith.index_cast %swap3A_167 : i32 to index
    %swap3A_169 = arith.constant 32 : index
    %swap3A_170 = tpu.vector_load %arg14[%swap3A_168, %swap3A_169] {strides = array<i32>} : memref<16x128xbf16, #tpu.memory_space<vmem>>, vector<32xbf16>,
    tpu.vector_store %arg14[%swap3A_168, %swap3A_169], %broadcast_in_dim3A_3 {strides = array<i32>} : memref<16x128xbf16, #tpu.memory_space<vmem>>, vector<32xbf16>,
    %swap3A_171 = arith.constant 10 : i32
    %swap3A_172 = arith.index_cast %swap3A_171 : i32 to index
    %swap3A_173 = arith.constant 64 : index
    %swap3A_174 = tpu.vector_load %arg14[%swap3A_172, %swap3A_173] {strides = array<i32>} : memref<16x128xbf16, #tpu.memory_space<vmem>>, vector<32xbf16>,
    tpu.vector_store %arg14[%swap3A_172, %swap3A_173], %broadcast_in_dim3A_3 {strides = array<i32>} : memref<16x128xbf16, #tpu.memory_space<vmem>>, vector<32xbf16>,
    %swap3A_175 = arith.constant 10 : i32
    %swap3A_176 = arith.index_cast %swap3A_175 : i32 to index
    %swap3A_177 = arith.constant 96 : index
    %swap3A_178 = tpu.vector_load %arg14[%swap3A_176, %swap3A_177] {strides = array<i32>} : memref<16x128xbf16, #tpu.memory_space<vmem>>, vector<32xbf16>,
    tpu.vector_store %arg14[%swap3A_176, %swap3A_177], %broadcast_in_dim3A_3 {strides = array<i32>} : memref<16x128xbf16, #tpu.memory_space<vmem>>, vector<32xbf16>,
    %swap3A_179 = arith.constant 11 : i32
    %swap3A_180 = arith.index_cast %swap3A_179 : i32 to index
    %swap3A_181 = arith.constant 0 : index
    %swap3A_182 = tpu.vector_load %arg14[%swap3A_180, %swap3A_181] {strides = array<i32>} : memref<16x128xbf16, #tpu.memory_space<vmem>>, vector<32xbf16>,
    tpu.vector_store %arg14[%swap3A_180, %swap3A_181], %broadcast_in_dim3A_3 {strides = array<i32>} : memref<16x128xbf16, #tpu.memory_space<vmem>>, vector<32xbf16>,
    %swap3A_183 = arith.constant 11 : i32
    %swap3A_184 = arith.index_cast %swap3A_183 : i32 to index
    %swap3A_185 = arith.constant 32 : index
    %swap3A_186 = tpu.vector_load %arg14[%swap3A_184, %swap3A_185] {strides = array<i32>} : memref<16x128xbf16, #tpu.memory_space<vmem>>, vector<32xbf16>,
    tpu.vector_store %arg14[%swap3A_184, %swap3A_185], %broadcast_in_dim3A_3 {strides = array<i32>} : memref<16x128xbf16, #tpu.memory_space<vmem>>, vector<32xbf16>,
    %swap3A_187 = arith.constant 11 : i32
    %swap3A_188 = arith.index_cast %swap3A_187 : i32 to index
    %swap3A_189 = arith.constant 64 : index
    %swap3A_190 = tpu.vector_load %arg14[%swap3A_188, %swap3A_189] {strides = array<i32>} : memref<16x128xbf16, #tpu.memory_space<vmem>>, vector<32xbf16>,
    tpu.vector_store %arg14[%swap3A_188, %swap3A_189], %broadcast_in_dim3A_3 {strides = array<i32>} : memref<16x128xbf16, #tpu.memory_space<vmem>>, vector<32xbf16>,
    %swap3A_191 = arith.constant 11 : i32
    %swap3A_192 = arith.index_cast %swap3A_191 : i32 to index
    %swap3A_193 = arith.constant 96 : index
    %swap3A_194 = tpu.vector_load %arg14[%swap3A_192, %swap3A_193] {strides = array<i32>} : memref<16x128xbf16, #tpu.memory_space<vmem>>, vector<32xbf16>,
    tpu.vector_store %arg14[%swap3A_192, %swap3A_193], %broadcast_in_dim3A_3 {strides = array<i32>} : memref<16x128xbf16, #tpu.memory_space<vmem>>, vector<32xbf16>,
    %swap3A_195 = arith.constant 12 : i32
    %swap3A_196 = arith.index_cast %swap3A_195 : i32 to index
    %swap3A_197 = arith.constant 0 : index
    %swap3A_198 = tpu.vector_load %arg14[%swap3A_196, %swap3A_197] {strides = array<i32>} : memref<16x128xbf16, #tpu.memory_space<vmem>>, vector<32xbf16>,
    tpu.vector_store %arg14[%swap3A_196, %swap3A_197], %broadcast_in_dim3A_3 {strides = array<i32>} : memref<16x128xbf16, #tpu.memory_space<vmem>>, vector<32xbf16>,
    %swap3A_199 = arith.constant 12 : i32
    %swap3A_200 = arith.index_cast %swap3A_199 : i32 to index
    %swap3A_201 = arith.constant 32 : index
    %swap3A_202 = tpu.vector_load %arg14[%swap3A_200, %swap3A_201] {strides = array<i32>} : memref<16x128xbf16, #tpu.memory_space<vmem>>, vector<32xbf16>,
    tpu.vector_store %arg14[%swap3A_200, %swap3A_201], %broadcast_in_dim3A_3 {strides = array<i32>} : memref<16x128xbf16, #tpu.memory_space<vmem>>, vector<32xbf16>,
    %swap3A_203 = arith.constant 12 : i32
    %swap3A_204 = arith.index_cast %swap3A_203 : i32 to index
    %swap3A_205 = arith.constant 64 : index
    %swap3A_206 = tpu.vector_load %arg14[%swap3A_204, %swap3A_205] {strides = array<i32>} : memref<16x128xbf16, #tpu.memory_space<vmem>>, vector<32xbf16>,
    tpu.vector_store %arg14[%swap3A_204, %swap3A_205], %broadcast_in_dim3A_3 {strides = array<i32>} : memref<16x128xbf16, #tpu.memory_space<vmem>>, vector<32xbf16>,
    %swap3A_207 = arith.constant 12 : i32
    %swap3A_208 = arith.index_cast %swap3A_207 : i32 to index
    %swap3A_209 = arith.constant 96 : index
    %swap3A_210 = tpu.vector_load %arg14[%swap3A_208, %swap3A_209] {strides = array<i32>} : memref<16x128xbf16, #tpu.memory_space<vmem>>, vector<32xbf16>,
    tpu.vector_store %arg14[%swap3A_208, %swap3A_209], %broadcast_in_dim3A_3 {strides = array<i32>} : memref<16x128xbf16, #tpu.memory_space<vmem>>, vector<32xbf16>,
    %swap3A_211 = arith.constant 13 : i32
    %swap3A_212 = arith.index_cast %swap3A_211 : i32 to index
    %swap3A_213 = arith.constant 0 : index
    %swap3A_214 = tpu.vector_load %arg14[%swap3A_212, %swap3A_213] {strides = array<i32>} : memref<16x128xbf16, #tpu.memory_space<vmem>>, vector<32xbf16>,
    tpu.vector_store %arg14[%swap3A_212, %swap3A_213], %broadcast_in_dim3A_3 {strides = array<i32>} : memref<16x128xbf16, #tpu.memory_space<vmem>>, vector<32xbf16>,
    %swap3A_215 = arith.constant 13 : i32
    %swap3A_216 = arith.index_cast %swap3A_215 : i32 to index
    %swap3A_217 = arith.constant 32 : index
    %swap3A_218 = tpu.vector_load %arg14[%swap3A_216, %swap3A_217] {strides = array<i32>} : memref<16x128xbf16, #tpu.memory_space<vmem>>, vector<32xbf16>,
    tpu.vector_store %arg14[%swap3A_216, %swap3A_217], %broadcast_in_dim3A_3 {strides = array<i32>} : memref<16x128xbf16, #tpu.memory_space<vmem>>, vector<32xbf16>,
    %swap3A_219 = arith.constant 13 : i32
    %swap3A_220 = arith.index_cast %swap3A_219 : i32 to index
    %swap3A_221 = arith.constant 64 : index
    %swap3A_222 = tpu.vector_load %arg14[%swap3A_220, %swap3A_221] {strides = array<i32>} : memref<16x128xbf16, #tpu.memory_space<vmem>>, vector<32xbf16>,
    tpu.vector_store %arg14[%swap3A_220, %swap3A_221], %broadcast_in_dim3A_3 {strides = array<i32>} : memref<16x128xbf16, #tpu.memory_space<vmem>>, vector<32xbf16>,
    %swap3A_223 = arith.constant 13 : i32
    %swap3A_224 = arith.index_cast %swap3A_223 : i32 to index
    %swap3A_225 = arith.constant 96 : index
    %swap3A_226 = tpu.vector_load %arg14[%swap3A_224, %swap3A_225] {strides = array<i32>} : memref<16x128xbf16, #tpu.memory_space<vmem>>, vector<32xbf16>,
    tpu.vector_store %arg14[%swap3A_224, %swap3A_225], %broadcast_in_dim3A_3 {strides = array<i32>} : memref<16x128xbf16, #tpu.memory_space<vmem>>, vector<32xbf16>,
    %swap3A_227 = arith.constant 14 : i32
    %swap3A_228 = arith.index_cast %swap3A_227 : i32 to index
    %swap3A_229 = arith.constant 0 : index
    %swap3A_230 = tpu.vector_load %arg14[%swap3A_228, %swap3A_229] {strides = array<i32>} : memref<16x128xbf16, #tpu.memory_space<vmem>>, vector<32xbf16>,
    tpu.vector_store %arg14[%swap3A_228, %swap3A_229], %broadcast_in_dim3A_3 {strides = array<i32>} : memref<16x128xbf16, #tpu.memory_space<vmem>>, vector<32xbf16>,
    %swap3A_231 = arith.constant 14 : i32
    %swap3A_232 = arith.index_cast %swap3A_231 : i32 to index
    %swap3A_233 = arith.constant 32 : index
    %swap3A_234 = tpu.vector_load %arg14[%swap3A_232, %swap3A_233] {strides = array<i32>} : memref<16x128xbf16, #tpu.memory_space<vmem>>, vector<32xbf16>,
    tpu.vector_store %arg14[%swap3A_232, %swap3A_233], %broadcast_in_dim3A_3 {strides = array<i32>} : memref<16x128xbf16, #tpu.memory_space<vmem>>, vector<32xbf16>,
    %swap3A_235 = arith.constant 14 : i32
    %swap3A_236 = arith.index_cast %swap3A_235 : i32 to index
    %swap3A_237 = arith.constant 64 : index
    %swap3A_238 = tpu.vector_load %arg14[%swap3A_236, %swap3A_237] {strides = array<i32>} : memref<16x128xbf16, #tpu.memory_space<vmem>>, vector<32xbf16>,
    tpu.vector_store %arg14[%swap3A_236, %swap3A_237], %broadcast_in_dim3A_3 {strides = array<i32>} : memref<16x128xbf16, #tpu.memory_space<vmem>>, vector<32xbf16>,
    %swap3A_239 = arith.constant 14 : i32
    %swap3A_240 = arith.index_cast %swap3A_239 : i32 to index
    %swap3A_241 = arith.constant 96 : index
    %swap3A_242 = tpu.vector_load %arg14[%swap3A_240, %swap3A_241] {strides = array<i32>} : memref<16x128xbf16, #tpu.memory_space<vmem>>, vector<32xbf16>,
    tpu.vector_store %arg14[%swap3A_240, %swap3A_241], %broadcast_in_dim3A_3 {strides = array<i32>} : memref<16x128xbf16, #tpu.memory_space<vmem>>, vector<32xbf16>,
    %swap3A_243 = arith.constant 15 : i32
    %swap3A_244 = arith.index_cast %swap3A_243 : i32 to index
    %swap3A_245 = arith.constant 0 : index
    %swap3A_246 = tpu.vector_load %arg14[%swap3A_244, %swap3A_245] {strides = array<i32>} : memref<16x128xbf16, #tpu.memory_space<vmem>>, vector<32xbf16>,
    tpu.vector_store %arg14[%swap3A_244, %swap3A_245], %broadcast_in_dim3A_3 {strides = array<i32>} : memref<16x128xbf16, #tpu.memory_space<vmem>>, vector<32xbf16>,
    %swap3A_247 = arith.constant 15 : i32
    %swap3A_248 = arith.index_cast %swap3A_247 : i32 to index
    %swap3A_249 = arith.constant 32 : index
    %swap3A_250 = tpu.vector_load %arg14[%swap3A_248, %swap3A_249] {strides = array<i32>} : memref<16x128xbf16, #tpu.memory_space<vmem>>, vector<32xbf16>,
    tpu.vector_store %arg14[%swap3A_248, %swap3A_249], %broadcast_in_dim3A_3 {strides = array<i32>} : memref<16x128xbf16, #tpu.memory_space<vmem>>, vector<32xbf16>,
    %swap3A_251 = arith.constant 15 : i32
    %swap3A_252 = arith.index_cast %swap3A_251 : i32 to index
    %swap3A_253 = arith.constant 64 : index
    %swap3A_254 = tpu.vector_load %arg14[%swap3A_252, %swap3A_253] {strides = array<i32>} : memref<16x128xbf16, #tpu.memory_space<vmem>>, vector<32xbf16>,
    tpu.vector_store %arg14[%swap3A_252, %swap3A_253], %broadcast_in_dim3A_3 {strides = array<i32>} : memref<16x128xbf16, #tpu.memory_space<vmem>>, vector<32xbf16>,
    %swap3A_255 = arith.constant 15 : i32
    %swap3A_256 = arith.index_cast %swap3A_255 : i32 to index
    %swap3A_257 = arith.constant 96 : index
    %swap3A_258 = tpu.vector_load %arg14[%swap3A_256, %swap3A_257] {strides = array<i32>} : memref<16x128xbf16, #tpu.memory_space<vmem>>, vector<32xbf16>,
    tpu.vector_store %arg14[%swap3A_256, %swap3A_257], %broadcast_in_dim3A_3 {strides = array<i32>} : memref<16x128xbf16, #tpu.memory_space<vmem>>, vector<32xbf16>,
    %broadcast_in_dim3A_259 = arith.constant 0.000000e+00 : f32
    %broadcast_in_dim3A_260 = vector.broadcast %broadcast_in_dim3A_259 : f32 to vector<16xf32>
    %swap3A_261 = arith.constant 0 : index
    %swap3A_262 = tpu.vector_load %arg15[%swap3A_261] {strides = array<i32>} : memref<128xf32, #tpu.memory_space<vmem>>, vector<16xf32>,
    tpu.vector_store %arg15[%swap3A_261], %broadcast_in_dim3A_260 {strides = array<i32>} : memref<128xf32, #tpu.memory_space<vmem>>, vector<16xf32>,
    %swap3A_263 = arith.constant 16 : index
    %swap3A_264 = tpu.vector_load %arg15[%swap3A_263] {strides = array<i32>} : memref<128xf32, #tpu.memory_space<vmem>>, vector<16xf32>,
    tpu.vector_store %arg15[%swap3A_263], %broadcast_in_dim3A_260 {strides = array<i32>} : memref<128xf32, #tpu.memory_space<vmem>>, vector<16xf32>,
    %swap3A_265 = arith.constant 32 : index
    %swap3A_266 = tpu.vector_load %arg15[%swap3A_265] {strides = array<i32>} : memref<128xf32, #tpu.memory_space<vmem>>, vector<16xf32>,
    tpu.vector_store %arg15[%swap3A_265], %broadcast_in_dim3A_260 {strides = array<i32>} : memref<128xf32, #tpu.memory_space<vmem>>, vector<16xf32>,
    %swap3A_267 = arith.constant 48 : index
    %swap3A_268 = tpu.vector_load %arg15[%swap3A_267] {strides = array<i32>} : memref<128xf32, #tpu.memory_space<vmem>>, vector<16xf32>,
    tpu.vector_store %arg15[%swap3A_267], %broadcast_in_dim3A_260 {strides = array<i32>} : memref<128xf32, #tpu.memory_space<vmem>>, vector<16xf32>,
    %swap3A_269 = arith.constant 64 : index
    %swap3A_270 = tpu.vector_load %arg15[%swap3A_269] {strides = array<i32>} : memref<128xf32, #tpu.memory_space<vmem>>, vector<16xf32>,
    tpu.vector_store %arg15[%swap3A_269], %broadcast_in_dim3A_260 {strides = array<i32>} : memref<128xf32, #tpu.memory_space<vmem>>, vector<16xf32>,
    %swap3A_271 = arith.constant 80 : index
    %swap3A_272 = tpu.vector_load %arg15[%swap3A_271] {strides = array<i32>} : memref<128xf32, #tpu.memory_space<vmem>>, vector<16xf32>,
    tpu.vector_store %arg15[%swap3A_271], %broadcast_in_dim3A_260 {strides = array<i32>} : memref<128xf32, #tpu.memory_space<vmem>>, vector<16xf32>,
    %swap3A_273 = arith.constant 96 : index
    %swap3A_274 = tpu.vector_load %arg15[%swap3A_273] {strides = array<i32>} : memref<128xf32, #tpu.memory_space<vmem>>, vector<16xf32>,
    tpu.vector_store %arg15[%swap3A_273], %broadcast_in_dim3A_260 {strides = array<i32>} : memref<128xf32, #tpu.memory_space<vmem>>, vector<16xf32>,
    %swap3A_275 = arith.constant 112 : index
    %swap3A_276 = tpu.vector_load %arg15[%swap3A_275] {strides = array<i32>} : memref<128xf32, #tpu.memory_space<vmem>>, vector<16xf32>,
    tpu.vector_store %arg15[%swap3A_275], %broadcast_in_dim3A_260 {strides = array<i32>} : memref<128xf32, #tpu.memory_space<vmem>>, vector<16xf32>,
    %scan3A = arith.constant 0 : i32
    %scan3A_277 = arith.constant 0 : i32
    %scan3A_278 = arith.constant 40 : i32
    %scan3A_279 = arith.addi %scan3A_277, %scan3A_278 : i32
    %scan3A_280 = arith.constant 1 : i32
    scf.for %scan3A_409 = %scan3A_277 to %scan3A_279 step %scan3A_280  : i32 {
      %mul3A_410 = arith.constant 16 : i32
      %mul3A_411 = arith.muli %scan3A_409, %mul3A_410 : i32
      %add3A_412 = arith.addi %mul3A_2, %mul3A_411 : i32
      "tpu.region"() ({
        %run_scoped3A = tpu.sem_alloc : memref<!tpu.dma_semaphore, #tpu.memory_space<semaphore_mem>>
        %dma_start3A = arith.constant 0 : i32
        %dma_start3A_413 = tpu.memref_slice %arg16[%add3A_412, %dma_start3A] : memref<10240x128xbf16, #tpu.memory_space<vmem_shared>> -> memref<16x128xbf16, #tpu.memory_space<vmem_shared>>
        %dma_start3A_414 = arith.constant 0 : i32
        %dma_start3A_415 = tpu.memref_slice %arg16[%add3A_412, %dma_start3A_414] : memref<10240x128xbf16, #tpu.memory_space<vmem_shared>> -> memref<16x128xbf16, #tpu.memory_space<vmem_shared>>
        tpu.enqueue_dma source(%arg14 : memref<16x128xbf16, #tpu.memory_space<vmem>>) target(%dma_start3A_415 : memref<16x128xbf16, #tpu.memory_space<vmem_shared>>) target_semaphore(%run_scoped3A : memref<!tpu.dma_semaphore, #tpu.memory_space<semaphore_mem>>)
        %dma_wait3A = arith.constant 0 : i32
        %dma_wait3A_416 = tpu.memref_slice %arg16[%add3A_412, %dma_wait3A] : memref<10240x128xbf16, #tpu.memory_space<vmem_shared>> -> memref<16x128xbf16, #tpu.memory_space<vmem_shared>>
        %dma_wait3A_417 = arith.constant 0 : i32
        %dma_wait3A_418 = tpu.memref_slice %arg16[%add3A_412, %dma_wait3A_417] : memref<10240x128xbf16, #tpu.memory_space<vmem_shared>> -> memref<16x128xbf16, #tpu.memory_space<vmem_shared>>
        tpu.wait_dma2 semaphore(%run_scoped3A : memref<!tpu.dma_semaphore, #tpu.memory_space<semaphore_mem>>) src(%arg14 : memref<16x128xbf16, #tpu.memory_space<vmem>>) dst(%dma_wait3A_418 : memref<16x128xbf16, #tpu.memory_space<vmem_shared>>)
        tpu.yield
      }) : () -> ()
    }
    %scan3A_281 = arith.constant 40 : i32
    %scan3A_282 = arith.constant 0 : i32
    %scan3A_283 = arith.constant 0 : i32
    %scan3A_284 = arith.constant 5 : i32
    %scan3A_285 = arith.addi %scan3A_283, %scan3A_284 : i32
    %scan3A_286 = arith.constant 1 : i32
    scf.for %scan3A_409 = %scan3A_283 to %scan3A_285 step %scan3A_286  : i32 {
      %mul3A_410 = arith.constant 128 : i32
      %mul3A_411 = arith.muli %scan3A_409, %mul3A_410 : i32
      %add3A_412 = arith.addi %mul3A_2, %mul3A_411 : i32
      "tpu.region"() ({
        %run_scoped3A = tpu.sem_alloc : memref<!tpu.dma_semaphore, #tpu.memory_space<semaphore_mem>>
        %dma_start3A = tpu.memref_slice %arg17[%add3A_412] : memref<10240xf32, #tpu.memory_space<vmem_shared>> -> memref<128xf32, #tpu.memory_space<vmem_shared>>
        %dma_start3A_413 = tpu.memref_slice %arg17[%add3A_412] : memref<10240xf32, #tpu.memory_space<vmem_shared>> -> memref<128xf32, #tpu.memory_space<vmem_shared>>
        tpu.enqueue_dma source(%arg15 : memref<128xf32, #tpu.memory_space<vmem>>) target(%dma_start3A_413 : memref<128xf32, #tpu.memory_space<vmem_shared>>) target_semaphore(%run_scoped3A : memref<!tpu.dma_semaphore, #tpu.memory_space<semaphore_mem>>)
        %dma_wait3A = tpu.memref_slice %arg17[%add3A_412] : memref<10240xf32, #tpu.memory_space<vmem_shared>> -> memref<128xf32, #tpu.memory_space<vmem_shared>>
        %dma_wait3A_414 = tpu.memref_slice %arg17[%add3A_412] : memref<10240xf32, #tpu.memory_space<vmem_shared>> -> memref<128xf32, #tpu.memory_space<vmem_shared>>
        tpu.wait_dma2 semaphore(%run_scoped3A : memref<!tpu.dma_semaphore, #tpu.memory_space<semaphore_mem>>) src(%arg15 : memref<128xf32, #tpu.memory_space<vmem>>) dst(%dma_wait3A_414 : memref<128xf32, #tpu.memory_space<vmem_shared>>)
        tpu.yield
      }) : () -> ()
    }
    %scan3A_287 = arith.constant 5 : i32
    "tpu.region"() ({
      %run_scoped3A = tpu.sem_alloc : memref<!tpu.dma_semaphore, #tpu.memory_space<semaphore_mem>>
      tpu.enqueue_dma source(%arg3 : memref<2x10240xf32, #tpu.memory_space<hbm>>) target(%arg8 : memref<2x10240xf32, #tpu.memory_space<vmem>>) target_semaphore(%run_scoped3A : memref<!tpu.dma_semaphore, #tpu.memory_space<semaphore_mem>>)
      tpu.wait_dma2 semaphore(%run_scoped3A : memref<!tpu.dma_semaphore, #tpu.memory_space<semaphore_mem>>) src(%arg3 : memref<2x10240xf32, #tpu.memory_space<hbm>>) dst(%arg8 : memref<2x10240xf32, #tpu.memory_space<vmem>>)
      tpu.yield
    }) : () -> ()
    "tpu.region"() ({
      %run_scoped3A = tpu.sem_alloc : memref<!tpu.dma_semaphore, #tpu.memory_space<semaphore_mem>>
      %dma_start3A = arith.constant 0 : i32
      %dma_start3A_409 = arith.constant 0 : i32
      %dma_start3A_410 = tpu.memref_slice %arg4[%add3A, %dma_start3A, %dma_start3A_409] : memref<32x84x128xi32, #tpu.memory_space<hbm>> -> memref<1x84x128xi32, #tpu.memory_space<hbm>>
      %dma_start3A_411 = tpu.memref_squeeze %dma_start3A_410 : memref<1x84x128xi32, #tpu.memory_space<hbm>> -> memref<84x128xi32, #tpu.memory_space<hbm>>
      %dma_start3A_412 = arith.constant 0 : i32
      %dma_start3A_413 = arith.constant 0 : i32
      %dma_start3A_414 = tpu.memref_slice %arg4[%add3A, %dma_start3A_412, %dma_start3A_413] : memref<32x84x128xi32, #tpu.memory_space<hbm>> -> memref<1x84x128xi32, #tpu.memory_space<hbm>>
      %dma_start3A_415 = tpu.memref_squeeze %dma_start3A_414 : memref<1x84x128xi32, #tpu.memory_space<hbm>> -> memref<84x128xi32, #tpu.memory_space<hbm>>
      tpu.enqueue_dma source(%dma_start3A_415 : memref<84x128xi32, #tpu.memory_space<hbm>>) target(%arg9 : memref<84x128xi32, #tpu.memory_space<vmem>>) target_semaphore(%run_scoped3A : memref<!tpu.dma_semaphore, #tpu.memory_space<semaphore_mem>>)
      %dma_wait3A = arith.constant 0 : i32
      %dma_wait3A_416 = arith.constant 0 : i32
      %dma_wait3A_417 = tpu.memref_slice %arg4[%add3A, %dma_wait3A, %dma_wait3A_416] : memref<32x84x128xi32, #tpu.memory_space<hbm>> -> memref<1x84x128xi32, #tpu.memory_space<hbm>>
      %dma_wait3A_418 = tpu.memref_squeeze %dma_wait3A_417 : memref<1x84x128xi32, #tpu.memory_space<hbm>> -> memref<84x128xi32, #tpu.memory_space<hbm>>
      %dma_wait3A_419 = arith.constant 0 : i32
      %dma_wait3A_420 = arith.constant 0 : i32
      %dma_wait3A_421 = tpu.memref_slice %arg4[%add3A, %dma_wait3A_419, %dma_wait3A_420] : memref<32x84x128xi32, #tpu.memory_space<hbm>> -> memref<1x84x128xi32, #tpu.memory_space<hbm>>
      %dma_wait3A_422 = tpu.memref_squeeze %dma_wait3A_421 : memref<1x84x128xi32, #tpu.memory_space<hbm>> -> memref<84x128xi32, #tpu.memory_space<hbm>>
      tpu.wait_dma2 semaphore(%run_scoped3A : memref<!tpu.dma_semaphore, #tpu.memory_space<semaphore_mem>>) src(%dma_wait3A_422 : memref<84x128xi32, #tpu.memory_space<hbm>>) dst(%arg9 : memref<84x128xi32, #tpu.memory_space<vmem>>)
      tpu.yield
    }) : () -> ()
    "tpu.region"() ({
      %run_scoped3A = tpu.sem_alloc : memref<!tpu.dma_semaphore, #tpu.memory_space<semaphore_mem>>
      %dma_start3A = arith.constant 0 : i32
      %dma_start3A_409 = arith.constant 0 : i32
      %dma_start3A_410 = tpu.memref_slice %arg5[%add3A, %dma_start3A, %dma_start3A_409] : memref<32x84x128xi32, #tpu.memory_space<hbm>> -> memref<1x84x128xi32, #tpu.memory_space<hbm>>
      %dma_start3A_411 = tpu.memref_squeeze %dma_start3A_410 : memref<1x84x128xi32, #tpu.memory_space<hbm>> -> memref<84x128xi32, #tpu.memory_space<hbm>>
      %dma_start3A_412 = arith.constant 0 : i32
      %dma_start3A_413 = arith.constant 0 : i32
      %dma_start3A_414 = tpu.memref_slice %arg5[%add3A, %dma_start3A_412, %dma_start3A_413] : memref<32x84x128xi32, #tpu.memory_space<hbm>> -> memref<1x84x128xi32, #tpu.memory_space<hbm>>
      %dma_start3A_415 = tpu.memref_squeeze %dma_start3A_414 : memref<1x84x128xi32, #tpu.memory_space<hbm>> -> memref<84x128xi32, #tpu.memory_space<hbm>>
      tpu.enqueue_dma source(%dma_start3A_415 : memref<84x128xi32, #tpu.memory_space<hbm>>) target(%arg10 : memref<84x128xi32, #tpu.memory_space<vmem>>) target_semaphore(%run_scoped3A : memref<!tpu.dma_semaphore, #tpu.memory_space<semaphore_mem>>)
      %dma_wait3A = arith.constant 0 : i32
      %dma_wait3A_416 = arith.constant 0 : i32
      %dma_wait3A_417 = tpu.memref_slice %arg5[%add3A, %dma_wait3A, %dma_wait3A_416] : memref<32x84x128xi32, #tpu.memory_space<hbm>> -> memref<1x84x128xi32, #tpu.memory_space<hbm>>
      %dma_wait3A_418 = tpu.memref_squeeze %dma_wait3A_417 : memref<1x84x128xi32, #tpu.memory_space<hbm>> -> memref<84x128xi32, #tpu.memory_space<hbm>>
      %dma_wait3A_419 = arith.constant 0 : i32
      %dma_wait3A_420 = arith.constant 0 : i32
      %dma_wait3A_421 = tpu.memref_slice %arg5[%add3A, %dma_wait3A_419, %dma_wait3A_420] : memref<32x84x128xi32, #tpu.memory_space<hbm>> -> memref<1x84x128xi32, #tpu.memory_space<hbm>>
      %dma_wait3A_422 = tpu.memref_squeeze %dma_wait3A_421 : memref<1x84x128xi32, #tpu.memory_space<hbm>> -> memref<84x128xi32, #tpu.memory_space<hbm>>
      tpu.wait_dma2 semaphore(%run_scoped3A : memref<!tpu.dma_semaphore, #tpu.memory_space<semaphore_mem>>) src(%dma_wait3A_422 : memref<84x128xi32, #tpu.memory_space<hbm>>) dst(%arg10 : memref<84x128xi32, #tpu.memory_space<vmem>>)
      tpu.yield
    }) : () -> ()
    %broadcast_in_dim3A_288 = arith.constant -1.000000e+30 : f32
    %broadcast_in_dim3A_289 = vector.broadcast %broadcast_in_dim3A_288 : f32 to vector<16xf32>
    %broadcast_in_dim3A_290 = arith.constant -1.000000e+30 : f32
    %broadcast_in_dim3A_291 = vector.broadcast %broadcast_in_dim3A_290 : f32 to vector<16xf32>
    %scan3A_292 = arith.constant 0 : i32
    %scan3A_293 = arith.constant 640 : i32
    %scan3A_294 = arith.addi %scan3A_292, %scan3A_293 : i32
    %scan3A_295 = arith.constant 1 : i32
    %scan3A_296:2 = scf.for %scan3A_409 = %scan3A_292 to %scan3A_294 step %scan3A_295 iter_args(%scan3A_410 = %broadcast_in_dim3A_289, %scan3A_411 = %broadcast_in_dim3A_291) -> (vector<16xf32>, vector<16xf32>)  : i32 {
      %mul3A_412 = arith.constant 16 : i32
      %mul3A_413 = arith.muli %scan3A_409, %mul3A_412 : i32
      %get3A = arith.constant 0 : i32
      %get3A_414 = arith.index_cast %get3A : i32 to index
      %get3A_415 = arith.index_cast %mul3A_413 : i32 to index
      %get3A_416 = tpu.vector_load %arg8[%get3A_414, %get3A_415] {strides = array<i32>} : memref<2x10240xf32, #tpu.memory_space<vmem>>, vector<16xf32>,
      %max3A_417 = arith.maximumf %scan3A_410, %get3A_416 : vector<16xf32>
      %mul3A_418 = arith.constant 16 : i32
      %mul3A_419 = arith.muli %scan3A_409, %mul3A_418 : i32
      %get3A_420 = arith.constant 1 : i32
      %get3A_421 = arith.index_cast %get3A_420 : i32 to index
      %get3A_422 = arith.index_cast %mul3A_419 : i32 to index
      %get3A_423 = tpu.vector_load %arg8[%get3A_421, %get3A_422] {strides = array<i32>} : memref<2x10240xf32, #tpu.memory_space<vmem>>, vector<16xf32>,
      %max3A_424 = arith.maximumf %scan3A_411, %get3A_423 : vector<16xf32>
      scf.yield %max3A_417, %max3A_424 : vector<16xf32>, vector<16xf32>
    }
    %scan3A_297 = arith.constant 640 : i32
    %iota3A = tpu.iota {dimensions = array<i32: 0>} : vector<16xi32>
    %swap3A_298 = arith.constant 0 : i32
    %swap3A_299 = arith.index_cast %swap3A_298 : i32 to index
    %swap3A_300 = arith.constant 0 : index
    %swap3A_301 = tpu.vector_load %arg11[%swap3A_299, %swap3A_300] {strides = array<i32>} : memref<84x128xf32, #tpu.memory_space<vmem>>, vector<16xf32>,
    tpu.vector_store %arg11[%swap3A_299, %swap3A_300], %scan3A_296#0 {strides = array<i32>} : memref<84x128xf32, #tpu.memory_space<vmem>>, vector<16xf32>,
    %broadcast_in_dim3A_302 = arith.constant 0 : i32
    %broadcast_in_dim3A_303 = vector.broadcast %broadcast_in_dim3A_302 : i32 to vector<16xi32>
    %xor3A = arith.constant 8 : i32
    %xor3A_304 = vector.broadcast %xor3A : i32 to vector<16xi32>
    %xor3A_305 = arith.xori %iota3A, %xor3A_304 : vector<16xi32>
    %gather3A = tpu.vector_load_idx %arg11[%broadcast_in_dim3A_303, %xor3A_305] : memref<84x128xf32, #tpu.memory_space<vmem>>[vector<16xi32>, vector<16xi32>], vector<16xf32>,
    %max3A = arith.maximumf %scan3A_296#0, %gather3A : vector<16xf32>
    %swap3A_306 = arith.constant 0 : i32
    %swap3A_307 = arith.index_cast %swap3A_306 : i32 to index
    %swap3A_308 = arith.constant 0 : index
    %swap3A_309 = tpu.vector_load %arg11[%swap3A_307, %swap3A_308] {strides = array<i32>} : memref<84x128xf32, #tpu.memory_space<vmem>>, vector<16xf32>,
    tpu.vector_store %arg11[%swap3A_307, %swap3A_308], %max3A {strides = array<i32>} : memref<84x128xf32, #tpu.memory_space<vmem>>, vector<16xf32>,
    %broadcast_in_dim3A_310 = arith.constant 0 : i32
    %broadcast_in_dim3A_311 = vector.broadcast %broadcast_in_dim3A_310 : i32 to vector<16xi32>
    %xor3A_312 = arith.constant 4 : i32
    %xor3A_313 = vector.broadcast %xor3A_312 : i32 to vector<16xi32>
    %xor3A_314 = arith.xori %iota3A, %xor3A_313 : vector<16xi32>
    %gather3A_315 = tpu.vector_load_idx %arg11[%broadcast_in_dim3A_311, %xor3A_314] : memref<84x128xf32, #tpu.memory_space<vmem>>[vector<16xi32>, vector<16xi32>], vector<16xf32>,
    %max3A_316 = arith.maximumf %max3A, %gather3A_315 : vector<16xf32>
    %swap3A_317 = arith.constant 0 : i32
    %swap3A_318 = arith.index_cast %swap3A_317 : i32 to index
    %swap3A_319 = arith.constant 0 : index
    %swap3A_320 = tpu.vector_load %arg11[%swap3A_318, %swap3A_319] {strides = array<i32>} : memref<84x128xf32, #tpu.memory_space<vmem>>, vector<16xf32>,
    tpu.vector_store %arg11[%swap3A_318, %swap3A_319], %max3A_316 {strides = array<i32>} : memref<84x128xf32, #tpu.memory_space<vmem>>, vector<16xf32>,
    %broadcast_in_dim3A_321 = arith.constant 0 : i32
    %broadcast_in_dim3A_322 = vector.broadcast %broadcast_in_dim3A_321 : i32 to vector<16xi32>
    %xor3A_323 = arith.constant 2 : i32
    %xor3A_324 = vector.broadcast %xor3A_323 : i32 to vector<16xi32>
    %xor3A_325 = arith.xori %iota3A, %xor3A_324 : vector<16xi32>
    %gather3A_326 = tpu.vector_load_idx %arg11[%broadcast_in_dim3A_322, %xor3A_325] : memref<84x128xf32, #tpu.memory_space<vmem>>[vector<16xi32>, vector<16xi32>], vector<16xf32>,
    %max3A_327 = arith.maximumf %max3A_316, %gather3A_326 : vector<16xf32>
    %swap3A_328 = arith.constant 0 : i32
    %swap3A_329 = arith.index_cast %swap3A_328 : i32 to index
    %swap3A_330 = arith.constant 0 : index
    %swap3A_331 = tpu.vector_load %arg11[%swap3A_329, %swap3A_330] {strides = array<i32>} : memref<84x128xf32, #tpu.memory_space<vmem>>, vector<16xf32>,
    tpu.vector_store %arg11[%swap3A_329, %swap3A_330], %max3A_327 {strides = array<i32>} : memref<84x128xf32, #tpu.memory_space<vmem>>, vector<16xf32>,
    %broadcast_in_dim3A_332 = arith.constant 0 : i32
    %broadcast_in_dim3A_333 = vector.broadcast %broadcast_in_dim3A_332 : i32 to vector<16xi32>
    %xor3A_334 = arith.constant 1 : i32
    %xor3A_335 = vector.broadcast %xor3A_334 : i32 to vector<16xi32>
    %xor3A_336 = arith.xori %iota3A, %xor3A_335 : vector<16xi32>
    %gather3A_337 = tpu.vector_load_idx %arg11[%broadcast_in_dim3A_333, %xor3A_336] : memref<84x128xf32, #tpu.memory_space<vmem>>[vector<16xi32>, vector<16xi32>], vector<16xf32>,
    %max3A_338 = arith.maximumf %max3A_327, %gather3A_337 : vector<16xf32>
    %swap3A_339 = arith.constant 0 : i32
    %swap3A_340 = arith.index_cast %swap3A_339 : i32 to index
    %swap3A_341 = arith.constant 0 : index
    %swap3A_342 = tpu.vector_load %arg11[%swap3A_340, %swap3A_341] {strides = array<i32>} : memref<84x128xf32, #tpu.memory_space<vmem>>, vector<16xf32>,
    tpu.vector_store %arg11[%swap3A_340, %swap3A_341], %scan3A_296#1 {strides = array<i32>} : memref<84x128xf32, #tpu.memory_space<vmem>>, vector<16xf32>,
    %broadcast_in_dim3A_343 = arith.constant 0 : i32
    %broadcast_in_dim3A_344 = vector.broadcast %broadcast_in_dim3A_343 : i32 to vector<16xi32>
    %xor3A_345 = arith.constant 8 : i32
    %xor3A_346 = vector.broadcast %xor3A_345 : i32 to vector<16xi32>
    %xor3A_347 = arith.xori %iota3A, %xor3A_346 : vector<16xi32>
    %gather3A_348 = tpu.vector_load_idx %arg11[%broadcast_in_dim3A_344, %xor3A_347] : memref<84x128xf32, #tpu.memory_space<vmem>>[vector<16xi32>, vector<16xi32>], vector<16xf32>,
    %max3A_349 = arith.maximumf %scan3A_296#1, %gather3A_348 : vector<16xf32>
    %swap3A_350 = arith.constant 0 : i32
    %swap3A_351 = arith.index_cast %swap3A_350 : i32 to index
    %swap3A_352 = arith.constant 0 : index
    %swap3A_353 = tpu.vector_load %arg11[%swap3A_351, %swap3A_352] {strides = array<i32>} : memref<84x128xf32, #tpu.memory_space<vmem>>, vector<16xf32>,
    tpu.vector_store %arg11[%swap3A_351, %swap3A_352], %max3A_349 {strides = array<i32>} : memref<84x128xf32, #tpu.memory_space<vmem>>, vector<16xf32>,
    %broadcast_in_dim3A_354 = arith.constant 0 : i32
    %broadcast_in_dim3A_355 = vector.broadcast %broadcast_in_dim3A_354 : i32 to vector<16xi32>
    %xor3A_356 = arith.constant 4 : i32
    %xor3A_357 = vector.broadcast %xor3A_356 : i32 to vector<16xi32>
    %xor3A_358 = arith.xori %iota3A, %xor3A_357 : vector<16xi32>
    %gather3A_359 = tpu.vector_load_idx %arg11[%broadcast_in_dim3A_355, %xor3A_358] : memref<84x128xf32, #tpu.memory_space<vmem>>[vector<16xi32>, vector<16xi32>], vector<16xf32>,
    %max3A_360 = arith.maximumf %max3A_349, %gather3A_359 : vector<16xf32>
    %swap3A_361 = arith.constant 0 : i32
    %swap3A_362 = arith.index_cast %swap3A_361 : i32 to index
    %swap3A_363 = arith.constant 0 : index
    %swap3A_364 = tpu.vector_load %arg11[%swap3A_362, %swap3A_363] {strides = array<i32>} : memref<84x128xf32, #tpu.memory_space<vmem>>, vector<16xf32>,
    tpu.vector_store %arg11[%swap3A_362, %swap3A_363], %max3A_360 {strides = array<i32>} : memref<84x128xf32, #tpu.memory_space<vmem>>, vector<16xf32>,
    %broadcast_in_dim3A_365 = arith.constant 0 : i32
    %broadcast_in_dim3A_366 = vector.broadcast %broadcast_in_dim3A_365 : i32 to vector<16xi32>
    %xor3A_367 = arith.constant 2 : i32
    %xor3A_368 = vector.broadcast %xor3A_367 : i32 to vector<16xi32>
    %xor3A_369 = arith.xori %iota3A, %xor3A_368 : vector<16xi32>
    %gather3A_370 = tpu.vector_load_idx %arg11[%broadcast_in_dim3A_366, %xor3A_369] : memref<84x128xf32, #tpu.memory_space<vmem>>[vector<16xi32>, vector<16xi32>], vector<16xf32>,
    %max3A_371 = arith.maximumf %max3A_360, %gather3A_370 : vector<16xf32>
    %swap3A_372 = arith.constant 0 : i32
    %swap3A_373 = arith.index_cast %swap3A_372 : i32 to index
    %swap3A_374 = arith.constant 0 : index
    %swap3A_375 = tpu.vector_load %arg11[%swap3A_373, %swap3A_374] {strides = array<i32>} : memref<84x128xf32, #tpu.memory_space<vmem>>, vector<16xf32>,
    tpu.vector_store %arg11[%swap3A_373, %swap3A_374], %max3A_371 {strides = array<i32>} : memref<84x128xf32, #tpu.memory_space<vmem>>, vector<16xf32>,
    %broadcast_in_dim3A_376 = arith.constant 0 : i32
    %broadcast_in_dim3A_377 = vector.broadcast %broadcast_in_dim3A_376 : i32 to vector<16xi32>
    %xor3A_378 = arith.constant 1 : i32
    %xor3A_379 = vector.broadcast %xor3A_378 : i32 to vector<16xi32>
    %xor3A_380 = arith.xori %iota3A, %xor3A_379 : vector<16xi32>
    %gather3A_381 = tpu.vector_load_idx %arg11[%broadcast_in_dim3A_377, %xor3A_380] : memref<84x128xf32, #tpu.memory_space<vmem>>[vector<16xi32>, vector<16xi32>], vector<16xf32>,
    %max3A_382 = arith.maximumf %max3A_371, %gather3A_381 : vector<16xf32>
    %add3A_383 = arith.addf %max3A_338, %max3A_382 : vector<16xf32>
    %broadcast_in_dim3A_384 = arith.constant 0.000000e+00 : f32
    %broadcast_in_dim3A_385 = vector.broadcast %broadcast_in_dim3A_384 : f32 to vector<16xf32>
    %max3A_386 = arith.maximumf %add3A_383, %broadcast_in_dim3A_385 : vector<16xf32>
    %barrier3A = arith.constant 0 : index
    tpu.barrier barrier_id(%barrier3A)
    %broadcast_in_dim3A_387 = arith.constant 0 : i32
    %broadcast_in_dim3A_388 = vector.broadcast %broadcast_in_dim3A_387 : i32 to vector<16xi32>
    %broadcast_in_dim3A_389 = arith.constant 1 : i32
    %broadcast_in_dim3A_390 = vector.broadcast %broadcast_in_dim3A_389 : i32 to vector<16xi32>
    %scan3A_391 = arith.constant 0 : i32
    %scan3A_392 = arith.constant 0 : i32
    %scan3A_393 = arith.constant 42 : i32
    %scan3A_394 = arith.addi %scan3A_392, %scan3A_393 : i32
    %scan3A_395 = arith.constant 1 : i32
    scf.for %scan3A_409 = %scan3A_392 to %scan3A_394 step %scan3A_395  : i32 {
      %mul3A_410 = arith.constant 2 : i32
      %mul3A_411 = arith.muli %scan3A_409, %mul3A_410 : i32
      %add3A_412 = arith.constant 0 : i32
      %add3A_413 = arith.addi %mul3A_411, %add3A_412 : i32
      %get3A = arith.index_cast %add3A_413 : i32 to index
      %get3A_414 = arith.constant 0 : index
      %get3A_415 = tpu.vector_load %arg9[%get3A, %get3A_414] {strides = array<i32>} : memref<84x128xi32, #tpu.memory_space<vmem>>, vector<16xi32>,
      %get3A_416 = arith.index_cast %add3A_413 : i32 to index
      %get3A_417 = arith.constant 0 : index
      %get3A_418 = tpu.vector_load %arg10[%get3A_416, %get3A_417] {strides = array<i32>} : memref<84x128xi32, #tpu.memory_space<vmem>>, vector<16xi32>,
      %gather3A_419 = tpu.vector_load_idx %arg8[%broadcast_in_dim3A_388, %get3A_415] : memref<2x10240xf32, #tpu.memory_space<vmem>>[vector<16xi32>, vector<16xi32>], vector<16xf32>,
      %gather3A_420 = tpu.vector_load_idx %arg8[%broadcast_in_dim3A_390, %get3A_418] : memref<2x10240xf32, #tpu.memory_space<vmem>>[vector<16xi32>, vector<16xi32>], vector<16xf32>,
      %add3A_421 = arith.addf %gather3A_419, %gather3A_420 : vector<16xf32>
      %gt3A = arith.constant 0.000000e+00 : f32
      %gt3A_422 = vector.broadcast %gt3A : f32 to vector<16xf32>
      %gt3A_423 = arith.cmpf ogt, %add3A_421, %gt3A_422 : vector<16xf32>
      %mul3A_424 = arith.constant 2.000000e-01 : f32
      %mul3A_425 = vector.broadcast %mul3A_424 : f32 to vector<16xf32>
      %mul3A_426 = arith.mulf %add3A_421, %mul3A_425 : vector<16xf32>
      %select_n3A = arith.select %gt3A_423, %add3A_421, %mul3A_426 : vector<16xi1>, vector<16xf32>
      %sub3A = arith.subf %select_n3A, %max3A_386 : vector<16xf32>
      %exp3A = math.exp %sub3A : vector<16xf32>
      %swap3A_427 = arith.index_cast %add3A_413 : i32 to index
      %swap3A_428 = arith.constant 0 : index
      %swap3A_429 = tpu.vector_load %arg11[%swap3A_427, %swap3A_428] {strides = array<i32>} : memref<84x128xf32, #tpu.memory_space<vmem>>, vector<16xf32>,
      tpu.vector_store %arg11[%swap3A_427, %swap3A_428], %exp3A {strides = array<i32>} : memref<84x128xf32, #tpu.memory_space<vmem>>, vector<16xf32>,
      %get3A_430 = arith.index_cast %add3A_413 : i32 to index
      %get3A_431 = arith.constant 16 : index
      %get3A_432 = tpu.vector_load %arg9[%get3A_430, %get3A_431] {strides = array<i32>} : memref<84x128xi32, #tpu.memory_space<vmem>>, vector<16xi32>,
      %get3A_433 = arith.index_cast %add3A_413 : i32 to index
      %get3A_434 = arith.constant 16 : index
      %get3A_435 = tpu.vector_load %arg10[%get3A_433, %get3A_434] {strides = array<i32>} : memref<84x128xi32, #tpu.memory_space<vmem>>, vector<16xi32>,
      %gather3A_436 = tpu.vector_load_idx %arg8[%broadcast_in_dim3A_388, %get3A_432] : memref<2x10240xf32, #tpu.memory_space<vmem>>[vector<16xi32>, vector<16xi32>], vector<16xf32>,
      %gather3A_437 = tpu.vector_load_idx %arg8[%broadcast_in_dim3A_390, %get3A_435] : memref<2x10240xf32, #tpu.memory_space<vmem>>[vector<16xi32>, vector<16xi32>], vector<16xf32>,
      %add3A_438 = arith.addf %gather3A_436, %gather3A_437 : vector<16xf32>
      %gt3A_439 = arith.constant 0.000000e+00 : f32
      %gt3A_440 = vector.broadcast %gt3A_439 : f32 to vector<16xf32>
      %gt3A_441 = arith.cmpf ogt, %add3A_438, %gt3A_440 : vector<16xf32>
      %mul3A_442 = arith.constant 2.000000e-01 : f32
      %mul3A_443 = vector.broadcast %mul3A_442 : f32 to vector<16xf32>
      %mul3A_444 = arith.mulf %add3A_438, %mul3A_443 : vector<16xf32>
      %select_n3A_445 = arith.select %gt3A_441, %add3A_438, %mul3A_444 : vector<16xi1>, vector<16xf32>
      %sub3A_446 = arith.subf %select_n3A_445, %max3A_386 : vector<16xf32>
      %exp3A_447 = math.exp %sub3A_446 : vector<16xf32>
      %swap3A_448 = arith.index_cast %add3A_413 : i32 to index
      %swap3A_449 = arith.constant 16 : index
      %swap3A_450 = tpu.vector_load %arg11[%swap3A_448, %swap3A_449] {strides = array<i32>} : memref<84x128xf32, #tpu.memory_space<vmem>>, vector<16xf32>,
      tpu.vector_store %arg11[%swap3A_448, %swap3A_449], %exp3A_447 {strides = array<i32>} : memref<84x128xf32, #tpu.memory_space<vmem>>, vector<16xf32>,
      %get3A_451 = arith.index_cast %add3A_413 : i32 to index
      %get3A_452 = arith.constant 32 : index
      %get3A_453 = tpu.vector_load %arg9[%get3A_451, %get3A_452] {strides = array<i32>} : memref<84x128xi32, #tpu.memory_space<vmem>>, vector<16xi32>,
      %get3A_454 = arith.index_cast %add3A_413 : i32 to index
      %get3A_455 = arith.constant 32 : index
      %get3A_456 = tpu.vector_load %arg10[%get3A_454, %get3A_455] {strides = array<i32>} : memref<84x128xi32, #tpu.memory_space<vmem>>, vector<16xi32>,
      %gather3A_457 = tpu.vector_load_idx %arg8[%broadcast_in_dim3A_388, %get3A_453] : memref<2x10240xf32, #tpu.memory_space<vmem>>[vector<16xi32>, vector<16xi32>], vector<16xf32>,
      %gather3A_458 = tpu.vector_load_idx %arg8[%broadcast_in_dim3A_390, %get3A_456] : memref<2x10240xf32, #tpu.memory_space<vmem>>[vector<16xi32>, vector<16xi32>], vector<16xf32>,
      %add3A_459 = arith.addf %gather3A_457, %gather3A_458 : vector<16xf32>
      %gt3A_460 = arith.constant 0.000000e+00 : f32
      %gt3A_461 = vector.broadcast %gt3A_460 : f32 to vector<16xf32>
      %gt3A_462 = arith.cmpf ogt, %add3A_459, %gt3A_461 : vector<16xf32>
      %mul3A_463 = arith.constant 2.000000e-01 : f32
      %mul3A_464 = vector.broadcast %mul3A_463 : f32 to vector<16xf32>
      %mul3A_465 = arith.mulf %add3A_459, %mul3A_464 : vector<16xf32>
      %select_n3A_466 = arith.select %gt3A_462, %add3A_459, %mul3A_465 : vector<16xi1>, vector<16xf32>
      %sub3A_467 = arith.subf %select_n3A_466, %max3A_386 : vector<16xf32>
      %exp3A_468 = math.exp %sub3A_467 : vector<16xf32>
      %swap3A_469 = arith.index_cast %add3A_413 : i32 to index
      %swap3A_470 = arith.constant 32 : index
      %swap3A_471 = tpu.vector_load %arg11[%swap3A_469, %swap3A_470] {strides = array<i32>} : memref<84x128xf32, #tpu.memory_space<vmem>>, vector<16xf32>,
      tpu.vector_store %arg11[%swap3A_469, %swap3A_470], %exp3A_468 {strides = array<i32>} : memref<84x128xf32, #tpu.memory_space<vmem>>, vector<16xf32>,
      %get3A_472 = arith.index_cast %add3A_413 : i32 to index
      %get3A_473 = arith.constant 48 : index
      %get3A_474 = tpu.vector_load %arg9[%get3A_472, %get3A_473] {strides = array<i32>} : memref<84x128xi32, #tpu.memory_space<vmem>>, vector<16xi32>,
      %get3A_475 = arith.index_cast %add3A_413 : i32 to index
      %get3A_476 = arith.constant 48 : index
      %get3A_477 = tpu.vector_load %arg10[%get3A_475, %get3A_476] {strides = array<i32>} : memref<84x128xi32, #tpu.memory_space<vmem>>, vector<16xi32>,
      %gather3A_478 = tpu.vector_load_idx %arg8[%broadcast_in_dim3A_388, %get3A_474] : memref<2x10240xf32, #tpu.memory_space<vmem>>[vector<16xi32>, vector<16xi32>], vector<16xf32>,
      %gather3A_479 = tpu.vector_load_idx %arg8[%broadcast_in_dim3A_390, %get3A_477] : memref<2x10240xf32, #tpu.memory_space<vmem>>[vector<16xi32>, vector<16xi32>], vector<16xf32>,
      %add3A_480 = arith.addf %gather3A_478, %gather3A_479 : vector<16xf32>
      %gt3A_481 = arith.constant 0.000000e+00 : f32
      %gt3A_482 = vector.broadcast %gt3A_481 : f32 to vector<16xf32>
      %gt3A_483 = arith.cmpf ogt, %add3A_480, %gt3A_482 : vector<16xf32>
      %mul3A_484 = arith.constant 2.000000e-01 : f32
      %mul3A_485 = vector.broadcast %mul3A_484 : f32 to vector<16xf32>
      %mul3A_486 = arith.mulf %add3A_480, %mul3A_485 : vector<16xf32>
      %select_n3A_487 = arith.select %gt3A_483, %add3A_480, %mul3A_486 : vector<16xi1>, vector<16xf32>
      %sub3A_488 = arith.subf %select_n3A_487, %max3A_386 : vector<16xf32>
      %exp3A_489 = math.exp %sub3A_488 : vector<16xf32>
      %swap3A_490 = arith.index_cast %add3A_413 : i32 to index
      %swap3A_491 = arith.constant 48 : index
      %swap3A_492 = tpu.vector_load %arg11[%swap3A_490, %swap3A_491] {strides = array<i32>} : memref<84x128xf32, #tpu.memory_space<vmem>>, vector<16xf32>,
      tpu.vector_store %arg11[%swap3A_490, %swap3A_491], %exp3A_489 {strides = array<i32>} : memref<84x128xf32, #tpu.memory_space<vmem>>, vector<16xf32>,
      %get3A_493 = arith.index_cast %add3A_413 : i32 to index
      %get3A_494 = arith.constant 64 : index
      %get3A_495 = tpu.vector_load %arg9[%get3A_493, %get3A_494] {strides = array<i32>} : memref<84x128xi32, #tpu.memory_space<vmem>>, vector<16xi32>,
      %get3A_496 = arith.index_cast %add3A_413 : i32 to index
      %get3A_497 = arith.constant 64 : index
      %get3A_498 = tpu.vector_load %arg10[%get3A_496, %get3A_497] {strides = array<i32>} : memref<84x128xi32, #tpu.memory_space<vmem>>, vector<16xi32>,
      %gather3A_499 = tpu.vector_load_idx %arg8[%broadcast_in_dim3A_388, %get3A_495] : memref<2x10240xf32, #tpu.memory_space<vmem>>[vector<16xi32>, vector<16xi32>], vector<16xf32>,
      %gather3A_500 = tpu.vector_load_idx %arg8[%broadcast_in_dim3A_390, %get3A_498] : memref<2x10240xf32, #tpu.memory_space<vmem>>[vector<16xi32>, vector<16xi32>], vector<16xf32>,
      %add3A_501 = arith.addf %gather3A_499, %gather3A_500 : vector<16xf32>
      %gt3A_502 = arith.constant 0.000000e+00 : f32
      %gt3A_503 = vector.broadcast %gt3A_502 : f32 to vector<16xf32>
      %gt3A_504 = arith.cmpf ogt, %add3A_501, %gt3A_503 : vector<16xf32>
      %mul3A_505 = arith.constant 2.000000e-01 : f32
      %mul3A_506 = vector.broadcast %mul3A_505 : f32 to vector<16xf32>
      %mul3A_507 = arith.mulf %add3A_501, %mul3A_506 : vector<16xf32>
      %select_n3A_508 = arith.select %gt3A_504, %add3A_501, %mul3A_507 : vector<16xi1>, vector<16xf32>
      %sub3A_509 = arith.subf %select_n3A_508, %max3A_386 : vector<16xf32>
      %exp3A_510 = math.exp %sub3A_509 : vector<16xf32>
      %swap3A_511 = arith.index_cast %add3A_413 : i32 to index
      %swap3A_512 = arith.constant 64 : index
      %swap3A_513 = tpu.vector_load %arg11[%swap3A_511, %swap3A_512] {strides = array<i32>} : memref<84x128xf32, #tpu.memory_space<vmem>>, vector<16xf32>,
      tpu.vector_store %arg11[%swap3A_511, %swap3A_512], %exp3A_510 {strides = array<i32>} : memref<84x128xf32, #tpu.memory_space<vmem>>, vector<16xf32>,
      %get3A_514 = arith.index_cast %add3A_413 : i32 to index
      %get3A_515 = arith.constant 80 : index
      %get3A_516 = tpu.vector_load %arg9[%get3A_514, %get3A_515] {strides = array<i32>} : memref<84x128xi32, #tpu.memory_space<vmem>>, vector<16xi32>,
      %get3A_517 = arith.index_cast %add3A_413 : i32 to index
      %get3A_518 = arith.constant 80 : index
      %get3A_519 = tpu.vector_load %arg10[%get3A_517, %get3A_518] {strides = array<i32>} : memref<84x128xi32, #tpu.memory_space<vmem>>, vector<16xi32>,
      %gather3A_520 = tpu.vector_load_idx %arg8[%broadcast_in_dim3A_388, %get3A_516] : memref<2x10240xf32, #tpu.memory_space<vmem>>[vector<16xi32>, vector<16xi32>], vector<16xf32>,
      %gather3A_521 = tpu.vector_load_idx %arg8[%broadcast_in_dim3A_390, %get3A_519] : memref<2x10240xf32, #tpu.memory_space<vmem>>[vector<16xi32>, vector<16xi32>], vector<16xf32>,
      %add3A_522 = arith.addf %gather3A_520, %gather3A_521 : vector<16xf32>
      %gt3A_523 = arith.constant 0.000000e+00 : f32
      %gt3A_524 = vector.broadcast %gt3A_523 : f32 to vector<16xf32>
      %gt3A_525 = arith.cmpf ogt, %add3A_522, %gt3A_524 : vector<16xf32>
      %mul3A_526 = arith.constant 2.000000e-01 : f32
      %mul3A_527 = vector.broadcast %mul3A_526 : f32 to vector<16xf32>
      %mul3A_528 = arith.mulf %add3A_522, %mul3A_527 : vector<16xf32>
      %select_n3A_529 = arith.select %gt3A_525, %add3A_522, %mul3A_528 : vector<16xi1>, vector<16xf32>
      %sub3A_530 = arith.subf %select_n3A_529, %max3A_386 : vector<16xf32>
      %exp3A_531 = math.exp %sub3A_530 : vector<16xf32>
      %swap3A_532 = arith.index_cast %add3A_413 : i32 to index
      %swap3A_533 = arith.constant 80 : index
      %swap3A_534 = tpu.vector_load %arg11[%swap3A_532, %swap3A_533] {strides = array<i32>} : memref<84x128xf32, #tpu.memory_space<vmem>>, vector<16xf32>,
      tpu.vector_store %arg11[%swap3A_532, %swap3A_533], %exp3A_531 {strides = array<i32>} : memref<84x128xf32, #tpu.memory_space<vmem>>, vector<16xf32>,
      %get3A_535 = arith.index_cast %add3A_413 : i32 to index
      %get3A_536 = arith.constant 96 : index
      %get3A_537 = tpu.vector_load %arg9[%get3A_535, %get3A_536] {strides = array<i32>} : memref<84x128xi32, #tpu.memory_space<vmem>>, vector<16xi32>,
      %get3A_538 = arith.index_cast %add3A_413 : i32 to index
      %get3A_539 = arith.constant 96 : index
      %get3A_540 = tpu.vector_load %arg10[%get3A_538, %get3A_539] {strides = array<i32>} : memref<84x128xi32, #tpu.memory_space<vmem>>, vector<16xi32>,
      %gather3A_541 = tpu.vector_load_idx %arg8[%broadcast_in_dim3A_388, %get3A_537] : memref<2x10240xf32, #tpu.memory_space<vmem>>[vector<16xi32>, vector<16xi32>], vector<16xf32>,
      %gather3A_542 = tpu.vector_load_idx %arg8[%broadcast_in_dim3A_390, %get3A_540] : memref<2x10240xf32, #tpu.memory_space<vmem>>[vector<16xi32>, vector<16xi32>], vector<16xf32>,
      %add3A_543 = arith.addf %gather3A_541, %gather3A_542 : vector<16xf32>
      %gt3A_544 = arith.constant 0.000000e+00 : f32
      %gt3A_545 = vector.broadcast %gt3A_544 : f32 to vector<16xf32>
      %gt3A_546 = arith.cmpf ogt, %add3A_543, %gt3A_545 : vector<16xf32>
      %mul3A_547 = arith.constant 2.000000e-01 : f32
      %mul3A_548 = vector.broadcast %mul3A_547 : f32 to vector<16xf32>
      %mul3A_549 = arith.mulf %add3A_543, %mul3A_548 : vector<16xf32>
      %select_n3A_550 = arith.select %gt3A_546, %add3A_543, %mul3A_549 : vector<16xi1>, vector<16xf32>
      %sub3A_551 = arith.subf %select_n3A_550, %max3A_386 : vector<16xf32>
      %exp3A_552 = math.exp %sub3A_551 : vector<16xf32>
      %swap3A_553 = arith.index_cast %add3A_413 : i32 to index
      %swap3A_554 = arith.constant 96 : index
      %swap3A_555 = tpu.vector_load %arg11[%swap3A_553, %swap3A_554] {strides = array<i32>} : memref<84x128xf32, #tpu.memory_space<vmem>>, vector<16xf32>,
      tpu.vector_store %arg11[%swap3A_553, %swap3A_554], %exp3A_552 {strides = array<i32>} : memref<84x128xf32, #tpu.memory_space<vmem>>, vector<16xf32>,
      %get3A_556 = arith.index_cast %add3A_413 : i32 to index
      %get3A_557 = arith.constant 112 : index
      %get3A_558 = tpu.vector_load %arg9[%get3A_556, %get3A_557] {strides = array<i32>} : memref<84x128xi32, #tpu.memory_space<vmem>>, vector<16xi32>,
      %get3A_559 = arith.index_cast %add3A_413 : i32 to index
      %get3A_560 = arith.constant 112 : index
      %get3A_561 = tpu.vector_load %arg10[%get3A_559, %get3A_560] {strides = array<i32>} : memref<84x128xi32, #tpu.memory_space<vmem>>, vector<16xi32>,
      %gather3A_562 = tpu.vector_load_idx %arg8[%broadcast_in_dim3A_388, %get3A_558] : memref<2x10240xf32, #tpu.memory_space<vmem>>[vector<16xi32>, vector<16xi32>], vector<16xf32>,
      %gather3A_563 = tpu.vector_load_idx %arg8[%broadcast_in_dim3A_390, %get3A_561] : memref<2x10240xf32, #tpu.memory_space<vmem>>[vector<16xi32>, vector<16xi32>], vector<16xf32>,
      %add3A_564 = arith.addf %gather3A_562, %gather3A_563 : vector<16xf32>
      %gt3A_565 = arith.constant 0.000000e+00 : f32
      %gt3A_566 = vector.broadcast %gt3A_565 : f32 to vector<16xf32>
      %gt3A_567 = arith.cmpf ogt, %add3A_564, %gt3A_566 : vector<16xf32>
      %mul3A_568 = arith.constant 2.000000e-01 : f32
      %mul3A_569 = vector.broadcast %mul3A_568 : f32 to vector<16xf32>
      %mul3A_570 = arith.mulf %add3A_564, %mul3A_569 : vector<16xf32>
      %select_n3A_571 = arith.select %gt3A_567, %add3A_564, %mul3A_570 : vector<16xi1>, vector<16xf32>
      %sub3A_572 = arith.subf %select_n3A_571, %max3A_386 : vector<16xf32>
      %exp3A_573 = math.exp %sub3A_572 : vector<16xf32>
      %swap3A_574 = arith.index_cast %add3A_413 : i32 to index
      %swap3A_575 = arith.constant 112 : index
      %swap3A_576 = tpu.vector_load %arg11[%swap3A_574, %swap3A_575] {strides = array<i32>} : memref<84x128xf32, #tpu.memory_space<vmem>>, vector<16xf32>,
      tpu.vector_store %arg11[%swap3A_574, %swap3A_575], %exp3A_573 {strides = array<i32>} : memref<84x128xf32, #tpu.memory_space<vmem>>, vector<16xf32>,
      %add3A_577 = arith.constant 1 : i32
      %add3A_578 = arith.addi %mul3A_411, %add3A_577 : i32
      %get3A_579 = arith.index_cast %add3A_578 : i32 to index
      %get3A_580 = arith.constant 0 : index
      %get3A_581 = tpu.vector_load %arg9[%get3A_579, %get3A_580] {strides = array<i32>} : memref<84x128xi32, #tpu.memory_space<vmem>>, vector<16xi32>,
      %get3A_582 = arith.index_cast %add3A_578 : i32 to index
      %get3A_583 = arith.constant 0 : index
      %get3A_584 = tpu.vector_load %arg10[%get3A_582, %get3A_583] {strides = array<i32>} : memref<84x128xi32, #tpu.memory_space<vmem>>, vector<16xi32>,
      %gather3A_585 = tpu.vector_load_idx %arg8[%broadcast_in_dim3A_388, %get3A_581] : memref<2x10240xf32, #tpu.memory_space<vmem>>[vector<16xi32>, vector<16xi32>], vector<16xf32>,
      %gather3A_586 = tpu.vector_load_idx %arg8[%broadcast_in_dim3A_390, %get3A_584] : memref<2x10240xf32, #tpu.memory_space<vmem>>[vector<16xi32>, vector<16xi32>], vector<16xf32>,
      %add3A_587 = arith.addf %gather3A_585, %gather3A_586 : vector<16xf32>
      %gt3A_588 = arith.constant 0.000000e+00 : f32
      %gt3A_589 = vector.broadcast %gt3A_588 : f32 to vector<16xf32>
      %gt3A_590 = arith.cmpf ogt, %add3A_587, %gt3A_589 : vector<16xf32>
      %mul3A_591 = arith.constant 2.000000e-01 : f32
      %mul3A_592 = vector.broadcast %mul3A_591 : f32 to vector<16xf32>
      %mul3A_593 = arith.mulf %add3A_587, %mul3A_592 : vector<16xf32>
      %select_n3A_594 = arith.select %gt3A_590, %add3A_587, %mul3A_593 : vector<16xi1>, vector<16xf32>
      %sub3A_595 = arith.subf %select_n3A_594, %max3A_386 : vector<16xf32>
      %exp3A_596 = math.exp %sub3A_595 : vector<16xf32>
      %swap3A_597 = arith.index_cast %add3A_578 : i32 to index
      %swap3A_598 = arith.constant 0 : index
      %swap3A_599 = tpu.vector_load %arg11[%swap3A_597, %swap3A_598] {strides = array<i32>} : memref<84x128xf32, #tpu.memory_space<vmem>>, vector<16xf32>,
      tpu.vector_store %arg11[%swap3A_597, %swap3A_598], %exp3A_596 {strides = array<i32>} : memref<84x128xf32, #tpu.memory_space<vmem>>, vector<16xf32>,
      %get3A_600 = arith.index_cast %add3A_578 : i32 to index
      %get3A_601 = arith.constant 16 : index
      %get3A_602 = tpu.vector_load %arg9[%get3A_600, %get3A_601] {strides = array<i32>} : memref<84x128xi32, #tpu.memory_space<vmem>>, vector<16xi32>,
      %get3A_603 = arith.index_cast %add3A_578 : i32 to index
      %get3A_604 = arith.constant 16 : index
      %get3A_605 = tpu.vector_load %arg10[%get3A_603, %get3A_604] {strides = array<i32>} : memref<84x128xi32, #tpu.memory_space<vmem>>, vector<16xi32>,
      %gather3A_606 = tpu.vector_load_idx %arg8[%broadcast_in_dim3A_388, %get3A_602] : memref<2x10240xf32, #tpu.memory_space<vmem>>[vector<16xi32>, vector<16xi32>], vector<16xf32>,
      %gather3A_607 = tpu.vector_load_idx %arg8[%broadcast_in_dim3A_390, %get3A_605] : memref<2x10240xf32, #tpu.memory_space<vmem>>[vector<16xi32>, vector<16xi32>], vector<16xf32>,
      %add3A_608 = arith.addf %gather3A_606, %gather3A_607 : vector<16xf32>
      %gt3A_609 = arith.constant 0.000000e+00 : f32
      %gt3A_610 = vector.broadcast %gt3A_609 : f32 to vector<16xf32>
      %gt3A_611 = arith.cmpf ogt, %add3A_608, %gt3A_610 : vector<16xf32>
      %mul3A_612 = arith.constant 2.000000e-01 : f32
      %mul3A_613 = vector.broadcast %mul3A_612 : f32 to vector<16xf32>
      %mul3A_614 = arith.mulf %add3A_608, %mul3A_613 : vector<16xf32>
      %select_n3A_615 = arith.select %gt3A_611, %add3A_608, %mul3A_614 : vector<16xi1>, vector<16xf32>
      %sub3A_616 = arith.subf %select_n3A_615, %max3A_386 : vector<16xf32>
      %exp3A_617 = math.exp %sub3A_616 : vector<16xf32>
      %swap3A_618 = arith.index_cast %add3A_578 : i32 to index
      %swap3A_619 = arith.constant 16 : index
      %swap3A_620 = tpu.vector_load %arg11[%swap3A_618, %swap3A_619] {strides = array<i32>} : memref<84x128xf32, #tpu.memory_space<vmem>>, vector<16xf32>,
      tpu.vector_store %arg11[%swap3A_618, %swap3A_619], %exp3A_617 {strides = array<i32>} : memref<84x128xf32, #tpu.memory_space<vmem>>, vector<16xf32>,
      %get3A_621 = arith.index_cast %add3A_578 : i32 to index
      %get3A_622 = arith.constant 32 : index
      %get3A_623 = tpu.vector_load %arg9[%get3A_621, %get3A_622] {strides = array<i32>} : memref<84x128xi32, #tpu.memory_space<vmem>>, vector<16xi32>,
      %get3A_624 = arith.index_cast %add3A_578 : i32 to index
      %get3A_625 = arith.constant 32 : index
      %get3A_626 = tpu.vector_load %arg10[%get3A_624, %get3A_625] {strides = array<i32>} : memref<84x128xi32, #tpu.memory_space<vmem>>, vector<16xi32>,
      %gather3A_627 = tpu.vector_load_idx %arg8[%broadcast_in_dim3A_388, %get3A_623] : memref<2x10240xf32, #tpu.memory_space<vmem>>[vector<16xi32>, vector<16xi32>], vector<16xf32>,
      %gather3A_628 = tpu.vector_load_idx %arg8[%broadcast_in_dim3A_390, %get3A_626] : memref<2x10240xf32, #tpu.memory_space<vmem>>[vector<16xi32>, vector<16xi32>], vector<16xf32>,
      %add3A_629 = arith.addf %gather3A_627, %gather3A_628 : vector<16xf32>
      %gt3A_630 = arith.constant 0.000000e+00 : f32
      %gt3A_631 = vector.broadcast %gt3A_630 : f32 to vector<16xf32>
      %gt3A_632 = arith.cmpf ogt, %add3A_629, %gt3A_631 : vector<16xf32>
      %mul3A_633 = arith.constant 2.000000e-01 : f32
      %mul3A_634 = vector.broadcast %mul3A_633 : f32 to vector<16xf32>
      %mul3A_635 = arith.mulf %add3A_629, %mul3A_634 : vector<16xf32>
      %select_n3A_636 = arith.select %gt3A_632, %add3A_629, %mul3A_635 : vector<16xi1>, vector<16xf32>
      %sub3A_637 = arith.subf %select_n3A_636, %max3A_386 : vector<16xf32>
      %exp3A_638 = math.exp %sub3A_637 : vector<16xf32>
      %swap3A_639 = arith.index_cast %add3A_578 : i32 to index
      %swap3A_640 = arith.constant 32 : index
      %swap3A_641 = tpu.vector_load %arg11[%swap3A_639, %swap3A_640] {strides = array<i32>} : memref<84x128xf32, #tpu.memory_space<vmem>>, vector<16xf32>,
      tpu.vector_store %arg11[%swap3A_639, %swap3A_640], %exp3A_638 {strides = array<i32>} : memref<84x128xf32, #tpu.memory_space<vmem>>, vector<16xf32>,
      %get3A_642 = arith.index_cast %add3A_578 : i32 to index
      %get3A_643 = arith.constant 48 : index
      %get3A_644 = tpu.vector_load %arg9[%get3A_642, %get3A_643] {strides = array<i32>} : memref<84x128xi32, #tpu.memory_space<vmem>>, vector<16xi32>,
      %get3A_645 = arith.index_cast %add3A_578 : i32 to index
      %get3A_646 = arith.constant 48 : index
      %get3A_647 = tpu.vector_load %arg10[%get3A_645, %get3A_646] {strides = array<i32>} : memref<84x128xi32, #tpu.memory_space<vmem>>, vector<16xi32>,
      %gather3A_648 = tpu.vector_load_idx %arg8[%broadcast_in_dim3A_388, %get3A_644] : memref<2x10240xf32, #tpu.memory_space<vmem>>[vector<16xi32>, vector<16xi32>], vector<16xf32>,
      %gather3A_649 = tpu.vector_load_idx %arg8[%broadcast_in_dim3A_390, %get3A_647] : memref<2x10240xf32, #tpu.memory_space<vmem>>[vector<16xi32>, vector<16xi32>], vector<16xf32>,
      %add3A_650 = arith.addf %gather3A_648, %gather3A_649 : vector<16xf32>
      %gt3A_651 = arith.constant 0.000000e+00 : f32
      %gt3A_652 = vector.broadcast %gt3A_651 : f32 to vector<16xf32>
      %gt3A_653 = arith.cmpf ogt, %add3A_650, %gt3A_652 : vector<16xf32>
      %mul3A_654 = arith.constant 2.000000e-01 : f32
      %mul3A_655 = vector.broadcast %mul3A_654 : f32 to vector<16xf32>
      %mul3A_656 = arith.mulf %add3A_650, %mul3A_655 : vector<16xf32>
      %select_n3A_657 = arith.select %gt3A_653, %add3A_650, %mul3A_656 : vector<16xi1>, vector<16xf32>
      %sub3A_658 = arith.subf %select_n3A_657, %max3A_386 : vector<16xf32>
      %exp3A_659 = math.exp %sub3A_658 : vector<16xf32>
      %swap3A_660 = arith.index_cast %add3A_578 : i32 to index
      %swap3A_661 = arith.constant 48 : index
      %swap3A_662 = tpu.vector_load %arg11[%swap3A_660, %swap3A_661] {strides = array<i32>} : memref<84x128xf32, #tpu.memory_space<vmem>>, vector<16xf32>,
      tpu.vector_store %arg11[%swap3A_660, %swap3A_661], %exp3A_659 {strides = array<i32>} : memref<84x128xf32, #tpu.memory_space<vmem>>, vector<16xf32>,
      %get3A_663 = arith.index_cast %add3A_578 : i32 to index
      %get3A_664 = arith.constant 64 : index
      %get3A_665 = tpu.vector_load %arg9[%get3A_663, %get3A_664] {strides = array<i32>} : memref<84x128xi32, #tpu.memory_space<vmem>>, vector<16xi32>,
      %get3A_666 = arith.index_cast %add3A_578 : i32 to index
      %get3A_667 = arith.constant 64 : index
      %get3A_668 = tpu.vector_load %arg10[%get3A_666, %get3A_667] {strides = array<i32>} : memref<84x128xi32, #tpu.memory_space<vmem>>, vector<16xi32>,
      %gather3A_669 = tpu.vector_load_idx %arg8[%broadcast_in_dim3A_388, %get3A_665] : memref<2x10240xf32, #tpu.memory_space<vmem>>[vector<16xi32>, vector<16xi32>], vector<16xf32>,
      %gather3A_670 = tpu.vector_load_idx %arg8[%broadcast_in_dim3A_390, %get3A_668] : memref<2x10240xf32, #tpu.memory_space<vmem>>[vector<16xi32>, vector<16xi32>], vector<16xf32>,
      %add3A_671 = arith.addf %gather3A_669, %gather3A_670 : vector<16xf32>
      %gt3A_672 = arith.constant 0.000000e+00 : f32
      %gt3A_673 = vector.broadcast %gt3A_672 : f32 to vector<16xf32>
      %gt3A_674 = arith.cmpf ogt, %add3A_671, %gt3A_673 : vector<16xf32>
      %mul3A_675 = arith.constant 2.000000e-01 : f32
      %mul3A_676 = vector.broadcast %mul3A_675 : f32 to vector<16xf32>
      %mul3A_677 = arith.mulf %add3A_671, %mul3A_676 : vector<16xf32>
      %select_n3A_678 = arith.select %gt3A_674, %add3A_671, %mul3A_677 : vector<16xi1>, vector<16xf32>
      %sub3A_679 = arith.subf %select_n3A_678, %max3A_386 : vector<16xf32>
      %exp3A_680 = math.exp %sub3A_679 : vector<16xf32>
      %swap3A_681 = arith.index_cast %add3A_578 : i32 to index
      %swap3A_682 = arith.constant 64 : index
      %swap3A_683 = tpu.vector_load %arg11[%swap3A_681, %swap3A_682] {strides = array<i32>} : memref<84x128xf32, #tpu.memory_space<vmem>>, vector<16xf32>,
      tpu.vector_store %arg11[%swap3A_681, %swap3A_682], %exp3A_680 {strides = array<i32>} : memref<84x128xf32, #tpu.memory_space<vmem>>, vector<16xf32>,
      %get3A_684 = arith.index_cast %add3A_578 : i32 to index
      %get3A_685 = arith.constant 80 : index
      %get3A_686 = tpu.vector_load %arg9[%get3A_684, %get3A_685] {strides = array<i32>} : memref<84x128xi32, #tpu.memory_space<vmem>>, vector<16xi32>,
      %get3A_687 = arith.index_cast %add3A_578 : i32 to index
      %get3A_688 = arith.constant 80 : index
      %get3A_689 = tpu.vector_load %arg10[%get3A_687, %get3A_688] {strides = array<i32>} : memref<84x128xi32, #tpu.memory_space<vmem>>, vector<16xi32>,
      %gather3A_690 = tpu.vector_load_idx %arg8[%broadcast_in_dim3A_388, %get3A_686] : memref<2x10240xf32, #tpu.memory_space<vmem>>[vector<16xi32>, vector<16xi32>], vector<16xf32>,
      %gather3A_691 = tpu.vector_load_idx %arg8[%broadcast_in_dim3A_390, %get3A_689] : memref<2x10240xf32, #tpu.memory_space<vmem>>[vector<16xi32>, vector<16xi32>], vector<16xf32>,
      %add3A_692 = arith.addf %gather3A_690, %gather3A_691 : vector<16xf32>
      %gt3A_693 = arith.constant 0.000000e+00 : f32
      %gt3A_694 = vector.broadcast %gt3A_693 : f32 to vector<16xf32>
      %gt3A_695 = arith.cmpf ogt, %add3A_692, %gt3A_694 : vector<16xf32>
      %mul3A_696 = arith.constant 2.000000e-01 : f32
      %mul3A_697 = vector.broadcast %mul3A_696 : f32 to vector<16xf32>
      %mul3A_698 = arith.mulf %add3A_692, %mul3A_697 : vector<16xf32>
      %select_n3A_699 = arith.select %gt3A_695, %add3A_692, %mul3A_698 : vector<16xi1>, vector<16xf32>
      %sub3A_700 = arith.subf %select_n3A_699, %max3A_386 : vector<16xf32>
      %exp3A_701 = math.exp %sub3A_700 : vector<16xf32>
      %swap3A_702 = arith.index_cast %add3A_578 : i32 to index
      %swap3A_703 = arith.constant 80 : index
      %swap3A_704 = tpu.vector_load %arg11[%swap3A_702, %swap3A_703] {strides = array<i32>} : memref<84x128xf32, #tpu.memory_space<vmem>>, vector<16xf32>,
      tpu.vector_store %arg11[%swap3A_702, %swap3A_703], %exp3A_701 {strides = array<i32>} : memref<84x128xf32, #tpu.memory_space<vmem>>, vector<16xf32>,
      %get3A_705 = arith.index_cast %add3A_578 : i32 to index
      %get3A_706 = arith.constant 96 : index
      %get3A_707 = tpu.vector_load %arg9[%get3A_705, %get3A_706] {strides = array<i32>} : memref<84x128xi32, #tpu.memory_space<vmem>>, vector<16xi32>,
      %get3A_708 = arith.index_cast %add3A_578 : i32 to index
      %get3A_709 = arith.constant 96 : index
      %get3A_710 = tpu.vector_load %arg10[%get3A_708, %get3A_709] {strides = array<i32>} : memref<84x128xi32, #tpu.memory_space<vmem>>, vector<16xi32>,
      %gather3A_711 = tpu.vector_load_idx %arg8[%broadcast_in_dim3A_388, %get3A_707] : memref<2x10240xf32, #tpu.memory_space<vmem>>[vector<16xi32>, vector<16xi32>], vector<16xf32>,
      %gather3A_712 = tpu.vector_load_idx %arg8[%broadcast_in_dim3A_390, %get3A_710] : memref<2x10240xf32, #tpu.memory_space<vmem>>[vector<16xi32>, vector<16xi32>], vector<16xf32>,
      %add3A_713 = arith.addf %gather3A_711, %gather3A_712 : vector<16xf32>
      %gt3A_714 = arith.constant 0.000000e+00 : f32
      %gt3A_715 = vector.broadcast %gt3A_714 : f32 to vector<16xf32>
      %gt3A_716 = arith.cmpf ogt, %add3A_713, %gt3A_715 : vector<16xf32>
      %mul3A_717 = arith.constant 2.000000e-01 : f32
      %mul3A_718 = vector.broadcast %mul3A_717 : f32 to vector<16xf32>
      %mul3A_719 = arith.mulf %add3A_713, %mul3A_718 : vector<16xf32>
      %select_n3A_720 = arith.select %gt3A_716, %add3A_713, %mul3A_719 : vector<16xi1>, vector<16xf32>
      %sub3A_721 = arith.subf %select_n3A_720, %max3A_386 : vector<16xf32>
      %exp3A_722 = math.exp %sub3A_721 : vector<16xf32>
      %swap3A_723 = arith.index_cast %add3A_578 : i32 to index
      %swap3A_724 = arith.constant 96 : index
      %swap3A_725 = tpu.vector_load %arg11[%swap3A_723, %swap3A_724] {strides = array<i32>} : memref<84x128xf32, #tpu.memory_space<vmem>>, vector<16xf32>,
      tpu.vector_store %arg11[%swap3A_723, %swap3A_724], %exp3A_722 {strides = array<i32>} : memref<84x128xf32, #tpu.memory_space<vmem>>, vector<16xf32>,
      %get3A_726 = arith.index_cast %add3A_578 : i32 to index
      %get3A_727 = arith.constant 112 : index
      %get3A_728 = tpu.vector_load %arg9[%get3A_726, %get3A_727] {strides = array<i32>} : memref<84x128xi32, #tpu.memory_space<vmem>>, vector<16xi32>,
      %get3A_729 = arith.index_cast %add3A_578 : i32 to index
      %get3A_730 = arith.constant 112 : index
      %get3A_731 = tpu.vector_load %arg10[%get3A_729, %get3A_730] {strides = array<i32>} : memref<84x128xi32, #tpu.memory_space<vmem>>, vector<16xi32>,
      %gather3A_732 = tpu.vector_load_idx %arg8[%broadcast_in_dim3A_388, %get3A_728] : memref<2x10240xf32, #tpu.memory_space<vmem>>[vector<16xi32>, vector<16xi32>], vector<16xf32>,
      %gather3A_733 = tpu.vector_load_idx %arg8[%broadcast_in_dim3A_390, %get3A_731] : memref<2x10240xf32, #tpu.memory_space<vmem>>[vector<16xi32>, vector<16xi32>], vector<16xf32>,
      %add3A_734 = arith.addf %gather3A_732, %gather3A_733 : vector<16xf32>
      %gt3A_735 = arith.constant 0.000000e+00 : f32
      %gt3A_736 = vector.broadcast %gt3A_735 : f32 to vector<16xf32>
      %gt3A_737 = arith.cmpf ogt, %add3A_734, %gt3A_736 : vector<16xf32>
      %mul3A_738 = arith.constant 2.000000e-01 : f32
      %mul3A_739 = vector.broadcast %mul3A_738 : f32 to vector<16xf32>
      %mul3A_740 = arith.mulf %add3A_734, %mul3A_739 : vector<16xf32>
      %select_n3A_741 = arith.select %gt3A_737, %add3A_734, %mul3A_740 : vector<16xi1>, vector<16xf32>
      %sub3A_742 = arith.subf %select_n3A_741, %max3A_386 : vector<16xf32>
      %exp3A_743 = math.exp %sub3A_742 : vector<16xf32>
      %swap3A_744 = arith.index_cast %add3A_578 : i32 to index
      %swap3A_745 = arith.constant 112 : index
      %swap3A_746 = tpu.vector_load %arg11[%swap3A_744, %swap3A_745] {strides = array<i32>} : memref<84x128xf32, #tpu.memory_space<vmem>>, vector<16xf32>,
      tpu.vector_store %arg11[%swap3A_744, %swap3A_745], %exp3A_743 {strides = array<i32>} : memref<84x128xf32, #tpu.memory_space<vmem>>, vector<16xf32>,
      %add3A_747 = arith.constant 0 : i32
      %add3A_748 = arith.addi %mul3A_411, %add3A_747 : i32
      %add3A_749 = arith.constant 0 : i32
      %add3A_750 = arith.addi %mul3A_411, %add3A_749 : i32
      %dma_start3A = arith.constant 0 : i32
      %dma_start3A_751 = tpu.memref_slice %arg11[%add3A_748, %dma_start3A] : memref<84x128xf32, #tpu.memory_space<vmem>> -> memref<1x128xf32, #tpu.memory_space<vmem>>
      %dma_start3A_752 = tpu.memref_squeeze %dma_start3A_751 : memref<1x128xf32, #tpu.memory_space<vmem>> -> memref<128xf32, #tpu.memory_space<vmem>>
      %dma_start3A_753 = arith.constant 0 : i32
      %dma_start3A_754 = tpu.memref_slice %arg10[%add3A_750, %dma_start3A_753] : memref<84x128xi32, #tpu.memory_space<vmem>> -> memref<1x128xi32, #tpu.memory_space<vmem>>
      %dma_start3A_755 = tpu.memref_squeeze %dma_start3A_754 : memref<1x128xi32, #tpu.memory_space<vmem>> -> memref<128xi32, #tpu.memory_space<vmem>>
      %dma_start3A_756 = arith.constant 0 : i32
      %dma_start3A_757 = tpu.memref_slice %arg17[%dma_start3A_756] : memref<10240xf32, #tpu.memory_space<vmem_shared>> -> memref<10240xf32, #tpu.memory_space<vmem_shared>>
      tpu.enqueue_indirect_dma source(%dma_start3A_752 : memref<128xf32, #tpu.memory_space<vmem>>) target(%dma_start3A_757 : memref<10240xf32, #tpu.memory_space<vmem_shared>>) offsets(%dma_start3A_755 : memref<128xi32, #tpu.memory_space<vmem>>) semaphore(%arg18 : memref<!tpu.dma_semaphore, #tpu.memory_space<semaphore_mem>>) {add = true}
      %add3A_758 = arith.constant 1 : i32
      %add3A_759 = arith.addi %mul3A_411, %add3A_758 : i32
      %add3A_760 = arith.constant 1 : i32
      %add3A_761 = arith.addi %mul3A_411, %add3A_760 : i32
      %dma_start3A_762 = arith.constant 0 : i32
      %dma_start3A_763 = tpu.memref_slice %arg11[%add3A_759, %dma_start3A_762] : memref<84x128xf32, #tpu.memory_space<vmem>> -> memref<1x128xf32, #tpu.memory_space<vmem>>
      %dma_start3A_764 = tpu.memref_squeeze %dma_start3A_763 : memref<1x128xf32, #tpu.memory_space<vmem>> -> memref<128xf32, #tpu.memory_space<vmem>>
      %dma_start3A_765 = arith.constant 0 : i32
      %dma_start3A_766 = tpu.memref_slice %arg10[%add3A_761, %dma_start3A_765] : memref<84x128xi32, #tpu.memory_space<vmem>> -> memref<1x128xi32, #tpu.memory_space<vmem>>
      %dma_start3A_767 = tpu.memref_squeeze %dma_start3A_766 : memref<1x128xi32, #tpu.memory_space<vmem>> -> memref<128xi32, #tpu.memory_space<vmem>>
      %dma_start3A_768 = arith.constant 0 : i32
      %dma_start3A_769 = tpu.memref_slice %arg17[%dma_start3A_768] : memref<10240xf32, #tpu.memory_space<vmem_shared>> -> memref<10240xf32, #tpu.memory_space<vmem_shared>>
      tpu.enqueue_indirect_dma source(%dma_start3A_764 : memref<128xf32, #tpu.memory_space<vmem>>) target(%dma_start3A_769 : memref<10240xf32, #tpu.memory_space<vmem_shared>>) offsets(%dma_start3A_767 : memref<128xi32, #tpu.memory_space<vmem>>) semaphore(%arg18 : memref<!tpu.dma_semaphore, #tpu.memory_space<semaphore_mem>>) {add = true}
      %dma_wait3A = arith.constant 0 : i32
      %dma_wait3A_770 = tpu.memref_slice %arg11[%add3A_748, %dma_wait3A] : memref<84x128xf32, #tpu.memory_space<vmem>> -> memref<1x128xf32, #tpu.memory_space<vmem>>
      %dma_wait3A_771 = tpu.memref_squeeze %dma_wait3A_770 : memref<1x128xf32, #tpu.memory_space<vmem>> -> memref<128xf32, #tpu.memory_space<vmem>>
      %dma_wait3A_772 = arith.constant 0 : i32
      %dma_wait3A_773 = tpu.memref_slice %arg10[%add3A_750, %dma_wait3A_772] : memref<84x128xi32, #tpu.memory_space<vmem>> -> memref<1x128xi32, #tpu.memory_space<vmem>>
      %dma_wait3A_774 = tpu.memref_squeeze %dma_wait3A_773 : memref<1x128xi32, #tpu.memory_space<vmem>> -> memref<128xi32, #tpu.memory_space<vmem>>
      %dma_wait3A_775 = arith.constant 0 : i32
      %dma_wait3A_776 = tpu.memref_slice %arg17[%dma_wait3A_775] : memref<10240xf32, #tpu.memory_space<vmem_shared>> -> memref<10240xf32, #tpu.memory_space<vmem_shared>>
      tpu.wait_indirect_dma semaphore(%arg18 : memref<!tpu.dma_semaphore, #tpu.memory_space<semaphore_mem>>) src(%dma_wait3A_771 : memref<128xf32, #tpu.memory_space<vmem>>) dst(%dma_wait3A_776 : memref<10240xf32, #tpu.memory_space<vmem_shared>>)
      %dma_wait3A_777 = arith.constant 0 : i32
      %dma_wait3A_778 = tpu.memref_slice %arg11[%add3A_759, %dma_wait3A_777] : memref<84x128xf32, #tpu.memory_space<vmem>> -> memref<1x128xf32, #tpu.memory_space<vmem>>
      %dma_wait3A_779 = tpu.memref_squeeze %dma_wait3A_778 : memref<1x128xf32, #tpu.memory_space<vmem>> -> memref<128xf32, #tpu.memory_space<vmem>>
      %dma_wait3A_780 = arith.constant 0 : i32
      %dma_wait3A_781 = tpu.memref_slice %arg10[%add3A_761, %dma_wait3A_780] : memref<84x128xi32, #tpu.memory_space<vmem>> -> memref<1x128xi32, #tpu.memory_space<vmem>>
      %dma_wait3A_782 = tpu.memref_squeeze %dma_wait3A_781 : memref<1x128xi32, #tpu.memory_space<vmem>> -> memref<128xi32, #tpu.memory_space<vmem>>
      %dma_wait3A_783 = arith.constant 0 : i32
      %dma_wait3A_784 = tpu.memref_slice %arg17[%dma_wait3A_783] : memref<10240xf32, #tpu.memory_space<vmem_shared>> -> memref<10240xf32, #tpu.memory_space<vmem_shared>>
      tpu.wait_indirect_dma semaphore(%arg18 : memref<!tpu.dma_semaphore, #tpu.memory_space<semaphore_mem>>) src(%dma_wait3A_779 : memref<128xf32, #tpu.memory_space<vmem>>) dst(%dma_wait3A_784 : memref<10240xf32, #tpu.memory_space<vmem_shared>>)
    }
    %scan3A_396 = arith.constant 42 : i32
    %broadcast_in_dim3A_397 = arith.constant -65536 : i32
    %broadcast_in_dim3A_398 = vector.broadcast %broadcast_in_dim3A_397 : i32 to vector<16xi32>
    %scan3A_399 = arith.constant 0 : i32
    %scan3A_400 = arith.constant 0 : i32
    %scan3A_401 = arith.constant 42 : i32
    %scan3A_402 = arith.addi %scan3A_400, %scan3A_401 : i32
    %scan3A_403 = arith.constant 1 : i32
    scf.for %scan3A_409 = %scan3A_400 to %scan3A_402 step %scan3A_403  : i32 {
      %mul3A_410 = arith.constant 2 : i32
      %mul3A_411 = arith.muli %scan3A_409, %mul3A_410 : i32
      %add3A_412 = arith.constant 0 : i32
      %add3A_413 = arith.addi %mul3A_411, %add3A_412 : i32
      %dma_start3A = arith.constant 0 : i32
      %dma_start3A_414 = arith.constant 0 : i32
      %dma_start3A_415 = tpu.memref_slice %arg12[%dma_start3A, %dma_start3A_414] : memref<256x64xi32, #tpu.memory_space<vmem>> -> memref<128x64xi32, #tpu.memory_space<vmem>>
      %dma_start3A_416 = arith.constant 0 : i32
      %dma_start3A_417 = tpu.memref_slice %arg9[%add3A_413, %dma_start3A_416] : memref<84x128xi32, #tpu.memory_space<vmem>> -> memref<1x128xi32, #tpu.memory_space<vmem>>
      %dma_start3A_418 = tpu.memref_squeeze %dma_start3A_417 : memref<1x128xi32, #tpu.memory_space<vmem>> -> memref<128xi32, #tpu.memory_space<vmem>>
      %dma_start3A_419 = arith.constant 0 : i32
      %dma_start3A_420 = arith.constant 0 : i32
      %dma_start3A_421 = tpu.memref_slice %arg2[%dma_start3A_419, %dma_start3A_420] : memref<10240x64xi32, #tpu.memory_space<hbm>> -> memref<10240x64xi32, #tpu.memory_space<hbm>>
      tpu.enqueue_indirect_dma source(%dma_start3A_421 : memref<10240x64xi32, #tpu.memory_space<hbm>>) target(%dma_start3A_415 : memref<128x64xi32, #tpu.memory_space<vmem>>) offsets(%dma_start3A_418 : memref<128xi32, #tpu.memory_space<vmem>>) semaphore(%arg18 : memref<!tpu.dma_semaphore, #tpu.memory_space<semaphore_mem>>)
      %add3A_422 = arith.constant 1 : i32
      %add3A_423 = arith.addi %mul3A_411, %add3A_422 : i32
      %dma_start3A_424 = arith.constant 128 : i32
      %dma_start3A_425 = arith.constant 0 : i32
      %dma_start3A_426 = tpu.memref_slice %arg12[%dma_start3A_424, %dma_start3A_425] : memref<256x64xi32, #tpu.memory_space<vmem>> -> memref<128x64xi32, #tpu.memory_space<vmem>>
      %dma_start3A_427 = arith.constant 0 : i32
      %dma_start3A_428 = tpu.memref_slice %arg9[%add3A_423, %dma_start3A_427] : memref<84x128xi32, #tpu.memory_space<vmem>> -> memref<1x128xi32, #tpu.memory_space<vmem>>
      %dma_start3A_429 = tpu.memref_squeeze %dma_start3A_428 : memref<1x128xi32, #tpu.memory_space<vmem>> -> memref<128xi32, #tpu.memory_space<vmem>>
      %dma_start3A_430 = arith.constant 0 : i32
      %dma_start3A_431 = arith.constant 0 : i32
      %dma_start3A_432 = tpu.memref_slice %arg2[%dma_start3A_430, %dma_start3A_431] : memref<10240x64xi32, #tpu.memory_space<hbm>> -> memref<10240x64xi32, #tpu.memory_space<hbm>>
      tpu.enqueue_indirect_dma source(%dma_start3A_432 : memref<10240x64xi32, #tpu.memory_space<hbm>>) target(%dma_start3A_426 : memref<128x64xi32, #tpu.memory_space<vmem>>) offsets(%dma_start3A_429 : memref<128xi32, #tpu.memory_space<vmem>>) semaphore(%arg18 : memref<!tpu.dma_semaphore, #tpu.memory_space<semaphore_mem>>)
      %dma_wait3A = arith.constant 0 : i32
      %dma_wait3A_433 = arith.constant 0 : i32
      %dma_wait3A_434 = tpu.memref_slice %arg12[%dma_wait3A, %dma_wait3A_433] : memref<256x64xi32, #tpu.memory_space<vmem>> -> memref<128x64xi32, #tpu.memory_space<vmem>>
      %dma_wait3A_435 = arith.constant 0 : i32
      %dma_wait3A_436 = tpu.memref_slice %arg9[%add3A_413, %dma_wait3A_435] : memref<84x128xi32, #tpu.memory_space<vmem>> -> memref<1x128xi32, #tpu.memory_space<vmem>>
      %dma_wait3A_437 = tpu.memref_squeeze %dma_wait3A_436 : memref<1x128xi32, #tpu.memory_space<vmem>> -> memref<128xi32, #tpu.memory_space<vmem>>
      %dma_wait3A_438 = arith.constant 0 : i32
      %dma_wait3A_439 = arith.constant 0 : i32
      %dma_wait3A_440 = tpu.memref_slice %arg2[%dma_wait3A_438, %dma_wait3A_439] : memref<10240x64xi32, #tpu.memory_space<hbm>> -> memref<10240x64xi32, #tpu.memory_space<hbm>>
      tpu.wait_indirect_dma semaphore(%arg18 : memref<!tpu.dma_semaphore, #tpu.memory_space<semaphore_mem>>) src(%dma_wait3A_440 : memref<10240x64xi32, #tpu.memory_space<hbm>>) dst(%dma_wait3A_434 : memref<128x64xi32, #tpu.memory_space<vmem>>)
      %dma_wait3A_441 = arith.constant 128 : i32
      %dma_wait3A_442 = arith.constant 0 : i32
      %dma_wait3A_443 = tpu.memref_slice %arg12[%dma_wait3A_441, %dma_wait3A_442] : memref<256x64xi32, #tpu.memory_space<vmem>> -> memref<128x64xi32, #tpu.memory_space<vmem>>
      %dma_wait3A_444 = arith.constant 0 : i32
      %dma_wait3A_445 = tpu.memref_slice %arg9[%add3A_423, %dma_wait3A_444] : memref<84x128xi32, #tpu.memory_space<vmem>> -> memref<1x128xi32, #tpu.memory_space<vmem>>
      %dma_wait3A_446 = tpu.memref_squeeze %dma_wait3A_445 : memref<1x128xi32, #tpu.memory_space<vmem>> -> memref<128xi32, #tpu.memory_space<vmem>>
      %dma_wait3A_447 = arith.constant 0 : i32
      %dma_wait3A_448 = arith.constant 0 : i32
      %dma_wait3A_449 = tpu.memref_slice %arg2[%dma_wait3A_447, %dma_wait3A_448] : memref<10240x64xi32, #tpu.memory_space<hbm>> -> memref<10240x64xi32, #tpu.memory_space<hbm>>
      tpu.wait_indirect_dma semaphore(%arg18 : memref<!tpu.dma_semaphore, #tpu.memory_space<semaphore_mem>>) src(%dma_wait3A_449 : memref<10240x64xi32, #tpu.memory_space<hbm>>) dst(%dma_wait3A_443 : memref<128x64xi32, #tpu.memory_space<vmem>>)
      %scan3A_450 = arith.constant 0 : i32
      %scan3A_451 = arith.constant 0 : i32
      %scan3A_452 = arith.constant 128 : i32
      %scan3A_453 = arith.addi %scan3A_451, %scan3A_452 : i32
      %scan3A_454 = arith.constant 1 : i32
      scf.for %scan3A_496 = %scan3A_451 to %scan3A_453 step %scan3A_454  : i32 {
        %mul3A_497 = arith.constant 2 : i32
        %mul3A_498 = arith.muli %scan3A_496, %mul3A_497 : i32
        %shift_right_arithmetic3A = arith.constant 7 : i32
        %shift_right_arithmetic3A_499 = arith.shrsi %mul3A_498, %shift_right_arithmetic3A : i32
        %add3A_500 = arith.addi %mul3A_411, %shift_right_arithmetic3A_499 : i32
        %broadcast_in_dim3A_501 = vector.broadcast %add3A_500 : i32 to vector<16xi32>
        %add3A_502 = arith.constant 0 : i32
        %add3A_503 = arith.addi %mul3A_498, %add3A_502 : i32
        %and3A = arith.constant 127 : i32
        %and3A_504 = arith.andi %add3A_503, %and3A : i32
        %broadcast_in_dim3A_505 = vector.broadcast %and3A_504 : i32 to vector<16xi32>
        %gather3A_506 = tpu.vector_load_idx %arg11[%broadcast_in_dim3A_501, %broadcast_in_dim3A_505] : memref<84x128xf32, #tpu.memory_space<vmem>>[vector<16xi32>, vector<16xi32>], vector<16xf32>,
        %get3A = arith.index_cast %add3A_503 : i32 to index
        %get3A_507 = arith.constant 0 : index
        %get3A_508 = tpu.vector_load %arg12[%get3A, %get3A_507] {strides = array<i32>} : memref<256x64xi32, #tpu.memory_space<vmem>>, vector<16xi32>,
        %shift_left3A = arith.constant 16 : i32
        %shift_left3A_509 = vector.broadcast %shift_left3A : i32 to vector<16xi32>
        %shift_left3A_510 = arith.shli %get3A_508, %shift_left3A_509 : vector<16xi32>
        %bitcast3A = vector.bitcast %shift_left3A_510 : vector<16xi32> to vector<16xf32>
        %mul3A_511 = arith.mulf %bitcast3A, %gather3A_506 : vector<16xf32>
        %and3A_512 = arith.andi %get3A_508, %broadcast_in_dim3A_398 : vector<16xi32>
        %bitcast3A_513 = vector.bitcast %and3A_512 : vector<16xi32> to vector<16xf32>
        %mul3A_514 = arith.mulf %bitcast3A_513, %gather3A_506 : vector<16xf32>
        %pack3A = tpu.pack_subelements %mul3A_511, %mul3A_514 {pack_format = #tpu.pack_format<interleaved>, positions = array<i32: 0, 1>} : vector<16xf32>, vector<16xf32> -> vector<32xbf16>
        %swap3A_515 = arith.index_cast %add3A_503 : i32 to index
        %swap3A_516 = arith.constant 0 : index
        %swap3A_517 = tpu.vector_load %arg13[%swap3A_515, %swap3A_516] {strides = array<i32>} : memref<256x128xbf16, #tpu.memory_space<vmem>>, vector<32xbf16>,
        tpu.vector_store %arg13[%swap3A_515, %swap3A_516], %pack3A {strides = array<i32>} : memref<256x128xbf16, #tpu.memory_space<vmem>>, vector<32xbf16>,
        %get3A_518 = arith.index_cast %add3A_503 : i32 to index
        %get3A_519 = arith.constant 16 : index
        %get3A_520 = tpu.vector_load %arg12[%get3A_518, %get3A_519] {strides = array<i32>} : memref<256x64xi32, #tpu.memory_space<vmem>>, vector<16xi32>,
        %shift_left3A_521 = arith.constant 16 : i32
        %shift_left3A_522 = vector.broadcast %shift_left3A_521 : i32 to vector<16xi32>
        %shift_left3A_523 = arith.shli %get3A_520, %shift_left3A_522 : vector<16xi32>
        %bitcast3A_524 = vector.bitcast %shift_left3A_523 : vector<16xi32> to vector<16xf32>
        %mul3A_525 = arith.mulf %bitcast3A_524, %gather3A_506 : vector<16xf32>
        %and3A_526 = arith.andi %get3A_520, %broadcast_in_dim3A_398 : vector<16xi32>
        %bitcast3A_527 = vector.bitcast %and3A_526 : vector<16xi32> to vector<16xf32>
        %mul3A_528 = arith.mulf %bitcast3A_527, %gather3A_506 : vector<16xf32>
        %pack3A_529 = tpu.pack_subelements %mul3A_525, %mul3A_528 {pack_format = #tpu.pack_format<interleaved>, positions = array<i32: 0, 1>} : vector<16xf32>, vector<16xf32> -> vector<32xbf16>
        %swap3A_530 = arith.index_cast %add3A_503 : i32 to index
        %swap3A_531 = arith.constant 32 : index
        %swap3A_532 = tpu.vector_load %arg13[%swap3A_530, %swap3A_531] {strides = array<i32>} : memref<256x128xbf16, #tpu.memory_space<vmem>>, vector<32xbf16>,
        tpu.vector_store %arg13[%swap3A_530, %swap3A_531], %pack3A_529 {strides = array<i32>} : memref<256x128xbf16, #tpu.memory_space<vmem>>, vector<32xbf16>,
        %get3A_533 = arith.index_cast %add3A_503 : i32 to index
        %get3A_534 = arith.constant 32 : index
        %get3A_535 = tpu.vector_load %arg12[%get3A_533, %get3A_534] {strides = array<i32>} : memref<256x64xi32, #tpu.memory_space<vmem>>, vector<16xi32>,
        %shift_left3A_536 = arith.constant 16 : i32
        %shift_left3A_537 = vector.broadcast %shift_left3A_536 : i32 to vector<16xi32>
        %shift_left3A_538 = arith.shli %get3A_535, %shift_left3A_537 : vector<16xi32>
        %bitcast3A_539 = vector.bitcast %shift_left3A_538 : vector<16xi32> to vector<16xf32>
        %mul3A_540 = arith.mulf %bitcast3A_539, %gather3A_506 : vector<16xf32>
        %and3A_541 = arith.andi %get3A_535, %broadcast_in_dim3A_398 : vector<16xi32>
        %bitcast3A_542 = vector.bitcast %and3A_541 : vector<16xi32> to vector<16xf32>
        %mul3A_543 = arith.mulf %bitcast3A_542, %gather3A_506 : vector<16xf32>
        %pack3A_544 = tpu.pack_subelements %mul3A_540, %mul3A_543 {pack_format = #tpu.pack_format<interleaved>, positions = array<i32: 0, 1>} : vector<16xf32>, vector<16xf32> -> vector<32xbf16>
        %swap3A_545 = arith.index_cast %add3A_503 : i32 to index
        %swap3A_546 = arith.constant 64 : index
        %swap3A_547 = tpu.vector_load %arg13[%swap3A_545, %swap3A_546] {strides = array<i32>} : memref<256x128xbf16, #tpu.memory_space<vmem>>, vector<32xbf16>,
        tpu.vector_store %arg13[%swap3A_545, %swap3A_546], %pack3A_544 {strides = array<i32>} : memref<256x128xbf16, #tpu.memory_space<vmem>>, vector<32xbf16>,
        %get3A_548 = arith.index_cast %add3A_503 : i32 to index
        %get3A_549 = arith.constant 48 : index
        %get3A_550 = tpu.vector_load %arg12[%get3A_548, %get3A_549] {strides = array<i32>} : memref<256x64xi32, #tpu.memory_space<vmem>>, vector<16xi32>,
        %shift_left3A_551 = arith.constant 16 : i32
        %shift_left3A_552 = vector.broadcast %shift_left3A_551 : i32 to vector<16xi32>
        %shift_left3A_553 = arith.shli %get3A_550, %shift_left3A_552 : vector<16xi32>
        %bitcast3A_554 = vector.bitcast %shift_left3A_553 : vector<16xi32> to vector<16xf32>
        %mul3A_555 = arith.mulf %bitcast3A_554, %gather3A_506 : vector<16xf32>
        %and3A_556 = arith.andi %get3A_550, %broadcast_in_dim3A_398 : vector<16xi32>
        %bitcast3A_557 = vector.bitcast %and3A_556 : vector<16xi32> to vector<16xf32>
        %mul3A_558 = arith.mulf %bitcast3A_557, %gather3A_506 : vector<16xf32>
        %pack3A_559 = tpu.pack_subelements %mul3A_555, %mul3A_558 {pack_format = #tpu.pack_format<interleaved>, positions = array<i32: 0, 1>} : vector<16xf32>, vector<16xf32> -> vector<32xbf16>
        %swap3A_560 = arith.index_cast %add3A_503 : i32 to index
        %swap3A_561 = arith.constant 96 : index
        %swap3A_562 = tpu.vector_load %arg13[%swap3A_560, %swap3A_561] {strides = array<i32>} : memref<256x128xbf16, #tpu.memory_space<vmem>>, vector<32xbf16>,
        tpu.vector_store %arg13[%swap3A_560, %swap3A_561], %pack3A_559 {strides = array<i32>} : memref<256x128xbf16, #tpu.memory_space<vmem>>, vector<32xbf16>,
        %add3A_563 = arith.constant 1 : i32
        %add3A_564 = arith.addi %mul3A_498, %add3A_563 : i32
        %and3A_565 = arith.constant 127 : i32
        %and3A_566 = arith.andi %add3A_564, %and3A_565 : i32
        %broadcast_in_dim3A_567 = vector.broadcast %and3A_566 : i32 to vector<16xi32>
        %gather3A_568 = tpu.vector_load_idx %arg11[%broadcast_in_dim3A_501, %broadcast_in_dim3A_567] : memref<84x128xf32, #tpu.memory_space<vmem>>[vector<16xi32>, vector<16xi32>], vector<16xf32>,
        %get3A_569 = arith.index_cast %add3A_564 : i32 to index
        %get3A_570 = arith.constant 0 : index
        %get3A_571 = tpu.vector_load %arg12[%get3A_569, %get3A_570] {strides = array<i32>} : memref<256x64xi32, #tpu.memory_space<vmem>>, vector<16xi32>,
        %shift_left3A_572 = arith.constant 16 : i32
        %shift_left3A_573 = vector.broadcast %shift_left3A_572 : i32 to vector<16xi32>
        %shift_left3A_574 = arith.shli %get3A_571, %shift_left3A_573 : vector<16xi32>
        %bitcast3A_575 = vector.bitcast %shift_left3A_574 : vector<16xi32> to vector<16xf32>
        %mul3A_576 = arith.mulf %bitcast3A_575, %gather3A_568 : vector<16xf32>
        %and3A_577 = arith.andi %get3A_571, %broadcast_in_dim3A_398 : vector<16xi32>
        %bitcast3A_578 = vector.bitcast %and3A_577 : vector<16xi32> to vector<16xf32>
        %mul3A_579 = arith.mulf %bitcast3A_578, %gather3A_568 : vector<16xf32>
        %pack3A_580 = tpu.pack_subelements %mul3A_576, %mul3A_579 {pack_format = #tpu.pack_format<interleaved>, positions = array<i32: 0, 1>} : vector<16xf32>, vector<16xf32> -> vector<32xbf16>
        %swap3A_581 = arith.index_cast %add3A_564 : i32 to index
        %swap3A_582 = arith.constant 0 : index
        %swap3A_583 = tpu.vector_load %arg13[%swap3A_581, %swap3A_582] {strides = array<i32>} : memref<256x128xbf16, #tpu.memory_space<vmem>>, vector<32xbf16>,
        tpu.vector_store %arg13[%swap3A_581, %swap3A_582], %pack3A_580 {strides = array<i32>} : memref<256x128xbf16, #tpu.memory_space<vmem>>, vector<32xbf16>,
        %get3A_584 = arith.index_cast %add3A_564 : i32 to index
        %get3A_585 = arith.constant 16 : index
        %get3A_586 = tpu.vector_load %arg12[%get3A_584, %get3A_585] {strides = array<i32>} : memref<256x64xi32, #tpu.memory_space<vmem>>, vector<16xi32>,
        %shift_left3A_587 = arith.constant 16 : i32
        %shift_left3A_588 = vector.broadcast %shift_left3A_587 : i32 to vector<16xi32>
        %shift_left3A_589 = arith.shli %get3A_586, %shift_left3A_588 : vector<16xi32>
        %bitcast3A_590 = vector.bitcast %shift_left3A_589 : vector<16xi32> to vector<16xf32>
        %mul3A_591 = arith.mulf %bitcast3A_590, %gather3A_568 : vector<16xf32>
        %and3A_592 = arith.andi %get3A_586, %broadcast_in_dim3A_398 : vector<16xi32>
        %bitcast3A_593 = vector.bitcast %and3A_592 : vector<16xi32> to vector<16xf32>
        %mul3A_594 = arith.mulf %bitcast3A_593, %gather3A_568 : vector<16xf32>
        %pack3A_595 = tpu.pack_subelements %mul3A_591, %mul3A_594 {pack_format = #tpu.pack_format<interleaved>, positions = array<i32: 0, 1>} : vector<16xf32>, vector<16xf32> -> vector<32xbf16>
        %swap3A_596 = arith.index_cast %add3A_564 : i32 to index
        %swap3A_597 = arith.constant 32 : index
        %swap3A_598 = tpu.vector_load %arg13[%swap3A_596, %swap3A_597] {strides = array<i32>} : memref<256x128xbf16, #tpu.memory_space<vmem>>, vector<32xbf16>,
        tpu.vector_store %arg13[%swap3A_596, %swap3A_597], %pack3A_595 {strides = array<i32>} : memref<256x128xbf16, #tpu.memory_space<vmem>>, vector<32xbf16>,
        %get3A_599 = arith.index_cast %add3A_564 : i32 to index
        %get3A_600 = arith.constant 32 : index
        %get3A_601 = tpu.vector_load %arg12[%get3A_599, %get3A_600] {strides = array<i32>} : memref<256x64xi32, #tpu.memory_space<vmem>>, vector<16xi32>,
        %shift_left3A_602 = arith.constant 16 : i32
        %shift_left3A_603 = vector.broadcast %shift_left3A_602 : i32 to vector<16xi32>
        %shift_left3A_604 = arith.shli %get3A_601, %shift_left3A_603 : vector<16xi32>
        %bitcast3A_605 = vector.bitcast %shift_left3A_604 : vector<16xi32> to vector<16xf32>
        %mul3A_606 = arith.mulf %bitcast3A_605, %gather3A_568 : vector<16xf32>
        %and3A_607 = arith.andi %get3A_601, %broadcast_in_dim3A_398 : vector<16xi32>
        %bitcast3A_608 = vector.bitcast %and3A_607 : vector<16xi32> to vector<16xf32>
        %mul3A_609 = arith.mulf %bitcast3A_608, %gather3A_568 : vector<16xf32>
        %pack3A_610 = tpu.pack_subelements %mul3A_606, %mul3A_609 {pack_format = #tpu.pack_format<interleaved>, positions = array<i32: 0, 1>} : vector<16xf32>, vector<16xf32> -> vector<32xbf16>
        %swap3A_611 = arith.index_cast %add3A_564 : i32 to index
        %swap3A_612 = arith.constant 64 : index
        %swap3A_613 = tpu.vector_load %arg13[%swap3A_611, %swap3A_612] {strides = array<i32>} : memref<256x128xbf16, #tpu.memory_space<vmem>>, vector<32xbf16>,
        tpu.vector_store %arg13[%swap3A_611, %swap3A_612], %pack3A_610 {strides = array<i32>} : memref<256x128xbf16, #tpu.memory_space<vmem>>, vector<32xbf16>,
        %get3A_614 = arith.index_cast %add3A_564 : i32 to index
        %get3A_615 = arith.constant 48 : index
        %get3A_616 = tpu.vector_load %arg12[%get3A_614, %get3A_615] {strides = array<i32>} : memref<256x64xi32, #tpu.memory_space<vmem>>, vector<16xi32>,
        %shift_left3A_617 = arith.constant 16 : i32
        %shift_left3A_618 = vector.broadcast %shift_left3A_617 : i32 to vector<16xi32>
        %shift_left3A_619 = arith.shli %get3A_616, %shift_left3A_618 : vector<16xi32>
        %bitcast3A_620 = vector.bitcast %shift_left3A_619 : vector<16xi32> to vector<16xf32>
        %mul3A_621 = arith.mulf %bitcast3A_620, %gather3A_568 : vector<16xf32>
        %and3A_622 = arith.andi %get3A_616, %broadcast_in_dim3A_398 : vector<16xi32>
        %bitcast3A_623 = vector.bitcast %and3A_622 : vector<16xi32> to vector<16xf32>
        %mul3A_624 = arith.mulf %bitcast3A_623, %gather3A_568 : vector<16xf32>
        %pack3A_625 = tpu.pack_subelements %mul3A_621, %mul3A_624 {pack_format = #tpu.pack_format<interleaved>, positions = array<i32: 0, 1>} : vector<16xf32>, vector<16xf32> -> vector<32xbf16>
        %swap3A_626 = arith.index_cast %add3A_564 : i32 to index
        %swap3A_627 = arith.constant 96 : index
        %swap3A_628 = tpu.vector_load %arg13[%swap3A_626, %swap3A_627] {strides = array<i32>} : memref<256x128xbf16, #tpu.memory_space<vmem>>, vector<32xbf16>,
        tpu.vector_store %arg13[%swap3A_626, %swap3A_627], %pack3A_625 {strides = array<i32>} : memref<256x128xbf16, #tpu.memory_space<vmem>>, vector<32xbf16>,
      }
      %scan3A_455 = arith.constant 128 : i32
      %add3A_456 = arith.constant 0 : i32
      %add3A_457 = arith.addi %mul3A_411, %add3A_456 : i32
      %dma_start3A_458 = arith.constant 0 : i32
      %dma_start3A_459 = arith.constant 0 : i32
      %dma_start3A_460 = tpu.memref_slice %arg13[%dma_start3A_458, %dma_start3A_459] : memref<256x128xbf16, #tpu.memory_space<vmem>> -> memref<128x128xbf16, #tpu.memory_space<vmem>>
      %dma_start3A_461 = arith.constant 0 : i32
      %dma_start3A_462 = tpu.memref_slice %arg10[%add3A_457, %dma_start3A_461] : memref<84x128xi32, #tpu.memory_space<vmem>> -> memref<1x128xi32, #tpu.memory_space<vmem>>
      %dma_start3A_463 = tpu.memref_squeeze %dma_start3A_462 : memref<1x128xi32, #tpu.memory_space<vmem>> -> memref<128xi32, #tpu.memory_space<vmem>>
      %dma_start3A_464 = arith.constant 0 : i32
      %dma_start3A_465 = arith.constant 0 : i32
      %dma_start3A_466 = tpu.memref_slice %arg16[%dma_start3A_464, %dma_start3A_465] : memref<10240x128xbf16, #tpu.memory_space<vmem_shared>> -> memref<10240x128xbf16, #tpu.memory_space<vmem_shared>>
      tpu.enqueue_indirect_dma source(%dma_start3A_460 : memref<128x128xbf16, #tpu.memory_space<vmem>>) target(%dma_start3A_466 : memref<10240x128xbf16, #tpu.memory_space<vmem_shared>>) offsets(%dma_start3A_463 : memref<128xi32, #tpu.memory_space<vmem>>) semaphore(%arg19 : memref<!tpu.dma_semaphore, #tpu.memory_space<semaphore_mem>>) {add = true}
      %add3A_467 = arith.constant 1 : i32
      %add3A_468 = arith.addi %mul3A_411, %add3A_467 : i32
      %dma_start3A_469 = arith.constant 128 : i32
      %dma_start3A_470 = arith.constant 0 : i32
      %dma_start3A_471 = tpu.memref_slice %arg13[%dma_start3A_469, %dma_start3A_470] : memref<256x128xbf16, #tpu.memory_space<vmem>> -> memref<128x128xbf16, #tpu.memory_space<vmem>>
      %dma_start3A_472 = arith.constant 0 : i32
      %dma_start3A_473 = tpu.memref_slice %arg10[%add3A_468, %dma_start3A_472] : memref<84x128xi32, #tpu.memory_space<vmem>> -> memref<1x128xi32, #tpu.memory_space<vmem>>
      %dma_start3A_474 = tpu.memref_squeeze %dma_start3A_473 : memref<1x128xi32, #tpu.memory_space<vmem>> -> memref<128xi32, #tpu.memory_space<vmem>>
      %dma_start3A_475 = arith.constant 0 : i32
      %dma_start3A_476 = arith.constant 0 : i32
      %dma_start3A_477 = tpu.memref_slice %arg16[%dma_start3A_475, %dma_start3A_476] : memref<10240x128xbf16, #tpu.memory_space<vmem_shared>> -> memref<10240x128xbf16, #tpu.memory_space<vmem_shared>>
      tpu.enqueue_indirect_dma source(%dma_start3A_471 : memref<128x128xbf16, #tpu.memory_space<vmem>>) target(%dma_start3A_477 : memref<10240x128xbf16, #tpu.memory_space<vmem_shared>>) offsets(%dma_start3A_474 : memref<128xi32, #tpu.memory_space<vmem>>) semaphore(%arg19 : memref<!tpu.dma_semaphore, #tpu.memory_space<semaphore_mem>>) {add = true}
      %dma_wait3A_478 = arith.constant 0 : i32
      %dma_wait3A_479 = arith.constant 0 : i32
      %dma_wait3A_480 = tpu.memref_slice %arg13[%dma_wait3A_478, %dma_wait3A_479] : memref<256x128xbf16, #tpu.memory_space<vmem>> -> memref<128x128xbf16, #tpu.memory_space<vmem>>
      %dma_wait3A_481 = arith.constant 0 : i32
      %dma_wait3A_482 = tpu.memref_slice %arg10[%add3A_457, %dma_wait3A_481] : memref<84x128xi32, #tpu.memory_space<vmem>> -> memref<1x128xi32, #tpu.memory_space<vmem>>
      %dma_wait3A_483 = tpu.memref_squeeze %dma_wait3A_482 : memref<1x128xi32, #tpu.memory_space<vmem>> -> memref<128xi32, #tpu.memory_space<vmem>>
      %dma_wait3A_484 = arith.constant 0 : i32
      %dma_wait3A_485 = arith.constant 0 : i32
      %dma_wait3A_486 = tpu.memref_slice %arg16[%dma_wait3A_484, %dma_wait3A_485] : memref<10240x128xbf16, #tpu.memory_space<vmem_shared>> -> memref<10240x128xbf16, #tpu.memory_space<vmem_shared>>
      tpu.wait_indirect_dma semaphore(%arg19 : memref<!tpu.dma_semaphore, #tpu.memory_space<semaphore_mem>>) src(%dma_wait3A_480 : memref<128x128xbf16, #tpu.memory_space<vmem>>) dst(%dma_wait3A_486 : memref<10240x128xbf16, #tpu.memory_space<vmem_shared>>)
      %dma_wait3A_487 = arith.constant 128 : i32
      %dma_wait3A_488 = arith.constant 0 : i32
      %dma_wait3A_489 = tpu.memref_slice %arg13[%dma_wait3A_487, %dma_wait3A_488] : memref<256x128xbf16, #tpu.memory_space<vmem>> -> memref<128x128xbf16, #tpu.memory_space<vmem>>
      %dma_wait3A_490 = arith.constant 0 : i32
      %dma_wait3A_491 = tpu.memref_slice %arg10[%add3A_468, %dma_wait3A_490] : memref<84x128xi32, #tpu.memory_space<vmem>> -> memref<1x128xi32, #tpu.memory_space<vmem>>
      %dma_wait3A_492 = tpu.memref_squeeze %dma_wait3A_491 : memref<1x128xi32, #tpu.memory_space<vmem>> -> memref<128xi32, #tpu.memory_space<vmem>>
      %dma_wait3A_493 = arith.constant 0 : i32
      %dma_wait3A_494 = arith.constant 0 : i32
      %dma_wait3A_495 = tpu.memref_slice %arg16[%dma_wait3A_493, %dma_wait3A_494] : memref<10240x128xbf16, #tpu.memory_space<vmem_shared>> -> memref<10240x128xbf16, #tpu.memory_space<vmem_shared>>
      tpu.wait_indirect_dma semaphore(%arg19 : memref<!tpu.dma_semaphore, #tpu.memory_space<semaphore_mem>>) src(%dma_wait3A_489 : memref<128x128xbf16, #tpu.memory_space<vmem>>) dst(%dma_wait3A_495 : memref<10240x128xbf16, #tpu.memory_space<vmem_shared>>)
    }
    %scan3A_404 = arith.constant 42 : i32
    %barrier3A_405 = arith.constant 0 : index
    tpu.barrier barrier_id(%barrier3A_405)
    %mul3A_406 = arith.constant 10240 : i32
    %mul3A_407 = arith.muli %arg0, %mul3A_406 : i32
    %add3A_408 = arith.addi %mul3A_407, %mul3A_2 : i32
    "tpu.region"() ({
      %run_scoped3A = tpu.sem_alloc : memref<!tpu.dma_semaphore, #tpu.memory_space<semaphore_mem>>
      %dma_start3A = tpu.memref_slice %arg7[%add3A_408] : memref<20480xf32, #tpu.memory_space<hbm>> -> memref<640xf32, #tpu.memory_space<hbm>>
      %dma_start3A_409 = tpu.memref_slice %arg17[%mul3A_2] : memref<10240xf32, #tpu.memory_space<vmem_shared>> -> memref<640xf32, #tpu.memory_space<vmem_shared>>
      tpu.enqueue_dma source(%dma_start3A_409 : memref<640xf32, #tpu.memory_space<vmem_shared>>) target(%dma_start3A : memref<640xf32, #tpu.memory_space<hbm>>) target_semaphore(%run_scoped3A : memref<!tpu.dma_semaphore, #tpu.memory_space<semaphore_mem>>)
      %dma_wait3A = tpu.memref_slice %arg7[%add3A_408] : memref<20480xf32, #tpu.memory_space<hbm>> -> memref<640xf32, #tpu.memory_space<hbm>>
      %dma_wait3A_410 = tpu.memref_slice %arg17[%mul3A_2] : memref<10240xf32, #tpu.memory_space<vmem_shared>> -> memref<640xf32, #tpu.memory_space<vmem_shared>>
      tpu.wait_dma2 semaphore(%run_scoped3A : memref<!tpu.dma_semaphore, #tpu.memory_space<semaphore_mem>>) src(%dma_wait3A_410 : memref<640xf32, #tpu.memory_space<vmem_shared>>) dst(%dma_wait3A : memref<640xf32, #tpu.memory_space<hbm>>)
      tpu.yield
    }) : () -> ()
    "tpu.region"() ({
      %run_scoped3A = tpu.sem_alloc : memref<!tpu.dma_semaphore, #tpu.memory_space<semaphore_mem>>
      %dma_start3A = arith.constant 0 : i32
      %dma_start3A_409 = tpu.memref_slice %arg6[%arg0, %mul3A_2, %dma_start3A] : memref<2x10240x128xbf16, #tpu.memory_space<hbm>> -> memref<1x640x128xbf16, #tpu.memory_space<hbm>>
      %dma_start3A_410 = tpu.memref_squeeze %dma_start3A_409 : memref<1x640x128xbf16, #tpu.memory_space<hbm>> -> memref<640x128xbf16, #tpu.memory_space<hbm>>
      %dma_start3A_411 = arith.constant 0 : i32
      %dma_start3A_412 = tpu.memref_slice %arg16[%mul3A_2, %dma_start3A_411] : memref<10240x128xbf16, #tpu.memory_space<vmem_shared>> -> memref<640x128xbf16, #tpu.memory_space<vmem_shared>>
      tpu.enqueue_dma source(%dma_start3A_412 : memref<640x128xbf16, #tpu.memory_space<vmem_shared>>) target(%dma_start3A_410 : memref<640x128xbf16, #tpu.memory_space<hbm>>) target_semaphore(%run_scoped3A : memref<!tpu.dma_semaphore, #tpu.memory_space<semaphore_mem>>)
      %dma_wait3A = arith.constant 0 : i32
      %dma_wait3A_413 = tpu.memref_slice %arg6[%arg0, %mul3A_2, %dma_wait3A] : memref<2x10240x128xbf16, #tpu.memory_space<hbm>> -> memref<1x640x128xbf16, #tpu.memory_space<hbm>>
      %dma_wait3A_414 = tpu.memref_squeeze %dma_wait3A_413 : memref<1x640x128xbf16, #tpu.memory_space<hbm>> -> memref<640x128xbf16, #tpu.memory_space<hbm>>
      %dma_wait3A_415 = arith.constant 0 : i32
      %dma_wait3A_416 = tpu.memref_slice %arg16[%mul3A_2, %dma_wait3A_415] : memref<10240x128xbf16, #tpu.memory_space<vmem_shared>> -> memref<640x128xbf16, #tpu.memory_space<vmem_shared>>
      tpu.wait_dma2 semaphore(%run_scoped3A : memref<!tpu.dma_semaphore, #tpu.memory_space<semaphore_mem>>) src(%dma_wait3A_416 : memref<640x128xbf16, #tpu.memory_space<vmem_shared>>) dst(%dma_wait3A_414 : memref<640x128xbf16, #tpu.memory_space<hbm>>)
      tpu.yield
    }) : () -> ()
    return
  }
}

module attributes {stable_mosaic.version = 14 : i64} {
  func.func @_lin_attn_body(%arg0: i32, %arg1: memref<1024x128xf32, #tpu.memory_space<vmem>>, %arg2: memref<128x128xf32, #tpu.memory_space<vmem>>, %arg3: memref<2x128xf32, #tpu.memory_space<vmem>>, %arg4: memref<1024x128xbf16, #tpu.memory_space<vmem>>, %arg5: memref<2x1024xf32, #tpu.memory_space<vmem>>) attributes {dimension_semantics = [#tpu.dimension_semantics<arbitrary>], iteration_bounds = array<i64: 10>, scalar_prefetch = 0 : i64, scratch_operands = 0 : i64, tpu.core_type = #tpu.core_type<tc>, window_params = [{transform_indices = @transform_0, window_bounds = array<i64: 1024, 128>}, {pipeline_mode = #tpu.pipeline_mode<synchronous>, transform_indices = @transform_1, window_bounds = array<i64: 128, 128>}, {pipeline_mode = #tpu.pipeline_mode<synchronous>, transform_indices = @transform_2, window_bounds = array<i64: 2, 128>}, {transform_indices = @transform_3, window_bounds = array<i64: 1024, 128>}, {transform_indices = @transform_4, window_bounds = array<i64: 2, 1024>}]} {
    %get3A = arith.constant 0 : index
    %get3A_0 = arith.constant 0 : index
    %get3A_1 = vector.load %arg1[%get3A, %get3A_0] : memref<1024x128xf32, #tpu.memory_space<vmem>>, vector<1024x128xf32>
    %get3A_2 = arith.constant 0 : index
    %get3A_3 = arith.constant 0 : index
    %get3A_4 = vector.load %arg2[%get3A_2, %get3A_3] : memref<128x128xf32, #tpu.memory_space<vmem>>, vector<128x128xf32>
    %dot_general3A = arith.constant dense<0.000000e+00> : vector<1024x128xf32>
    %dot_general3A_5 = tpu.matmul %get3A_1, %get3A_4, %dot_general3A {dimension_numbers = #tpu.dot_dimension_numbers<[1], [0], [0], [1], [0, 0, 1, 1], [], []>, transpose_lhs_hint = false} : vector<1024x128xf32>, vector<128x128xf32>, vector<1024x128xf32> -> vector<1024x128xf32>
    %convert_element_type3A = arith.truncf %dot_general3A_5 : vector<1024x128xf32> to vector<1024x128xbf16>
    %swap3A = arith.constant 0 : index
    %swap3A_6 = arith.constant 0 : index
    %swap3A_7 = vector.load %arg4[%swap3A, %swap3A_6] : memref<1024x128xbf16, #tpu.memory_space<vmem>>, vector<1024x128xbf16>
    tpu.vector_store %arg4[%swap3A, %swap3A_6], %convert_element_type3A {strides = array<i32>} : memref<1024x128xbf16, #tpu.memory_space<vmem>>, vector<1024x128xbf16>,
    %get3A_8 = arith.constant 0 : index
    %get3A_9 = arith.constant 0 : index
    %get3A_10 = vector.load %arg3[%get3A_8, %get3A_9] : memref<2x128xf32, #tpu.memory_space<vmem>>, vector<2x128xf32>
    %slice3A = vector.extract_strided_slice %get3A_10 {offsets = [0, 0], sizes = [1, 128], strides = [1, 1]} : vector<2x128xf32> to vector<1x128xf32>
    %mul3A = vector.broadcast %slice3A : vector<1x128xf32> to vector<1024x128xf32>
    %mul3A_11 = arith.mulf %dot_general3A_5, %mul3A : vector<1024x128xf32>
    %reduce_sum3A = arith.constant dense<0.000000e+00> : vector<1024xf32>
    %reduce_sum3A_12 = vector.multi_reduction <add>, %mul3A_11, %reduce_sum3A [1] : vector<1024x128xf32> to vector<1024xf32>
    %slice3A_13 = vector.extract_strided_slice %get3A_10 {offsets = [1, 0], sizes = [1, 128], strides = [1, 1]} : vector<2x128xf32> to vector<1x128xf32>
    %mul3A_14 = vector.broadcast %slice3A_13 : vector<1x128xf32> to vector<1024x128xf32>
    %mul3A_15 = arith.mulf %dot_general3A_5, %mul3A_14 : vector<1024x128xf32>
    %reduce_sum3A_16 = arith.constant dense<0.000000e+00> : vector<1024xf32>
    %reduce_sum3A_17 = vector.multi_reduction <add>, %mul3A_15, %reduce_sum3A_16 [1] : vector<1024x128xf32> to vector<1024xf32>
    %broadcast_in_dim3A = vector.shape_cast %reduce_sum3A_12 : vector<1024xf32> to vector<1x1024xf32>
    %broadcast_in_dim3A_18 = vector.shape_cast %reduce_sum3A_17 : vector<1024xf32> to vector<1x1024xf32>
    %concatenate3A = tpu.concatenate %broadcast_in_dim3A, %broadcast_in_dim3A_18 in 0 : vector<1x1024xf32>, vector<1x1024xf32> -> vector<2x1024xf32>
    %swap3A_19 = arith.constant 0 : index
    %swap3A_20 = arith.constant 0 : index
    %swap3A_21 = vector.load %arg5[%swap3A_19, %swap3A_20] : memref<2x1024xf32, #tpu.memory_space<vmem>>, vector<2x1024xf32>
    tpu.vector_store %arg5[%swap3A_19, %swap3A_20], %concatenate3A {strides = array<i32>} : memref<2x1024xf32, #tpu.memory_space<vmem>>, vector<2x1024xf32>,
    return
  }
  func.func @transform_0(%arg0: i32) -> (i32, i32) {
    %c0_i32 = arith.constant 0 : i32
    %c0_i32_0 = arith.constant 0 : i32
    return %arg0, %c0_i32 : i32, i32
  }
  func.func @transform_1(%arg0: i32) -> (i32, i32) {
    %c0_i32 = arith.constant 0 : i32
    %c0_i32_0 = arith.constant 0 : i32
    %c0_i32_1 = arith.constant 0 : i32
    return %c0_i32, %c0_i32_0 : i32, i32
  }
  func.func @transform_2(%arg0: i32) -> (i32, i32) {
    %c0_i32 = arith.constant 0 : i32
    %c0_i32_0 = arith.constant 0 : i32
    %c0_i32_1 = arith.constant 0 : i32
    return %c0_i32, %c0_i32_0 : i32, i32
  }
  func.func @transform_3(%arg0: i32) -> (i32, i32) {
    %c0_i32 = arith.constant 0 : i32
    %c0_i32_0 = arith.constant 0 : i32
    return %arg0, %c0_i32 : i32, i32
  }
  func.func @transform_4(%arg0: i32) -> (i32, i32) {
    %c0_i32 = arith.constant 0 : i32
    %c0_i32_0 = arith.constant 0 : i32
    return %c0_i32, %arg0 : i32, i32
  }
}

module attributes {stable_mosaic.version = 14 : i64} {
  func.func @_combine_lin_attn_body(%arg0: i32, %arg1: memref<2x1024x128xbf16, #tpu.memory_space<vmem>>, %arg2: memref<2x1024xf32, #tpu.memory_space<vmem>>, %arg3: memref<1x128xf32, #tpu.memory_space<vmem>>, %arg4: memref<128x128xf32, #tpu.memory_space<vmem>>, %arg5: memref<2x128xf32, #tpu.memory_space<vmem>>, %arg6: memref<1024x128xbf16, #tpu.memory_space<vmem>>, %arg7: memref<2x1024xf32, #tpu.memory_space<vmem>>) attributes {dimension_semantics = [#tpu.dimension_semantics<arbitrary>], iteration_bounds = array<i64: 10>, scalar_prefetch = 0 : i64, scratch_operands = 0 : i64, tpu.core_type = #tpu.core_type<tc>, window_params = [{transform_indices = @transform_0, window_bounds = array<i64: 2, 1024, 128>}, {transform_indices = @transform_1, window_bounds = array<i64: 2, 1024>}, {pipeline_mode = #tpu.pipeline_mode<synchronous>, transform_indices = @transform_2, window_bounds = array<i64: 1, 128>}, {pipeline_mode = #tpu.pipeline_mode<synchronous>, transform_indices = @transform_3, window_bounds = array<i64: 128, 128>}, {pipeline_mode = #tpu.pipeline_mode<synchronous>, transform_indices = @transform_4, window_bounds = array<i64: 2, 128>}, {transform_indices = @transform_5, window_bounds = array<i64: 1024, 128>}, {transform_indices = @transform_6, window_bounds = array<i64: 2, 1024>}]} {
    %get3A = arith.constant 0 : index
    %get3A_0 = arith.constant 0 : index
    %get3A_1 = arith.constant 0 : index
    %get3A_2 = vector.load %arg1[%get3A, %get3A_0, %get3A_1] : memref<2x1024x128xbf16, #tpu.memory_space<vmem>>, vector<1x1024x128xbf16>
    %get3A_3 = vector.shape_cast %get3A_2 : vector<1x1024x128xbf16> to vector<1024x128xbf16>
    %convert_element_type3A = arith.extf %get3A_3 : vector<1024x128xbf16> to vector<1024x128xf32>
    %get3A_4 = arith.constant 1 : index
    %get3A_5 = arith.constant 0 : index
    %get3A_6 = arith.constant 0 : index
    %get3A_7 = vector.load %arg1[%get3A_4, %get3A_5, %get3A_6] : memref<2x1024x128xbf16, #tpu.memory_space<vmem>>, vector<1x1024x128xbf16>
    %get3A_8 = vector.shape_cast %get3A_7 : vector<1x1024x128xbf16> to vector<1024x128xbf16>
    %convert_element_type3A_9 = arith.extf %get3A_8 : vector<1024x128xbf16> to vector<1024x128xf32>
    %add3A = arith.addf %convert_element_type3A, %convert_element_type3A_9 : vector<1024x128xf32>
    %get3A_10 = arith.constant 0 : index
    %get3A_11 = arith.constant 0 : index
    %get3A_12 = vector.load %arg2[%get3A_10, %get3A_11] : memref<2x1024xf32, #tpu.memory_space<vmem>>, vector<1x1024xf32>
    %get3A_13 = vector.shape_cast %get3A_12 : vector<1x1024xf32> to vector<1024xf32>
    %get3A_14 = arith.constant 1 : index
    %get3A_15 = arith.constant 0 : index
    %get3A_16 = vector.load %arg2[%get3A_14, %get3A_15] : memref<2x1024xf32, #tpu.memory_space<vmem>>, vector<1x1024xf32>
    %get3A_17 = vector.shape_cast %get3A_16 : vector<1x1024xf32> to vector<1024xf32>
    %add3A_18 = arith.addf %get3A_13, %get3A_17 : vector<1024xf32>
    %add3A_19 = arith.constant 1.000000e-16 : f32
    %add3A_20 = vector.broadcast %add3A_19 : f32 to vector<1024xf32>
    %add3A_21 = arith.addf %add3A_18, %add3A_20 : vector<1024xf32>
    %broadcast_in_dim3A = vector.shape_cast %add3A_21 : vector<1024xf32> to vector<1024x1xf32>
    %div3A = vector.broadcast %broadcast_in_dim3A : vector<1024x1xf32> to vector<1024x128xf32>
    %div3A_22 = arith.divf %add3A, %div3A : vector<1024x128xf32>
    %get3A_23 = arith.constant 0 : index
    %get3A_24 = arith.constant 0 : index
    %get3A_25 = vector.load %arg3[%get3A_23, %get3A_24] : memref<1x128xf32, #tpu.memory_space<vmem>>, vector<1x128xf32>
    %add3A_26 = vector.broadcast %get3A_25 : vector<1x128xf32> to vector<1024x128xf32>
    %add3A_27 = arith.addf %div3A_22, %add3A_26 : vector<1024x128xf32>
    %max3A = arith.constant 0.000000e+00 : f32
    %max3A_28 = vector.broadcast %max3A : f32 to vector<1024x128xf32>
    %max3A_29 = arith.maximumf %add3A_27, %max3A_28 : vector<1024x128xf32>
    %get3A_30 = arith.constant 0 : index
    %get3A_31 = arith.constant 0 : index
    %get3A_32 = vector.load %arg4[%get3A_30, %get3A_31] : memref<128x128xf32, #tpu.memory_space<vmem>>, vector<128x128xf32>
    %dot_general3A = arith.constant dense<0.000000e+00> : vector<1024x128xf32>
    %dot_general3A_33 = tpu.matmul %max3A_29, %get3A_32, %dot_general3A {dimension_numbers = #tpu.dot_dimension_numbers<[1], [0], [0], [1], [0, 0, 1, 1], [], []>, transpose_lhs_hint = false} : vector<1024x128xf32>, vector<128x128xf32>, vector<1024x128xf32> -> vector<1024x128xf32>
    %convert_element_type3A_34 = arith.truncf %dot_general3A_33 : vector<1024x128xf32> to vector<1024x128xbf16>
    %swap3A = arith.constant 0 : index
    %swap3A_35 = arith.constant 0 : index
    %swap3A_36 = vector.load %arg6[%swap3A, %swap3A_35] : memref<1024x128xbf16, #tpu.memory_space<vmem>>, vector<1024x128xbf16>
    tpu.vector_store %arg6[%swap3A, %swap3A_35], %convert_element_type3A_34 {strides = array<i32>} : memref<1024x128xbf16, #tpu.memory_space<vmem>>, vector<1024x128xbf16>,
    %get3A_37 = arith.constant 0 : index
    %get3A_38 = arith.constant 0 : index
    %get3A_39 = vector.load %arg5[%get3A_37, %get3A_38] : memref<2x128xf32, #tpu.memory_space<vmem>>, vector<2x128xf32>
    %slice3A = vector.extract_strided_slice %get3A_39 {offsets = [0, 0], sizes = [1, 128], strides = [1, 1]} : vector<2x128xf32> to vector<1x128xf32>
    %mul3A = vector.broadcast %slice3A : vector<1x128xf32> to vector<1024x128xf32>
    %mul3A_40 = arith.mulf %dot_general3A_33, %mul3A : vector<1024x128xf32>
    %reduce_sum3A = arith.constant dense<0.000000e+00> : vector<1024xf32>
    %reduce_sum3A_41 = vector.multi_reduction <add>, %mul3A_40, %reduce_sum3A [1] : vector<1024x128xf32> to vector<1024xf32>
    %slice3A_42 = vector.extract_strided_slice %get3A_39 {offsets = [1, 0], sizes = [1, 128], strides = [1, 1]} : vector<2x128xf32> to vector<1x128xf32>
    %mul3A_43 = vector.broadcast %slice3A_42 : vector<1x128xf32> to vector<1024x128xf32>
    %mul3A_44 = arith.mulf %dot_general3A_33, %mul3A_43 : vector<1024x128xf32>
    %reduce_sum3A_45 = arith.constant dense<0.000000e+00> : vector<1024xf32>
    %reduce_sum3A_46 = vector.multi_reduction <add>, %mul3A_44, %reduce_sum3A_45 [1] : vector<1024x128xf32> to vector<1024xf32>
    %broadcast_in_dim3A_47 = vector.shape_cast %reduce_sum3A_41 : vector<1024xf32> to vector<1x1024xf32>
    %broadcast_in_dim3A_48 = vector.shape_cast %reduce_sum3A_46 : vector<1024xf32> to vector<1x1024xf32>
    %concatenate3A = tpu.concatenate %broadcast_in_dim3A_47, %broadcast_in_dim3A_48 in 0 : vector<1x1024xf32>, vector<1x1024xf32> -> vector<2x1024xf32>
    %swap3A_49 = arith.constant 0 : index
    %swap3A_50 = arith.constant 0 : index
    %swap3A_51 = vector.load %arg7[%swap3A_49, %swap3A_50] : memref<2x1024xf32, #tpu.memory_space<vmem>>, vector<2x1024xf32>
    tpu.vector_store %arg7[%swap3A_49, %swap3A_50], %concatenate3A {strides = array<i32>} : memref<2x1024xf32, #tpu.memory_space<vmem>>, vector<2x1024xf32>,
    return
  }
  func.func @transform_0(%arg0: i32) -> (i32, i32, i32) {
    %c0_i32 = arith.constant 0 : i32
    %c0_i32_0 = arith.constant 0 : i32
    %c0_i32_1 = arith.constant 0 : i32
    return %c0_i32, %arg0, %c0_i32_0 : i32, i32, i32
  }
  func.func @transform_1(%arg0: i32) -> (i32, i32) {
    %c0_i32 = arith.constant 0 : i32
    %c0_i32_0 = arith.constant 0 : i32
    return %c0_i32, %arg0 : i32, i32
  }
  func.func @transform_2(%arg0: i32) -> (i32, i32) {
    %c0_i32 = arith.constant 0 : i32
    %c0_i32_0 = arith.constant 0 : i32
    %c0_i32_1 = arith.constant 0 : i32
    return %c0_i32, %c0_i32_0 : i32, i32
  }
  func.func @transform_3(%arg0: i32) -> (i32, i32) {
    %c0_i32 = arith.constant 0 : i32
    %c0_i32_0 = arith.constant 0 : i32
    %c0_i32_1 = arith.constant 0 : i32
    return %c0_i32, %c0_i32_0 : i32, i32
  }
  func.func @transform_4(%arg0: i32) -> (i32, i32) {
    %c0_i32 = arith.constant 0 : i32
    %c0_i32_0 = arith.constant 0 : i32
    %c0_i32_1 = arith.constant 0 : i32
    return %c0_i32, %c0_i32_0 : i32, i32
  }
  func.func @transform_5(%arg0: i32) -> (i32, i32) {
    %c0_i32 = arith.constant 0 : i32
    %c0_i32_0 = arith.constant 0 : i32
    return %arg0, %c0_i32 : i32, i32
  }
  func.func @transform_6(%arg0: i32) -> (i32, i32) {
    %c0_i32 = arith.constant 0 : i32
    %c0_i32_0 = arith.constant 0 : i32
    return %c0_i32, %arg0 : i32, i32
  }
}

module attributes {stable_mosaic.version = 14 : i64} {
  func.func @_final_body(%arg0: i32, %arg1: memref<2x1024x128xbf16, #tpu.memory_space<vmem>>, %arg2: memref<2x1024xf32, #tpu.memory_space<vmem>>, %arg3: memref<1x128xf32, #tpu.memory_space<vmem>>, %arg4: memref<128x128xf32, #tpu.memory_space<vmem>>, %arg5: memref<1x128xf32, #tpu.memory_space<vmem>>, %arg6: memref<1024x1xi32, #tpu.memory_space<vmem>>, %arg7: memref<64x128xf32, #tpu.memory_space<vmem>>, %arg8: memref<128x128xf32, #tpu.memory_space<vmem>>, %arg9: memref<128x128xf32, #tpu.memory_space<vmem>>) attributes {dimension_semantics = [#tpu.dimension_semantics<arbitrary>], iteration_bounds = array<i64: 10>, scalar_prefetch = 0 : i64, scratch_operands = 2 : i64, tpu.core_type = #tpu.core_type<tc>, window_params = [{transform_indices = @transform_0, window_bounds = array<i64: 2, 1024, 128>}, {transform_indices = @transform_1, window_bounds = array<i64: 2, 1024>}, {pipeline_mode = #tpu.pipeline_mode<synchronous>, transform_indices = @transform_2, window_bounds = array<i64: 1, 128>}, {pipeline_mode = #tpu.pipeline_mode<synchronous>, transform_indices = @transform_3, window_bounds = array<i64: 128, 128>}, {pipeline_mode = #tpu.pipeline_mode<synchronous>, transform_indices = @transform_4, window_bounds = array<i64: 1, 128>}, {transform_indices = @transform_5, window_bounds = array<i64: 1024, 1>}, {pipeline_mode = #tpu.pipeline_mode<synchronous>, transform_indices = @transform_6, window_bounds = array<i64: 64, 128>}]} {
    %eq3A = arith.constant 0 : i32
    %eq3A_0 = arith.cmpi eq, %arg0, %eq3A : i32
    %convert_element_type3A = arith.extui %eq3A_0 : i1 to i32
    %cond3A = arith.constant 0 : i32
    %cond3A_1 = arith.cmpi ne, %convert_element_type3A, %cond3A : i32
    scf.if %cond3A_1 {
      %broadcast_in_dim3A_72 = arith.constant 0.000000e+00 : f32
      %broadcast_in_dim3A_73 = vector.broadcast %broadcast_in_dim3A_72 : f32 to vector<128x128xf32>
      %swap3A_74 = arith.constant 0 : index
      %swap3A_75 = arith.constant 0 : index
      %swap3A_76 = vector.load %arg8[%swap3A_74, %swap3A_75] : memref<128x128xf32, #tpu.memory_space<vmem>>, vector<128x128xf32>
      tpu.vector_store %arg8[%swap3A_74, %swap3A_75], %broadcast_in_dim3A_73 {strides = array<i32>} : memref<128x128xf32, #tpu.memory_space<vmem>>, vector<128x128xf32>,
      %broadcast_in_dim3A_77 = arith.constant 0.000000e+00 : f32
      %broadcast_in_dim3A_78 = vector.broadcast %broadcast_in_dim3A_77 : f32 to vector<128x128xf32>
      %swap3A_79 = arith.constant 0 : index
      %swap3A_80 = arith.constant 0 : index
      %swap3A_81 = vector.load %arg9[%swap3A_79, %swap3A_80] : memref<128x128xf32, #tpu.memory_space<vmem>>, vector<128x128xf32>
      tpu.vector_store %arg9[%swap3A_79, %swap3A_80], %broadcast_in_dim3A_78 {strides = array<i32>} : memref<128x128xf32, #tpu.memory_space<vmem>>, vector<128x128xf32>,
    } else {
    }
    %get3A = arith.constant 0 : index
    %get3A_2 = arith.constant 0 : index
    %get3A_3 = arith.constant 0 : index
    %get3A_4 = vector.load %arg1[%get3A, %get3A_2, %get3A_3] : memref<2x1024x128xbf16, #tpu.memory_space<vmem>>, vector<1x1024x128xbf16>
    %get3A_5 = vector.shape_cast %get3A_4 : vector<1x1024x128xbf16> to vector<1024x128xbf16>
    %convert_element_type3A_6 = arith.extf %get3A_5 : vector<1024x128xbf16> to vector<1024x128xf32>
    %get3A_7 = arith.constant 1 : index
    %get3A_8 = arith.constant 0 : index
    %get3A_9 = arith.constant 0 : index
    %get3A_10 = vector.load %arg1[%get3A_7, %get3A_8, %get3A_9] : memref<2x1024x128xbf16, #tpu.memory_space<vmem>>, vector<1x1024x128xbf16>
    %get3A_11 = vector.shape_cast %get3A_10 : vector<1x1024x128xbf16> to vector<1024x128xbf16>
    %convert_element_type3A_12 = arith.extf %get3A_11 : vector<1024x128xbf16> to vector<1024x128xf32>
    %add3A = arith.addf %convert_element_type3A_6, %convert_element_type3A_12 : vector<1024x128xf32>
    %get3A_13 = arith.constant 0 : index
    %get3A_14 = arith.constant 0 : index
    %get3A_15 = vector.load %arg2[%get3A_13, %get3A_14] : memref<2x1024xf32, #tpu.memory_space<vmem>>, vector<1x1024xf32>
    %get3A_16 = vector.shape_cast %get3A_15 : vector<1x1024xf32> to vector<1024xf32>
    %get3A_17 = arith.constant 1 : index
    %get3A_18 = arith.constant 0 : index
    %get3A_19 = vector.load %arg2[%get3A_17, %get3A_18] : memref<2x1024xf32, #tpu.memory_space<vmem>>, vector<1x1024xf32>
    %get3A_20 = vector.shape_cast %get3A_19 : vector<1x1024xf32> to vector<1024xf32>
    %add3A_21 = arith.addf %get3A_16, %get3A_20 : vector<1024xf32>
    %add3A_22 = arith.constant 1.000000e-16 : f32
    %add3A_23 = vector.broadcast %add3A_22 : f32 to vector<1024xf32>
    %add3A_24 = arith.addf %add3A_21, %add3A_23 : vector<1024xf32>
    %broadcast_in_dim3A = vector.shape_cast %add3A_24 : vector<1024xf32> to vector<1024x1xf32>
    %div3A = vector.broadcast %broadcast_in_dim3A : vector<1024x1xf32> to vector<1024x128xf32>
    %div3A_25 = arith.divf %add3A, %div3A : vector<1024x128xf32>
    %get3A_26 = arith.constant 0 : index
    %get3A_27 = arith.constant 0 : index
    %get3A_28 = vector.load %arg3[%get3A_26, %get3A_27] : memref<1x128xf32, #tpu.memory_space<vmem>>, vector<1x128xf32>
    %add3A_29 = vector.broadcast %get3A_28 : vector<1x128xf32> to vector<1024x128xf32>
    %add3A_30 = arith.addf %div3A_25, %add3A_29 : vector<1024x128xf32>
    %get3A_31 = arith.constant 0 : index
    %get3A_32 = arith.constant 0 : index
    %get3A_33 = vector.load %arg4[%get3A_31, %get3A_32] : memref<128x128xf32, #tpu.memory_space<vmem>>, vector<128x128xf32>
    %dot_general3A = arith.constant dense<0.000000e+00> : vector<1024x128xf32>
    %dot_general3A_34 = tpu.matmul %add3A_30, %get3A_33, %dot_general3A {dimension_numbers = #tpu.dot_dimension_numbers<[1], [0], [0], [1], [0, 0, 1, 1], [], []>, transpose_lhs_hint = false} : vector<1024x128xf32>, vector<128x128xf32>, vector<1024x128xf32> -> vector<1024x128xf32>
    %get3A_35 = arith.constant 0 : index
    %get3A_36 = arith.constant 0 : index
    %get3A_37 = vector.load %arg5[%get3A_35, %get3A_36] : memref<1x128xf32, #tpu.memory_space<vmem>>, vector<1x128xf32>
    %add3A_38 = vector.broadcast %get3A_37 : vector<1x128xf32> to vector<1024x128xf32>
    %add3A_39 = arith.addf %dot_general3A_34, %add3A_38 : vector<1024x128xf32>
    %iota3A = tpu.iota {dimensions = array<i32: 1>} : vector<1x128xi32>
    %get3A_40 = arith.constant 0 : index
    %get3A_41 = arith.constant 0 : index
    %get3A_42 = vector.load %arg6[%get3A_40, %get3A_41] : memref<1024x1xi32, #tpu.memory_space<vmem>>, vector<1024x1xi32>
    %eq3A_43 = vector.broadcast %get3A_42 : vector<1024x1xi32> to vector<1024x128xi32>
    %eq3A_44 = vector.broadcast %iota3A : vector<1x128xi32> to vector<1024x128xi32>
    %eq3A_45 = arith.cmpi eq, %eq3A_43, %eq3A_44 : vector<1024x128xi32>
    %convert_element_type3A_46 = arith.extui %eq3A_45 : vector<1024x128xi1> to vector<1024x128xi32>
    %convert_element_type3A_47 = arith.sitofp %convert_element_type3A_46 : vector<1024x128xi32> to vector<1024x128xf32>
    %get3A_48 = arith.constant 0 : index
    %get3A_49 = arith.constant 0 : index
    %get3A_50 = vector.load %arg8[%get3A_48, %get3A_49] : memref<128x128xf32, #tpu.memory_space<vmem>>, vector<128x128xf32>
    %dot_general3A_51 = arith.constant dense<0.000000e+00> : vector<128x128xf32>
    %dot_general3A_52 = tpu.matmul %convert_element_type3A_47, %add3A_39, %dot_general3A_51 {dimension_numbers = #tpu.dot_dimension_numbers<[0], [0], [1], [1], [0, 1, 1, 1], [], []>, transpose_lhs_hint = false} : vector<1024x128xf32>, vector<1024x128xf32>, vector<128x128xf32> -> vector<128x128xf32>
    %add3A_53 = arith.addf %get3A_50, %dot_general3A_52 : vector<128x128xf32>
    %swap3A = arith.constant 0 : index
    %swap3A_54 = arith.constant 0 : index
    %swap3A_55 = vector.load %arg8[%swap3A, %swap3A_54] : memref<128x128xf32, #tpu.memory_space<vmem>>, vector<128x128xf32>
    tpu.vector_store %arg8[%swap3A, %swap3A_54], %add3A_53 {strides = array<i32>} : memref<128x128xf32, #tpu.memory_space<vmem>>, vector<128x128xf32>,
    %get3A_56 = arith.constant 0 : index
    %get3A_57 = arith.constant 0 : index
    %get3A_58 = vector.load %arg9[%get3A_56, %get3A_57] : memref<128x128xf32, #tpu.memory_space<vmem>>, vector<128x128xf32>
    %broadcast_in_dim3A_59 = arith.constant 1.000000e+00 : f32
    %broadcast_in_dim3A_60 = vector.broadcast %broadcast_in_dim3A_59 : f32 to vector<1024x128xf32>
    %dot_general3A_61 = arith.constant dense<0.000000e+00> : vector<128x128xf32>
    %dot_general3A_62 = tpu.matmul %convert_element_type3A_47, %broadcast_in_dim3A_60, %dot_general3A_61 {dimension_numbers = #tpu.dot_dimension_numbers<[0], [0], [1], [1], [0, 1, 1, 1], [], []>, transpose_lhs_hint = false} : vector<1024x128xf32>, vector<1024x128xf32>, vector<128x128xf32> -> vector<128x128xf32>
    %add3A_63 = arith.addf %get3A_58, %dot_general3A_62 : vector<128x128xf32>
    %swap3A_64 = arith.constant 0 : index
    %swap3A_65 = arith.constant 0 : index
    %swap3A_66 = vector.load %arg9[%swap3A_64, %swap3A_65] : memref<128x128xf32, #tpu.memory_space<vmem>>, vector<128x128xf32>
    tpu.vector_store %arg9[%swap3A_64, %swap3A_65], %add3A_63 {strides = array<i32>} : memref<128x128xf32, #tpu.memory_space<vmem>>, vector<128x128xf32>,
    %eq3A_67 = arith.constant 9 : i32
    %eq3A_68 = arith.cmpi eq, %arg0, %eq3A_67 : i32
    %convert_element_type3A_69 = arith.extui %eq3A_68 : i1 to i32
    %cond3A_70 = arith.constant 0 : i32
    %cond3A_71 = arith.cmpi ne, %convert_element_type3A_69, %cond3A_70 : i32
    scf.if %cond3A_71 {
      %get3A_72 = arith.constant 0 : index
      %get3A_73 = arith.constant 0 : index
      %get3A_74 = vector.load %arg8[%get3A_72, %get3A_73] : memref<128x128xf32, #tpu.memory_space<vmem>>, vector<128x128xf32>
      %get3A_75 = arith.constant 0 : index
      %get3A_76 = arith.constant 0 : index
      %get3A_77 = vector.load %arg9[%get3A_75, %get3A_76] : memref<128x128xf32, #tpu.memory_space<vmem>>, vector<128x128xf32>
      %max3A = arith.constant 1.000000e+00 : f32
      %max3A_78 = vector.broadcast %max3A : f32 to vector<128x128xf32>
      %max3A_79 = arith.maximumf %get3A_77, %max3A_78 : vector<128x128xf32>
      %div3A_80 = arith.divf %get3A_74, %max3A_79 : vector<128x128xf32>
      %slice3A = vector.extract_strided_slice %div3A_80 {offsets = [0, 0], sizes = [64, 128], strides = [1, 1]} : vector<128x128xf32> to vector<64x128xf32>
      %swap3A_81 = arith.constant 0 : index
      %swap3A_82 = arith.constant 0 : index
      %swap3A_83 = vector.load %arg7[%swap3A_81, %swap3A_82] : memref<64x128xf32, #tpu.memory_space<vmem>>, vector<64x128xf32>
      tpu.vector_store %arg7[%swap3A_81, %swap3A_82], %slice3A {strides = array<i32>} : memref<64x128xf32, #tpu.memory_space<vmem>>, vector<64x128xf32>,
    } else {
    }
    return
  }
  func.func @transform_0(%arg0: i32) -> (i32, i32, i32) {
    %c0_i32 = arith.constant 0 : i32
    %c0_i32_0 = arith.constant 0 : i32
    %c0_i32_1 = arith.constant 0 : i32
    return %c0_i32, %arg0, %c0_i32_0 : i32, i32, i32
  }
  func.func @transform_1(%arg0: i32) -> (i32, i32) {
    %c0_i32 = arith.constant 0 : i32
    %c0_i32_0 = arith.constant 0 : i32
    return %c0_i32, %arg0 : i32, i32
  }
  func.func @transform_2(%arg0: i32) -> (i32, i32) {
    %c0_i32 = arith.constant 0 : i32
    %c0_i32_0 = arith.constant 0 : i32
    %c0_i32_1 = arith.constant 0 : i32
    return %c0_i32, %c0_i32_0 : i32, i32
  }
  func.func @transform_3(%arg0: i32) -> (i32, i32) {
    %c0_i32 = arith.constant 0 : i32
    %c0_i32_0 = arith.constant 0 : i32
    %c0_i32_1 = arith.constant 0 : i32
    return %c0_i32, %c0_i32_0 : i32, i32
  }
  func.func @transform_4(%arg0: i32) -> (i32, i32) {
    %c0_i32 = arith.constant 0 : i32
    %c0_i32_0 = arith.constant 0 : i32
    %c0_i32_1 = arith.constant 0 : i32
    return %c0_i32, %c0_i32_0 : i32, i32
  }
  func.func @transform_5(%arg0: i32) -> (i32, i32) {
    %c0_i32 = arith.constant 0 : i32
    %c0_i32_0 = arith.constant 0 : i32
    return %arg0, %c0_i32 : i32, i32
  }
  func.func @transform_6(%arg0: i32) -> (i32, i32) {
    %c0_i32 = arith.constant 0 : i32
    %c0_i32_0 = arith.constant 0 : i32
    %c0_i32_1 = arith.constant 0 : i32
    return %c0_i32, %c0_i32_0 : i32, i32
  }
}

</mosaic_0001>

<sc_bundles>
// kernel: kernel.10.cloned.1.call-start
scs
__scs_entry_jumppad:
0x0: {  	(pc) =	sbr.rel $0x88, $3  }
0x1: {  	(tag) =	ssettag $0x0;
	lr =	simm.s32 $0x1  }
0x2: {  	[smem:$0x3F94] =	sst lr;
	_ =	strace $0xD0000000  }
0x3: {  	_ = 	snop  }
0x4: {  	_ = 	snop  }
0x5: {  	_ = 	snop  }
0x6: {  	_ = 	snop  }
0x7: {  	_ = 	snop  }
__scs_overlays_trampoline_lowered:
0x8: {  	[smem:$0x3FA3] =	sst s0  }
0x9: {  	[smem:$0x3FA4] =	sst s1  }
0xa: {  	[smem:$0x3FA5] =	sst s2  }
0xb: {  	[smem:$0x3FA6] =	sst s3  }
0xc: {  	[smem:$0x3FA7] =	sst s4  }
0xd: {  	[smem:$0x3FA8] =	sst s5  }
0xe: {  	[smem:$0x3FA9] =	sst s6  }
0xf: {  	[smem:$0x3FAA] =	sst s7  }
0x10: {  	[smem:$0x3FAB] =	sst s8  }
0x11: {  	[smem:$0x3FAC] =	sst s9;
	s0 =	simm.s32 @!p0 $0x0  }
0x12: {  	s1 =	sld [smem:$0x3F92];
	s0 =	simm.s32 @p0 $0x1  }
0x13: {  	[smem:$0x3FAD] =	sst s0;
	s0 =	simm.s32 @!p1 $0x0  }
0x14: {  	s2 =	sld [smem:$0x3F91];
	s0 =	simm.s32 @p1 $0x1  }
0x15: {  	[smem:$0x3FAE] =	sst s0;
	s0 =	simm.s32 @!p2 $0x0  }
0x16: {  	s3 =	sld [smem:$0x3FDB];
	s0 =	simm.s32 @p2 $0x1  }
0x17: {  	s4 =	simm.s32 $0x1BF5;
	[smem:$0x3FB0] =	sst s0  }
0x18: {  	s0 =	sld [smem:$0x3F93];
	_ =	swait.ge [sflag:s4], $0x0  }
0x19: {  	s7 =	sld [smem:$0x3F94]  }
0x1a: {  	s8 =	sadd.s32 $0xFFFFE003, lr  }
0x1b: {  	s9 =	sadd.s32 $0xFFFFFEF7, lr;
	s5 =	simm.s32 $0xFFFFFFFF;
	p2 =	slt.u32 s8, $0xFFFFF086  }
0x1c: {  	p1 =	slt.u32 s9, $0xF7A;
	s5 =	simm.s32 @!p2 $0x0  }
0x1d: {  	s5 =	simm.s32 @p1 $0x1;
	p0 =	seq.s32 s7, s2  }
0x1e: {  	s7 =	smul.u32 @!p0 $0xF7A, s2;
	p2 =	seq.s32 @!p0 s5, $0x0  }
0x1f: {  	s9 =	smul.u32 $0xF7A, s1;
	s8 =	simm.s32 @!p0 $0x1BF5;
	p2 =	por !p2, p0  }
0x20: {  	[sflag:s8] =	ssyncset.s32 @!p0 $0xFFFFF086;
	s6 =	sadd.s32 @!p0 s3, s7;
	s7 =	simm.s32 @!p0 $0x108  }
0x21: {  	s3 =	sadd.s32 s3, s9;
	s6 =	sadd.s32 @!p0 $0x88, s6;
	s7 =	simm.s32 @p2 $0x1082  }
0x22: {  	[simem:s7], [sflag:s8] =	dma.local @!p0 [hbm:s6], $0xF7A  }
0x23: {  	s9 =	sor.u32 $0xD0000000, s2;
	s6 =	simm.s32 $0x108;
	_ =	swait.ge @!p0 [sflag:s8], $0x0  }
0x24: {  	s3 =	sadd.s32 $0x88, s3;
	s6 =	simm.s32 @!p1 $0x1082;
	[sflag:s4] =	ssyncset.s32 $0xFFFFF086  }
0x25: {  	[simem:s6], [sflag:s4] =	dma.local [hbm:s3], $0xF7A  }
0x26: {  	[smem:$0x3F94] =	sst s1;
	(tag) =	ssettag s2;
	_ =	strace s9  }
0x27: {  	s1 =	sld [smem:$0x3FA4]  }
0x28: {  	s2 =	sld [smem:$0x3FA5]  }
0x29: {  	s4 =	sld [smem:$0x3FA7]  }
0x2a: {  	p0 =	seq.s32 s5, $0x0;
	s5 =	sld [smem:$0x3FA8]  }
0x2b: {  	s6 =	sld [smem:$0x3FA9]  }
0x2c: {  	s7 =	sld [smem:$0x3FAA]  }
0x2d: {  	s3 =	simm.s32 $0x108;
	s8 =	sld [smem:$0x3FAB]  }
0x2e: {  	s3 =	simm.s32 @!p0 $0x1082;
	s9 =	sld [smem:$0x3FAC]  }
0x2f: {  	lr =	sadd.s32 s0, s3;
	s0 =	sld [smem:$0x3FA3]  }
0x30: {  	s3 =	sld [smem:$0x3FA6]  }
0x31: {  	[smem:$0x3FAF] =	sst s10  }
0x32: {  	s10 =	sld [smem:$0x3FAD];
	_ =	sdelay $0x3  }
0x33: {  	p0 =	seq.s32 s10, $0x1;
	s10 =	sld [smem:$0x3FAF];
	_ =	sdelay $0x3  }
0x34: {  	[smem:$0x3FAF] =	sst s10  }
0x35: {  	s10 =	sld [smem:$0x3FAE];
	_ =	sdelay $0x3  }
0x36: {  	p1 =	seq.s32 s10, $0x1;
	s10 =	sld [smem:$0x3FAF];
	_ =	sdelay $0x3  }
0x37: {  	[smem:$0x3FAF] =	sst s10  }
0x38: {  	s10 =	sld [smem:$0x3FB0]  }
0x39: {  	_ = 	snop;
	(pc) =	sbr.ind lr, $3  }
0x3a: {  	_ = 	snop  }
0x3b: {  	_ = 	snop  }
0x3c: {  	p2 =	seq.s32 s10, $0x1;
	s10 =	sld [smem:$0x3FAF]  }
0x3d: {  	_ =	shalt  }
0x3e: {  	_ =	shalt  }
0x3f: {  	_ =	shalt  }
0x40: {  	_ =	shalt  }
0x41: {  	_ =	shalt  }
0x42: {  	_ =	shalt  }
0x43: {  	_ =	shalt  }
0x44: {  	_ =	shalt  }
0x45: {  	_ =	shalt  }
0x46: {  	_ =	shalt  }
0x47: {  	_ =	shalt  }
0x48: {  	_ =	shalt  }
0x49: {  	_ =	shalt  }
0x4a: {  	_ =	shalt  }
0x4b: {  	_ =	shalt  }
0x4c: {  	_ =	shalt  }
0x4d: {  	_ =	shalt  }
0x4e: {  	_ =	shalt  }
0x4f: {  	_ =	shalt  }
0x50: {  	_ =	shalt  }
0x51: {  	_ =	shalt  }
0x52: {  	_ =	shalt  }
0x53: {  	_ =	shalt  }
0x54: {  	_ =	shalt  }
0x55: {  	_ =	shalt  }
0x56: {  	_ =	shalt  }
0x57: {  	_ =	shalt  }
0x58: {  	_ =	shalt  }
0x59: {  	_ =	shalt  }
0x5a: {  	_ =	shalt  }
0x5b: {  	_ =	shalt  }
0x5c: {  	_ =	shalt  }
0x5d: {  	_ =	shalt  }
0x5e: {  	_ =	shalt  }
0x5f: {  	_ =	shalt  }
0x60: {  	_ =	shalt  }
0x61: {  	_ =	shalt  }
0x62: {  	_ =	shalt  }
0x63: {  	_ =	shalt  }
0x64: {  	_ =	shalt  }
0x65: {  	_ =	shalt  }
0x66: {  	_ =	shalt  }
0x67: {  	_ =	shalt  }
0x68: {  	_ =	shalt  }
0x69: {  	_ =	shalt  }
0x6a: {  	_ =	shalt  }
0x6b: {  	_ =	shalt  }
0x6c: {  	_ =	shalt  }
0x6d: {  	_ =	shalt  }
0x6e: {  	_ =	shalt  }
0x6f: {  	_ =	shalt  }
0x70: {  	_ =	shalt  }
0x71: {  	_ =	shalt  }
0x72: {  	_ =	shalt  }
0x73: {  	_ =	shalt  }
0x74: {  	_ =	shalt  }
0x75: {  	_ =	shalt  }
0x76: {  	_ =	shalt  }
0x77: {  	_ =	shalt  }
0x78: {  	_ =	shalt  }
0x79: {  	_ =	shalt  }
0x7a: {  	_ =	shalt  }
0x7b: {  	_ =	shalt  }
0x7c: {  	_ =	shalt  }
0x7d: {  	_ =	shalt  }
0x7e: {  	_ =	shalt  }
0x7f: {  	_ =	shalt  }
0x80: {  	_ =	shalt  }
0x81: {  	_ =	shalt  }
0x82: {  	_ =	shalt  }
0x83: {  	_ =	shalt  }
0x84: {  	_ =	shalt  }
0x85: {  	_ =	shalt  }
0x86: {  	_ =	shalt  }
0x87: {  	_ =	shalt  }
.Lfunc_end0:
.L_simem_size_0:
called_computation.1_lowered:
.L_overlay_start_0:
0x88: {  	s2 =	sld [smem:$0x3FD9]  }
0x89: {  	s3 =	sld [smem:$0x3FFE];
	_ =	sdelay $0x1  }
0x8a: {  	s1 =	srdreg.scid  }
0x8b: {  	s0 =	sand.u32 $0x1, s1  }
0x8c: {  	s16 =	sshll.u32 s0, $0xA;
	s2 =	sadd.s32 s3, s2  }
0x8d: {  	s2 =	sadd.s32 s2, s16  }
0x8e: {  	[smem:$0x3FBB] =	sst s2  }
0x8f: {  	_ = 	snop  }
0x90: {  	(tm) =	ssettm $0x1  }
0x91: {  	s17 =	sld [smem:$0x3FFB];
	_ =	sdelay $0x3  }
0x92: {  	_ =	strace s17  }
0x93: {  	s2 =	sld [smem:$0x3FFC];
	_ =	sdelay $0x3  }
0x94: {  	_ =	strace s2  }
0x95: {  	s2 =	sld [smem:$0x3FFD];
	_ =	sdelay $0x3  }
0x96: {  	_ =	strace s2  }
0x97: {  	_ =	strace $0x8FFFFFFF  }
0x98: {  	s18 =	sld [smem:$0x3FDB];
	_ =	sdelay $0x1  }
0x99: {  	s19 =	simm.s32 $_scs_section_size  }
0x9a: {  	s4 =	simm.s32 $_size__tile_overlayer_lowered;
	s5 =	simm.s32 $_tile_overlayer_lowered  }
0x9b: {  	s22 =	simm.s32 $0x1BFF;
	s21 =	sshll.u32 s5, $0x1;
	s2 =	sadd.s32 s19, s18  }
0x9c: {  	s6 =	simm.s32 $0x0;
	s20 =	sshll.u32 s4, $0x1;
	s4 =	sadd.s32 s21, s2  }
0x9d: {  	[timem:s6], [sflag:s22] =	dma.local [hbm:s4], s20  }
0x9e: {  	_ =	swait.ge [sflag:s22], s20  }
0x9f: {  	s3 =	ssub.s32 $0x0, s20;
	[sflag:s22] =	ssyncset.done $0x0  }
0xa0: {  	[sflag:s22] =	ssyncadd.s32 s3;
	_ =	sdelay $0x1  }
0xa1: {  	s23 =	simm.s32 $0x1B8B  }
0xa2: {  	_ =	swait.ge [sflag:s23], $0x1  }
0xa3: {  	[sflag:s23] =	ssyncset.done $0x0  }
0xa4: {  	s25 =	simm.s32 $0x1B8E;
	s24 =	sld [smem:$0x3FFE];
	[sflag:s23] =	ssyncadd.s32 $0xFFFFFFFF  }
0xa5: {  	s26 =	simm.s32 $execute0_lowered;
	[smem:$0x3FD2] =	sst s25  }
0xa6: {  	s4 =	sshll.u32 s26, $0x1;
	_ =	strace $0x80000049;
	[dreg:$0x1] =	wrdreg $0xFFFFFFFF  }
0xa7: {  	s28 =	simm.s32 $_size_execute0_lowered;
	s2 =	sadd.s32 s2, s4;
	[dreg:$0x0] =	wrdreg $0x0  }
0xa8: {  	s4 =	sshll.u32 s28, $0x1;
	[dreg:$0x2] =	wrdreg s2  }
0xa9: {  	[dreg:$0x3] =	wrdreg s4  }
0xaa: {  	[dreg:$0x4] =	wrdreg $0xC0  }
0xab: {  	_ =	task [dreg:s6], $0x5FFFF  }
0xac: {  	[dreg:$0x1] =	wrdreg $0xFFFFFFFF  }
0xad: {  	[dreg:$0x0] =	wrdreg $0x60  }
0xae: {  	[dreg:$0x2] =	wrdreg s24  }
0xaf: {  	[dreg:$0x3] =	wrdreg $0x152800  }
0xb0: {  	[dreg:$0x4] =	wrdreg $0x1F2800  }
0xb1: {  	[dreg:$0x5] =	wrdreg $0x9  }
0xb2: {  	_ =	task.clear_ibuf [dreg:s6], $0x6FFFF;
	_ =	strace $0x90000049  }
0xb3: {  	s29 =	simm.s32 $0x9;
	_ =	strace $0x8000004B  }
0xb4: {  	_ =	swait.ge [sflag:s29], $0x1  }
0xb5: {  	[sflag:s29] =	ssyncadd.s32 $0xFFFFFFFF  }
0xb6: {  	_ =	strace $0x9000004B  }
0xb7: {  	_ =	sfence  }
0xb8: {  	s30 =	sld [smem:$0x0];
	_ =	sdelay $0x2  }
0xb9: {  	s31 =	sshll.u32 s1, $0xD;
	s1 =	sshrl.u32 s1, $0x2  }
0xba: {  	s3 =	sand.u32 $0x4000, s31;
	s1 =	sadd.s32 s1, s30  }
0xbb: {  	s0 =	sor.u32 s3, s0;
	s1 =	sshll.u32 s1, $0x11  }
0xbc: {  	s0 =	sor.u32 s1, s0  }
0xbd: {  	s0 =	sadd.s32 $0x8F2B, s0  }
0xbe: {  	[sflag:s0] =	ssyncadd.remote.s32 $0x1  }
0xbf: {  	_ =	sfence.sel $0xFFFF  }
0xc0: {  	[dreg:$0x0] =	wrdreg $0xFFFFFFFF;
	(pc) =	sbr.abs _section_cstart, $3  }
0xc1: {  	[dreg:$0x1] =	wrdreg $0xFFFFFFFF  }
0xc2: {  	_ =	task.clear_ibuf [dreg:s6], $0x2FFFF;
	_ =	strace $0x9FFFFFFF  }
0xc3: {  	(tm) =	ssettm $0x7FFFFFFF  }
tec
execute0_lowered:
.L_overlay_start_1:
0x0: {  	(tag) =	ssettag $0x1  }
0x1: {  	s0 =	srdreg.scid  }
0x2: {  	s11 =	stileid.u32;
	s1 =	rddreg [dreg:$0x0]  }
0x3: {  	s2 =	rddreg [dreg:$0x1];
	s18 =	simm.s32 $0x14E00;
	s19 =	simm.s32 $0x3  }
0x4: {  	s28 =	simm.s32 $0xCE00;
	s29 =	simm.s32 $0xEE00;
	s8 =	smul.u32 $0x14000, s11  }
0x5: {  	s30 =	simm.s32 $0x10E00;
	s31 =	simm.s32 $0x12E00;
	s9 =	smul.u32 $0x280, s11  }
0x6: {  	s0 =	sand.u32 $0x1, s0;
	s3 =	sshll.u32 s11, $0x1;
	s11 =	smul.u32 $0x28000, s11  }
0x7: {  	s5 =	sadd.s32 $0x1C00, s1;
	s12 =	sadd.s32 $0x15C00, s1;
	s7 =	smul.u32 $0x140000, s0  }
0x8: {  	s4 =	sor.u32 s0, s3;
	s3 =	rddreg [dreg:$0x2];
	s10 =	smul.u32 $0x2800, s0  }
0x9: {  	s0 =	ssub.s32 $0x2, s0;
	s6 =	smul.u32 $0x540, s4;
	s4 =	simm.s32 $0x0  }
0xa: {  	v0 =	vimm.s32 $0xFEDCBA98;
	s20 =	sshrl.u32 s0, $0x1;
	s21 =	sshrl.u32 s11, $0x2;
	s11 =	sadd.s32 s9, s3  }
0xb: {  	v1 =	vimm.s32 $0x76543210;
	v2 =	vimm.s32 $0xBA98FEDC;
	s23 =	sshrl.u32 s8, $0x1;
	[smem:$0x7FF] =	sst s4;
	s7 =	sadd.s32 s8, s7  }
0xc: {  	v3 =	vimm.s32 $0x32107654;
	v4 =	vimm.s32 $0xDCFE98BA;
	v5 =	vimm.s32 $0x54761032;
	s10 =	sadd.s32 s9, s10;
	s0 =	ssub.s32 s0, s20;
	s25 =	sadd.s32 $0x80, s11  }
0xd: {  	v6 =	vimm.s32 $0xEFCDAB89;
	v7 =	vimm.s32 $0x67452301;
	s26 =	sadd.s32 $0x100, s11;
	s16 =	sadd.s32 $0x180, s11;
	s17 =	sadd.s32 $0x200, s11  }
0xe: {  	v0 =	vunpack.c.l.s4.s8 v0;
	v1 =	vunpack.c.l.s4.s8 v1;
	v2 =	vunpack.c.l.s4.s8 v2;
	s20 =	simm.s32 $0x15200;
	_ =	strace $0x8000004A;
	[dreg:$0x4] =	wrdreg s12  }
0xf: {  	v3 =	vunpack.c.l.s4.s8 v3;
	v4 =	vunpack.c.l.s4.s8 v4;
	v5 =	vunpack.c.l.s4.s8 v5;
	s6 =	sadd.s32 s6, s1;
	s7 =	sshrl.u32 s7, $0x4;
	[dreg:$0xa] =	wrdreg s25  }
0x10: {  	v6 =	vunpack.c.l.s4.s8 v6;
	v7 =	vunpack.c.l.s4.s8 v7;
	v0 =	vunpack.c.0.s8.s32 v0;
	s10 =	sshrl.u32 s10, $0x3;
	s0 =	smax.u32 s0, $0x1;
	[dreg:$0xb] =	wrdreg s26  }
0x11: {  	v2 =	vunpack.c.0.s8.s32 v2;
	v3 =	vunpack.c.0.s8.s32 v3;
	v4 =	vunpack.c.0.s8.s32 v4;
	s7 =	sadd.s32 s7, s1;
	s22 =	sadd.s32 $0x20E00, s6;
	[dreg:$0x9] =	wrdreg s0  }
0x12: {  	v5 =	vunpack.c.0.s8.s32 v5;
	v6 =	vunpack.c.0.s8.s32 v6;
	v7 =	vunpack.c.0.s8.s32 v7;
	s1 =	sadd.s32 s10, s1;
	s6 =	sadd.s32 $0x16600, s6;
	[dreg:$0x5] =	wrdreg s22  }
0x13: {  	v3 =	vcombine.low v3, v2;
	v2 =	vunpack.c.0.s8.s32 v1;
	s26 =	simm.s32 $0x1;
	[dreg:$0x6] =	wrdreg s6;
	s1 =	sadd.s32 $0x53600, s1  }
0x14: {  	v8 =	vand.u32 $0xF, v0;
	v4 =	vcombine.low v5, v4;
	v5 =	vcombine.low v7, v6;
	s10 =	sadd.s32 s21, s2;
	s24 =	sadd.s32 $0x2B600, s7;
	[dreg:$0x7] =	wrdreg s1  }
0x15: {  	v0 =	vimm.bf16 $0.0e+00;
	v1 =	vimm.f32 $0.0e+00;
	v2 =	vcombine.low v8, v2;
	[dreg:$0x8] =	wrdreg s24;
	s1 =	sadd.s32 s23, s2;
	s23 =	simm.s32 $0xA400  }
0x16: {  	v3 =	vand.u32 $0xF, v3;
	v4 =	vand.u32 $0xF, v4;
	v5 =	vand.u32 $0xF, v5;
	s24 =	simm.s32 $0x80;
	s25 =	sshrl.u32 s1, $0x3;
	s1 =	simm.s32 $0x2  }
.LBB2_1:
0x17: {  	[tilespmem:$0x14E00] =	vst v0  }
0x18: {  	[tilespmem:$0x14E10] =	vst v0  }
0x19: {  	[tilespmem:$0x14E20] =	vst v0  }
0x1a: {  	[tilespmem:$0x14E30] =	vst v0  }
0x1b: {  	[tilespmem:$0x14E40] =	vst v0  }
0x1c: {  	[tilespmem:$0x14E50] =	vst v0  }
0x1d: {  	[tilespmem:$0x14E60] =	vst v0  }
0x1e: {  	[tilespmem:$0x14E70] =	vst v0  }
0x1f: {  	[tilespmem:$0x14E80] =	vst v0  }
0x20: {  	[tilespmem:$0x14E90] =	vst v0  }
0x21: {  	[tilespmem:$0x14EA0] =	vst v0  }
0x22: {  	[tilespmem:$0x14EB0] =	vst v0  }
0x23: {  	[tilespmem:$0x14EC0] =	vst v0  }
0x24: {  	[tilespmem:$0x14ED0] =	vst v0  }
0x25: {  	[tilespmem:$0x14EE0] =	vst v0  }
0x26: {  	[tilespmem:$0x14EF0] =	vst v0  }
0x27: {  	[tilespmem:$0x14F00] =	vst v0  }
0x28: {  	[tilespmem:$0x14F10] =	vst v0  }
0x29: {  	[tilespmem:$0x14F20] =	vst v0  }
0x2a: {  	[tilespmem:$0x14F30] =	vst v0  }
0x2b: {  	[tilespmem:$0x14F40] =	vst v0  }
0x2c: {  	[tilespmem:$0x14F50] =	vst v0  }
0x2d: {  	[tilespmem:$0x14F60] =	vst v0  }
0x2e: {  	[tilespmem:$0x14F70] =	vst v0  }
0x2f: {  	[tilespmem:$0x14F80] =	vst v0  }
0x30: {  	[tilespmem:$0x14F90] =	vst v0  }
0x31: {  	[tilespmem:$0x14FA0] =	vst v0  }
0x32: {  	[tilespmem:$0x14FB0] =	vst v0  }
0x33: {  	[tilespmem:$0x14FC0] =	vst v0  }
0x34: {  	[tilespmem:$0x14FD0] =	vst v0  }
0x35: {  	[tilespmem:$0x14FE0] =	vst v0  }
0x36: {  	[tilespmem:$0x14FF0] =	vst v0  }
0x37: {  	[tilespmem:$0x15000] =	vst v0  }
0x38: {  	[tilespmem:$0x15010] =	vst v0  }
0x39: {  	[tilespmem:$0x15020] =	vst v0  }
0x3a: {  	[tilespmem:$0x15030] =	vst v0  }
0x3b: {  	[tilespmem:$0x15040] =	vst v0  }
0x3c: {  	[tilespmem:$0x15050] =	vst v0  }
0x3d: {  	[tilespmem:$0x15060] =	vst v0  }
0x3e: {  	[tilespmem:$0x15070] =	vst v0  }
0x3f: {  	[tilespmem:$0x15080] =	vst v0  }
0x40: {  	[tilespmem:$0x15090] =	vst v0  }
0x41: {  	[tilespmem:$0x150A0] =	vst v0  }
0x42: {  	[tilespmem:$0x150B0] =	vst v0  }
0x43: {  	[tilespmem:$0x150C0] =	vst v0  }
0x44: {  	[tilespmem:$0x150D0] =	vst v0  }
0x45: {  	[tilespmem:$0x150E0] =	vst v0  }
0x46: {  	[tilespmem:$0x150F0] =	vst v0  }
0x47: {  	[tilespmem:$0x15100] =	vst v0  }
0x48: {  	[tilespmem:$0x15110] =	vst v0  }
0x49: {  	[tilespmem:$0x15120] =	vst v0  }
0x4a: {  	[tilespmem:$0x15130] =	vst v0  }
0x4b: {  	[tilespmem:$0x15140] =	vst v0  }
0x4c: {  	[tilespmem:$0x15150] =	vst v0  }
0x4d: {  	[tilespmem:$0x15160] =	vst v0  }
0x4e: {  	[tilespmem:$0x15170] =	vst v0  }
0x4f: {  	[tilespmem:$0x15180] =	vst v0  }
0x50: {  	[tilespmem:$0x15190] =	vst v0  }
0x51: {  	[tilespmem:$0x151A0] =	vst v0  }
0x52: {  	[tilespmem:$0x151B0] =	vst v0  }
0x53: {  	[tilespmem:$0x151C0] =	vst v0  }
0x54: {  	[tilespmem:$0x151D0] =	vst v0  }
0x55: {  	[tilespmem:$0x151E0] =	vst v0  }
0x56: {  	[tilespmem:$0x151F0] =	vst v0  }
0x57: {  	[tilespmem:$0x15200] =	vst v1  }
0x58: {  	[tilespmem:$0x15210] =	vst v1  }
0x59: {  	[tilespmem:$0x15220] =	vst v1  }
0x5a: {  	[tilespmem:$0x15230] =	vst v1  }
0x5b: {  	[tilespmem:$0x15240] =	vst v1  }
0x5c: {  	[tilespmem:$0x15250] =	vst v1  }
0x5d: {  	[tilespmem:$0x15260] =	vst v1  }
0x5e: {  	[tilespmem:$0x15270] =	vst v1;
	s0 =	sadd.s32 $0x0, s10  }
0x5f: {  	[spmem:s0] =	stream.linear.scatter [tilespmem:s18], [sflag:$0x3], $0x400, $0x38;
	[tilespmem:$0x1F500] =	vst v63  }
0x60: {  	s0 =	simm.s32 $0x1000;
	_ =	swait.ge [sflag:s19], $0x400  }
.LBB2_2:
0x61: {  	s6 =	sshra.s32 s0, $0x2;
	[sflag:s19] =	ssyncset.done $0x0;
	p0 =	seq.s32 s0, $0x27000  }
.Ltmp0:
0x62: {  	s6 =	sadd.s32 s6, s10;
	[sflag:s19] =	ssyncadd.s32 $0xFFFFFC00;
	(pc) =	sbr.rel @!p0 .LBB2_2-.Ltmp0, $3  }
0x63: {  	[spmem:s6] =	stream.linear.scatter [tilespmem:s18], [sflag:$0x3], $0x400, $0x38;
	[tilespmem:$0x1F500] =	vst v63  }
0x64: {  	s0 =	sadd.s32 $0x1000, s0;
	_ =	sdelay $0x1  }
0x65: {  	_ =	swait.ge [sflag:s19], $0x400  }
0x66: {  	[sflag:s19] =	ssyncset.done $0x0  }
0x67: {  	[sflag:s19] =	ssyncadd.s32 $0xFFFFFC00  }
0x68: {  	[spmem:s11] =	stream.linear.scatter [tilespmem:s20], [sflag:$0x3], $0x80, $0x38;
	[tilespmem:$0x1F500] =	vst v63  }
0x69: {  	_ =	swait.ge [sflag:s19], $0x80  }
0x6a: {  	[sflag:s19] =	ssyncset.done $0x0  }
0x6b: {  	s0 =	rddreg [dreg:$0xa];
	[sflag:s19] =	ssyncadd.s32 $0xFFFFFF80  }
0x6c: {  	[spmem:s0] =	stream.linear.scatter [tilespmem:s20], [sflag:$0x3], $0x80, $0x38;
	[tilespmem:$0x1F500] =	vst v63  }
0x6d: {  	_ =	swait.ge [sflag:s19], $0x80  }
0x6e: {  	[sflag:s19] =	ssyncset.done $0x0  }
0x6f: {  	s12 =	rddreg [dreg:$0xb];
	[sflag:s19] =	ssyncadd.s32 $0xFFFFFF80  }
0x70: {  	[spmem:s12] =	stream.linear.scatter [tilespmem:s20], [sflag:$0x3], $0x80, $0x38;
	[tilespmem:$0x1F500] =	vst v63  }
0x71: {  	_ =	swait.ge [sflag:s19], $0x80  }
0x72: {  	[sflag:s19] =	ssyncset.done $0x0  }
0x73: {  	[sflag:s19] =	ssyncadd.s32 $0xFFFFFF80  }
0x74: {  	[spmem:s16] =	stream.linear.scatter [tilespmem:s20], [sflag:$0x3], $0x80, $0x38;
	[tilespmem:$0x1F500] =	vst v63  }
0x75: {  	_ =	swait.ge [sflag:s19], $0x80  }
0x76: {  	[sflag:s19] =	ssyncset.done $0x0  }
0x77: {  	[sflag:s19] =	ssyncadd.s32 $0xFFFFFF80  }
0x78: {  	[spmem:s17] =	stream.linear.scatter [tilespmem:s20], [sflag:$0x3], $0x80, $0x38;
	[tilespmem:$0x1F500] =	vst v63  }
0x79: {  	_ =	swait.ge [sflag:s19], $0x80  }
0x7a: {  	[sflag:s19] =	ssyncset.done $0x0  }
0x7b: {  	s13 =	simm.s32 $0x0;
	s6 =	rddreg [dreg:$0x4];
	[sflag:s19] =	ssyncadd.s32 $0xFFFFFF80  }
0x7c: {  	[tilespmem:s13], [sflag:$0x3] =	stream.linear.gather [hbm4b:s6+s13], $0x5000, $0x38;
	[tilespmem:$0x1F500] =	vst v63  }
0x7d: {  	_ =	swait.ge [sflag:s19], $0x5000  }
0x7e: {  	[sflag:s19] =	ssyncset.done $0x0  }
0x7f: {  	s7 =	simm.s32 $0x5000;
	s14 =	rddreg [dreg:$0x5];
	[sflag:s19] =	ssyncadd.s32 $0xFFFFB000  }
0x80: {  	[tilespmem:s7], [sflag:$0x3] =	stream.linear.gather [hbm4b:s14+s13], $0x2A00, $0x38;
	[tilespmem:$0x1F500] =	vst v63  }
0x81: {  	_ =	swait.ge [sflag:s19], $0x2A00  }
0x82: {  	[sflag:s19] =	ssyncset.done $0x0  }
0x83: {  	s21 =	simm.s32 $0x7A00;
	s15 =	rddreg [dreg:$0x6];
	[sflag:s19] =	ssyncadd.s32 $0xFFFFD600  }
0x84: {  	[tilespmem:s21], [sflag:$0x3] =	stream.linear.gather [hbm4b:s15+s13], $0x2A00, $0x38;
	[tilespmem:$0x1F500] =	vst v63  }
0x85: {  	_ =	swait.ge [sflag:s19], $0x2A00  }
0x86: {  	[sflag:s19] =	ssyncset.done $0x0  }
0x87: {  	s22 =	simm.s32 $0x0;
	[sflag:s19] =	ssyncadd.s32 $0xFFFFD600  }
0x88: {  	v7 =	vld [tilespmem:s22+$0x2800]  }
0x89: {  	v6 =	vimm.f32 $-1.000000020e+30;
	v8 =	vimm.f32 $-1.000000020e+30;
	s0 =	simm.s32 $0x40;
	v9 =	vld [tilespmem:s22+$0x0]  }
.LBB2_4:
0x8a: {  	p0 =	sne.s32 s0, $0x9FC0  }
.Ltmp1:
0x8b: {  	_ = 	snop;
	(pc) =	sbr.rel @p0 .LBB2_4-.Ltmp1, $4  }
0x8c: {  	_ = 	snop  }
0x8d: {  	s6 =	sshra.s32 s0, $0x2;
	s0 =	sadd.s32 $0x40, s0;
	v6 =	vmax.f32 v6, v7  }
0x8e: {  	v7 =	vld [tilespmem:s6+$0x2800];
	v8 =	vmax.f32 v8, v9  }
0x8f: {  	v9 =	vld [tilespmem:s6+$0x0]  }
0x90: {  	_ =	sdelay $0x3  }
0x91: {  	v8 =	vmax.f32 v8, v9  }
0x92: {  	[tilespmem:$0xA400] =	vst v8  }
0x93: {  	v57 =	vld.idx.msk [tilespmem:v2+s23+$0x0], $0xffff;
	_ =	sdelay $0x4  }
0x94: {  	v8 =	vmax.f32 v8, v57  }
0x95: {  	[tilespmem:$0xA400] =	vst v8  }
0x96: {  	v58 =	vld.idx.msk [tilespmem:v3+s23+$0x0], $0xffff;
	_ =	sdelay $0x4  }
0x97: {  	v8 =	vmax.f32 v8, v58  }
0x98: {  	[tilespmem:$0xA400] =	vst v8  }
0x99: {  	v59 =	vld.idx.msk [tilespmem:v4+s23+$0x0], $0xffff;
	_ =	sdelay $0x4  }
0x9a: {  	v8 =	vmax.f32 v8, v59  }
0x9b: {  	v6 =	vmax.f32 v6, v7;
	[tilespmem:$0xA400] =	vst v8  }
0x9c: {  	v7 =	vld.idx.msk [tilespmem:v5+s23+$0x0], $0xffff;
	[tilespmem:$0xA400] =	vst v6  }
0x9d: {  	v60 =	vld.idx.msk [tilespmem:v2+s23+$0x0], $0xffff;
	_ =	sdelay $0x4  }
0x9e: {  	v6 =	vmax.f32 v6, v60  }
0x9f: {  	[tilespmem:$0xA400] =	vst v6  }
0xa0: {  	v61 =	vld.idx.msk [tilespmem:v3+s23+$0x0], $0xffff;
	_ =	sdelay $0x4  }
0xa1: {  	v6 =	vmax.f32 v6, v61  }
0xa2: {  	[tilespmem:$0xA400] =	vst v6  }
0xa3: {  	v62 =	vld.idx.msk [tilespmem:v4+s23+$0x0], $0xffff;
	_ =	sdelay $0x4  }
0xa4: {  	v6 =	vmax.f32 v6, v62  }
0xa5: {  	[tilespmem:$0xA400] =	vst v6  }
0xa6: {  	v63 =	vld.idx.msk [tilespmem:v5+s23+$0x0], $0xffff;
	_ =	sdelay $0x4  }
0xa7: {  	v7 =	vmax.f32 v8, v7;
	v6 =	vmax.f32 v6, v63  }
0xa8: {  	v6 =	vadd.f32 v6, v7;
	_ =	sdelay $0x1  }
0xa9: {  	s21 =	simm.s32 $0x0;
	s0 =	simm.s32 $0x0;
	[bflag:$0x0] =	sbarrier.arrive $0xFFFF;
	v6 =	vmax.f32 v6, $0.0e+00  }
.LBB2_6:
0xaa: {  	s6 =	sshra.s32 s0, $0x2  }
0xab: {  	v7 =	vld [tilespmem:s6+$0x7A00]  }
0xac: {  	v8 =	vld [tilespmem:s6+$0x5000];
	_ =	sdelay $0x3  }
0xad: {  	v7 =	vadd.s32 $0x2800, v7;
	_ =	sdelay $0x3  }
0xae: {  	v8 =	vld.idx.msk [tilespmem:v8+s21+$0x0], $0xffff  }
0xaf: {  	v7 =	vld.idx.msk [tilespmem:v7+s21+$0x0], $0xffff;
	_ =	sdelay $0x4  }
0xb0: {  	v7 =	vadd.f32 v7, v8;
	_ =	sdelay $0x1  }
0xb1: {  	v8 =	vmul.f32 $2.000000030e-01, v7  }
0xb2: {  	vm0 =	vgt.f32 v7, $0.0e+00  }
0xb3: {  	v7 =	vsel vm0, v7, v8  }
0xb4: {  	v7 =	vsub.f32 v7, v6;
	_ =	sdelay $0x1  }
0xb5: {  	v7 =	vmul.f32 $1.442695020e+00, v7;
	_ =	sdelay $0x1  }
0xb6: {  	(erf) = vpow2.f32 v7;
	_ =	sdelay $0x1  }
0xb7: {  	v7 =	vld [tilespmem:s6+$0x7A10]  }
0xb8: {  	v8 =	vld [tilespmem:s6+$0x5010];
	_ =	sdelay $0x3  }
0xb9: {  	v7 =	vadd.s32 $0x2800, v7;
	_ =	sdelay $0x1  }
0xba: {  	v9 =	vpop (erf)  }
0xbb: {  	[tilespmem:s6+$0xA400] =	vst v9  }
0xbc: {  	v8 =	vld.idx.msk [tilespmem:v8+s21+$0x0], $0xffff  }
0xbd: {  	v7 =	vld.idx.msk [tilespmem:v7+s21+$0x0], $0xffff;
	_ =	sdelay $0x4  }
0xbe: {  	v7 =	vadd.f32 v7, v8;
	_ =	sdelay $0x1  }
0xbf: {  	v8 =	vmul.f32 $2.000000030e-01, v7  }
0xc0: {  	vm13 =	vgt.f32 v7, $0.0e+00  }
0xc1: {  	v7 =	vsel vm13, v7, v8  }
0xc2: {  	v7 =	vsub.f32 v7, v6;
	_ =	sdelay $0x1  }
0xc3: {  	v7 =	vmul.f32 $1.442695020e+00, v7;
	_ =	sdelay $0x1  }
0xc4: {  	(erf) = vpow2.f32 v7;
	_ =	sdelay $0x1  }
0xc5: {  	v7 =	vld [tilespmem:s6+$0x7A20]  }
0xc6: {  	v8 =	vld [tilespmem:s6+$0x5020];
	_ =	sdelay $0x3  }
0xc7: {  	v7 =	vadd.s32 $0x2800, v7;
	_ =	sdelay $0x1  }
0xc8: {  	v50 =	vpop (erf)  }
0xc9: {  	[tilespmem:s6+$0xA410] =	vst v50  }
0xca: {  	v8 =	vld.idx.msk [tilespmem:v8+s21+$0x0], $0xffff  }
0xcb: {  	v7 =	vld.idx.msk [tilespmem:v7+s21+$0x0], $0xffff;
	_ =	sdelay $0x4  }
0xcc: {  	v7 =	vadd.f32 v7, v8;
	_ =	sdelay $0x1  }
0xcd: {  	v8 =	vmul.f32 $2.000000030e-01, v7  }
0xce: {  	vm14 =	vgt.f32 v7, $0.0e+00  }
0xcf: {  	v7 =	vsel vm14, v7, v8  }
0xd0: {  	v7 =	vsub.f32 v7, v6;
	_ =	sdelay $0x1  }
0xd1: {  	v7 =	vmul.f32 $1.442695020e+00, v7;
	_ =	sdelay $0x1  }
0xd2: {  	(erf) = vpow2.f32 v7;
	_ =	sdelay $0x1  }
0xd3: {  	v7 =	vld [tilespmem:s6+$0x7A30]  }
0xd4: {  	v8 =	vld [tilespmem:s6+$0x5030];
	_ =	sdelay $0x3  }
0xd5: {  	v7 =	vadd.s32 $0x2800, v7;
	_ =	sdelay $0x1  }
0xd6: {  	v51 =	vpop (erf)  }
0xd7: {  	[tilespmem:s6+$0xA420] =	vst v51  }
0xd8: {  	v8 =	vld.idx.msk [tilespmem:v8+s21+$0x0], $0xffff  }
0xd9: {  	v7 =	vld.idx.msk [tilespmem:v7+s21+$0x0], $0xffff;
	_ =	sdelay $0x4  }
0xda: {  	v7 =	vadd.f32 v7, v8;
	_ =	sdelay $0x1  }
0xdb: {  	v8 =	vmul.f32 $2.000000030e-01, v7  }
0xdc: {  	vm15 =	vgt.f32 v7, $0.0e+00  }
0xdd: {  	v7 =	vsel vm15, v7, v8  }
0xde: {  	v7 =	vsub.f32 v7, v6;
	_ =	sdelay $0x1  }
0xdf: {  	v7 =	vmul.f32 $1.442695020e+00, v7;
	_ =	sdelay $0x1  }
0xe0: {  	(erf) = vpow2.f32 v7;
	_ =	sdelay $0x1  }
0xe1: {  	v7 =	vld [tilespmem:s6+$0x7A40]  }
0xe2: {  	v8 =	vld [tilespmem:s6+$0x5040];
	_ =	sdelay $0x3  }
0xe3: {  	v7 =	vadd.s32 $0x2800, v7;
	_ =	sdelay $0x1  }
0xe4: {  	v52 =	vpop (erf)  }
0xe5: {  	[tilespmem:s6+$0xA430] =	vst v52  }
0xe6: {  	v8 =	vld.idx.msk [tilespmem:v8+s21+$0x0], $0xffff  }
0xe7: {  	v7 =	vld.idx.msk [tilespmem:v7+s21+$0x0], $0xffff;
	_ =	sdelay $0x4  }
0xe8: {  	v7 =	vadd.f32 v7, v8;
	_ =	sdelay $0x1  }
0xe9: {  	v8 =	vmul.f32 $2.000000030e-01, v7  }
0xea: {  	vm4 =	vgt.f32 v7, $0.0e+00  }
0xeb: {  	v7 =	vsel vm4, v7, v8  }
0xec: {  	v7 =	vsub.f32 v7, v6;
	_ =	sdelay $0x1  }
0xed: {  	v7 =	vmul.f32 $1.442695020e+00, v7;
	_ =	sdelay $0x1  }
0xee: {  	(erf) = vpow2.f32 v7;
	_ =	sdelay $0x1  }
0xef: {  	v7 =	vld [tilespmem:s6+$0x7A50]  }
0xf0: {  	v8 =	vld [tilespmem:s6+$0x5050];
	_ =	sdelay $0x3  }
0xf1: {  	v7 =	vadd.s32 $0x2800, v7;
	_ =	sdelay $0x1  }
0xf2: {  	v53 =	vpop (erf)  }
0xf3: {  	[tilespmem:s6+$0xA440] =	vst v53  }
0xf4: {  	v8 =	vld.idx.msk [tilespmem:v8+s21+$0x0], $0xffff  }
0xf5: {  	v7 =	vld.idx.msk [tilespmem:v7+s21+$0x0], $0xffff;
	_ =	sdelay $0x4  }
0xf6: {  	v7 =	vadd.f32 v7, v8;
	_ =	sdelay $0x1  }
0xf7: {  	v8 =	vmul.f32 $2.000000030e-01, v7  }
0xf8: {  	vm5 =	vgt.f32 v7, $0.0e+00  }
0xf9: {  	v7 =	vsel vm5, v7, v8  }
0xfa: {  	v7 =	vsub.f32 v7, v6;
	_ =	sdelay $0x1  }
0xfb: {  	v7 =	vmul.f32 $1.442695020e+00, v7;
	_ =	sdelay $0x1  }
0xfc: {  	(erf) = vpow2.f32 v7;
	_ =	sdelay $0x1  }
0xfd: {  	v7 =	vld [tilespmem:s6+$0x7A60]  }
0xfe: {  	v8 =	vld [tilespmem:s6+$0x5060];
	_ =	sdelay $0x3  }
0xff: {  	v7 =	vadd.s32 $0x2800, v7;
	_ =	sdelay $0x1  }
0x100: {  	v54 =	vpop (erf)  }
0x101: {  	[tilespmem:s6+$0xA450] =	vst v54  }
0x102: {  	v8 =	vld.idx.msk [tilespmem:v8+s21+$0x0], $0xffff  }
0x103: {  	v7 =	vld.idx.msk [tilespmem:v7+s21+$0x0], $0xffff;
	_ =	sdelay $0x4  }
0x104: {  	v7 =	vadd.f32 v7, v8;
	_ =	sdelay $0x1  }
0x105: {  	v8 =	vmul.f32 $2.000000030e-01, v7  }
0x106: {  	vm6 =	vgt.f32 v7, $0.0e+00  }
0x107: {  	v7 =	vsel vm6, v7, v8  }
0x108: {  	v7 =	vsub.f32 v7, v6;
	_ =	sdelay $0x1  }
0x109: {  	v7 =	vmul.f32 $1.442695020e+00, v7;
	_ =	sdelay $0x1  }
0x10a: {  	(erf) = vpow2.f32 v7;
	_ =	sdelay $0x1  }
0x10b: {  	v7 =	vld [tilespmem:s6+$0x7A70]  }
0x10c: {  	v8 =	vld [tilespmem:s6+$0x5070];
	_ =	sdelay $0x3  }
0x10d: {  	v7 =	vadd.s32 $0x2800, v7;
	_ =	sdelay $0x1  }
0x10e: {  	v55 =	vpop (erf)  }
0x10f: {  	[tilespmem:s6+$0xA460] =	vst v55  }
0x110: {  	v8 =	vld.idx.msk [tilespmem:v8+s21+$0x0], $0xffff  }
0x111: {  	v7 =	vld.idx.msk [tilespmem:v7+s21+$0x0], $0xffff;
	_ =	sdelay $0x4  }
0x112: {  	v7 =	vadd.f32 v7, v8;
	_ =	sdelay $0x1  }
0x113: {  	v8 =	vmul.f32 $2.000000030e-01, v7  }
0x114: {  	vm7 =	vgt.f32 v7, $0.0e+00  }
0x115: {  	v7 =	vsel vm7, v7, v8  }
0x116: {  	v7 =	vsub.f32 v7, v6;
	_ =	sdelay $0x1  }
0x117: {  	v7 =	vmul.f32 $1.442695020e+00, v7;
	_ =	sdelay $0x1  }
0x118: {  	(erf) = vpow2.f32 v7;
	_ =	sdelay $0x1  }
0x119: {  	v7 =	vld [tilespmem:s6+$0x7A80]  }
0x11a: {  	v8 =	vld [tilespmem:s6+$0x5080];
	_ =	sdelay $0x3  }
0x11b: {  	v7 =	vadd.s32 $0x2800, v7;
	_ =	sdelay $0x1  }
0x11c: {  	v56 =	vpop (erf)  }
0x11d: {  	[tilespmem:s6+$0xA470] =	vst v56  }
0x11e: {  	v8 =	vld.idx.msk [tilespmem:v8+s21+$0x0], $0xffff  }
0x11f: {  	v7 =	vld.idx.msk [tilespmem:v7+s21+$0x0], $0xffff;
	_ =	sdelay $0x4  }
0x120: {  	v7 =	vadd.f32 v7, v8;
	_ =	sdelay $0x1  }
0x121: {  	v8 =	vmul.f32 $2.000000030e-01, v7  }
0x122: {  	vm8 =	vgt.f32 v7, $0.0e+00  }
0x123: {  	v7 =	vsel vm8, v7, v8  }
0x124: {  	v7 =	vsub.f32 v7, v6;
	_ =	sdelay $0x1  }
0x125: {  	v7 =	vmul.f32 $1.442695020e+00, v7;
	_ =	sdelay $0x1  }
0x126: {  	(erf) = vpow2.f32 v7;
	_ =	sdelay $0x1  }
0x127: {  	v7 =	vld [tilespmem:s6+$0x7A90]  }
0x128: {  	v8 =	vld [tilespmem:s6+$0x5090];
	_ =	sdelay $0x3  }
0x129: {  	v7 =	vadd.s32 $0x2800, v7;
	_ =	sdelay $0x1  }
0x12a: {  	v57 =	vpop (erf)  }
0x12b: {  	[tilespmem:s6+$0xA480] =	vst v57  }
0x12c: {  	v8 =	vld.idx.msk [tilespmem:v8+s21+$0x0], $0xffff  }
0x12d: {  	v7 =	vld.idx.msk [tilespmem:v7+s21+$0x0], $0xffff;
	_ =	sdelay $0x4  }
0x12e: {  	v7 =	vadd.f32 v7, v8;
	_ =	sdelay $0x1  }
0x12f: {  	v8 =	vmul.f32 $2.000000030e-01, v7  }
0x130: {  	vm9 =	vgt.f32 v7, $0.0e+00  }
0x131: {  	v7 =	vsel vm9, v7, v8  }
0x132: {  	v7 =	vsub.f32 v7, v6;
	_ =	sdelay $0x1  }
0x133: {  	v7 =	vmul.f32 $1.442695020e+00, v7;
	_ =	sdelay $0x1  }
0x134: {  	(erf) = vpow2.f32 v7;
	_ =	sdelay $0x1  }
0x135: {  	v7 =	vld [tilespmem:s6+$0x7AA0]  }
0x136: {  	v8 =	vld [tilespmem:s6+$0x50A0];
	_ =	sdelay $0x3  }
0x137: {  	v7 =	vadd.s32 $0x2800, v7;
	_ =	sdelay $0x1  }
0x138: {  	v58 =	vpop (erf)  }
0x139: {  	[tilespmem:s6+$0xA490] =	vst v58  }
0x13a: {  	v8 =	vld.idx.msk [tilespmem:v8+s21+$0x0], $0xffff  }
0x13b: {  	v7 =	vld.idx.msk [tilespmem:v7+s21+$0x0], $0xffff;
	_ =	sdelay $0x4  }
0x13c: {  	v7 =	vadd.f32 v7, v8;
	_ =	sdelay $0x1  }
0x13d: {  	v8 =	vmul.f32 $2.000000030e-01, v7  }
0x13e: {  	vm10 =	vgt.f32 v7, $0.0e+00  }
0x13f: {  	v7 =	vsel vm10, v7, v8  }
0x140: {  	v7 =	vsub.f32 v7, v6;
	_ =	sdelay $0x1  }
0x141: {  	v7 =	vmul.f32 $1.442695020e+00, v7;
	_ =	sdelay $0x1  }
0x142: {  	(erf) = vpow2.f32 v7;
	_ =	sdelay $0x1  }
0x143: {  	v7 =	vld [tilespmem:s6+$0x7AB0]  }
0x144: {  	v8 =	vld [tilespmem:s6+$0x50B0];
	_ =	sdelay $0x3  }
0x145: {  	v7 =	vadd.s32 $0x2800, v7;
	_ =	sdelay $0x1  }
0x146: {  	v59 =	vpop (erf)  }
0x147: {  	[tilespmem:s6+$0xA4A0] =	vst v59  }
0x148: {  	v8 =	vld.idx.msk [tilespmem:v8+s21+$0x0], $0xffff  }
0x149: {  	v7 =	vld.idx.msk [tilespmem:v7+s21+$0x0], $0xffff;
	_ =	sdelay $0x4  }
0x14a: {  	v7 =	vadd.f32 v7, v8;
	_ =	sdelay $0x1  }
0x14b: {  	v8 =	vmul.f32 $2.000000030e-01, v7  }
0x14c: {  	vm11 =	vgt.f32 v7, $0.0e+00  }
0x14d: {  	v7 =	vsel vm11, v7, v8  }
0x14e: {  	v7 =	vsub.f32 v7, v6;
	_ =	sdelay $0x1  }
0x14f: {  	v7 =	vmul.f32 $1.442695020e+00, v7;
	_ =	sdelay $0x1  }
0x150: {  	(erf) = vpow2.f32 v7;
	_ =	sdelay $0x1  }
0x151: {  	v7 =	vld [tilespmem:s6+$0x7AC0]  }
0x152: {  	v8 =	vld [tilespmem:s6+$0x50C0];
	_ =	sdelay $0x3  }
0x153: {  	v7 =	vadd.s32 $0x2800, v7;
	_ =	sdelay $0x1  }
0x154: {  	v60 =	vpop (erf)  }
0x155: {  	[tilespmem:s6+$0xA4B0] =	vst v60  }
0x156: {  	v8 =	vld.idx.msk [tilespmem:v8+s21+$0x0], $0xffff  }
0x157: {  	v7 =	vld.idx.msk [tilespmem:v7+s21+$0x0], $0xffff;
	_ =	sdelay $0x4  }
0x158: {  	v7 =	vadd.f32 v7, v8;
	_ =	sdelay $0x1  }
0x159: {  	v8 =	vmul.f32 $2.000000030e-01, v7  }
0x15a: {  	vm12 =	vgt.f32 v7, $0.0e+00  }
0x15b: {  	v7 =	vsel vm12, v7, v8  }
0x15c: {  	v7 =	vsub.f32 v7, v6;
	_ =	sdelay $0x1  }
0x15d: {  	v7 =	vmul.f32 $1.442695020e+00, v7;
	_ =	sdelay $0x1  }
0x15e: {  	(erf) = vpow2.f32 v7;
	_ =	sdelay $0x1  }
0x15f: {  	v7 =	vld [tilespmem:s6+$0x7AD0]  }
0x160: {  	v8 =	vld [tilespmem:s6+$0x50D0];
	_ =	sdelay $0x3  }
0x161: {  	v7 =	vadd.s32 $0x2800, v7;
	_ =	sdelay $0x1  }
0x162: {  	v61 =	vpop (erf)  }
0x163: {  	[tilespmem:s6+$0xA4C0] =	vst v61  }
0x164: {  	v8 =	vld.idx.msk [tilespmem:v8+s21+$0x0], $0xffff  }
0x165: {  	v7 =	vld.idx.msk [tilespmem:v7+s21+$0x0], $0xffff;
	_ =	sdelay $0x4  }
0x166: {  	v7 =	vadd.f32 v7, v8;
	_ =	sdelay $0x1  }
0x167: {  	v8 =	vmul.f32 $2.000000030e-01, v7  }
0x168: {  	vm13 =	vgt.f32 v7, $0.0e+00  }
0x169: {  	v7 =	vsel vm13, v7, v8  }
0x16a: {  	v7 =	vsub.f32 v7, v6;
	_ =	sdelay $0x1  }
0x16b: {  	v7 =	vmul.f32 $1.442695020e+00, v7;
	_ =	sdelay $0x1  }
0x16c: {  	(erf) = vpow2.f32 v7;
	_ =	sdelay $0x1  }
0x16d: {  	v7 =	vld [tilespmem:s6+$0x7AE0]  }
0x16e: {  	v8 =	vld [tilespmem:s6+$0x50E0];
	_ =	sdelay $0x3  }
0x16f: {  	v7 =	vadd.s32 $0x2800, v7;
	_ =	sdelay $0x1  }
0x170: {  	v62 =	vpop (erf)  }
0x171: {  	[tilespmem:s6+$0xA4D0] =	vst v62  }
0x172: {  	v8 =	vld.idx.msk [tilespmem:v8+s21+$0x0], $0xffff  }
0x173: {  	v7 =	vld.idx.msk [tilespmem:v7+s21+$0x0], $0xffff;
	_ =	sdelay $0x4  }
0x174: {  	v7 =	vadd.f32 v7, v8;
	_ =	sdelay $0x1  }
0x175: {  	v8 =	vmul.f32 $2.000000030e-01, v7  }
0x176: {  	vm14 =	vgt.f32 v7, $0.0e+00  }
0x177: {  	v7 =	vsel vm14, v7, v8  }
0x178: {  	v7 =	vsub.f32 v7, v6;
	_ =	sdelay $0x1  }
0x179: {  	v7 =	vmul.f32 $1.442695020e+00, v7;
	_ =	sdelay $0x1  }
0x17a: {  	(erf) = vpow2.f32 v7;
	_ =	sdelay $0x1  }
0x17b: {  	v7 =	vld [tilespmem:s6+$0x7AF0]  }
0x17c: {  	v8 =	vld [tilespmem:s6+$0x50F0];
	_ =	sdelay $0x3  }
0x17d: {  	v7 =	vadd.s32 $0x2800, v7;
	_ =	sdelay $0x1  }
0x17e: {  	v63 =	vpop (erf)  }
0x17f: {  	[tilespmem:s6+$0xA4E0] =	vst v63  }
0x180: {  	v8 =	vld.idx.msk [tilespmem:v8+s21+$0x0], $0xffff  }
0x181: {  	v7 =	vld.idx.msk [tilespmem:v7+s21+$0x0], $0xffff;
	_ =	sdelay $0x4  }
0x182: {  	v7 =	vadd.f32 v7, v8;
	_ =	sdelay $0x1  }
0x183: {  	v8 =	vmul.f32 $2.000000030e-01, v7  }
0x184: {  	vm15 =	vgt.f32 v7, $0.0e+00  }
0x185: {  	v7 =	vsel vm15, v7, v8  }
0x186: {  	v7 =	vsub.f32 v7, v6;
	_ =	sdelay $0x1  }
0x187: {  	v7 =	vmul.f32 $1.442695020e+00, v7;
	_ =	sdelay $0x1  }
0x188: {  	(erf) = vpow2.f32 v7;
	_ =	sdelay $0x8  }
0x189: {  	v7 =	vpop (erf)  }
0x18a: {  	s7 =	sadd.s32 $0x7A00, s6;
	s8 =	sadd.s32 $0xA400, s6;
	[tilespmem:s6+$0xA4F0] =	vst v7  }
0x18b: {  	[spmem:s3] =	stream.indirect.scatter.add.f32 [tilespmem:s8], [sflag:$0x1], $0x1, s7, s24, $0xb8;
	[tilespmem:$0x1F500] =	vst v63  }
0x18c: {  	s22 =	sadd.s32 $0x7A80, s6;
	s6 =	sadd.s32 $0xA480, s6  }
0x18d: {  	[spmem:s3] =	stream.indirect.scatter.add.f32 [tilespmem:s6], [sflag:$0x1], $0x1, s22, s24, $0xb8;
	[tilespmem:$0x1F500] =	vst v63  }
0x18e: {  	p0 =	sne.s32 s0, $0xA400;
	_ =	swait.ge [sflag:s26], $0x80  }
.Ltmp2:
0x18f: {  	[sflag:s26] =	ssyncset.done $0x0;
	(pc) =	sbr.rel @p0 .LBB2_6-.Ltmp2, $4  }
0x190: {  	[sflag:s26] =	ssyncadd.s32 $0xFFFFFF80  }
0x191: {  	_ =	swait.ge [sflag:s26], $0x80  }
0x192: {  	[sflag:s26] =	ssyncset.done $0x0  }
0x193: {  	s0 =	sadd.s32 $0x400, s0;
	[sflag:s26] =	ssyncadd.s32 $0xFFFFFF80  }
.LBB2_7:
0x194: {  	s22 =	sshll.u32 s21, $0x8  }
0x195: {  	s0 =	sadd.s32 $0x5000, s22  }
0x196: {  	[tilespmem:s28], [sflag:$0x1] =	stream.indirect.gather [hbm4b:s5+s24], $0x40, s0, s24, $0xb8;
	[tilespmem:$0x1F500] =	vst v63  }
0x197: {  	s0 =	sshll.u32 s21, $0x1  }
0x198: {  	s6 =	simm.s32 $0x0;
	s14 =	sadd.s32 $0x5080, s22;
	s7 =	sadd.s32 $0x0, s0  }
0x199: {  	v6 =	vmov s6;
	[tilespmem:s29], [sflag:$0x1] =	stream.indirect.gather [hbm4b:s5+s24], $0x40, s14, s24, $0xb8;
	[tilespmem:$0x1F500] =	vst v63  }
0x19a: {  	v6 =	vand.u32 $0x7E, v6;
	s8 =	sshll.u32 s7, $0x7  }
0x19b: {  	_ =	swait.ge [sflag:s26], $0x2000;
	v6 =	vor.u32 s8, v6  }
0x19c: {  	[sflag:s26] =	ssyncset.done $0x0;
	v6 =	vbroadcast v6, $0x0  }
0x19d: {  	[sflag:s26] =	ssyncadd.s32 $0xFFFFE000  }
0x19e: {  	_ =	swait.ge [sflag:s26], $0x2000  }
0x19f: {  	[sflag:s26] =	ssyncset.done $0x0  }
0x1a0: {  	s7 =	simm.s32 $0xCE40;
	[sflag:s26] =	ssyncadd.s32 $0xFFFFE000  }
0x1a1: {  	v7 =	vld [tilespmem:s7+$0xFFFFFFC0]  }
0x1a2: {  	v6 =	vld.idx.msk [tilespmem:v6+s23+$0x0], $0xffff;
	_ =	sdelay $0x3  }
0x1a3: {  	v8 =	vshll.u32 v7, $0x10;
	v7 =	vand.u32 $0xFFFF0000, v7  }
0x1a4: {  	v8 =	vmul.f32 v8, v6;
	v7 =	vmul.f32 v7, v6;
	_ =	sdelay $0x1  }
0x1a5: {  	s6 =	simm.s32 $0x10E40;
	v7 =	vpack.i.f32.bf16 v7, v8  }
0x1a6: {  	[tilespmem:s6+$0xFFFFFFC0] =	vst v7  }
0x1a7: {  	v7 =	vld [tilespmem:s7+$0xFFFFFFD0];
	_ =	sdelay $0x4  }
0x1a8: {  	v8 =	vshll.u32 v7, $0x10;
	v7 =	vand.u32 $0xFFFF0000, v7  }
0x1a9: {  	v8 =	vmul.f32 v8, v6;
	v7 =	vmul.f32 v7, v6;
	_ =	sdelay $0x1  }
0x1aa: {  	v7 =	vpack.i.f32.bf16 v7, v8  }
0x1ab: {  	[tilespmem:s6+$0xFFFFFFD0] =	vst v7  }
0x1ac: {  	v7 =	vld [tilespmem:s7+$0xFFFFFFE0];
	_ =	sdelay $0x4  }
0x1ad: {  	v8 =	vshll.u32 v7, $0x10;
	v7 =	vand.u32 $0xFFFF0000, v7  }
0x1ae: {  	v8 =	vmul.f32 v8, v6;
	v7 =	vmul.f32 v7, v6;
	_ =	sdelay $0x1  }
0x1af: {  	v7 =	vpack.i.f32.bf16 v7, v8  }
0x1b0: {  	[tilespmem:s6+$0xFFFFFFE0] =	vst v7  }
0x1b1: {  	v7 =	vld [tilespmem:s7+$0xFFFFFFF0]  }
0x1b2: {  	s9 =	simm.s32 $0x1  }
0x1b3: {  	v8 =	vmov s9  }
0x1b4: {  	v8 =	vand.u32 $0x7F, v8  }
0x1b5: {  	v8 =	vor.u32 s8, v8  }
0x1b6: {  	v8 =	vbroadcast v8, $0x0;
	v9 =	vshll.u32 v7, $0x10;
	v7 =	vand.u32 $0xFFFF0000, v7  }
0x1b7: {  	v9 =	vmul.f32 v9, v6;
	v6 =	vmul.f32 v7, v6;
	_ =	sdelay $0x1  }
0x1b8: {  	v6 =	vpack.i.f32.bf16 v6, v9  }
0x1b9: {  	[tilespmem:s6+$0xFFFFFFF0] =	vst v6  }
0x1ba: {  	v6 =	vld [tilespmem:s7+$0x0]  }
0x1bb: {  	v9 =	vld.idx.msk [tilespmem:v8+s23+$0x0], $0xffff;
	_ =	sdelay $0x3  }
0x1bc: {  	v7 =	vshll.u32 v6, $0x10;
	v6 =	vand.u32 $0xFFFF0000, v6  }
0x1bd: {  	v7 =	vmul.f32 v7, v9;
	v6 =	vmul.f32 v6, v9;
	_ =	sdelay $0x1  }
0x1be: {  	v6 =	vpack.i.f32.bf16 v6, v7  }
0x1bf: {  	[tilespmem:s6+$0x0] =	vst v6  }
0x1c0: {  	v6 =	vld [tilespmem:s7+$0x10];
	_ =	sdelay $0x4  }
0x1c1: {  	v7 =	vshll.u32 v6, $0x10;
	v6 =	vand.u32 $0xFFFF0000, v6  }
0x1c2: {  	v7 =	vmul.f32 v7, v9;
	v6 =	vmul.f32 v6, v9;
	_ =	sdelay $0x1  }
0x1c3: {  	v6 =	vpack.i.f32.bf16 v6, v7  }
0x1c4: {  	[tilespmem:s6+$0x10] =	vst v6  }
0x1c5: {  	v6 =	vld [tilespmem:s7+$0x20];
	_ =	sdelay $0x4  }
0x1c6: {  	v7 =	vshll.u32 v6, $0x10;
	v6 =	vand.u32 $0xFFFF0000, v6  }
0x1c7: {  	v7 =	vmul.f32 v7, v9;
	v6 =	vmul.f32 v6, v9;
	_ =	sdelay $0x1  }
0x1c8: {  	v6 =	vpack.i.f32.bf16 v6, v7  }
0x1c9: {  	[tilespmem:s6+$0x20] =	vst v6  }
0x1ca: {  	v6 =	vld [tilespmem:s7+$0x30]  }
0x1cb: {  	s9 =	simm.s32 $0x2  }
0x1cc: {  	s15 =	simm.s32 $0x3;
	s12 =	sadd.s32 $0x0, s0;
	v7 =	vmov s9  }
0x1cd: {  	s12 =	sshll.u32 s12, $0x7;
	v8 =	vmov s15;
	v7 =	vand.u32 $0x7E, v7  }
0x1ce: {  	v8 =	vand.u32 $0x7F, v8;
	v7 =	vor.u32 s12, v7  }
0x1cf: {  	v7 =	vbroadcast v7, $0x0;
	v10 =	vshll.u32 v6, $0x10;
	v11 =	vand.u32 $0xFFFF0000, v6  }
0x1d0: {  	s13 =	simm.s32 $0x2;
	s8 =	sor.u32 $0x80, s22;
	v6 =	vor.u32 s12, v8;
	s12 =	simm.s32 $0x10E40;
	v8 =	vmul.f32 v10, v9;
	v9 =	vmul.f32 v11, v9  }
.LBB2_8:
0x1d1: {  	s7 =	sadd.s32 $0x80, s7  }
0x1d2: {  	s6 =	sadd.s32 $0x80, s6;
	s14 =	smov.u32 s13;
	s15 =	sadd.s32 $0x1, s13;
	v8 =	vpack.i.f32.bf16 v9, v8  }
0x1d3: {  	p0 =	sne.s32 s13, $0x7F;
	[tilespmem:s12+$0x30] =	vst v8;
	s12 =	smov.u32 s6  }
0x1d4: {  	v8 =	vld [tilespmem:s7+$0xFFFFFFC0]  }
0x1d5: {  	v7 =	vld.idx.msk [tilespmem:v7+s23+$0x0], $0xffff;
	_ =	sdelay $0x4  }
0x1d6: {  	v9 =	vshll.u32 v8, $0x10;
	v8 =	vand.u32 $0xFFFF0000, v8  }
0x1d7: {  	v9 =	vmul.f32 v9, v7;
	v8 =	vmul.f32 v8, v7;
	_ =	sdelay $0x1  }
0x1d8: {  	v8 =	vpack.i.f32.bf16 v8, v9  }
0x1d9: {  	[tilespmem:s6+$0xFFFFFFC0] =	vst v8  }
0x1da: {  	v8 =	vld [tilespmem:s7+$0xFFFFFFD0];
	_ =	sdelay $0x4  }
0x1db: {  	v9 =	vshll.u32 v8, $0x10;
	v8 =	vand.u32 $0xFFFF0000, v8  }
0x1dc: {  	v9 =	vmul.f32 v9, v7;
	v8 =	vmul.f32 v8, v7;
	_ =	sdelay $0x1  }
0x1dd: {  	v8 =	vpack.i.f32.bf16 v8, v9  }
0x1de: {  	[tilespmem:s6+$0xFFFFFFD0] =	vst v8  }
0x1df: {  	v8 =	vld [tilespmem:s7+$0xFFFFFFE0];
	_ =	sdelay $0x4  }
0x1e0: {  	v9 =	vshll.u32 v8, $0x10;
	v8 =	vand.u32 $0xFFFF0000, v8  }
0x1e1: {  	v9 =	vmul.f32 v9, v7;
	v8 =	vmul.f32 v8, v7;
	_ =	sdelay $0x1  }
0x1e2: {  	v8 =	vpack.i.f32.bf16 v8, v9  }
0x1e3: {  	[tilespmem:s6+$0xFFFFFFE0] =	vst v8  }
0x1e4: {  	v8 =	vld [tilespmem:s7+$0xFFFFFFF0];
	_ =	sdelay $0x3  }
0x1e5: {  	v6 =	vbroadcast v6, $0x0  }
0x1e6: {  	v9 =	vshll.u32 v8, $0x10;
	v8 =	vand.u32 $0xFFFF0000, v8  }
0x1e7: {  	v9 =	vmul.f32 v9, v7;
	v7 =	vmul.f32 v8, v7;
	_ =	sdelay $0x1  }
0x1e8: {  	v7 =	vpack.i.f32.bf16 v7, v9  }
0x1e9: {  	[tilespmem:s6+$0xFFFFFFF0] =	vst v7  }
0x1ea: {  	v9 =	vld.idx.msk [tilespmem:v6+s23+$0x0], $0xffff  }
0x1eb: {  	v6 =	vld [tilespmem:s7+$0x0];
	_ =	sdelay $0x4  }
0x1ec: {  	v7 =	vshll.u32 v6, $0x10;
	v6 =	vand.u32 $0xFFFF0000, v6  }
0x1ed: {  	v7 =	vmul.f32 v7, v9;
	v6 =	vmul.f32 v6, v9;
	_ =	sdelay $0x1  }
0x1ee: {  	v6 =	vpack.i.f32.bf16 v6, v7  }
0x1ef: {  	[tilespmem:s6+$0x0] =	vst v6  }
0x1f0: {  	v6 =	vld [tilespmem:s7+$0x10];
	_ =	sdelay $0x4  }
0x1f1: {  	v7 =	vshll.u32 v6, $0x10;
	v6 =	vand.u32 $0xFFFF0000, v6  }
0x1f2: {  	v7 =	vmul.f32 v7, v9;
	v6 =	vmul.f32 v6, v9;
	_ =	sdelay $0x1  }
0x1f3: {  	v6 =	vpack.i.f32.bf16 v6, v7  }
0x1f4: {  	[tilespmem:s6+$0x10] =	vst v6  }
0x1f5: {  	v6 =	vld [tilespmem:s7+$0x20];
	_ =	sdelay $0x4  }
0x1f6: {  	v7 =	vshll.u32 v6, $0x10;
	v6 =	vand.u32 $0xFFFF0000, v6  }
0x1f7: {  	v7 =	vmul.f32 v7, v9;
	v6 =	vmul.f32 v6, v9;
	_ =	sdelay $0x1  }
0x1f8: {  	v6 =	vpack.i.f32.bf16 v6, v7  }
0x1f9: {  	[tilespmem:s6+$0x20] =	vst v6  }
0x1fa: {  	s9 =	sadd.s32 $0x2, s9;
	v8 =	vld [tilespmem:s7+$0x30]  }
0x1fb: {  	s13 =	sshrl.u32 s14, $0x6;
	s14 =	sadd.s32 $0x1, s9  }
.Ltmp3:
0x1fc: {  	s13 =	sadd.s32 s0, s13;
	v7 =	vmov s14;
	v6 =	vmov s9;
	(pc) =	sbr.rel @p0 .LBB2_8-.Ltmp3, $4  }
0x1fd: {  	s13 =	sshll.u32 s13, $0x7;
	v7 =	vand.u32 $0x7F, v7;
	v6 =	vand.u32 $0x7E, v6  }
0x1fe: {  	v10 =	vor.u32 s13, v6;
	v6 =	vor.u32 s13, v7  }
0x1ff: {  	v7 =	vbroadcast v10, $0x0;
	v10 =	vshll.u32 v8, $0x10;
	v11 =	vand.u32 $0xFFFF0000, v8  }
0x200: {  	s13 =	smov.u32 s15;
	v8 =	vmul.f32 v10, v9;
	v9 =	vmul.f32 v11, v9  }
0x201: {  	_ = 	snop  }
0x202: {  	v8 =	vpack.i.f32.bf16 v9, v8  }
0x203: {  	s0 =	sadd.s32 $0x80, s7;
	[tilespmem:s12+$0x30] =	vst v8  }
0x204: {  	v8 =	vld [tilespmem:s0+$0xFFFFFFC0]  }
0x205: {  	v7 =	vld.idx.msk [tilespmem:v7+s23+$0x0], $0xffff;
	_ =	sdelay $0x3  }
0x206: {  	v56 =	vshll.u32 v8, $0x10;
	v8 =	vand.u32 $0xFFFF0000, v8  }
0x207: {  	v9 =	vmul.f32 v56, v7;
	v8 =	vmul.f32 v8, v7;
	_ =	sdelay $0x1  }
0x208: {  	s6 =	sadd.s32 $0x80, s6;
	v8 =	vpack.i.f32.bf16 v8, v9  }
0x209: {  	[tilespmem:s6+$0xFFFFFFC0] =	vst v8  }
0x20a: {  	v8 =	vld [tilespmem:s0+$0xFFFFFFD0];
	_ =	sdelay $0x4  }
0x20b: {  	v57 =	vshll.u32 v8, $0x10;
	v8 =	vand.u32 $0xFFFF0000, v8  }
0x20c: {  	v9 =	vmul.f32 v57, v7;
	v8 =	vmul.f32 v8, v7;
	_ =	sdelay $0x1  }
0x20d: {  	v8 =	vpack.i.f32.bf16 v8, v9  }
0x20e: {  	[tilespmem:s6+$0xFFFFFFD0] =	vst v8  }
0x20f: {  	v8 =	vld [tilespmem:s0+$0xFFFFFFE0];
	_ =	sdelay $0x4  }
0x210: {  	v58 =	vshll.u32 v8, $0x10;
	v8 =	vand.u32 $0xFFFF0000, v8  }
0x211: {  	v9 =	vmul.f32 v58, v7;
	v8 =	vmul.f32 v8, v7;
	_ =	sdelay $0x1  }
0x212: {  	v8 =	vpack.i.f32.bf16 v8, v9  }
0x213: {  	[tilespmem:s6+$0xFFFFFFE0] =	vst v8  }
0x214: {  	v8 =	vld [tilespmem:s0+$0xFFFFFFF0];
	_ =	sdelay $0x4  }
0x215: {  	v6 =	vbroadcast v6, $0x0;
	v59 =	vshll.u32 v8, $0x10;
	v8 =	vand.u32 $0xFFFF0000, v8  }
0x216: {  	v9 =	vmul.f32 v59, v7;
	v7 =	vmul.f32 v8, v7;
	_ =	sdelay $0x1  }
0x217: {  	v7 =	vpack.i.f32.bf16 v7, v9  }
0x218: {  	[tilespmem:s6+$0xFFFFFFF0] =	vst v7  }
0x219: {  	v7 =	vld [tilespmem:s0+$0x0]  }
0x21a: {  	v6 =	vld.idx.msk [tilespmem:v6+s23+$0x0], $0xffff;
	_ =	sdelay $0x3  }
0x21b: {  	v60 =	vshll.u32 v7, $0x10;
	v7 =	vand.u32 $0xFFFF0000, v7  }
0x21c: {  	v8 =	vmul.f32 v60, v6;
	v7 =	vmul.f32 v7, v6;
	_ =	sdelay $0x1  }
0x21d: {  	v7 =	vpack.i.f32.bf16 v7, v8  }
0x21e: {  	[tilespmem:s6+$0x0] =	vst v7  }
0x21f: {  	v7 =	vld [tilespmem:s0+$0x10];
	_ =	sdelay $0x4  }
0x220: {  	v61 =	vshll.u32 v7, $0x10;
	v7 =	vand.u32 $0xFFFF0000, v7  }
0x221: {  	v8 =	vmul.f32 v61, v6;
	v7 =	vmul.f32 v7, v6;
	_ =	sdelay $0x1  }
0x222: {  	v7 =	vpack.i.f32.bf16 v7, v8  }
0x223: {  	[tilespmem:s6+$0x10] =	vst v7  }
0x224: {  	v7 =	vld [tilespmem:s0+$0x20];
	_ =	sdelay $0x4  }
0x225: {  	v62 =	vshll.u32 v7, $0x10;
	v7 =	vand.u32 $0xFFFF0000, v7  }
0x226: {  	v8 =	vmul.f32 v62, v6;
	v7 =	vmul.f32 v7, v6;
	_ =	sdelay $0x1  }
0x227: {  	v7 =	vpack.i.f32.bf16 v7, v8  }
0x228: {  	[tilespmem:s6+$0x20] =	vst v7  }
0x229: {  	v7 =	vld [tilespmem:s0+$0x30];
	_ =	sdelay $0x4  }
0x22a: {  	v63 =	vshll.u32 v7, $0x10;
	v7 =	vand.u32 $0xFFFF0000, v7  }
0x22b: {  	v8 =	vmul.f32 v63, v6;
	v6 =	vmul.f32 v7, v6;
	_ =	sdelay $0x1  }
0x22c: {  	v6 =	vpack.i.f32.bf16 v6, v8  }
0x22d: {  	s15 =	sadd.s32 $0x7A00, s22;
	[tilespmem:s6+$0x30] =	vst v6  }
0x22e: {  	[spmem:s2] =	stream.indirect.scatter.add.bf16 [tilespmem:s30], [sflag:$0x2], $0x40, s15, s24, $0xb8;
	[tilespmem:$0x1F500] =	vst v63  }
0x22f: {  	s22 =	sadd.s32 $0x7A00, s8;
	s21 =	sadd.s32 $0x1, s21  }
0x230: {  	[spmem:s2] =	stream.indirect.scatter.add.bf16 [tilespmem:s31], [sflag:$0x2], $0x40, s22, s24, $0xb8;
	[tilespmem:$0x1F500] =	vst v63  }
0x231: {  	p0 =	sne.s32 s21, $0x2A;
	_ =	swait.ge [sflag:s1], $0x2000  }
.Ltmp4:
0x232: {  	[sflag:s1] =	ssyncset.done $0x0;
	(pc) =	sbr.rel @p0 .LBB2_7-.Ltmp4, $4  }
0x233: {  	[sflag:s1] =	ssyncadd.s32 $0xFFFFE000  }
0x234: {  	_ =	swait.ge [sflag:s1], $0x2000  }
0x235: {  	[sflag:s1] =	ssyncset.done $0x0  }
0x236: {  	[sflag:s1] =	ssyncadd.s32 $0xFFFFE000  }
0x237: {  	s0 =	stileid.u32  }
0x238: {  	[bflag:$0x0] =	sbarrier.arrive $0xFFFF;
	s0 =	sshll.u32 s0, $0x6  }
0x239: {  	s6 =	sshrl.u32 s11, $0x3;
	s7 =	rddreg [dreg:$0x7];
	s0 =	sor.u32 $0x1C03, s0  }
0x23a: {  	[hbm:s7], [sflag:s0] =	dma.local [spmem:s6], $0x50  }
0x23b: {  	_ =	swait.ge [sflag:s19], $0x50  }
0x23c: {  	[sflag:s19] =	ssyncset.done $0x0  }
0x23d: {  	s21 =	rddreg [dreg:$0x8];
	[sflag:s19] =	ssyncadd.s32 $0xFFFFFFB0  }
0x23e: {  	[hbm:s21], [sflag:s0] =	dma.local [spmem:s25], $0x1400  }
0x23f: {  	_ =	swait.ge [sflag:s19], $0x1400  }
0x240: {  	s4 =	sadd.s32 $0x1, s4;
	s22 =	rddreg [dreg:$0x9]  }
0x241: {  	p0 =	sne.s32 s4, s22  }
.Ltmp5:
0x242: {  	_ = 	snop;
	(pc) =	sbr.rel @p0 .LBB2_1-.Ltmp5, $3  }
0x243: {  	_ =	sdelay $0x1  }
0x244: {  	[sflag:s19] =	ssyncset.done $0x0  }
0x245: {  	[sflag:s19] =	ssyncadd.s32 $0xFFFFEC00  }
0x246: {  	_ =	sfence.sel $0x180000  }
0x247: {  	[bflag:$0x0] =	sbarrier.arrive $0xFFFF  }
0x248: {  	_ =	strace $0x9000004A  }
0x249: {  	s0 =	stileid.u32;
	[bflag:$0x2] =	sbarrier.arrive $0xFFFF  }
0x24a: {  	p0 =	sne.s32 s0, $0x0;
	s0 =	rddreg [dreg:$0x3]  }
0x24b: {  	s0 =	sadd.s32 @!p0 $0x100000, s0  }
0x24c: {  	[sflag:s0] =	ssyncadd.tile.s32 @!p0 $0x1;
	_ =	shalt  }
.Lfunc_end2:
_tile_overlayer_lowered:
.L_overlay_start_2:
0x24d: {  	(tag) =	ssettag $0x2  }
0x24e: {  	s0 =	rddreg [dreg:$0x0];
	s2 =	stileid.u32  }
0x24f: {  	s1 =	rddreg [dreg:$0x1];
	p0 =	sne.s32 s2, $0x0  }
0x250: {  	s3 =	rddreg [dreg:$0x2];
	[bflag:$0x3] =	sbarrier.arrive $0xFFFF;
	s2 =	simm.s32 @!p0 $0x1C03  }
0x251: {  	[timem:s3], [sflag:s2] =	dma.local @!p0 [hbm:s0], s1  }
0x252: {  	s0 =	simm.s32 @!p0 $0x3  }
0x253: {  	_ =	swait.ge @!p0 [sflag:s0], s1  }
0x254: {  	s1 =	ssub.s32 @!p0 $0x0, s1;
	[sflag:s0] =	ssyncset.done @!p0 $0x0  }
0x255: {  	[sflag:s0] =	ssyncadd.s32 @!p0 s1  }
0x256: {  	[bflag:$0x3] =	sbarrier.arrive $0xFFFF  }
0x257: {  	_ =	shalt  }

// kernel: kernel.7.cloned.1.call-start
scs
__scs_entry_jumppad:
0x0: {  	(pc) =	sbr.rel $0x88, $3  }
0x1: {  	(tag) =	ssettag $0x0;
	lr =	simm.s32 $0x1  }
0x2: {  	[smem:$0x3F94] =	sst lr;
	_ =	strace $0xD0000000  }
0x3: {  	_ = 	snop  }
0x4: {  	_ = 	snop  }
0x5: {  	_ = 	snop  }
0x6: {  	_ = 	snop  }
0x7: {  	_ = 	snop  }
__scs_overlays_trampoline_lowered:
0x8: {  	[smem:$0x3FA3] =	sst s0  }
0x9: {  	[smem:$0x3FA4] =	sst s1  }
0xa: {  	[smem:$0x3FA5] =	sst s2  }
0xb: {  	[smem:$0x3FA6] =	sst s3  }
0xc: {  	[smem:$0x3FA7] =	sst s4  }
0xd: {  	[smem:$0x3FA8] =	sst s5  }
0xe: {  	[smem:$0x3FA9] =	sst s6  }
0xf: {  	[smem:$0x3FAA] =	sst s7  }
0x10: {  	[smem:$0x3FAB] =	sst s8  }
0x11: {  	[smem:$0x3FAC] =	sst s9;
	s0 =	simm.s32 @!p0 $0x0  }
0x12: {  	s1 =	sld [smem:$0x3F92];
	s0 =	simm.s32 @p0 $0x1  }
0x13: {  	[smem:$0x3FAD] =	sst s0;
	s0 =	simm.s32 @!p1 $0x0  }
0x14: {  	s2 =	sld [smem:$0x3F91];
	s0 =	simm.s32 @p1 $0x1  }
0x15: {  	[smem:$0x3FAE] =	sst s0;
	s0 =	simm.s32 @!p2 $0x0  }
0x16: {  	s3 =	sld [smem:$0x3FDB];
	s0 =	simm.s32 @p2 $0x1  }
0x17: {  	s4 =	simm.s32 $0x1BF5;
	[smem:$0x3FB0] =	sst s0  }
0x18: {  	s0 =	sld [smem:$0x3F93];
	_ =	swait.ge [sflag:s4], $0x0  }
0x19: {  	s7 =	sld [smem:$0x3F94]  }
0x1a: {  	s8 =	sadd.s32 $0xFFFFE003, lr  }
0x1b: {  	s9 =	sadd.s32 $0xFFFFFEF7, lr;
	s5 =	simm.s32 $0xFFFFFFFF;
	p2 =	slt.u32 s8, $0xFFFFF086  }
0x1c: {  	p1 =	slt.u32 s9, $0xF7A;
	s5 =	simm.s32 @!p2 $0x0  }
0x1d: {  	s5 =	simm.s32 @p1 $0x1;
	p0 =	seq.s32 s7, s2  }
0x1e: {  	s7 =	smul.u32 @!p0 $0xF7A, s2;
	p2 =	seq.s32 @!p0 s5, $0x0  }
0x1f: {  	s9 =	smul.u32 $0xF7A, s1;
	s8 =	simm.s32 @!p0 $0x1BF5;
	p2 =	por !p2, p0  }
0x20: {  	[sflag:s8] =	ssyncset.s32 @!p0 $0xFFFFF086;
	s6 =	sadd.s32 @!p0 s3, s7;
	s7 =	simm.s32 @!p0 $0x108  }
0x21: {  	s3 =	sadd.s32 s3, s9;
	s6 =	sadd.s32 @!p0 $0x88, s6;
	s7 =	simm.s32 @p2 $0x1082  }
0x22: {  	[simem:s7], [sflag:s8] =	dma.local @!p0 [hbm:s6], $0xF7A  }
0x23: {  	s9 =	sor.u32 $0xD0000000, s2;
	s6 =	simm.s32 $0x108;
	_ =	swait.ge @!p0 [sflag:s8], $0x0  }
0x24: {  	s3 =	sadd.s32 $0x88, s3;
	s6 =	simm.s32 @!p1 $0x1082;
	[sflag:s4] =	ssyncset.s32 $0xFFFFF086  }
0x25: {  	[simem:s6], [sflag:s4] =	dma.local [hbm:s3], $0xF7A  }
0x26: {  	[smem:$0x3F94] =	sst s1;
	(tag) =	ssettag s2;
	_ =	strace s9  }
0x27: {  	s1 =	sld [smem:$0x3FA4]  }
0x28: {  	s2 =	sld [smem:$0x3FA5]  }
0x29: {  	s4 =	sld [smem:$0x3FA7]  }
0x2a: {  	p0 =	seq.s32 s5, $0x0;
	s5 =	sld [smem:$0x3FA8]  }
0x2b: {  	s6 =	sld [smem:$0x3FA9]  }
0x2c: {  	s7 =	sld [smem:$0x3FAA]  }
0x2d: {  	s3 =	simm.s32 $0x108;
	s8 =	sld [smem:$0x3FAB]  }
0x2e: {  	s3 =	simm.s32 @!p0 $0x1082;
	s9 =	sld [smem:$0x3FAC]  }
0x2f: {  	lr =	sadd.s32 s0, s3;
	s0 =	sld [smem:$0x3FA3]  }
0x30: {  	s3 =	sld [smem:$0x3FA6]  }
0x31: {  	[smem:$0x3FAF] =	sst s10  }
0x32: {  	s10 =	sld [smem:$0x3FAD];
	_ =	sdelay $0x3  }
0x33: {  	p0 =	seq.s32 s10, $0x1;
	s10 =	sld [smem:$0x3FAF];
	_ =	sdelay $0x3  }
0x34: {  	[smem:$0x3FAF] =	sst s10  }
0x35: {  	s10 =	sld [smem:$0x3FAE];
	_ =	sdelay $0x3  }
0x36: {  	p1 =	seq.s32 s10, $0x1;
	s10 =	sld [smem:$0x3FAF];
	_ =	sdelay $0x3  }
0x37: {  	[smem:$0x3FAF] =	sst s10  }
0x38: {  	s10 =	sld [smem:$0x3FB0]  }
0x39: {  	_ = 	snop;
	(pc) =	sbr.ind lr, $3  }
0x3a: {  	_ = 	snop  }
0x3b: {  	_ = 	snop  }
0x3c: {  	p2 =	seq.s32 s10, $0x1;
	s10 =	sld [smem:$0x3FAF]  }
0x3d: {  	_ =	shalt  }
0x3e: {  	_ =	shalt  }
0x3f: {  	_ =	shalt  }
0x40: {  	_ =	shalt  }
0x41: {  	_ =	shalt  }
0x42: {  	_ =	shalt  }
0x43: {  	_ =	shalt  }
0x44: {  	_ =	shalt  }
0x45: {  	_ =	shalt  }
0x46: {  	_ =	shalt  }
0x47: {  	_ =	shalt  }
0x48: {  	_ =	shalt  }
0x49: {  	_ =	shalt  }
0x4a: {  	_ =	shalt  }
0x4b: {  	_ =	shalt  }
0x4c: {  	_ =	shalt  }
0x4d: {  	_ =	shalt  }
0x4e: {  	_ =	shalt  }
0x4f: {  	_ =	shalt  }
0x50: {  	_ =	shalt  }
0x51: {  	_ =	shalt  }
0x52: {  	_ =	shalt  }
0x53: {  	_ =	shalt  }
0x54: {  	_ =	shalt  }
0x55: {  	_ =	shalt  }
0x56: {  	_ =	shalt  }
0x57: {  	_ =	shalt  }
0x58: {  	_ =	shalt  }
0x59: {  	_ =	shalt  }
0x5a: {  	_ =	shalt  }
0x5b: {  	_ =	shalt  }
0x5c: {  	_ =	shalt  }
0x5d: {  	_ =	shalt  }
0x5e: {  	_ =	shalt  }
0x5f: {  	_ =	shalt  }
0x60: {  	_ =	shalt  }
0x61: {  	_ =	shalt  }
0x62: {  	_ =	shalt  }
0x63: {  	_ =	shalt  }
0x64: {  	_ =	shalt  }
0x65: {  	_ =	shalt  }
0x66: {  	_ =	shalt  }
0x67: {  	_ =	shalt  }
0x68: {  	_ =	shalt  }
0x69: {  	_ =	shalt  }
0x6a: {  	_ =	shalt  }
0x6b: {  	_ =	shalt  }
0x6c: {  	_ =	shalt  }
0x6d: {  	_ =	shalt  }
0x6e: {  	_ =	shalt  }
0x6f: {  	_ =	shalt  }
0x70: {  	_ =	shalt  }
0x71: {  	_ =	shalt  }
0x72: {  	_ =	shalt  }
0x73: {  	_ =	shalt  }
0x74: {  	_ =	shalt  }
0x75: {  	_ =	shalt  }
0x76: {  	_ =	shalt  }
0x77: {  	_ =	shalt  }
0x78: {  	_ =	shalt  }
0x79: {  	_ =	shalt  }
0x7a: {  	_ =	shalt  }
0x7b: {  	_ =	shalt  }
0x7c: {  	_ =	shalt  }
0x7d: {  	_ =	shalt  }
0x7e: {  	_ =	shalt  }
0x7f: {  	_ =	shalt  }
0x80: {  	_ =	shalt  }
0x81: {  	_ =	shalt  }
0x82: {  	_ =	shalt  }
0x83: {  	_ =	shalt  }
0x84: {  	_ =	shalt  }
0x85: {  	_ =	shalt  }
0x86: {  	_ =	shalt  }
0x87: {  	_ =	shalt  }
.Lfunc_end0:
.L_simem_size_0:
called_computation_lowered:
.L_overlay_start_0:
0x88: {  	s2 =	sld [smem:$0x3FD9]  }
0x89: {  	s3 =	sld [smem:$0x3FFE];
	_ =	sdelay $0x1  }
0x8a: {  	s1 =	srdreg.scid  }
0x8b: {  	s0 =	sand.u32 $0x1, s1  }
0x8c: {  	s16 =	sshll.u32 s0, $0xA;
	s2 =	sadd.s32 s3, s2  }
0x8d: {  	s2 =	sadd.s32 s2, s16  }
0x8e: {  	[smem:$0x3FBB] =	sst s2  }
0x8f: {  	_ = 	snop  }
0x90: {  	(tm) =	ssettm $0x1  }
0x91: {  	s17 =	sld [smem:$0x3FFB];
	_ =	sdelay $0x3  }
0x92: {  	_ =	strace s17  }
0x93: {  	s2 =	sld [smem:$0x3FFC];
	_ =	sdelay $0x3  }
0x94: {  	_ =	strace s2  }
0x95: {  	s2 =	sld [smem:$0x3FFD];
	_ =	sdelay $0x3  }
0x96: {  	_ =	strace s2  }
0x97: {  	_ =	strace $0x8FFFFFFF  }
0x98: {  	s18 =	sld [smem:$0x3FDB];
	_ =	sdelay $0x1  }
0x99: {  	s19 =	simm.s32 $_scs_section_size  }
0x9a: {  	s4 =	simm.s32 $_size__tile_overlayer_lowered;
	s5 =	simm.s32 $_tile_overlayer_lowered  }
0x9b: {  	s22 =	simm.s32 $0x1BFF;
	s21 =	sshll.u32 s5, $0x1;
	s2 =	sadd.s32 s19, s18  }
0x9c: {  	s6 =	simm.s32 $0x0;
	s20 =	sshll.u32 s4, $0x1;
	s4 =	sadd.s32 s21, s2  }
0x9d: {  	[timem:s6], [sflag:s22] =	dma.local [hbm:s4], s20  }
0x9e: {  	_ =	swait.ge [sflag:s22], s20  }
0x9f: {  	s3 =	ssub.s32 $0x0, s20;
	[sflag:s22] =	ssyncset.done $0x0  }
0xa0: {  	[sflag:s22] =	ssyncadd.s32 s3;
	_ =	sdelay $0x1  }
0xa1: {  	s23 =	simm.s32 $0x1B8B  }
0xa2: {  	_ =	swait.ge [sflag:s23], $0x1  }
0xa3: {  	[sflag:s23] =	ssyncset.done $0x0  }
0xa4: {  	s25 =	simm.s32 $0x1B8E;
	s24 =	sld [smem:$0x3FFE];
	[sflag:s23] =	ssyncadd.s32 $0xFFFFFFFF  }
0xa5: {  	s26 =	simm.s32 $execute0_lowered;
	[smem:$0x3FD2] =	sst s25  }
0xa6: {  	s4 =	sshll.u32 s26, $0x1;
	_ =	strace $0x80000046;
	[dreg:$0x1] =	wrdreg $0xFFFFFFFF  }
0xa7: {  	s28 =	simm.s32 $_size_execute0_lowered;
	s2 =	sadd.s32 s2, s4;
	[dreg:$0x0] =	wrdreg $0x0  }
0xa8: {  	s4 =	sshll.u32 s28, $0x1;
	[dreg:$0x2] =	wrdreg s2  }
0xa9: {  	[dreg:$0x3] =	wrdreg s4  }
0xaa: {  	[dreg:$0x4] =	wrdreg $0xC0  }
0xab: {  	_ =	task [dreg:s6], $0x5FFFF  }
0xac: {  	[dreg:$0x1] =	wrdreg $0xFFFFFFFF  }
0xad: {  	[dreg:$0x0] =	wrdreg $0x60  }
0xae: {  	[dreg:$0x2] =	wrdreg s24  }
0xaf: {  	[dreg:$0x3] =	wrdreg $0x152800  }
0xb0: {  	[dreg:$0x4] =	wrdreg $0x1F2800  }
0xb1: {  	[dreg:$0x5] =	wrdreg $0x9  }
0xb2: {  	_ =	task.clear_ibuf [dreg:s6], $0x6FFFF;
	_ =	strace $0x90000046  }
0xb3: {  	s29 =	simm.s32 $0x9;
	_ =	strace $0x80000048  }
0xb4: {  	_ =	swait.ge [sflag:s29], $0x1  }
0xb5: {  	[sflag:s29] =	ssyncadd.s32 $0xFFFFFFFF  }
0xb6: {  	_ =	strace $0x90000048  }
0xb7: {  	_ =	sfence  }
0xb8: {  	s30 =	sld [smem:$0x0];
	_ =	sdelay $0x2  }
0xb9: {  	s31 =	sshll.u32 s1, $0xD;
	s1 =	sshrl.u32 s1, $0x2  }
0xba: {  	s3 =	sand.u32 $0x4000, s31;
	s1 =	sadd.s32 s1, s30  }
0xbb: {  	s0 =	sor.u32 s3, s0;
	s1 =	sshll.u32 s1, $0x11  }
0xbc: {  	s0 =	sor.u32 s1, s0  }
0xbd: {  	s0 =	sadd.s32 $0x8F2B, s0  }
0xbe: {  	[sflag:s0] =	ssyncadd.remote.s32 $0x1  }
0xbf: {  	_ =	sfence.sel $0xFFFF  }
0xc0: {  	[dreg:$0x0] =	wrdreg $0xFFFFFFFF;
	(pc) =	sbr.abs _section_cstart, $3  }
0xc1: {  	[dreg:$0x1] =	wrdreg $0xFFFFFFFF  }
0xc2: {  	_ =	task.clear_ibuf [dreg:s6], $0x2FFFF;
	_ =	strace $0x9FFFFFFF  }
0xc3: {  	(tm) =	ssettm $0x7FFFFFFF  }
tec
execute0_lowered:
.L_overlay_start_1:
0x0: {  	(tag) =	ssettag $0x1  }
0x1: {  	s0 =	srdreg.scid  }
0x2: {  	s11 =	stileid.u32;
	s1 =	rddreg [dreg:$0x0]  }
0x3: {  	s2 =	rddreg [dreg:$0x1];
	s18 =	simm.s32 $0x14E00;
	s19 =	simm.s32 $0x3  }
0x4: {  	s28 =	simm.s32 $0xCE00;
	s29 =	simm.s32 $0xEE00;
	s8 =	smul.u32 $0x14000, s11  }
0x5: {  	s30 =	simm.s32 $0x10E00;
	s31 =	simm.s32 $0x12E00;
	s9 =	smul.u32 $0x280, s11  }
0x6: {  	s0 =	sand.u32 $0x1, s0;
	s3 =	sshll.u32 s11, $0x1;
	s11 =	smul.u32 $0x28000, s11  }
0x7: {  	s5 =	sadd.s32 $0x1C00, s1;
	s12 =	sadd.s32 $0x15C00, s1;
	s7 =	smul.u32 $0x140000, s0  }
0x8: {  	s4 =	sor.u32 s0, s3;
	s3 =	rddreg [dreg:$0x2];
	s10 =	smul.u32 $0x2800, s0  }
0x9: {  	s0 =	ssub.s32 $0x2, s0;
	s6 =	smul.u32 $0x540, s4;
	s4 =	simm.s32 $0x0  }
0xa: {  	v0 =	vimm.s32 $0xFEDCBA98;
	s20 =	sshrl.u32 s0, $0x1;
	s21 =	sshrl.u32 s11, $0x2;
	s11 =	sadd.s32 s9, s3  }
0xb: {  	v1 =	vimm.s32 $0x76543210;
	v2 =	vimm.s32 $0xBA98FEDC;
	s23 =	sshrl.u32 s8, $0x1;
	[smem:$0x7FF] =	sst s4;
	s7 =	sadd.s32 s8, s7  }
0xc: {  	v3 =	vimm.s32 $0x32107654;
	v4 =	vimm.s32 $0xDCFE98BA;
	v5 =	vimm.s32 $0x54761032;
	s10 =	sadd.s32 s9, s10;
	s0 =	ssub.s32 s0, s20;
	s25 =	sadd.s32 $0x80, s11  }
0xd: {  	v6 =	vimm.s32 $0xEFCDAB89;
	v7 =	vimm.s32 $0x67452301;
	s26 =	sadd.s32 $0x100, s11;
	s16 =	sadd.s32 $0x180, s11;
	s17 =	sadd.s32 $0x200, s11  }
0xe: {  	v0 =	vunpack.c.l.s4.s8 v0;
	v1 =	vunpack.c.l.s4.s8 v1;
	v2 =	vunpack.c.l.s4.s8 v2;
	s20 =	simm.s32 $0x15200;
	_ =	strace $0x80000047;
	[dreg:$0x4] =	wrdreg s12  }
0xf: {  	v3 =	vunpack.c.l.s4.s8 v3;
	v4 =	vunpack.c.l.s4.s8 v4;
	v5 =	vunpack.c.l.s4.s8 v5;
	s6 =	sadd.s32 s6, s1;
	s7 =	sshrl.u32 s7, $0x4;
	[dreg:$0xa] =	wrdreg s25  }
0x10: {  	v6 =	vunpack.c.l.s4.s8 v6;
	v7 =	vunpack.c.l.s4.s8 v7;
	v0 =	vunpack.c.0.s8.s32 v0;
	s10 =	sshrl.u32 s10, $0x3;
	s0 =	smax.u32 s0, $0x1;
	[dreg:$0xb] =	wrdreg s26  }
0x11: {  	v2 =	vunpack.c.0.s8.s32 v2;
	v3 =	vunpack.c.0.s8.s32 v3;
	v4 =	vunpack.c.0.s8.s32 v4;
	s7 =	sadd.s32 s7, s1;
	s22 =	sadd.s32 $0x20E00, s6;
	[dreg:$0x9] =	wrdreg s0  }
0x12: {  	v5 =	vunpack.c.0.s8.s32 v5;
	v6 =	vunpack.c.0.s8.s32 v6;
	v7 =	vunpack.c.0.s8.s32 v7;
	s1 =	sadd.s32 s10, s1;
	s6 =	sadd.s32 $0x16600, s6;
	[dreg:$0x5] =	wrdreg s22  }
0x13: {  	v3 =	vcombine.low v3, v2;
	v2 =	vunpack.c.0.s8.s32 v1;
	s26 =	simm.s32 $0x1;
	[dreg:$0x6] =	wrdreg s6;
	s1 =	sadd.s32 $0x53600, s1  }
0x14: {  	v8 =	vand.u32 $0xF, v0;
	v4 =	vcombine.low v5, v4;
	v5 =	vcombine.low v7, v6;
	s10 =	sadd.s32 s21, s2;
	s24 =	sadd.s32 $0x2B600, s7;
	[dreg:$0x7] =	wrdreg s1  }
0x15: {  	v0 =	vimm.bf16 $0.0e+00;
	v1 =	vimm.f32 $0.0e+00;
	v2 =	vcombine.low v8, v2;
	[dreg:$0x8] =	wrdreg s24;
	s1 =	sadd.s32 s23, s2;
	s23 =	simm.s32 $0xA400  }
0x16: {  	v3 =	vand.u32 $0xF, v3;
	v4 =	vand.u32 $0xF, v4;
	v5 =	vand.u32 $0xF, v5;
	s24 =	simm.s32 $0x80;
	s25 =	sshrl.u32 s1, $0x3;
	s1 =	simm.s32 $0x2  }
.LBB2_1:
0x17: {  	[tilespmem:$0x14E00] =	vst v0  }
0x18: {  	[tilespmem:$0x14E10] =	vst v0  }
0x19: {  	[tilespmem:$0x14E20] =	vst v0  }
0x1a: {  	[tilespmem:$0x14E30] =	vst v0  }
0x1b: {  	[tilespmem:$0x14E40] =	vst v0  }
0x1c: {  	[tilespmem:$0x14E50] =	vst v0  }
0x1d: {  	[tilespmem:$0x14E60] =	vst v0  }
0x1e: {  	[tilespmem:$0x14E70] =	vst v0  }
0x1f: {  	[tilespmem:$0x14E80] =	vst v0  }
0x20: {  	[tilespmem:$0x14E90] =	vst v0  }
0x21: {  	[tilespmem:$0x14EA0] =	vst v0  }
0x22: {  	[tilespmem:$0x14EB0] =	vst v0  }
0x23: {  	[tilespmem:$0x14EC0] =	vst v0  }
0x24: {  	[tilespmem:$0x14ED0] =	vst v0  }
0x25: {  	[tilespmem:$0x14EE0] =	vst v0  }
0x26: {  	[tilespmem:$0x14EF0] =	vst v0  }
0x27: {  	[tilespmem:$0x14F00] =	vst v0  }
0x28: {  	[tilespmem:$0x14F10] =	vst v0  }
0x29: {  	[tilespmem:$0x14F20] =	vst v0  }
0x2a: {  	[tilespmem:$0x14F30] =	vst v0  }
0x2b: {  	[tilespmem:$0x14F40] =	vst v0  }
0x2c: {  	[tilespmem:$0x14F50] =	vst v0  }
0x2d: {  	[tilespmem:$0x14F60] =	vst v0  }
0x2e: {  	[tilespmem:$0x14F70] =	vst v0  }
0x2f: {  	[tilespmem:$0x14F80] =	vst v0  }
0x30: {  	[tilespmem:$0x14F90] =	vst v0  }
0x31: {  	[tilespmem:$0x14FA0] =	vst v0  }
0x32: {  	[tilespmem:$0x14FB0] =	vst v0  }
0x33: {  	[tilespmem:$0x14FC0] =	vst v0  }
0x34: {  	[tilespmem:$0x14FD0] =	vst v0  }
0x35: {  	[tilespmem:$0x14FE0] =	vst v0  }
0x36: {  	[tilespmem:$0x14FF0] =	vst v0  }
0x37: {  	[tilespmem:$0x15000] =	vst v0  }
0x38: {  	[tilespmem:$0x15010] =	vst v0  }
0x39: {  	[tilespmem:$0x15020] =	vst v0  }
0x3a: {  	[tilespmem:$0x15030] =	vst v0  }
0x3b: {  	[tilespmem:$0x15040] =	vst v0  }
0x3c: {  	[tilespmem:$0x15050] =	vst v0  }
0x3d: {  	[tilespmem:$0x15060] =	vst v0  }
0x3e: {  	[tilespmem:$0x15070] =	vst v0  }
0x3f: {  	[tilespmem:$0x15080] =	vst v0  }
0x40: {  	[tilespmem:$0x15090] =	vst v0  }
0x41: {  	[tilespmem:$0x150A0] =	vst v0  }
0x42: {  	[tilespmem:$0x150B0] =	vst v0  }
0x43: {  	[tilespmem:$0x150C0] =	vst v0  }
0x44: {  	[tilespmem:$0x150D0] =	vst v0  }
0x45: {  	[tilespmem:$0x150E0] =	vst v0  }
0x46: {  	[tilespmem:$0x150F0] =	vst v0  }
0x47: {  	[tilespmem:$0x15100] =	vst v0  }
0x48: {  	[tilespmem:$0x15110] =	vst v0  }
0x49: {  	[tilespmem:$0x15120] =	vst v0  }
0x4a: {  	[tilespmem:$0x15130] =	vst v0  }
0x4b: {  	[tilespmem:$0x15140] =	vst v0  }
0x4c: {  	[tilespmem:$0x15150] =	vst v0  }
0x4d: {  	[tilespmem:$0x15160] =	vst v0  }
0x4e: {  	[tilespmem:$0x15170] =	vst v0  }
0x4f: {  	[tilespmem:$0x15180] =	vst v0  }
0x50: {  	[tilespmem:$0x15190] =	vst v0  }
0x51: {  	[tilespmem:$0x151A0] =	vst v0  }
0x52: {  	[tilespmem:$0x151B0] =	vst v0  }
0x53: {  	[tilespmem:$0x151C0] =	vst v0  }
0x54: {  	[tilespmem:$0x151D0] =	vst v0  }
0x55: {  	[tilespmem:$0x151E0] =	vst v0  }
0x56: {  	[tilespmem:$0x151F0] =	vst v0  }
0x57: {  	[tilespmem:$0x15200] =	vst v1  }
0x58: {  	[tilespmem:$0x15210] =	vst v1  }
0x59: {  	[tilespmem:$0x15220] =	vst v1  }
0x5a: {  	[tilespmem:$0x15230] =	vst v1  }
0x5b: {  	[tilespmem:$0x15240] =	vst v1  }
0x5c: {  	[tilespmem:$0x15250] =	vst v1  }
0x5d: {  	[tilespmem:$0x15260] =	vst v1  }
0x5e: {  	[tilespmem:$0x15270] =	vst v1;
	s0 =	sadd.s32 $0x0, s10  }
0x5f: {  	[spmem:s0] =	stream.linear.scatter [tilespmem:s18], [sflag:$0x3], $0x400, $0x38;
	[tilespmem:$0x1F500] =	vst v63  }
0x60: {  	s0 =	simm.s32 $0x1000;
	_ =	swait.ge [sflag:s19], $0x400  }
.LBB2_2:
0x61: {  	s6 =	sshra.s32 s0, $0x2;
	[sflag:s19] =	ssyncset.done $0x0;
	p0 =	seq.s32 s0, $0x27000  }
.Ltmp0:
0x62: {  	s6 =	sadd.s32 s6, s10;
	[sflag:s19] =	ssyncadd.s32 $0xFFFFFC00;
	(pc) =	sbr.rel @!p0 .LBB2_2-.Ltmp0, $3  }
0x63: {  	[spmem:s6] =	stream.linear.scatter [tilespmem:s18], [sflag:$0x3], $0x400, $0x38;
	[tilespmem:$0x1F500] =	vst v63  }
0x64: {  	s0 =	sadd.s32 $0x1000, s0;
	_ =	sdelay $0x1  }
0x65: {  	_ =	swait.ge [sflag:s19], $0x400  }
0x66: {  	[sflag:s19] =	ssyncset.done $0x0  }
0x67: {  	[sflag:s19] =	ssyncadd.s32 $0xFFFFFC00  }
0x68: {  	[spmem:s11] =	stream.linear.scatter [tilespmem:s20], [sflag:$0x3], $0x80, $0x38;
	[tilespmem:$0x1F500] =	vst v63  }
0x69: {  	_ =	swait.ge [sflag:s19], $0x80  }
0x6a: {  	[sflag:s19] =	ssyncset.done $0x0  }
0x6b: {  	s0 =	rddreg [dreg:$0xa];
	[sflag:s19] =	ssyncadd.s32 $0xFFFFFF80  }
0x6c: {  	[spmem:s0] =	stream.linear.scatter [tilespmem:s20], [sflag:$0x3], $0x80, $0x38;
	[tilespmem:$0x1F500] =	vst v63  }
0x6d: {  	_ =	swait.ge [sflag:s19], $0x80  }
0x6e: {  	[sflag:s19] =	ssyncset.done $0x0  }
0x6f: {  	s12 =	rddreg [dreg:$0xb];
	[sflag:s19] =	ssyncadd.s32 $0xFFFFFF80  }
0x70: {  	[spmem:s12] =	stream.linear.scatter [tilespmem:s20], [sflag:$0x3], $0x80, $0x38;
	[tilespmem:$0x1F500] =	vst v63  }
0x71: {  	_ =	swait.ge [sflag:s19], $0x80  }
0x72: {  	[sflag:s19] =	ssyncset.done $0x0  }
0x73: {  	[sflag:s19] =	ssyncadd.s32 $0xFFFFFF80  }
0x74: {  	[spmem:s16] =	stream.linear.scatter [tilespmem:s20], [sflag:$0x3], $0x80, $0x38;
	[tilespmem:$0x1F500] =	vst v63  }
0x75: {  	_ =	swait.ge [sflag:s19], $0x80  }
0x76: {  	[sflag:s19] =	ssyncset.done $0x0  }
0x77: {  	[sflag:s19] =	ssyncadd.s32 $0xFFFFFF80  }
0x78: {  	[spmem:s17] =	stream.linear.scatter [tilespmem:s20], [sflag:$0x3], $0x80, $0x38;
	[tilespmem:$0x1F500] =	vst v63  }
0x79: {  	_ =	swait.ge [sflag:s19], $0x80  }
0x7a: {  	[sflag:s19] =	ssyncset.done $0x0  }
0x7b: {  	s13 =	simm.s32 $0x0;
	s6 =	rddreg [dreg:$0x4];
	[sflag:s19] =	ssyncadd.s32 $0xFFFFFF80  }
0x7c: {  	[tilespmem:s13], [sflag:$0x3] =	stream.linear.gather [hbm4b:s6+s13], $0x5000, $0x38;
	[tilespmem:$0x1F500] =	vst v63  }
0x7d: {  	_ =	swait.ge [sflag:s19], $0x5000  }
0x7e: {  	[sflag:s19] =	ssyncset.done $0x0  }
0x7f: {  	s7 =	simm.s32 $0x5000;
	s14 =	rddreg [dreg:$0x5];
	[sflag:s19] =	ssyncadd.s32 $0xFFFFB000  }
0x80: {  	[tilespmem:s7], [sflag:$0x3] =	stream.linear.gather [hbm4b:s14+s13], $0x2A00, $0x38;
	[tilespmem:$0x1F500] =	vst v63  }
0x81: {  	_ =	swait.ge [sflag:s19], $0x2A00  }
0x82: {  	[sflag:s19] =	ssyncset.done $0x0  }
0x83: {  	s21 =	simm.s32 $0x7A00;
	s15 =	rddreg [dreg:$0x6];
	[sflag:s19] =	ssyncadd.s32 $0xFFFFD600  }
0x84: {  	[tilespmem:s21], [sflag:$0x3] =	stream.linear.gather [hbm4b:s15+s13], $0x2A00, $0x38;
	[tilespmem:$0x1F500] =	vst v63  }
0x85: {  	_ =	swait.ge [sflag:s19], $0x2A00  }
0x86: {  	[sflag:s19] =	ssyncset.done $0x0  }
0x87: {  	s22 =	simm.s32 $0x0;
	[sflag:s19] =	ssyncadd.s32 $0xFFFFD600  }
0x88: {  	v7 =	vld [tilespmem:s22+$0x2800]  }
0x89: {  	v6 =	vimm.f32 $-1.000000020e+30;
	v8 =	vimm.f32 $-1.000000020e+30;
	s0 =	simm.s32 $0x40;
	v9 =	vld [tilespmem:s22+$0x0]  }
.LBB2_4:
0x8a: {  	p0 =	sne.s32 s0, $0x9FC0  }
.Ltmp1:
0x8b: {  	_ = 	snop;
	(pc) =	sbr.rel @p0 .LBB2_4-.Ltmp1, $4  }
0x8c: {  	_ = 	snop  }
0x8d: {  	s6 =	sshra.s32 s0, $0x2;
	s0 =	sadd.s32 $0x40, s0;
	v6 =	vmax.f32 v6, v7  }
0x8e: {  	v7 =	vld [tilespmem:s6+$0x2800];
	v8 =	vmax.f32 v8, v9  }
0x8f: {  	v9 =	vld [tilespmem:s6+$0x0]  }
0x90: {  	_ =	sdelay $0x3  }
0x91: {  	v8 =	vmax.f32 v8, v9  }
0x92: {  	[tilespmem:$0xA400] =	vst v8  }
0x93: {  	v57 =	vld.idx.msk [tilespmem:v2+s23+$0x0], $0xffff;
	_ =	sdelay $0x4  }
0x94: {  	v8 =	vmax.f32 v8, v57  }
0x95: {  	[tilespmem:$0xA400] =	vst v8  }
0x96: {  	v58 =	vld.idx.msk [tilespmem:v3+s23+$0x0], $0xffff;
	_ =	sdelay $0x4  }
0x97: {  	v8 =	vmax.f32 v8, v58  }
0x98: {  	[tilespmem:$0xA400] =	vst v8  }
0x99: {  	v59 =	vld.idx.msk [tilespmem:v4+s23+$0x0], $0xffff;
	_ =	sdelay $0x4  }
0x9a: {  	v8 =	vmax.f32 v8, v59  }
0x9b: {  	v6 =	vmax.f32 v6, v7;
	[tilespmem:$0xA400] =	vst v8  }
0x9c: {  	v7 =	vld.idx.msk [tilespmem:v5+s23+$0x0], $0xffff;
	[tilespmem:$0xA400] =	vst v6  }
0x9d: {  	v60 =	vld.idx.msk [tilespmem:v2+s23+$0x0], $0xffff;
	_ =	sdelay $0x4  }
0x9e: {  	v6 =	vmax.f32 v6, v60  }
0x9f: {  	[tilespmem:$0xA400] =	vst v6  }
0xa0: {  	v61 =	vld.idx.msk [tilespmem:v3+s23+$0x0], $0xffff;
	_ =	sdelay $0x4  }
0xa1: {  	v6 =	vmax.f32 v6, v61  }
0xa2: {  	[tilespmem:$0xA400] =	vst v6  }
0xa3: {  	v62 =	vld.idx.msk [tilespmem:v4+s23+$0x0], $0xffff;
	_ =	sdelay $0x4  }
0xa4: {  	v6 =	vmax.f32 v6, v62  }
0xa5: {  	[tilespmem:$0xA400] =	vst v6  }
0xa6: {  	v63 =	vld.idx.msk [tilespmem:v5+s23+$0x0], $0xffff;
	_ =	sdelay $0x4  }
0xa7: {  	v7 =	vmax.f32 v8, v7;
	v6 =	vmax.f32 v6, v63  }
0xa8: {  	v6 =	vadd.f32 v6, v7;
	_ =	sdelay $0x1  }
0xa9: {  	s21 =	simm.s32 $0x0;
	s0 =	simm.s32 $0x0;
	[bflag:$0x0] =	sbarrier.arrive $0xFFFF;
	v6 =	vmax.f32 v6, $0.0e+00  }
.LBB2_6:
0xaa: {  	s6 =	sshra.s32 s0, $0x2  }
0xab: {  	v7 =	vld [tilespmem:s6+$0x7A00]  }
0xac: {  	v8 =	vld [tilespmem:s6+$0x5000];
	_ =	sdelay $0x3  }
0xad: {  	v7 =	vadd.s32 $0x2800, v7;
	_ =	sdelay $0x3  }
0xae: {  	v8 =	vld.idx.msk [tilespmem:v8+s21+$0x0], $0xffff  }
0xaf: {  	v7 =	vld.idx.msk [tilespmem:v7+s21+$0x0], $0xffff;
	_ =	sdelay $0x4  }
0xb0: {  	v7 =	vadd.f32 v7, v8;
	_ =	sdelay $0x1  }
0xb1: {  	v8 =	vmul.f32 $2.000000030e-01, v7  }
0xb2: {  	vm0 =	vgt.f32 v7, $0.0e+00  }
0xb3: {  	v7 =	vsel vm0, v7, v8  }
0xb4: {  	v7 =	vsub.f32 v7, v6;
	_ =	sdelay $0x1  }
0xb5: {  	v7 =	vmul.f32 $1.442695020e+00, v7;
	_ =	sdelay $0x1  }
0xb6: {  	(erf) = vpow2.f32 v7;
	_ =	sdelay $0x1  }
0xb7: {  	v7 =	vld [tilespmem:s6+$0x7A10]  }
0xb8: {  	v8 =	vld [tilespmem:s6+$0x5010];
	_ =	sdelay $0x3  }
0xb9: {  	v7 =	vadd.s32 $0x2800, v7;
	_ =	sdelay $0x1  }
0xba: {  	v9 =	vpop (erf)  }
0xbb: {  	[tilespmem:s6+$0xA400] =	vst v9  }
0xbc: {  	v8 =	vld.idx.msk [tilespmem:v8+s21+$0x0], $0xffff  }
0xbd: {  	v7 =	vld.idx.msk [tilespmem:v7+s21+$0x0], $0xffff;
	_ =	sdelay $0x4  }
0xbe: {  	v7 =	vadd.f32 v7, v8;
	_ =	sdelay $0x1  }
0xbf: {  	v8 =	vmul.f32 $2.000000030e-01, v7  }
0xc0: {  	vm13 =	vgt.f32 v7, $0.0e+00  }
0xc1: {  	v7 =	vsel vm13, v7, v8  }
0xc2: {  	v7 =	vsub.f32 v7, v6;
	_ =	sdelay $0x1  }
0xc3: {  	v7 =	vmul.f32 $1.442695020e+00, v7;
	_ =	sdelay $0x1  }
0xc4: {  	(erf) = vpow2.f32 v7;
	_ =	sdelay $0x1  }
0xc5: {  	v7 =	vld [tilespmem:s6+$0x7A20]  }
0xc6: {  	v8 =	vld [tilespmem:s6+$0x5020];
	_ =	sdelay $0x3  }
0xc7: {  	v7 =	vadd.s32 $0x2800, v7;
	_ =	sdelay $0x1  }
0xc8: {  	v50 =	vpop (erf)  }
0xc9: {  	[tilespmem:s6+$0xA410] =	vst v50  }
0xca: {  	v8 =	vld.idx.msk [tilespmem:v8+s21+$0x0], $0xffff  }
0xcb: {  	v7 =	vld.idx.msk [tilespmem:v7+s21+$0x0], $0xffff;
	_ =	sdelay $0x4  }
0xcc: {  	v7 =	vadd.f32 v7, v8;
	_ =	sdelay $0x1  }
0xcd: {  	v8 =	vmul.f32 $2.000000030e-01, v7  }
0xce: {  	vm14 =	vgt.f32 v7, $0.0e+00  }
0xcf: {  	v7 =	vsel vm14, v7, v8  }
0xd0: {  	v7 =	vsub.f32 v7, v6;
	_ =	sdelay $0x1  }
0xd1: {  	v7 =	vmul.f32 $1.442695020e+00, v7;
	_ =	sdelay $0x1  }
0xd2: {  	(erf) = vpow2.f32 v7;
	_ =	sdelay $0x1  }
0xd3: {  	v7 =	vld [tilespmem:s6+$0x7A30]  }
0xd4: {  	v8 =	vld [tilespmem:s6+$0x5030];
	_ =	sdelay $0x3  }
0xd5: {  	v7 =	vadd.s32 $0x2800, v7;
	_ =	sdelay $0x1  }
0xd6: {  	v51 =	vpop (erf)  }
0xd7: {  	[tilespmem:s6+$0xA420] =	vst v51  }
0xd8: {  	v8 =	vld.idx.msk [tilespmem:v8+s21+$0x0], $0xffff  }
0xd9: {  	v7 =	vld.idx.msk [tilespmem:v7+s21+$0x0], $0xffff;
	_ =	sdelay $0x4  }
0xda: {  	v7 =	vadd.f32 v7, v8;
	_ =	sdelay $0x1  }
0xdb: {  	v8 =	vmul.f32 $2.000000030e-01, v7  }
0xdc: {  	vm15 =	vgt.f32 v7, $0.0e+00  }
0xdd: {  	v7 =	vsel vm15, v7, v8  }
0xde: {  	v7 =	vsub.f32 v7, v6;
	_ =	sdelay $0x1  }
0xdf: {  	v7 =	vmul.f32 $1.442695020e+00, v7;
	_ =	sdelay $0x1  }
0xe0: {  	(erf) = vpow2.f32 v7;
	_ =	sdelay $0x1  }
0xe1: {  	v7 =	vld [tilespmem:s6+$0x7A40]  }
0xe2: {  	v8 =	vld [tilespmem:s6+$0x5040];
	_ =	sdelay $0x3  }
0xe3: {  	v7 =	vadd.s32 $0x2800, v7;
	_ =	sdelay $0x1  }
0xe4: {  	v52 =	vpop (erf)  }
0xe5: {  	[tilespmem:s6+$0xA430] =	vst v52  }
0xe6: {  	v8 =	vld.idx.msk [tilespmem:v8+s21+$0x0], $0xffff  }
0xe7: {  	v7 =	vld.idx.msk [tilespmem:v7+s21+$0x0], $0xffff;
	_ =	sdelay $0x4  }
0xe8: {  	v7 =	vadd.f32 v7, v8;
	_ =	sdelay $0x1  }
0xe9: {  	v8 =	vmul.f32 $2.000000030e-01, v7  }
0xea: {  	vm4 =	vgt.f32 v7, $0.0e+00  }
0xeb: {  	v7 =	vsel vm4, v7, v8  }
0xec: {  	v7 =	vsub.f32 v7, v6;
	_ =	sdelay $0x1  }
0xed: {  	v7 =	vmul.f32 $1.442695020e+00, v7;
	_ =	sdelay $0x1  }
0xee: {  	(erf) = vpow2.f32 v7;
	_ =	sdelay $0x1  }
0xef: {  	v7 =	vld [tilespmem:s6+$0x7A50]  }
0xf0: {  	v8 =	vld [tilespmem:s6+$0x5050];
	_ =	sdelay $0x3  }
0xf1: {  	v7 =	vadd.s32 $0x2800, v7;
	_ =	sdelay $0x1  }
0xf2: {  	v53 =	vpop (erf)  }
0xf3: {  	[tilespmem:s6+$0xA440] =	vst v53  }
0xf4: {  	v8 =	vld.idx.msk [tilespmem:v8+s21+$0x0], $0xffff  }
0xf5: {  	v7 =	vld.idx.msk [tilespmem:v7+s21+$0x0], $0xffff;
	_ =	sdelay $0x4  }
0xf6: {  	v7 =	vadd.f32 v7, v8;
	_ =	sdelay $0x1  }
0xf7: {  	v8 =	vmul.f32 $2.000000030e-01, v7  }
0xf8: {  	vm5 =	vgt.f32 v7, $0.0e+00  }
0xf9: {  	v7 =	vsel vm5, v7, v8  }
0xfa: {  	v7 =	vsub.f32 v7, v6;
	_ =	sdelay $0x1  }
0xfb: {  	v7 =	vmul.f32 $1.442695020e+00, v7;
	_ =	sdelay $0x1  }
0xfc: {  	(erf) = vpow2.f32 v7;
	_ =	sdelay $0x1  }
0xfd: {  	v7 =	vld [tilespmem:s6+$0x7A60]  }
0xfe: {  	v8 =	vld [tilespmem:s6+$0x5060];
	_ =	sdelay $0x3  }
0xff: {  	v7 =	vadd.s32 $0x2800, v7;
	_ =	sdelay $0x1  }
0x100: {  	v54 =	vpop (erf)  }
0x101: {  	[tilespmem:s6+$0xA450] =	vst v54  }
0x102: {  	v8 =	vld.idx.msk [tilespmem:v8+s21+$0x0], $0xffff  }
0x103: {  	v7 =	vld.idx.msk [tilespmem:v7+s21+$0x0], $0xffff;
	_ =	sdelay $0x4  }
0x104: {  	v7 =	vadd.f32 v7, v8;
	_ =	sdelay $0x1  }
0x105: {  	v8 =	vmul.f32 $2.000000030e-01, v7  }
0x106: {  	vm6 =	vgt.f32 v7, $0.0e+00  }
0x107: {  	v7 =	vsel vm6, v7, v8  }
0x108: {  	v7 =	vsub.f32 v7, v6;
	_ =	sdelay $0x1  }
0x109: {  	v7 =	vmul.f32 $1.442695020e+00, v7;
	_ =	sdelay $0x1  }
0x10a: {  	(erf) = vpow2.f32 v7;
	_ =	sdelay $0x1  }
0x10b: {  	v7 =	vld [tilespmem:s6+$0x7A70]  }
0x10c: {  	v8 =	vld [tilespmem:s6+$0x5070];
	_ =	sdelay $0x3  }
0x10d: {  	v7 =	vadd.s32 $0x2800, v7;
	_ =	sdelay $0x1  }
0x10e: {  	v55 =	vpop (erf)  }
0x10f: {  	[tilespmem:s6+$0xA460] =	vst v55  }
0x110: {  	v8 =	vld.idx.msk [tilespmem:v8+s21+$0x0], $0xffff  }
0x111: {  	v7 =	vld.idx.msk [tilespmem:v7+s21+$0x0], $0xffff;
	_ =	sdelay $0x4  }
0x112: {  	v7 =	vadd.f32 v7, v8;
	_ =	sdelay $0x1  }
0x113: {  	v8 =	vmul.f32 $2.000000030e-01, v7  }
0x114: {  	vm7 =	vgt.f32 v7, $0.0e+00  }
0x115: {  	v7 =	vsel vm7, v7, v8  }
0x116: {  	v7 =	vsub.f32 v7, v6;
	_ =	sdelay $0x1  }
0x117: {  	v7 =	vmul.f32 $1.442695020e+00, v7;
	_ =	sdelay $0x1  }
0x118: {  	(erf) = vpow2.f32 v7;
	_ =	sdelay $0x1  }
0x119: {  	v7 =	vld [tilespmem:s6+$0x7A80]  }
0x11a: {  	v8 =	vld [tilespmem:s6+$0x5080];
	_ =	sdelay $0x3  }
0x11b: {  	v7 =	vadd.s32 $0x2800, v7;
	_ =	sdelay $0x1  }
0x11c: {  	v56 =	vpop (erf)  }
0x11d: {  	[tilespmem:s6+$0xA470] =	vst v56  }
0x11e: {  	v8 =	vld.idx.msk [tilespmem:v8+s21+$0x0], $0xffff  }
0x11f: {  	v7 =	vld.idx.msk [tilespmem:v7+s21+$0x0], $0xffff;
	_ =	sdelay $0x4  }
0x120: {  	v7 =	vadd.f32 v7, v8;
	_ =	sdelay $0x1  }
0x121: {  	v8 =	vmul.f32 $2.000000030e-01, v7  }
0x122: {  	vm8 =	vgt.f32 v7, $0.0e+00  }
0x123: {  	v7 =	vsel vm8, v7, v8  }
0x124: {  	v7 =	vsub.f32 v7, v6;
	_ =	sdelay $0x1  }
0x125: {  	v7 =	vmul.f32 $1.442695020e+00, v7;
	_ =	sdelay $0x1  }
0x126: {  	(erf) = vpow2.f32 v7;
	_ =	sdelay $0x1  }
0x127: {  	v7 =	vld [tilespmem:s6+$0x7A90]  }
0x128: {  	v8 =	vld [tilespmem:s6+$0x5090];
	_ =	sdelay $0x3  }
0x129: {  	v7 =	vadd.s32 $0x2800, v7;
	_ =	sdelay $0x1  }
0x12a: {  	v57 =	vpop (erf)  }
0x12b: {  	[tilespmem:s6+$0xA480] =	vst v57  }
0x12c: {  	v8 =	vld.idx.msk [tilespmem:v8+s21+$0x0], $0xffff  }
0x12d: {  	v7 =	vld.idx.msk [tilespmem:v7+s21+$0x0], $0xffff;
	_ =	sdelay $0x4  }
0x12e: {  	v7 =	vadd.f32 v7, v8;
	_ =	sdelay $0x1  }
0x12f: {  	v8 =	vmul.f32 $2.000000030e-01, v7  }
0x130: {  	vm9 =	vgt.f32 v7, $0.0e+00  }
0x131: {  	v7 =	vsel vm9, v7, v8  }
0x132: {  	v7 =	vsub.f32 v7, v6;
	_ =	sdelay $0x1  }
0x133: {  	v7 =	vmul.f32 $1.442695020e+00, v7;
	_ =	sdelay $0x1  }
0x134: {  	(erf) = vpow2.f32 v7;
	_ =	sdelay $0x1  }
0x135: {  	v7 =	vld [tilespmem:s6+$0x7AA0]  }
0x136: {  	v8 =	vld [tilespmem:s6+$0x50A0];
	_ =	sdelay $0x3  }
0x137: {  	v7 =	vadd.s32 $0x2800, v7;
	_ =	sdelay $0x1  }
0x138: {  	v58 =	vpop (erf)  }
0x139: {  	[tilespmem:s6+$0xA490] =	vst v58  }
0x13a: {  	v8 =	vld.idx.msk [tilespmem:v8+s21+$0x0], $0xffff  }
0x13b: {  	v7 =	vld.idx.msk [tilespmem:v7+s21+$0x0], $0xffff;
	_ =	sdelay $0x4  }
0x13c: {  	v7 =	vadd.f32 v7, v8;
	_ =	sdelay $0x1  }
0x13d: {  	v8 =	vmul.f32 $2.000000030e-01, v7  }
0x13e: {  	vm10 =	vgt.f32 v7, $0.0e+00  }
0x13f: {  	v7 =	vsel vm10, v7, v8  }
0x140: {  	v7 =	vsub.f32 v7, v6;
	_ =	sdelay $0x1  }
0x141: {  	v7 =	vmul.f32 $1.442695020e+00, v7;
	_ =	sdelay $0x1  }
0x142: {  	(erf) = vpow2.f32 v7;
	_ =	sdelay $0x1  }
0x143: {  	v7 =	vld [tilespmem:s6+$0x7AB0]  }
0x144: {  	v8 =	vld [tilespmem:s6+$0x50B0];
	_ =	sdelay $0x3  }
0x145: {  	v7 =	vadd.s32 $0x2800, v7;
	_ =	sdelay $0x1  }
0x146: {  	v59 =	vpop (erf)  }
0x147: {  	[tilespmem:s6+$0xA4A0] =	vst v59  }
0x148: {  	v8 =	vld.idx.msk [tilespmem:v8+s21+$0x0], $0xffff  }
0x149: {  	v7 =	vld.idx.msk [tilespmem:v7+s21+$0x0], $0xffff;
	_ =	sdelay $0x4  }
0x14a: {  	v7 =	vadd.f32 v7, v8;
	_ =	sdelay $0x1  }
0x14b: {  	v8 =	vmul.f32 $2.000000030e-01, v7  }
0x14c: {  	vm11 =	vgt.f32 v7, $0.0e+00  }
0x14d: {  	v7 =	vsel vm11, v7, v8  }
0x14e: {  	v7 =	vsub.f32 v7, v6;
	_ =	sdelay $0x1  }
0x14f: {  	v7 =	vmul.f32 $1.442695020e+00, v7;
	_ =	sdelay $0x1  }
0x150: {  	(erf) = vpow2.f32 v7;
	_ =	sdelay $0x1  }
0x151: {  	v7 =	vld [tilespmem:s6+$0x7AC0]  }
0x152: {  	v8 =	vld [tilespmem:s6+$0x50C0];
	_ =	sdelay $0x3  }
0x153: {  	v7 =	vadd.s32 $0x2800, v7;
	_ =	sdelay $0x1  }
0x154: {  	v60 =	vpop (erf)  }
0x155: {  	[tilespmem:s6+$0xA4B0] =	vst v60  }
0x156: {  	v8 =	vld.idx.msk [tilespmem:v8+s21+$0x0], $0xffff  }
0x157: {  	v7 =	vld.idx.msk [tilespmem:v7+s21+$0x0], $0xffff;
	_ =	sdelay $0x4  }
0x158: {  	v7 =	vadd.f32 v7, v8;
	_ =	sdelay $0x1  }
0x159: {  	v8 =	vmul.f32 $2.000000030e-01, v7  }
0x15a: {  	vm12 =	vgt.f32 v7, $0.0e+00  }
0x15b: {  	v7 =	vsel vm12, v7, v8  }
0x15c: {  	v7 =	vsub.f32 v7, v6;
	_ =	sdelay $0x1  }
0x15d: {  	v7 =	vmul.f32 $1.442695020e+00, v7;
	_ =	sdelay $0x1  }
0x15e: {  	(erf) = vpow2.f32 v7;
	_ =	sdelay $0x1  }
0x15f: {  	v7 =	vld [tilespmem:s6+$0x7AD0]  }
0x160: {  	v8 =	vld [tilespmem:s6+$0x50D0];
	_ =	sdelay $0x3  }
0x161: {  	v7 =	vadd.s32 $0x2800, v7;
	_ =	sdelay $0x1  }
0x162: {  	v61 =	vpop (erf)  }
0x163: {  	[tilespmem:s6+$0xA4C0] =	vst v61  }
0x164: {  	v8 =	vld.idx.msk [tilespmem:v8+s21+$0x0], $0xffff  }
0x165: {  	v7 =	vld.idx.msk [tilespmem:v7+s21+$0x0], $0xffff;
	_ =	sdelay $0x4  }
0x166: {  	v7 =	vadd.f32 v7, v8;
	_ =	sdelay $0x1  }
0x167: {  	v8 =	vmul.f32 $2.000000030e-01, v7  }
0x168: {  	vm13 =	vgt.f32 v7, $0.0e+00  }
0x169: {  	v7 =	vsel vm13, v7, v8  }
0x16a: {  	v7 =	vsub.f32 v7, v6;
	_ =	sdelay $0x1  }
0x16b: {  	v7 =	vmul.f32 $1.442695020e+00, v7;
	_ =	sdelay $0x1  }
0x16c: {  	(erf) = vpow2.f32 v7;
	_ =	sdelay $0x1  }
0x16d: {  	v7 =	vld [tilespmem:s6+$0x7AE0]  }
0x16e: {  	v8 =	vld [tilespmem:s6+$0x50E0];
	_ =	sdelay $0x3  }
0x16f: {  	v7 =	vadd.s32 $0x2800, v7;
	_ =	sdelay $0x1  }
0x170: {  	v62 =	vpop (erf)  }
0x171: {  	[tilespmem:s6+$0xA4D0] =	vst v62  }
0x172: {  	v8 =	vld.idx.msk [tilespmem:v8+s21+$0x0], $0xffff  }
0x173: {  	v7 =	vld.idx.msk [tilespmem:v7+s21+$0x0], $0xffff;
	_ =	sdelay $0x4  }
0x174: {  	v7 =	vadd.f32 v7, v8;
	_ =	sdelay $0x1  }
0x175: {  	v8 =	vmul.f32 $2.000000030e-01, v7  }
0x176: {  	vm14 =	vgt.f32 v7, $0.0e+00  }
0x177: {  	v7 =	vsel vm14, v7, v8  }
0x178: {  	v7 =	vsub.f32 v7, v6;
	_ =	sdelay $0x1  }
0x179: {  	v7 =	vmul.f32 $1.442695020e+00, v7;
	_ =	sdelay $0x1  }
0x17a: {  	(erf) = vpow2.f32 v7;
	_ =	sdelay $0x1  }
0x17b: {  	v7 =	vld [tilespmem:s6+$0x7AF0]  }
0x17c: {  	v8 =	vld [tilespmem:s6+$0x50F0];
	_ =	sdelay $0x3  }
0x17d: {  	v7 =	vadd.s32 $0x2800, v7;
	_ =	sdelay $0x1  }
0x17e: {  	v63 =	vpop (erf)  }
0x17f: {  	[tilespmem:s6+$0xA4E0] =	vst v63  }
0x180: {  	v8 =	vld.idx.msk [tilespmem:v8+s21+$0x0], $0xffff  }
0x181: {  	v7 =	vld.idx.msk [tilespmem:v7+s21+$0x0], $0xffff;
	_ =	sdelay $0x4  }
0x182: {  	v7 =	vadd.f32 v7, v8;
	_ =	sdelay $0x1  }
0x183: {  	v8 =	vmul.f32 $2.000000030e-01, v7  }
0x184: {  	vm15 =	vgt.f32 v7, $0.0e+00  }
0x185: {  	v7 =	vsel vm15, v7, v8  }
0x186: {  	v7 =	vsub.f32 v7, v6;
	_ =	sdelay $0x1  }
0x187: {  	v7 =	vmul.f32 $1.442695020e+00, v7;
	_ =	sdelay $0x1  }
0x188: {  	(erf) = vpow2.f32 v7;
	_ =	sdelay $0x8  }
0x189: {  	v7 =	vpop (erf)  }
0x18a: {  	s7 =	sadd.s32 $0x7A00, s6;
	s8 =	sadd.s32 $0xA400, s6;
	[tilespmem:s6+$0xA4F0] =	vst v7  }
0x18b: {  	[spmem:s3] =	stream.indirect.scatter.add.f32 [tilespmem:s8], [sflag:$0x1], $0x1, s7, s24, $0xb8;
	[tilespmem:$0x1F500] =	vst v63  }
0x18c: {  	s22 =	sadd.s32 $0x7A80, s6;
	s6 =	sadd.s32 $0xA480, s6  }
0x18d: {  	[spmem:s3] =	stream.indirect.scatter.add.f32 [tilespmem:s6], [sflag:$0x1], $0x1, s22, s24, $0xb8;
	[tilespmem:$0x1F500] =	vst v63  }
0x18e: {  	p0 =	sne.s32 s0, $0xA400;
	_ =	swait.ge [sflag:s26], $0x80  }
.Ltmp2:
0x18f: {  	[sflag:s26] =	ssyncset.done $0x0;
	(pc) =	sbr.rel @p0 .LBB2_6-.Ltmp2, $4  }
0x190: {  	[sflag:s26] =	ssyncadd.s32 $0xFFFFFF80  }
0x191: {  	_ =	swait.ge [sflag:s26], $0x80  }
0x192: {  	[sflag:s26] =	ssyncset.done $0x0  }
0x193: {  	s0 =	sadd.s32 $0x400, s0;
	[sflag:s26] =	ssyncadd.s32 $0xFFFFFF80  }
.LBB2_7:
0x194: {  	s22 =	sshll.u32 s21, $0x8  }
0x195: {  	s0 =	sadd.s32 $0x5000, s22  }
0x196: {  	[tilespmem:s28], [sflag:$0x1] =	stream.indirect.gather [hbm4b:s5+s24], $0x40, s0, s24, $0xb8;
	[tilespmem:$0x1F500] =	vst v63  }
0x197: {  	s0 =	sshll.u32 s21, $0x1  }
0x198: {  	s6 =	simm.s32 $0x0;
	s14 =	sadd.s32 $0x5080, s22;
	s7 =	sadd.s32 $0x0, s0  }
0x199: {  	v6 =	vmov s6;
	[tilespmem:s29], [sflag:$0x1] =	stream.indirect.gather [hbm4b:s5+s24], $0x40, s14, s24, $0xb8;
	[tilespmem:$0x1F500] =	vst v63  }
0x19a: {  	v6 =	vand.u32 $0x7E, v6;
	s8 =	sshll.u32 s7, $0x7  }
0x19b: {  	_ =	swait.ge [sflag:s26], $0x2000;
	v6 =	vor.u32 s8, v6  }
0x19c: {  	[sflag:s26] =	ssyncset.done $0x0;
	v6 =	vbroadcast v6, $0x0  }
0x19d: {  	[sflag:s26] =	ssyncadd.s32 $0xFFFFE000  }
0x19e: {  	_ =	swait.ge [sflag:s26], $0x2000  }
0x19f: {  	[sflag:s26] =	ssyncset.done $0x0  }
0x1a0: {  	s7 =	simm.s32 $0xCE40;
	[sflag:s26] =	ssyncadd.s32 $0xFFFFE000  }
0x1a1: {  	v7 =	vld [tilespmem:s7+$0xFFFFFFC0]  }
0x1a2: {  	v6 =	vld.idx.msk [tilespmem:v6+s23+$0x0], $0xffff;
	_ =	sdelay $0x3  }
0x1a3: {  	v8 =	vshll.u32 v7, $0x10;
	v7 =	vand.u32 $0xFFFF0000, v7  }
0x1a4: {  	v8 =	vmul.f32 v8, v6;
	v7 =	vmul.f32 v7, v6;
	_ =	sdelay $0x1  }
0x1a5: {  	s6 =	simm.s32 $0x10E40;
	v7 =	vpack.i.f32.bf16 v7, v8  }
0x1a6: {  	[tilespmem:s6+$0xFFFFFFC0] =	vst v7  }
0x1a7: {  	v7 =	vld [tilespmem:s7+$0xFFFFFFD0];
	_ =	sdelay $0x4  }
0x1a8: {  	v8 =	vshll.u32 v7, $0x10;
	v7 =	vand.u32 $0xFFFF0000, v7  }
0x1a9: {  	v8 =	vmul.f32 v8, v6;
	v7 =	vmul.f32 v7, v6;
	_ =	sdelay $0x1  }
0x1aa: {  	v7 =	vpack.i.f32.bf16 v7, v8  }
0x1ab: {  	[tilespmem:s6+$0xFFFFFFD0] =	vst v7  }
0x1ac: {  	v7 =	vld [tilespmem:s7+$0xFFFFFFE0];
	_ =	sdelay $0x4  }
0x1ad: {  	v8 =	vshll.u32 v7, $0x10;
	v7 =	vand.u32 $0xFFFF0000, v7  }
0x1ae: {  	v8 =	vmul.f32 v8, v6;
	v7 =	vmul.f32 v7, v6;
	_ =	sdelay $0x1  }
0x1af: {  	v7 =	vpack.i.f32.bf16 v7, v8  }
0x1b0: {  	[tilespmem:s6+$0xFFFFFFE0] =	vst v7  }
0x1b1: {  	v7 =	vld [tilespmem:s7+$0xFFFFFFF0]  }
0x1b2: {  	s9 =	simm.s32 $0x1  }
0x1b3: {  	v8 =	vmov s9  }
0x1b4: {  	v8 =	vand.u32 $0x7F, v8  }
0x1b5: {  	v8 =	vor.u32 s8, v8  }
0x1b6: {  	v8 =	vbroadcast v8, $0x0;
	v9 =	vshll.u32 v7, $0x10;
	v7 =	vand.u32 $0xFFFF0000, v7  }
0x1b7: {  	v9 =	vmul.f32 v9, v6;
	v6 =	vmul.f32 v7, v6;
	_ =	sdelay $0x1  }
0x1b8: {  	v6 =	vpack.i.f32.bf16 v6, v9  }
0x1b9: {  	[tilespmem:s6+$0xFFFFFFF0] =	vst v6  }
0x1ba: {  	v6 =	vld [tilespmem:s7+$0x0]  }
0x1bb: {  	v9 =	vld.idx.msk [tilespmem:v8+s23+$0x0], $0xffff;
	_ =	sdelay $0x3  }
0x1bc: {  	v7 =	vshll.u32 v6, $0x10;
	v6 =	vand.u32 $0xFFFF0000, v6  }
0x1bd: {  	v7 =	vmul.f32 v7, v9;
	v6 =	vmul.f32 v6, v9;
	_ =	sdelay $0x1  }
0x1be: {  	v6 =	vpack.i.f32.bf16 v6, v7  }
0x1bf: {  	[tilespmem:s6+$0x0] =	vst v6  }
0x1c0: {  	v6 =	vld [tilespmem:s7+$0x10];
	_ =	sdelay $0x4  }
0x1c1: {  	v7 =	vshll.u32 v6, $0x10;
	v6 =	vand.u32 $0xFFFF0000, v6  }
0x1c2: {  	v7 =	vmul.f32 v7, v9;
	v6 =	vmul.f32 v6, v9;
	_ =	sdelay $0x1  }
0x1c3: {  	v6 =	vpack.i.f32.bf16 v6, v7  }
0x1c4: {  	[tilespmem:s6+$0x10] =	vst v6  }
0x1c5: {  	v6 =	vld [tilespmem:s7+$0x20];
	_ =	sdelay $0x4  }
0x1c6: {  	v7 =	vshll.u32 v6, $0x10;
	v6 =	vand.u32 $0xFFFF0000, v6  }
0x1c7: {  	v7 =	vmul.f32 v7, v9;
	v6 =	vmul.f32 v6, v9;
	_ =	sdelay $0x1  }
0x1c8: {  	v6 =	vpack.i.f32.bf16 v6, v7  }
0x1c9: {  	[tilespmem:s6+$0x20] =	vst v6  }
0x1ca: {  	v6 =	vld [tilespmem:s7+$0x30]  }
0x1cb: {  	s9 =	simm.s32 $0x2  }
0x1cc: {  	s15 =	simm.s32 $0x3;
	s12 =	sadd.s32 $0x0, s0;
	v7 =	vmov s9  }
0x1cd: {  	s12 =	sshll.u32 s12, $0x7;
	v8 =	vmov s15;
	v7 =	vand.u32 $0x7E, v7  }
0x1ce: {  	v8 =	vand.u32 $0x7F, v8;
	v7 =	vor.u32 s12, v7  }
0x1cf: {  	v7 =	vbroadcast v7, $0x0;
	v10 =	vshll.u32 v6, $0x10;
	v11 =	vand.u32 $0xFFFF0000, v6  }
0x1d0: {  	s13 =	simm.s32 $0x2;
	s8 =	sor.u32 $0x80, s22;
	v6 =	vor.u32 s12, v8;
	s12 =	simm.s32 $0x10E40;
	v8 =	vmul.f32 v10, v9;
	v9 =	vmul.f32 v11, v9  }
.LBB2_8:
0x1d1: {  	s7 =	sadd.s32 $0x80, s7  }
0x1d2: {  	s6 =	sadd.s32 $0x80, s6;
	s14 =	smov.u32 s13;
	s15 =	sadd.s32 $0x1, s13;
	v8 =	vpack.i.f32.bf16 v9, v8  }
0x1d3: {  	p0 =	sne.s32 s13, $0x7F;
	[tilespmem:s12+$0x30] =	vst v8;
	s12 =	smov.u32 s6  }
0x1d4: {  	v8 =	vld [tilespmem:s7+$0xFFFFFFC0]  }
0x1d5: {  	v7 =	vld.idx.msk [tilespmem:v7+s23+$0x0], $0xffff;
	_ =	sdelay $0x4  }
0x1d6: {  	v9 =	vshll.u32 v8, $0x10;
	v8 =	vand.u32 $0xFFFF0000, v8  }
0x1d7: {  	v9 =	vmul.f32 v9, v7;
	v8 =	vmul.f32 v8, v7;
	_ =	sdelay $0x1  }
0x1d8: {  	v8 =	vpack.i.f32.bf16 v8, v9  }
0x1d9: {  	[tilespmem:s6+$0xFFFFFFC0] =	vst v8  }
0x1da: {  	v8 =	vld [tilespmem:s7+$0xFFFFFFD0];
	_ =	sdelay $0x4  }
0x1db: {  	v9 =	vshll.u32 v8, $0x10;
	v8 =	vand.u32 $0xFFFF0000, v8  }
0x1dc: {  	v9 =	vmul.f32 v9, v7;
	v8 =	vmul.f32 v8, v7;
	_ =	sdelay $0x1  }
0x1dd: {  	v8 =	vpack.i.f32.bf16 v8, v9  }
0x1de: {  	[tilespmem:s6+$0xFFFFFFD0] =	vst v8  }
0x1df: {  	v8 =	vld [tilespmem:s7+$0xFFFFFFE0];
	_ =	sdelay $0x4  }
0x1e0: {  	v9 =	vshll.u32 v8, $0x10;
	v8 =	vand.u32 $0xFFFF0000, v8  }
0x1e1: {  	v9 =	vmul.f32 v9, v7;
	v8 =	vmul.f32 v8, v7;
	_ =	sdelay $0x1  }
0x1e2: {  	v8 =	vpack.i.f32.bf16 v8, v9  }
0x1e3: {  	[tilespmem:s6+$0xFFFFFFE0] =	vst v8  }
0x1e4: {  	v8 =	vld [tilespmem:s7+$0xFFFFFFF0];
	_ =	sdelay $0x3  }
0x1e5: {  	v6 =	vbroadcast v6, $0x0  }
0x1e6: {  	v9 =	vshll.u32 v8, $0x10;
	v8 =	vand.u32 $0xFFFF0000, v8  }
0x1e7: {  	v9 =	vmul.f32 v9, v7;
	v7 =	vmul.f32 v8, v7;
	_ =	sdelay $0x1  }
0x1e8: {  	v7 =	vpack.i.f32.bf16 v7, v9  }
0x1e9: {  	[tilespmem:s6+$0xFFFFFFF0] =	vst v7  }
0x1ea: {  	v9 =	vld.idx.msk [tilespmem:v6+s23+$0x0], $0xffff  }
0x1eb: {  	v6 =	vld [tilespmem:s7+$0x0];
	_ =	sdelay $0x4  }
0x1ec: {  	v7 =	vshll.u32 v6, $0x10;
	v6 =	vand.u32 $0xFFFF0000, v6  }
0x1ed: {  	v7 =	vmul.f32 v7, v9;
	v6 =	vmul.f32 v6, v9;
	_ =	sdelay $0x1  }
0x1ee: {  	v6 =	vpack.i.f32.bf16 v6, v7  }
0x1ef: {  	[tilespmem:s6+$0x0] =	vst v6  }
0x1f0: {  	v6 =	vld [tilespmem:s7+$0x10];
	_ =	sdelay $0x4  }
0x1f1: {  	v7 =	vshll.u32 v6, $0x10;
	v6 =	vand.u32 $0xFFFF0000, v6  }
0x1f2: {  	v7 =	vmul.f32 v7, v9;
	v6 =	vmul.f32 v6, v9;
	_ =	sdelay $0x1  }
0x1f3: {  	v6 =	vpack.i.f32.bf16 v6, v7  }
0x1f4: {  	[tilespmem:s6+$0x10] =	vst v6  }
0x1f5: {  	v6 =	vld [tilespmem:s7+$0x20];
	_ =	sdelay $0x4  }
0x1f6: {  	v7 =	vshll.u32 v6, $0x10;
	v6 =	vand.u32 $0xFFFF0000, v6  }
0x1f7: {  	v7 =	vmul.f32 v7, v9;
	v6 =	vmul.f32 v6, v9;
	_ =	sdelay $0x1  }
0x1f8: {  	v6 =	vpack.i.f32.bf16 v6, v7  }
0x1f9: {  	[tilespmem:s6+$0x20] =	vst v6  }
0x1fa: {  	s9 =	sadd.s32 $0x2, s9;
	v8 =	vld [tilespmem:s7+$0x30]  }
0x1fb: {  	s13 =	sshrl.u32 s14, $0x6;
	s14 =	sadd.s32 $0x1, s9  }
.Ltmp3:
0x1fc: {  	s13 =	sadd.s32 s0, s13;
	v7 =	vmov s14;
	v6 =	vmov s9;
	(pc) =	sbr.rel @p0 .LBB2_8-.Ltmp3, $4  }
0x1fd: {  	s13 =	sshll.u32 s13, $0x7;
	v7 =	vand.u32 $0x7F, v7;
	v6 =	vand.u32 $0x7E, v6  }
0x1fe: {  	v10 =	vor.u32 s13, v6;
	v6 =	vor.u32 s13, v7  }
0x1ff: {  	v7 =	vbroadcast v10, $0x0;
	v10 =	vshll.u32 v8, $0x10;
	v11 =	vand.u32 $0xFFFF0000, v8  }
0x200: {  	s13 =	smov.u32 s15;
	v8 =	vmul.f32 v10, v9;
	v9 =	vmul.f32 v11, v9  }
0x201: {  	_ = 	snop  }
0x202: {  	v8 =	vpack.i.f32.bf16 v9, v8  }
0x203: {  	s0 =	sadd.s32 $0x80, s7;
	[tilespmem:s12+$0x30] =	vst v8  }
0x204: {  	v8 =	vld [tilespmem:s0+$0xFFFFFFC0]  }
0x205: {  	v7 =	vld.idx.msk [tilespmem:v7+s23+$0x0], $0xffff;
	_ =	sdelay $0x3  }
0x206: {  	v56 =	vshll.u32 v8, $0x10;
	v8 =	vand.u32 $0xFFFF0000, v8  }
0x207: {  	v9 =	vmul.f32 v56, v7;
	v8 =	vmul.f32 v8, v7;
	_ =	sdelay $0x1  }
0x208: {  	s6 =	sadd.s32 $0x80, s6;
	v8 =	vpack.i.f32.bf16 v8, v9  }
0x209: {  	[tilespmem:s6+$0xFFFFFFC0] =	vst v8  }
0x20a: {  	v8 =	vld [tilespmem:s0+$0xFFFFFFD0];
	_ =	sdelay $0x4  }
0x20b: {  	v57 =	vshll.u32 v8, $0x10;
	v8 =	vand.u32 $0xFFFF0000, v8  }
0x20c: {  	v9 =	vmul.f32 v57, v7;
	v8 =	vmul.f32 v8, v7;
	_ =	sdelay $0x1  }
0x20d: {  	v8 =	vpack.i.f32.bf16 v8, v9  }
0x20e: {  	[tilespmem:s6+$0xFFFFFFD0] =	vst v8  }
0x20f: {  	v8 =	vld [tilespmem:s0+$0xFFFFFFE0];
	_ =	sdelay $0x4  }
0x210: {  	v58 =	vshll.u32 v8, $0x10;
	v8 =	vand.u32 $0xFFFF0000, v8  }
0x211: {  	v9 =	vmul.f32 v58, v7;
	v8 =	vmul.f32 v8, v7;
	_ =	sdelay $0x1  }
0x212: {  	v8 =	vpack.i.f32.bf16 v8, v9  }
0x213: {  	[tilespmem:s6+$0xFFFFFFE0] =	vst v8  }
0x214: {  	v8 =	vld [tilespmem:s0+$0xFFFFFFF0];
	_ =	sdelay $0x4  }
0x215: {  	v6 =	vbroadcast v6, $0x0;
	v59 =	vshll.u32 v8, $0x10;
	v8 =	vand.u32 $0xFFFF0000, v8  }
0x216: {  	v9 =	vmul.f32 v59, v7;
	v7 =	vmul.f32 v8, v7;
	_ =	sdelay $0x1  }
0x217: {  	v7 =	vpack.i.f32.bf16 v7, v9  }
0x218: {  	[tilespmem:s6+$0xFFFFFFF0] =	vst v7  }
0x219: {  	v7 =	vld [tilespmem:s0+$0x0]  }
0x21a: {  	v6 =	vld.idx.msk [tilespmem:v6+s23+$0x0], $0xffff;
	_ =	sdelay $0x3  }
0x21b: {  	v60 =	vshll.u32 v7, $0x10;
	v7 =	vand.u32 $0xFFFF0000, v7  }
0x21c: {  	v8 =	vmul.f32 v60, v6;
	v7 =	vmul.f32 v7, v6;
	_ =	sdelay $0x1  }
0x21d: {  	v7 =	vpack.i.f32.bf16 v7, v8  }
0x21e: {  	[tilespmem:s6+$0x0] =	vst v7  }
0x21f: {  	v7 =	vld [tilespmem:s0+$0x10];
	_ =	sdelay $0x4  }
0x220: {  	v61 =	vshll.u32 v7, $0x10;
	v7 =	vand.u32 $0xFFFF0000, v7  }
0x221: {  	v8 =	vmul.f32 v61, v6;
	v7 =	vmul.f32 v7, v6;
	_ =	sdelay $0x1  }
0x222: {  	v7 =	vpack.i.f32.bf16 v7, v8  }
0x223: {  	[tilespmem:s6+$0x10] =	vst v7  }
0x224: {  	v7 =	vld [tilespmem:s0+$0x20];
	_ =	sdelay $0x4  }
0x225: {  	v62 =	vshll.u32 v7, $0x10;
	v7 =	vand.u32 $0xFFFF0000, v7  }
0x226: {  	v8 =	vmul.f32 v62, v6;
	v7 =	vmul.f32 v7, v6;
	_ =	sdelay $0x1  }
0x227: {  	v7 =	vpack.i.f32.bf16 v7, v8  }
0x228: {  	[tilespmem:s6+$0x20] =	vst v7  }
0x229: {  	v7 =	vld [tilespmem:s0+$0x30];
	_ =	sdelay $0x4  }
0x22a: {  	v63 =	vshll.u32 v7, $0x10;
	v7 =	vand.u32 $0xFFFF0000, v7  }
0x22b: {  	v8 =	vmul.f32 v63, v6;
	v6 =	vmul.f32 v7, v6;
	_ =	sdelay $0x1  }
0x22c: {  	v6 =	vpack.i.f32.bf16 v6, v8  }
0x22d: {  	s15 =	sadd.s32 $0x7A00, s22;
	[tilespmem:s6+$0x30] =	vst v6  }
0x22e: {  	[spmem:s2] =	stream.indirect.scatter.add.bf16 [tilespmem:s30], [sflag:$0x2], $0x40, s15, s24, $0xb8;
	[tilespmem:$0x1F500] =	vst v63  }
0x22f: {  	s22 =	sadd.s32 $0x7A00, s8;
	s21 =	sadd.s32 $0x1, s21  }
0x230: {  	[spmem:s2] =	stream.indirect.scatter.add.bf16 [tilespmem:s31], [sflag:$0x2], $0x40, s22, s24, $0xb8;
	[tilespmem:$0x1F500] =	vst v63  }
0x231: {  	p0 =	sne.s32 s21, $0x2A;
	_ =	swait.ge [sflag:s1], $0x2000  }
.Ltmp4:
0x232: {  	[sflag:s1] =	ssyncset.done $0x0;
	(pc) =	sbr.rel @p0 .LBB2_7-.Ltmp4, $4  }
0x233: {  	[sflag:s1] =	ssyncadd.s32 $0xFFFFE000  }
0x234: {  	_ =	swait.ge [sflag:s1], $0x2000  }
0x235: {  	[sflag:s1] =	ssyncset.done $0x0  }
0x236: {  	[sflag:s1] =	ssyncadd.s32 $0xFFFFE000  }
0x237: {  	s0 =	stileid.u32  }
0x238: {  	[bflag:$0x0] =	sbarrier.arrive $0xFFFF;
	s0 =	sshll.u32 s0, $0x6  }
0x239: {  	s6 =	sshrl.u32 s11, $0x3;
	s7 =	rddreg [dreg:$0x7];
	s0 =	sor.u32 $0x1C03, s0  }
0x23a: {  	[hbm:s7], [sflag:s0] =	dma.local [spmem:s6], $0x50  }
0x23b: {  	_ =	swait.ge [sflag:s19], $0x50  }
0x23c: {  	[sflag:s19] =	ssyncset.done $0x0  }
0x23d: {  	s21 =	rddreg [dreg:$0x8];
	[sflag:s19] =	ssyncadd.s32 $0xFFFFFFB0  }
0x23e: {  	[hbm:s21], [sflag:s0] =	dma.local [spmem:s25], $0x1400  }
0x23f: {  	_ =	swait.ge [sflag:s19], $0x1400  }
0x240: {  	s4 =	sadd.s32 $0x1, s4;
	s22 =	rddreg [dreg:$0x9]  }
0x241: {  	p0 =	sne.s32 s4, s22  }
.Ltmp5:
0x242: {  	_ = 	snop;
	(pc) =	sbr.rel @p0 .LBB2_1-.Ltmp5, $3  }
0x243: {  	_ =	sdelay $0x1  }
0x244: {  	[sflag:s19] =	ssyncset.done $0x0  }
0x245: {  	[sflag:s19] =	ssyncadd.s32 $0xFFFFEC00  }
0x246: {  	_ =	sfence.sel $0x180000  }
0x247: {  	[bflag:$0x0] =	sbarrier.arrive $0xFFFF  }
0x248: {  	_ =	strace $0x90000047  }
0x249: {  	s0 =	stileid.u32;
	[bflag:$0x2] =	sbarrier.arrive $0xFFFF  }
0x24a: {  	p0 =	sne.s32 s0, $0x0;
	s0 =	rddreg [dreg:$0x3]  }
0x24b: {  	s0 =	sadd.s32 @!p0 $0x100000, s0  }
0x24c: {  	[sflag:s0] =	ssyncadd.tile.s32 @!p0 $0x1;
	_ =	shalt  }
.Lfunc_end2:
_tile_overlayer_lowered:
.L_overlay_start_2:
0x24d: {  	(tag) =	ssettag $0x2  }
0x24e: {  	s0 =	rddreg [dreg:$0x0];
	s2 =	stileid.u32  }
0x24f: {  	s1 =	rddreg [dreg:$0x1];
	p0 =	sne.s32 s2, $0x0  }
0x250: {  	s3 =	rddreg [dreg:$0x2];
	[bflag:$0x3] =	sbarrier.arrive $0xFFFF;
	s2 =	simm.s32 @!p0 $0x1C03  }
0x251: {  	[timem:s3], [sflag:s2] =	dma.local @!p0 [hbm:s0], s1  }
0x252: {  	s0 =	simm.s32 @!p0 $0x3  }
0x253: {  	_ =	swait.ge @!p0 [sflag:s0], s1  }
0x254: {  	s1 =	ssub.s32 @!p0 $0x0, s1;
	[sflag:s0] =	ssyncset.done @!p0 $0x0  }
0x255: {  	[sflag:s0] =	ssyncadd.s32 @!p0 s1  }
0x256: {  	[bflag:$0x3] =	sbarrier.arrive $0xFFFF  }
0x257: {  	_ =	shalt  }

</sc_bundles>
